<compile_context>
chip_gen: v7x
topology: tpu7x:2x2x1
jax: 0.10.2.dev20260603
libtpu: 0.0.44.dev20260713+nightly
codegen_flags: <defaults>
</compile_context>

<pallas_src>
import functools

import jax
import jax.numpy as jnp
from jax import lax
from jax.experimental import pallas as pl
from jax.experimental.pallas import tpu as pltpu
from jax.experimental.pallas import tpu_sc as plsc

_NT = 100000
_DI = 128
_H = 64
_HH = 32
_ND1 = 32768
_E1 = 524288
_ND2 = 2048
_E2 = 32768


def _sc_mesh():
  return plsc.VectorSubcoreMesh(core_axis_name="c", subcore_axis_name="s")


def _mm_body(x_ref, w_ref, o_ref):
  y = jnp.dot(x_ref[...], w_ref[...], preferred_element_type=jnp.float32)
  o_ref[...] = y.astype(jnp.bfloat16)


def _xw_table(x, W1):
  blk = 4096
  grid = (_NT + blk - 1) // blk
  return pl.pallas_call(
      _mm_body,
      grid=(grid,),
      in_specs=[
          pl.BlockSpec((blk, _DI), lambda i: (i, 0)),
          pl.BlockSpec((_DI, _H), lambda i: (0, 0)),
      ],
      out_specs=pl.BlockSpec((blk, _H), lambda i: (i, 0)),
      out_shape=jax.ShapeDtypeStruct((_NT, _H), jnp.bfloat16),
  )(x, W1)


def _edge_pass(t, src2d, dst2d, z64):
  @functools.partial(
      pl.kernel,
      out_type=[
          jax.ShapeDtypeStruct((_ND1, _H), jnp.bfloat16),
          jax.ShapeDtypeStruct((_ND1, _H), jnp.bfloat16),
      ],
      mesh=_sc_mesh(),
      compiler_params=pltpu.CompilerParams(use_tc_tiling_on_sc=False),
      scratch_types=[
          pltpu.VMEM((8, 128), jnp.int32),
          pltpu.VMEM((8, 128), jnp.int32),
          pltpu.VMEM((1024, _H), jnp.bfloat16),
          pltpu.VMEM_SHARED((_ND1, _H), jnp.bfloat16),
          pltpu.SemaphoreType.DMA,
          pltpu.SemaphoreType.DMA,
      ],
  )
  def run(t_h, src_h, dst_h, z64_h,
          s0_o, s1_o,
          src_v, dst_v, rows_v, acc, gsem, ssem):
    c = lax.axis_index("c")
    s = lax.axis_index("s")
    so = pl.multiple_of(s * 2048, 2048)
    pltpu.sync_copy(z64_h, acc.at[pl.ds(so, 2048)])
    plsc.subcore_barrier()

    w = c * 16 + s

    def chunk(ch, carry):
      blk = w * 16 + ch
      pltpu.sync_copy(src_h.at[blk], src_v)
      pltpu.sync_copy(dst_h.at[blk], dst_v)
      g = [
          pltpu.async_copy(
              t_h.at[src_v.at[j]], rows_v.at[pl.ds(j * 128, 128)], gsem)
          for j in range(8)
      ]
      for cp in g:
        cp.wait()
      sc = [
          pltpu.async_copy(
              rows_v.at[pl.ds(j * 128, 128)], acc.at[dst_v.at[j]],
              ssem, add=True)
          for j in range(8)
      ]
      for cp in sc:
        cp.wait()
      return carry

    lax.fori_loop(0, 16, chunk, 0)
    plsc.subcore_barrier()

    pl.when(c == 0)(lambda: pltpu.sync_copy(
        acc.at[pl.ds(so, 2048)], s0_o.at[pl.ds(so, 2048)]))
    pl.when(c == 1)(lambda: pltpu.sync_copy(
        acc.at[pl.ds(so, 2048)], s1_o.at[pl.ds(so, 2048)]))

  return run(t, src2d, dst2d, z64)


def _translate_pass(n_id, src1_3):
  @functools.partial(
      pl.kernel,
      out_type=jax.ShapeDtypeStruct((_E1 // 1024, 8, 128), jnp.int32),
      mesh=_sc_mesh(),
      compiler_params=pltpu.CompilerParams(
          use_tc_tiling_on_sc=False, needs_layout_passes=False),
      scratch_types=[
          pltpu.VMEM((_NT,), jnp.int32),
          pltpu.VMEM((8, 128), jnp.int32),
      ],
  )
  def run(nid_h, src1_h, gidx_o, nid_v, src_v):
    c = lax.axis_index("c")
    s = lax.axis_index("s")
    pltpu.sync_copy(nid_h, nid_v)
    w = c * 16 + s

    def chunk(ch, carry):
      blk = w * 16 + ch
      pltpu.sync_copy(src1_h.at[blk], src_v)
      for r in range(8):
        for l in range(8):
          v = src_v[r, pl.ds(l * 16, 16)]
          src_v[r, pl.ds(l * 16, 16)] = plsc.load_gather(nid_v, [v])
      pltpu.sync_copy(src_v, gidx_o.at[blk])
      return carry

    lax.fori_loop(0, 16, chunk, 0)

  return run(n_id, src1_3)


def _count_pass(dst1_3, dst2_3, ones16, z16a, z16b, dep):
  @functools.partial(
      pl.kernel,
      out_type=[
          jax.ShapeDtypeStruct((_ND1, 16), jnp.float32),
          jax.ShapeDtypeStruct((_ND1, 16), jnp.float32),
          jax.ShapeDtypeStruct((_ND2, 16), jnp.float32),
          jax.ShapeDtypeStruct((_ND2, 16), jnp.float32),
      ],
      mesh=_sc_mesh(),
      compiler_params=pltpu.CompilerParams(use_tc_tiling_on_sc=False),
      scratch_types=[
          pltpu.VMEM((8, 128), jnp.int32),
          pltpu.VMEM((128, 16), jnp.float32),
          pltpu.VMEM_SHARED((_ND1, 16), jnp.float32),
          pltpu.VMEM_SHARED((_ND2, 16), jnp.float32),
          pltpu.SemaphoreType.DMA,
      ],
  )
  def run(dst1_h, dst2_h, ones_h, z16a_h, z16b_h, dep_h,
          c10_o, c11_o, c20_o, c21_o,
          dst_v, ones_v, cnt1, cnt2, csem):
    del dep_h
    c = lax.axis_index("c")
    s = lax.axis_index("s")
    so = pl.multiple_of(s * 2048, 2048)
    so2 = pl.multiple_of(s * 128, 128)
    pltpu.sync_copy(z16a_h, cnt1.at[pl.ds(so, 2048)])
    pltpu.sync_copy(z16b_h, cnt2.at[pl.ds(so2, 128)])
    pltpu.sync_copy(ones_h, ones_v)
    plsc.subcore_barrier()

    w = c * 16 + s

    def chunk(ch, carry):
      pltpu.sync_copy(dst1_h.at[w * 16 + ch], dst_v)
      cc = [
          pltpu.async_copy(ones_v, cnt1.at[dst_v.at[j]], csem, add=True)
          for j in range(8)
      ]
      for cp in cc:
        cp.wait()
      return carry

    lax.fori_loop(0, 16, chunk, 0)

    pltpu.sync_copy(dst2_h.at[w], dst_v)
    cc = [
        pltpu.async_copy(ones_v, cnt2.at[dst_v.at[j]], csem, add=True)
        for j in range(8)
    ]
    for cp in cc:
      cp.wait()
    plsc.subcore_barrier()

    def wb(c1_o, c2_o):
      pltpu.sync_copy(cnt1.at[pl.ds(so, 2048)], c1_o.at[pl.ds(so, 2048)])
      pltpu.sync_copy(cnt2.at[pl.ds(so2, 128)], c2_o.at[pl.ds(so2, 128)])

    pl.when(c == 0)(lambda: wb(c10_o, c20_o))
    pl.when(c == 1)(lambda: wb(c11_o, c21_o))

  return run(dst1_3, dst2_3, ones16, z16a, z16b, dep)


def _mid_body(s0_ref, s1_ref, c0_ref, c1_ref, b1_ref, w2_ref, o_ref):
  cc = c0_ref[...][:, 0:1] + c1_ref[...][:, 0:1]
  h = (s0_ref[...] + s1_ref[...]).astype(jnp.float32)
  h = h / jnp.maximum(cc, 1.0) + b1_ref[...]
  h = jnp.maximum(h, 0.0)
  o_ref[...] = jnp.dot(h, w2_ref[...], preferred_element_type=jnp.float32)


def _mid(s0, s1, c0, c1, b1, W2):
  blk = 2048
  return pl.pallas_call(
      _mid_body,
      grid=(_ND1 // blk,),
      in_specs=[
          pl.BlockSpec((blk, _H), lambda i: (i, 0)),
          pl.BlockSpec((blk, _H), lambda i: (i, 0)),
          pl.BlockSpec((blk, 16), lambda i: (i, 0)),
          pl.BlockSpec((blk, 16), lambda i: (i, 0)),
          pl.BlockSpec((1, _H), lambda i: (0, 0)),
          pl.BlockSpec((_H, _H), lambda i: (0, 0)),
      ],
      out_specs=pl.BlockSpec((blk, _H), lambda i: (i, 0)),
      out_shape=jax.ShapeDtypeStruct((_ND1, _H), jnp.float32),
  )(s0, s1, c0, c1, b1.reshape(1, _H), W2)


def _edge_pass2(h1w2, src2d, dst2d, z64):
  @functools.partial(
      pl.kernel,
      out_type=[
          jax.ShapeDtypeStruct((_ND2, _H), jnp.float32),
          jax.ShapeDtypeStruct((_ND2, _H), jnp.float32),
      ],
      mesh=_sc_mesh(),
      compiler_params=pltpu.CompilerParams(use_tc_tiling_on_sc=False),
      scratch_types=[
          pltpu.VMEM((8, 128), jnp.int32),
          pltpu.VMEM((8, 128), jnp.int32),
          pltpu.VMEM((1024, _H), jnp.float32),
          pltpu.VMEM_SHARED((_ND2, _H), jnp.float32),
          pltpu.SemaphoreType.DMA,
          pltpu.SemaphoreType.DMA,
      ],
  )
  def run(t_h, src_h, dst_h, z64_h,
          s0_o, s1_o,
          src_v, dst_v, rows_v, acc, gsem, ssem):
    c = lax.axis_index("c")
    s = lax.axis_index("s")
    so = pl.multiple_of(s * 128, 128)
    pltpu.sync_copy(z64_h, acc.at[pl.ds(so, 128)])
    plsc.subcore_barrier()

    blk = c * 16 + s
    pltpu.sync_copy(src_h.at[blk], src_v)
    pltpu.sync_copy(dst_h.at[blk], dst_v)
    g = [
        pltpu.async_copy(
            t_h.at[src_v.at[j]], rows_v.at[pl.ds(j * 128, 128)], gsem)
        for j in range(8)
    ]
    for cp in g:
      cp.wait()
    sc = [
        pltpu.async_copy(
            rows_v.at[pl.ds(j * 128, 128)], acc.at[dst_v.at[j]],
            ssem, add=True)
        for j in range(8)
    ]
    for cp in sc:
      cp.wait()
    plsc.subcore_barrier()

    pl.when(c == 0)(lambda: pltpu.sync_copy(
        acc.at[pl.ds(so, 128)], s0_o.at[pl.ds(so, 128)]))
    pl.when(c == 1)(lambda: pltpu.sync_copy(
        acc.at[pl.ds(so, 128)], s1_o.at[pl.ds(so, 128)]))

  return run(h1w2, src2d, dst2d, z64)


def _final_body(s0_ref, s1_ref, c0_ref, c1_ref, b2_ref, o_ref):
  s2 = s0_ref[...] + s1_ref[...]
  c2 = c0_ref[...][:, 0:1] + c1_ref[...][:, 0:1]
  logits = s2 / jnp.maximum(c2, 1.0) + b2_ref[...]
  m = jnp.max(logits, axis=1, keepdims=True)
  lse = jnp.log(jnp.sum(jnp.exp(logits - m), axis=1, keepdims=True)) + m
  o_ref[...] = logits - lse


def _final(s0, s1, c0, c1, b2):
  return pl.pallas_call(
      _final_body,
      grid=(1,),
      in_specs=[
          pl.BlockSpec((_ND2, _H), lambda i: (0, 0)),
          pl.BlockSpec((_ND2, _H), lambda i: (0, 0)),
          pl.BlockSpec((_ND2, 16), lambda i: (0, 0)),
          pl.BlockSpec((_ND2, 16), lambda i: (0, 0)),
          pl.BlockSpec((1, _H), lambda i: (0, 0)),
      ],
      out_specs=pl.BlockSpec((_ND2, _H), lambda i: (0, 0)),
      out_shape=jax.ShapeDtypeStruct((_ND2, _H), jnp.float32),
  )(s0, s1, c0, c1, b2.reshape(1, _H))


def kernel(x, n_id, src1, dst1, src2, dst2, W1, b1, W2, b2):
  src1_3 = src1.reshape(_E1 // 1024, 8, 128)
  gidx3 = _translate_pass(n_id, src1_3)
  xw = _xw_table(x, W1)
  dst1_3 = dst1.reshape(_E1 // 1024, 8, 128)
  dst2_3 = dst2.reshape(_E2 // 1024, 8, 128)
  ones16 = jnp.zeros((128, 16), jnp.float32).at[:, 0].set(1.0)
  z16a = jnp.zeros((2048, 16), jnp.float32)
  z16b = jnp.zeros((128, 16), jnp.float32)
  z64b = jnp.zeros((2048, _H), jnp.bfloat16)
  s0, s1 = _edge_pass(xw, gidx3, dst1_3, z64b)
  c0, c1, c20, c21 = _count_pass(dst1_3, dst2_3, ones16, z16a, z16b, s0)
  h1w2 = _mid(s0, s1, c0, c1, b1, W2)
  z64 = jnp.zeros((128, _H), jnp.float32)
  s20, s21 = _edge_pass2(h1w2, src2.reshape(_E2 // 1024, 8, 128), dst2_3, z64)
  return _final(s20, s21, c20, c21, b2)

# --- scband reference (transcript-rebuilt; emitter-appended) ---
"""Pipeline reference for scband-sagenet-35150012351301 (READ-ONLY COPY).

The authoritative reference and input builder live on the scoring server;
editing this copy changes nothing except your own understanding.
"""

import jax, jax.numpy as jnp
import numpy as np

N_TOTAL = 100000
D_IN = 128
HID = 64
N_CLASSES = 64
N_SRC1 = 100000
N_DST1 = 32768
E1 = 524288
N_DST2 = 2048
E2 = 32768


def setup_inputs(seed: int = 0) -> dict:
    key = jax.random.key(seed)
    ks = jax.random.split(key, 12)
    x = jax.random.normal(ks[0], (N_TOTAL, D_IN), dtype=jnp.float32)
    n_id = jax.random.randint(ks[1], (N_SRC1,), 0, N_TOTAL, dtype=jnp.int32)
    src1 = jax.random.randint(ks[2], (E1,), 0, N_SRC1, dtype=jnp.int32)
    dst1 = jax.random.randint(ks[3], (E1,), 0, N_DST1, dtype=jnp.int32)
    src2 = jax.random.randint(ks[4], (E2,), 0, N_DST1, dtype=jnp.int32)
    dst2 = jax.random.randint(ks[5], (E2,), 0, N_DST2, dtype=jnp.int32)
    W1 = jax.random.normal(ks[6], (D_IN, HID), dtype=jnp.float32) * (1.0 / np.sqrt(D_IN))
    b1 = jnp.zeros((HID,), dtype=jnp.float32)
    W2 = jax.random.normal(ks[7], (HID, N_CLASSES), dtype=jnp.float32) * (1.0 / np.sqrt(HID))
    b2 = jnp.zeros((N_CLASSES,), dtype=jnp.float32)
    return {"x": x, "n_id": n_id, "src1": src1, "dst1": dst1, "src2": src2, "dst2": dst2, "W1": W1, "b1": b1, "W2": W2, "b2": b2}


def reference(x, n_id, src1, dst1, src2, dst2, W1, b1, W2, b2):
    # x = x[data.n_id]: gather global features for sampled source nodes of block 0
    h = jnp.take(x, n_id, axis=0)  # [N_SRC1, D_IN]
    # conv1: SAGEConv with (x, None): mean-aggregate source feats into dst nodes, then lin_l (no root term since x_r is None)
    m1 = jnp.take(h, src1, axis=0)  # [E1, D_IN]
    s1 = jax.ops.segment_sum(m1, dst1, num_segments=N_DST1)
    c1 = jax.ops.segment_sum(jnp.ones((E1,), dtype=jnp.float32), dst1, num_segments=N_DST1)
    agg1 = s1 / jnp.clip(c1, 1.0)[:, None]
    h1 = jax.nn.relu(agg1 @ W1 + b1)  # [N_DST1, HID]
    # dropout: training=False -> identity
    # conv2: same bipartite mean aggregation on block 1
    m2 = jnp.take(h1, src2, axis=0)  # [E2, HID]
    s2 = jax.ops.segment_sum(m2, dst2, num_segments=N_DST2)
    c2 = jax.ops.segment_sum(jnp.ones((E2,), dtype=jnp.float32), dst2, num_segments=N_DST2)
    agg2 = s2 / jnp.clip(c2, 1.0)[:, None]
    out = agg2 @ W2 + b2  # [N_DST2, N_CLASSES]
    return jax.nn.log_softmax(out, axis=1)

if __name__ == "__main__":
    import jax
    _d = setup_inputs()
    print(jax.jit(kernel)(*tuple(_d.values())))

</pallas_src>

<mosaic_0001>
#map = affine_map<(d0, d1) -> (0, 0, 0)>
#map1 = affine_map<(d0, d1) -> (0, 0)>
module attributes {stable_mosaic.version = 14 : i64} {
  func.func @run(%arg0: i32, %arg1: i32, %arg2: memref<512x8x128xi32, #tpu.memory_space<hbm>>, %arg3: memref<32x8x128xi32, #tpu.memory_space<hbm>>, %arg4: memref<128x16xf32, #tpu.memory_space<hbm>>, %arg5: memref<2048x16xf32, #tpu.memory_space<hbm>>, %arg6: memref<128x16xf32, #tpu.memory_space<hbm>>, %arg7: memref<32768x64xbf16, #tpu.memory_space<hbm>>, %arg8: memref<32768x16xf32, #tpu.memory_space<hbm>>, %arg9: memref<32768x16xf32, #tpu.memory_space<hbm>>, %arg10: memref<2048x16xf32, #tpu.memory_space<hbm>>, %arg11: memref<2048x16xf32, #tpu.memory_space<hbm>>, %arg12: memref<8x128xi32, #tpu.memory_space<vmem>>, %arg13: memref<128x16xf32, #tpu.memory_space<vmem>>, %arg14: memref<32768x16xf32, #tpu.memory_space<vmem_shared>>, %arg15: memref<2048x16xf32, #tpu.memory_space<vmem_shared>>, %arg16: memref<!tpu.dma_semaphore, #tpu.memory_space<semaphore_mem>>) attributes {dimension_semantics = [#tpu.dimension_semantics<core_parallel>, #tpu.dimension_semantics<subcore_parallel>], iteration_bounds = array<i64: 2, 16>, scalar_prefetch = 0 : i64, scratch_operands = 5 : i64, tpu.core_type = #tpu.core_type<sc_vector_subcore>, window_params = [{transform_indices = #map}, {transform_indices = #map}, {transform_indices = #map1}, {transform_indices = #map1}, {transform_indices = #map1}, {transform_indices = #map1}, {transform_indices = #map1}, {transform_indices = #map1}, {transform_indices = #map1}, {transform_indices = #map1}]} {
    %mul3A = arith.constant 2048 : i32
    %mul3A_0 = arith.muli %arg1, %mul3A : i32
    %multiple_of3A = tpu.assume_multiple %mul3A_0, 2048 : i32
    %mul3A_1 = arith.constant 128 : i32
    %mul3A_2 = arith.muli %arg1, %mul3A_1 : i32
    %multiple_of3A_3 = tpu.assume_multiple %mul3A_2, 128 : i32
    "tpu.region"() ({
      %run_scoped3A = tpu.sem_alloc : memref<!tpu.dma_semaphore, #tpu.memory_space<semaphore_mem>>
      %dma_start3A_129 = arith.constant 0 : i32
      %dma_start3A_130 = tpu.memref_slice %arg14[%multiple_of3A, %dma_start3A_129] : memref<32768x16xf32, #tpu.memory_space<vmem_shared>> -> memref<2048x16xf32, #tpu.memory_space<vmem_shared>>
      tpu.enqueue_dma source(%arg5 : memref<2048x16xf32, #tpu.memory_space<hbm>>) target(%dma_start3A_130 : memref<2048x16xf32, #tpu.memory_space<vmem_shared>>) target_semaphore(%run_scoped3A : memref<!tpu.dma_semaphore, #tpu.memory_space<semaphore_mem>>)
      %dma_wait3A_131 = arith.constant 0 : i32
      %dma_wait3A_132 = tpu.memref_slice %arg14[%multiple_of3A, %dma_wait3A_131] : memref<32768x16xf32, #tpu.memory_space<vmem_shared>> -> memref<2048x16xf32, #tpu.memory_space<vmem_shared>>
      tpu.wait_dma2 semaphore(%run_scoped3A : memref<!tpu.dma_semaphore, #tpu.memory_space<semaphore_mem>>) src(%arg5 : memref<2048x16xf32, #tpu.memory_space<hbm>>) dst(%dma_wait3A_132 : memref<2048x16xf32, #tpu.memory_space<vmem_shared>>)
      tpu.yield
    }) : () -> ()
    "tpu.region"() ({
      %run_scoped3A = tpu.sem_alloc : memref<!tpu.dma_semaphore, #tpu.memory_space<semaphore_mem>>
      %dma_start3A_129 = arith.constant 0 : i32
      %dma_start3A_130 = tpu.memref_slice %arg15[%multiple_of3A_3, %dma_start3A_129] : memref<2048x16xf32, #tpu.memory_space<vmem_shared>> -> memref<128x16xf32, #tpu.memory_space<vmem_shared>>
      tpu.enqueue_dma source(%arg6 : memref<128x16xf32, #tpu.memory_space<hbm>>) target(%dma_start3A_130 : memref<128x16xf32, #tpu.memory_space<vmem_shared>>) target_semaphore(%run_scoped3A : memref<!tpu.dma_semaphore, #tpu.memory_space<semaphore_mem>>)
      %dma_wait3A_131 = arith.constant 0 : i32
      %dma_wait3A_132 = tpu.memref_slice %arg15[%multiple_of3A_3, %dma_wait3A_131] : memref<2048x16xf32, #tpu.memory_space<vmem_shared>> -> memref<128x16xf32, #tpu.memory_space<vmem_shared>>
      tpu.wait_dma2 semaphore(%run_scoped3A : memref<!tpu.dma_semaphore, #tpu.memory_space<semaphore_mem>>) src(%arg6 : memref<128x16xf32, #tpu.memory_space<hbm>>) dst(%dma_wait3A_132 : memref<128x16xf32, #tpu.memory_space<vmem_shared>>)
      tpu.yield
    }) : () -> ()
    "tpu.region"() ({
      %run_scoped3A = tpu.sem_alloc : memref<!tpu.dma_semaphore, #tpu.memory_space<semaphore_mem>>
      tpu.enqueue_dma source(%arg4 : memref<128x16xf32, #tpu.memory_space<hbm>>) target(%arg13 : memref<128x16xf32, #tpu.memory_space<vmem>>) target_semaphore(%run_scoped3A : memref<!tpu.dma_semaphore, #tpu.memory_space<semaphore_mem>>)
      tpu.wait_dma2 semaphore(%run_scoped3A : memref<!tpu.dma_semaphore, #tpu.memory_space<semaphore_mem>>) src(%arg4 : memref<128x16xf32, #tpu.memory_space<hbm>>) dst(%arg13 : memref<128x16xf32, #tpu.memory_space<vmem>>)
      tpu.yield
    }) : () -> ()
    %barrier3A = arith.constant 0 : index
    tpu.barrier barrier_id(%barrier3A)
    %mul3A_4 = arith.constant 16 : i32
    %mul3A_5 = arith.muli %arg0, %mul3A_4 : i32
    %add3A = arith.addi %mul3A_5, %arg1 : i32
    %scan3A = arith.constant 0 : i32
    %scan3A_6 = arith.constant 0 : i32
    %scan3A_7 = arith.constant 16 : i32
    %scan3A_8 = arith.addi %scan3A_6, %scan3A_7 : i32
    %scan3A_9 = arith.constant 1 : i32
    scf.for %scan3A_129 = %scan3A_6 to %scan3A_8 step %scan3A_9  : i32 {
      %mul3A_130 = arith.constant 16 : i32
      %mul3A_131 = arith.muli %add3A, %mul3A_130 : i32
      %add3A_132 = arith.addi %mul3A_131, %scan3A_129 : i32
      "tpu.region"() ({
        %run_scoped3A = tpu.sem_alloc : memref<!tpu.dma_semaphore, #tpu.memory_space<semaphore_mem>>
        %dma_start3A_245 = arith.constant 0 : i32
        %dma_start3A_246 = arith.constant 0 : i32
        %dma_start3A_247 = tpu.memref_slice %arg2[%add3A_132, %dma_start3A_245, %dma_start3A_246] : memref<512x8x128xi32, #tpu.memory_space<hbm>> -> memref<1x8x128xi32, #tpu.memory_space<hbm>>
        %dma_start3A_248 = tpu.memref_squeeze %dma_start3A_247 : memref<1x8x128xi32, #tpu.memory_space<hbm>> -> memref<8x128xi32, #tpu.memory_space<hbm>>
        %dma_start3A_249 = arith.constant 0 : i32
        %dma_start3A_250 = arith.constant 0 : i32
        %dma_start3A_251 = tpu.memref_slice %arg2[%add3A_132, %dma_start3A_249, %dma_start3A_250] : memref<512x8x128xi32, #tpu.memory_space<hbm>> -> memref<1x8x128xi32, #tpu.memory_space<hbm>>
        %dma_start3A_252 = tpu.memref_squeeze %dma_start3A_251 : memref<1x8x128xi32, #tpu.memory_space<hbm>> -> memref<8x128xi32, #tpu.memory_space<hbm>>
        tpu.enqueue_dma source(%dma_start3A_252 : memref<8x128xi32, #tpu.memory_space<hbm>>) target(%arg12 : memref<8x128xi32, #tpu.memory_space<vmem>>) target_semaphore(%run_scoped3A : memref<!tpu.dma_semaphore, #tpu.memory_space<semaphore_mem>>)
        %dma_wait3A_253 = arith.constant 0 : i32
        %dma_wait3A_254 = arith.constant 0 : i32
        %dma_wait3A_255 = tpu.memref_slice %arg2[%add3A_132, %dma_wait3A_253, %dma_wait3A_254] : memref<512x8x128xi32, #tpu.memory_space<hbm>> -> memref<1x8x128xi32, #tpu.memory_space<hbm>>
        %dma_wait3A_256 = tpu.memref_squeeze %dma_wait3A_255 : memref<1x8x128xi32, #tpu.memory_space<hbm>> -> memref<8x128xi32, #tpu.memory_space<hbm>>
        %dma_wait3A_257 = arith.constant 0 : i32
        %dma_wait3A_258 = arith.constant 0 : i32
        %dma_wait3A_259 = tpu.memref_slice %arg2[%add3A_132, %dma_wait3A_257, %dma_wait3A_258] : memref<512x8x128xi32, #tpu.memory_space<hbm>> -> memref<1x8x128xi32, #tpu.memory_space<hbm>>
        %dma_wait3A_260 = tpu.memref_squeeze %dma_wait3A_259 : memref<1x8x128xi32, #tpu.memory_space<hbm>> -> memref<8x128xi32, #tpu.memory_space<hbm>>
        tpu.wait_dma2 semaphore(%run_scoped3A : memref<!tpu.dma_semaphore, #tpu.memory_space<semaphore_mem>>) src(%dma_wait3A_260 : memref<8x128xi32, #tpu.memory_space<hbm>>) dst(%arg12 : memref<8x128xi32, #tpu.memory_space<vmem>>)
        tpu.yield
      }) : () -> ()
      %dma_start3A_133 = arith.constant 0 : i32
      %dma_start3A_134 = arith.constant 0 : i32
      %dma_start3A_135 = tpu.memref_slice %arg12[%dma_start3A_133, %dma_start3A_134] : memref<8x128xi32, #tpu.memory_space<vmem>> -> memref<1x128xi32, #tpu.memory_space<vmem>>
      %dma_start3A_136 = tpu.memref_squeeze %dma_start3A_135 : memref<1x128xi32, #tpu.memory_space<vmem>> -> memref<128xi32, #tpu.memory_space<vmem>>
      %dma_start3A_137 = arith.constant 0 : i32
      %dma_start3A_138 = arith.constant 0 : i32
      %dma_start3A_139 = tpu.memref_slice %arg14[%dma_start3A_137, %dma_start3A_138] : memref<32768x16xf32, #tpu.memory_space<vmem_shared>> -> memref<32768x16xf32, #tpu.memory_space<vmem_shared>>
      tpu.enqueue_indirect_dma source(%arg13 : memref<128x16xf32, #tpu.memory_space<vmem>>) target(%dma_start3A_139 : memref<32768x16xf32, #tpu.memory_space<vmem_shared>>) offsets(%dma_start3A_136 : memref<128xi32, #tpu.memory_space<vmem>>) semaphore(%arg16 : memref<!tpu.dma_semaphore, #tpu.memory_space<semaphore_mem>>) {add = true}
      %dma_start3A_140 = arith.constant 1 : i32
      %dma_start3A_141 = arith.constant 0 : i32
      %dma_start3A_142 = tpu.memref_slice %arg12[%dma_start3A_140, %dma_start3A_141] : memref<8x128xi32, #tpu.memory_space<vmem>> -> memref<1x128xi32, #tpu.memory_space<vmem>>
      %dma_start3A_143 = tpu.memref_squeeze %dma_start3A_142 : memref<1x128xi32, #tpu.memory_space<vmem>> -> memref<128xi32, #tpu.memory_space<vmem>>
      %dma_start3A_144 = arith.constant 0 : i32
      %dma_start3A_145 = arith.constant 0 : i32
      %dma_start3A_146 = tpu.memref_slice %arg14[%dma_start3A_144, %dma_start3A_145] : memref<32768x16xf32, #tpu.memory_space<vmem_shared>> -> memref<32768x16xf32, #tpu.memory_space<vmem_shared>>
      tpu.enqueue_indirect_dma source(%arg13 : memref<128x16xf32, #tpu.memory_space<vmem>>) target(%dma_start3A_146 : memref<32768x16xf32, #tpu.memory_space<vmem_shared>>) offsets(%dma_start3A_143 : memref<128xi32, #tpu.memory_space<vmem>>) semaphore(%arg16 : memref<!tpu.dma_semaphore, #tpu.memory_space<semaphore_mem>>) {add = true}
      %dma_start3A_147 = arith.constant 2 : i32
      %dma_start3A_148 = arith.constant 0 : i32
      %dma_start3A_149 = tpu.memref_slice %arg12[%dma_start3A_147, %dma_start3A_148] : memref<8x128xi32, #tpu.memory_space<vmem>> -> memref<1x128xi32, #tpu.memory_space<vmem>>
      %dma_start3A_150 = tpu.memref_squeeze %dma_start3A_149 : memref<1x128xi32, #tpu.memory_space<vmem>> -> memref<128xi32, #tpu.memory_space<vmem>>
      %dma_start3A_151 = arith.constant 0 : i32
      %dma_start3A_152 = arith.constant 0 : i32
      %dma_start3A_153 = tpu.memref_slice %arg14[%dma_start3A_151, %dma_start3A_152] : memref<32768x16xf32, #tpu.memory_space<vmem_shared>> -> memref<32768x16xf32, #tpu.memory_space<vmem_shared>>
      tpu.enqueue_indirect_dma source(%arg13 : memref<128x16xf32, #tpu.memory_space<vmem>>) target(%dma_start3A_153 : memref<32768x16xf32, #tpu.memory_space<vmem_shared>>) offsets(%dma_start3A_150 : memref<128xi32, #tpu.memory_space<vmem>>) semaphore(%arg16 : memref<!tpu.dma_semaphore, #tpu.memory_space<semaphore_mem>>) {add = true}
      %dma_start3A_154 = arith.constant 3 : i32
      %dma_start3A_155 = arith.constant 0 : i32
      %dma_start3A_156 = tpu.memref_slice %arg12[%dma_start3A_154, %dma_start3A_155] : memref<8x128xi32, #tpu.memory_space<vmem>> -> memref<1x128xi32, #tpu.memory_space<vmem>>
      %dma_start3A_157 = tpu.memref_squeeze %dma_start3A_156 : memref<1x128xi32, #tpu.memory_space<vmem>> -> memref<128xi32, #tpu.memory_space<vmem>>
      %dma_start3A_158 = arith.constant 0 : i32
      %dma_start3A_159 = arith.constant 0 : i32
      %dma_start3A_160 = tpu.memref_slice %arg14[%dma_start3A_158, %dma_start3A_159] : memref<32768x16xf32, #tpu.memory_space<vmem_shared>> -> memref<32768x16xf32, #tpu.memory_space<vmem_shared>>
      tpu.enqueue_indirect_dma source(%arg13 : memref<128x16xf32, #tpu.memory_space<vmem>>) target(%dma_start3A_160 : memref<32768x16xf32, #tpu.memory_space<vmem_shared>>) offsets(%dma_start3A_157 : memref<128xi32, #tpu.memory_space<vmem>>) semaphore(%arg16 : memref<!tpu.dma_semaphore, #tpu.memory_space<semaphore_mem>>) {add = true}
      %dma_start3A_161 = arith.constant 4 : i32
      %dma_start3A_162 = arith.constant 0 : i32
      %dma_start3A_163 = tpu.memref_slice %arg12[%dma_start3A_161, %dma_start3A_162] : memref<8x128xi32, #tpu.memory_space<vmem>> -> memref<1x128xi32, #tpu.memory_space<vmem>>
      %dma_start3A_164 = tpu.memref_squeeze %dma_start3A_163 : memref<1x128xi32, #tpu.memory_space<vmem>> -> memref<128xi32, #tpu.memory_space<vmem>>
      %dma_start3A_165 = arith.constant 0 : i32
      %dma_start3A_166 = arith.constant 0 : i32
      %dma_start3A_167 = tpu.memref_slice %arg14[%dma_start3A_165, %dma_start3A_166] : memref<32768x16xf32, #tpu.memory_space<vmem_shared>> -> memref<32768x16xf32, #tpu.memory_space<vmem_shared>>
      tpu.enqueue_indirect_dma source(%arg13 : memref<128x16xf32, #tpu.memory_space<vmem>>) target(%dma_start3A_167 : memref<32768x16xf32, #tpu.memory_space<vmem_shared>>) offsets(%dma_start3A_164 : memref<128xi32, #tpu.memory_space<vmem>>) semaphore(%arg16 : memref<!tpu.dma_semaphore, #tpu.memory_space<semaphore_mem>>) {add = true}
      %dma_start3A_168 = arith.constant 5 : i32
      %dma_start3A_169 = arith.constant 0 : i32
      %dma_start3A_170 = tpu.memref_slice %arg12[%dma_start3A_168, %dma_start3A_169] : memref<8x128xi32, #tpu.memory_space<vmem>> -> memref<1x128xi32, #tpu.memory_space<vmem>>
      %dma_start3A_171 = tpu.memref_squeeze %dma_start3A_170 : memref<1x128xi32, #tpu.memory_space<vmem>> -> memref<128xi32, #tpu.memory_space<vmem>>
      %dma_start3A_172 = arith.constant 0 : i32
      %dma_start3A_173 = arith.constant 0 : i32
      %dma_start3A_174 = tpu.memref_slice %arg14[%dma_start3A_172, %dma_start3A_173] : memref<32768x16xf32, #tpu.memory_space<vmem_shared>> -> memref<32768x16xf32, #tpu.memory_space<vmem_shared>>
      tpu.enqueue_indirect_dma source(%arg13 : memref<128x16xf32, #tpu.memory_space<vmem>>) target(%dma_start3A_174 : memref<32768x16xf32, #tpu.memory_space<vmem_shared>>) offsets(%dma_start3A_171 : memref<128xi32, #tpu.memory_space<vmem>>) semaphore(%arg16 : memref<!tpu.dma_semaphore, #tpu.memory_space<semaphore_mem>>) {add = true}
      %dma_start3A_175 = arith.constant 6 : i32
      %dma_start3A_176 = arith.constant 0 : i32
      %dma_start3A_177 = tpu.memref_slice %arg12[%dma_start3A_175, %dma_start3A_176] : memref<8x128xi32, #tpu.memory_space<vmem>> -> memref<1x128xi32, #tpu.memory_space<vmem>>
      %dma_start3A_178 = tpu.memref_squeeze %dma_start3A_177 : memref<1x128xi32, #tpu.memory_space<vmem>> -> memref<128xi32, #tpu.memory_space<vmem>>
      %dma_start3A_179 = arith.constant 0 : i32
      %dma_start3A_180 = arith.constant 0 : i32
      %dma_start3A_181 = tpu.memref_slice %arg14[%dma_start3A_179, %dma_start3A_180] : memref<32768x16xf32, #tpu.memory_space<vmem_shared>> -> memref<32768x16xf32, #tpu.memory_space<vmem_shared>>
      tpu.enqueue_indirect_dma source(%arg13 : memref<128x16xf32, #tpu.memory_space<vmem>>) target(%dma_start3A_181 : memref<32768x16xf32, #tpu.memory_space<vmem_shared>>) offsets(%dma_start3A_178 : memref<128xi32, #tpu.memory_space<vmem>>) semaphore(%arg16 : memref<!tpu.dma_semaphore, #tpu.memory_space<semaphore_mem>>) {add = true}
      %dma_start3A_182 = arith.constant 7 : i32
      %dma_start3A_183 = arith.constant 0 : i32
      %dma_start3A_184 = tpu.memref_slice %arg12[%dma_start3A_182, %dma_start3A_183] : memref<8x128xi32, #tpu.memory_space<vmem>> -> memref<1x128xi32, #tpu.memory_space<vmem>>
      %dma_start3A_185 = tpu.memref_squeeze %dma_start3A_184 : memref<1x128xi32, #tpu.memory_space<vmem>> -> memref<128xi32, #tpu.memory_space<vmem>>
      %dma_start3A_186 = arith.constant 0 : i32
      %dma_start3A_187 = arith.constant 0 : i32
      %dma_start3A_188 = tpu.memref_slice %arg14[%dma_start3A_186, %dma_start3A_187] : memref<32768x16xf32, #tpu.memory_space<vmem_shared>> -> memref<32768x16xf32, #tpu.memory_space<vmem_shared>>
      tpu.enqueue_indirect_dma source(%arg13 : memref<128x16xf32, #tpu.memory_space<vmem>>) target(%dma_start3A_188 : memref<32768x16xf32, #tpu.memory_space<vmem_shared>>) offsets(%dma_start3A_185 : memref<128xi32, #tpu.memory_space<vmem>>) semaphore(%arg16 : memref<!tpu.dma_semaphore, #tpu.memory_space<semaphore_mem>>) {add = true}
      %dma_wait3A_189 = arith.constant 0 : i32
      %dma_wait3A_190 = arith.constant 0 : i32
      %dma_wait3A_191 = tpu.memref_slice %arg12[%dma_wait3A_189, %dma_wait3A_190] : memref<8x128xi32, #tpu.memory_space<vmem>> -> memref<1x128xi32, #tpu.memory_space<vmem>>
      %dma_wait3A_192 = tpu.memref_squeeze %dma_wait3A_191 : memref<1x128xi32, #tpu.memory_space<vmem>> -> memref<128xi32, #tpu.memory_space<vmem>>
      %dma_wait3A_193 = arith.constant 0 : i32
      %dma_wait3A_194 = arith.constant 0 : i32
      %dma_wait3A_195 = tpu.memref_slice %arg14[%dma_wait3A_193, %dma_wait3A_194] : memref<32768x16xf32, #tpu.memory_space<vmem_shared>> -> memref<32768x16xf32, #tpu.memory_space<vmem_shared>>
      tpu.wait_indirect_dma semaphore(%arg16 : memref<!tpu.dma_semaphore, #tpu.memory_space<semaphore_mem>>) src(%arg13 : memref<128x16xf32, #tpu.memory_space<vmem>>) dst(%dma_wait3A_195 : memref<32768x16xf32, #tpu.memory_space<vmem_shared>>)
      %dma_wait3A_196 = arith.constant 1 : i32
      %dma_wait3A_197 = arith.constant 0 : i32
      %dma_wait3A_198 = tpu.memref_slice %arg12[%dma_wait3A_196, %dma_wait3A_197] : memref<8x128xi32, #tpu.memory_space<vmem>> -> memref<1x128xi32, #tpu.memory_space<vmem>>
      %dma_wait3A_199 = tpu.memref_squeeze %dma_wait3A_198 : memref<1x128xi32, #tpu.memory_space<vmem>> -> memref<128xi32, #tpu.memory_space<vmem>>
      %dma_wait3A_200 = arith.constant 0 : i32
      %dma_wait3A_201 = arith.constant 0 : i32
      %dma_wait3A_202 = tpu.memref_slice %arg14[%dma_wait3A_200, %dma_wait3A_201] : memref<32768x16xf32, #tpu.memory_space<vmem_shared>> -> memref<32768x16xf32, #tpu.memory_space<vmem_shared>>
      tpu.wait_indirect_dma semaphore(%arg16 : memref<!tpu.dma_semaphore, #tpu.memory_space<semaphore_mem>>) src(%arg13 : memref<128x16xf32, #tpu.memory_space<vmem>>) dst(%dma_wait3A_202 : memref<32768x16xf32, #tpu.memory_space<vmem_shared>>)
      %dma_wait3A_203 = arith.constant 2 : i32
      %dma_wait3A_204 = arith.constant 0 : i32
      %dma_wait3A_205 = tpu.memref_slice %arg12[%dma_wait3A_203, %dma_wait3A_204] : memref<8x128xi32, #tpu.memory_space<vmem>> -> memref<1x128xi32, #tpu.memory_space<vmem>>
      %dma_wait3A_206 = tpu.memref_squeeze %dma_wait3A_205 : memref<1x128xi32, #tpu.memory_space<vmem>> -> memref<128xi32, #tpu.memory_space<vmem>>
      %dma_wait3A_207 = arith.constant 0 : i32
      %dma_wait3A_208 = arith.constant 0 : i32
      %dma_wait3A_209 = tpu.memref_slice %arg14[%dma_wait3A_207, %dma_wait3A_208] : memref<32768x16xf32, #tpu.memory_space<vmem_shared>> -> memref<32768x16xf32, #tpu.memory_space<vmem_shared>>
      tpu.wait_indirect_dma semaphore(%arg16 : memref<!tpu.dma_semaphore, #tpu.memory_space<semaphore_mem>>) src(%arg13 : memref<128x16xf32, #tpu.memory_space<vmem>>) dst(%dma_wait3A_209 : memref<32768x16xf32, #tpu.memory_space<vmem_shared>>)
      %dma_wait3A_210 = arith.constant 3 : i32
      %dma_wait3A_211 = arith.constant 0 : i32
      %dma_wait3A_212 = tpu.memref_slice %arg12[%dma_wait3A_210, %dma_wait3A_211] : memref<8x128xi32, #tpu.memory_space<vmem>> -> memref<1x128xi32, #tpu.memory_space<vmem>>
      %dma_wait3A_213 = tpu.memref_squeeze %dma_wait3A_212 : memref<1x128xi32, #tpu.memory_space<vmem>> -> memref<128xi32, #tpu.memory_space<vmem>>
      %dma_wait3A_214 = arith.constant 0 : i32
      %dma_wait3A_215 = arith.constant 0 : i32
      %dma_wait3A_216 = tpu.memref_slice %arg14[%dma_wait3A_214, %dma_wait3A_215] : memref<32768x16xf32, #tpu.memory_space<vmem_shared>> -> memref<32768x16xf32, #tpu.memory_space<vmem_shared>>
      tpu.wait_indirect_dma semaphore(%arg16 : memref<!tpu.dma_semaphore, #tpu.memory_space<semaphore_mem>>) src(%arg13 : memref<128x16xf32, #tpu.memory_space<vmem>>) dst(%dma_wait3A_216 : memref<32768x16xf32, #tpu.memory_space<vmem_shared>>)
      %dma_wait3A_217 = arith.constant 4 : i32
      %dma_wait3A_218 = arith.constant 0 : i32
      %dma_wait3A_219 = tpu.memref_slice %arg12[%dma_wait3A_217, %dma_wait3A_218] : memref<8x128xi32, #tpu.memory_space<vmem>> -> memref<1x128xi32, #tpu.memory_space<vmem>>
      %dma_wait3A_220 = tpu.memref_squeeze %dma_wait3A_219 : memref<1x128xi32, #tpu.memory_space<vmem>> -> memref<128xi32, #tpu.memory_space<vmem>>
      %dma_wait3A_221 = arith.constant 0 : i32
      %dma_wait3A_222 = arith.constant 0 : i32
      %dma_wait3A_223 = tpu.memref_slice %arg14[%dma_wait3A_221, %dma_wait3A_222] : memref<32768x16xf32, #tpu.memory_space<vmem_shared>> -> memref<32768x16xf32, #tpu.memory_space<vmem_shared>>
      tpu.wait_indirect_dma semaphore(%arg16 : memref<!tpu.dma_semaphore, #tpu.memory_space<semaphore_mem>>) src(%arg13 : memref<128x16xf32, #tpu.memory_space<vmem>>) dst(%dma_wait3A_223 : memref<32768x16xf32, #tpu.memory_space<vmem_shared>>)
      %dma_wait3A_224 = arith.constant 5 : i32
      %dma_wait3A_225 = arith.constant 0 : i32
      %dma_wait3A_226 = tpu.memref_slice %arg12[%dma_wait3A_224, %dma_wait3A_225] : memref<8x128xi32, #tpu.memory_space<vmem>> -> memref<1x128xi32, #tpu.memory_space<vmem>>
      %dma_wait3A_227 = tpu.memref_squeeze %dma_wait3A_226 : memref<1x128xi32, #tpu.memory_space<vmem>> -> memref<128xi32, #tpu.memory_space<vmem>>
      %dma_wait3A_228 = arith.constant 0 : i32
      %dma_wait3A_229 = arith.constant 0 : i32
      %dma_wait3A_230 = tpu.memref_slice %arg14[%dma_wait3A_228, %dma_wait3A_229] : memref<32768x16xf32, #tpu.memory_space<vmem_shared>> -> memref<32768x16xf32, #tpu.memory_space<vmem_shared>>
      tpu.wait_indirect_dma semaphore(%arg16 : memref<!tpu.dma_semaphore, #tpu.memory_space<semaphore_mem>>) src(%arg13 : memref<128x16xf32, #tpu.memory_space<vmem>>) dst(%dma_wait3A_230 : memref<32768x16xf32, #tpu.memory_space<vmem_shared>>)
      %dma_wait3A_231 = arith.constant 6 : i32
      %dma_wait3A_232 = arith.constant 0 : i32
      %dma_wait3A_233 = tpu.memref_slice %arg12[%dma_wait3A_231, %dma_wait3A_232] : memref<8x128xi32, #tpu.memory_space<vmem>> -> memref<1x128xi32, #tpu.memory_space<vmem>>
      %dma_wait3A_234 = tpu.memref_squeeze %dma_wait3A_233 : memref<1x128xi32, #tpu.memory_space<vmem>> -> memref<128xi32, #tpu.memory_space<vmem>>
      %dma_wait3A_235 = arith.constant 0 : i32
      %dma_wait3A_236 = arith.constant 0 : i32
      %dma_wait3A_237 = tpu.memref_slice %arg14[%dma_wait3A_235, %dma_wait3A_236] : memref<32768x16xf32, #tpu.memory_space<vmem_shared>> -> memref<32768x16xf32, #tpu.memory_space<vmem_shared>>
      tpu.wait_indirect_dma semaphore(%arg16 : memref<!tpu.dma_semaphore, #tpu.memory_space<semaphore_mem>>) src(%arg13 : memref<128x16xf32, #tpu.memory_space<vmem>>) dst(%dma_wait3A_237 : memref<32768x16xf32, #tpu.memory_space<vmem_shared>>)
      %dma_wait3A_238 = arith.constant 7 : i32
      %dma_wait3A_239 = arith.constant 0 : i32
      %dma_wait3A_240 = tpu.memref_slice %arg12[%dma_wait3A_238, %dma_wait3A_239] : memref<8x128xi32, #tpu.memory_space<vmem>> -> memref<1x128xi32, #tpu.memory_space<vmem>>
      %dma_wait3A_241 = tpu.memref_squeeze %dma_wait3A_240 : memref<1x128xi32, #tpu.memory_space<vmem>> -> memref<128xi32, #tpu.memory_space<vmem>>
      %dma_wait3A_242 = arith.constant 0 : i32
      %dma_wait3A_243 = arith.constant 0 : i32
      %dma_wait3A_244 = tpu.memref_slice %arg14[%dma_wait3A_242, %dma_wait3A_243] : memref<32768x16xf32, #tpu.memory_space<vmem_shared>> -> memref<32768x16xf32, #tpu.memory_space<vmem_shared>>
      tpu.wait_indirect_dma semaphore(%arg16 : memref<!tpu.dma_semaphore, #tpu.memory_space<semaphore_mem>>) src(%arg13 : memref<128x16xf32, #tpu.memory_space<vmem>>) dst(%dma_wait3A_244 : memref<32768x16xf32, #tpu.memory_space<vmem_shared>>)
    }
    %scan3A_10 = arith.constant 16 : i32
    "tpu.region"() ({
      %run_scoped3A = tpu.sem_alloc : memref<!tpu.dma_semaphore, #tpu.memory_space<semaphore_mem>>
      %dma_start3A_129 = arith.constant 0 : i32
      %dma_start3A_130 = arith.constant 0 : i32
      %dma_start3A_131 = tpu.memref_slice %arg3[%add3A, %dma_start3A_129, %dma_start3A_130] : memref<32x8x128xi32, #tpu.memory_space<hbm>> -> memref<1x8x128xi32, #tpu.memory_space<hbm>>
      %dma_start3A_132 = tpu.memref_squeeze %dma_start3A_131 : memref<1x8x128xi32, #tpu.memory_space<hbm>> -> memref<8x128xi32, #tpu.memory_space<hbm>>
      %dma_start3A_133 = arith.constant 0 : i32
      %dma_start3A_134 = arith.constant 0 : i32
      %dma_start3A_135 = tpu.memref_slice %arg3[%add3A, %dma_start3A_133, %dma_start3A_134] : memref<32x8x128xi32, #tpu.memory_space<hbm>> -> memref<1x8x128xi32, #tpu.memory_space<hbm>>
      %dma_start3A_136 = tpu.memref_squeeze %dma_start3A_135 : memref<1x8x128xi32, #tpu.memory_space<hbm>> -> memref<8x128xi32, #tpu.memory_space<hbm>>
      tpu.enqueue_dma source(%dma_start3A_136 : memref<8x128xi32, #tpu.memory_space<hbm>>) target(%arg12 : memref<8x128xi32, #tpu.memory_space<vmem>>) target_semaphore(%run_scoped3A : memref<!tpu.dma_semaphore, #tpu.memory_space<semaphore_mem>>)
      %dma_wait3A_137 = arith.constant 0 : i32
      %dma_wait3A_138 = arith.constant 0 : i32
      %dma_wait3A_139 = tpu.memref_slice %arg3[%add3A, %dma_wait3A_137, %dma_wait3A_138] : memref<32x8x128xi32, #tpu.memory_space<hbm>> -> memref<1x8x128xi32, #tpu.memory_space<hbm>>
      %dma_wait3A_140 = tpu.memref_squeeze %dma_wait3A_139 : memref<1x8x128xi32, #tpu.memory_space<hbm>> -> memref<8x128xi32, #tpu.memory_space<hbm>>
      %dma_wait3A_141 = arith.constant 0 : i32
      %dma_wait3A_142 = arith.constant 0 : i32
      %dma_wait3A_143 = tpu.memref_slice %arg3[%add3A, %dma_wait3A_141, %dma_wait3A_142] : memref<32x8x128xi32, #tpu.memory_space<hbm>> -> memref<1x8x128xi32, #tpu.memory_space<hbm>>
      %dma_wait3A_144 = tpu.memref_squeeze %dma_wait3A_143 : memref<1x8x128xi32, #tpu.memory_space<hbm>> -> memref<8x128xi32, #tpu.memory_space<hbm>>
      tpu.wait_dma2 semaphore(%run_scoped3A : memref<!tpu.dma_semaphore, #tpu.memory_space<semaphore_mem>>) src(%dma_wait3A_144 : memref<8x128xi32, #tpu.memory_space<hbm>>) dst(%arg12 : memref<8x128xi32, #tpu.memory_space<vmem>>)
      tpu.yield
    }) : () -> ()
    %dma_start3A = arith.constant 0 : i32
    %dma_start3A_11 = arith.constant 0 : i32
    %dma_start3A_12 = tpu.memref_slice %arg12[%dma_start3A, %dma_start3A_11] : memref<8x128xi32, #tpu.memory_space<vmem>> -> memref<1x128xi32, #tpu.memory_space<vmem>>
    %dma_start3A_13 = tpu.memref_squeeze %dma_start3A_12 : memref<1x128xi32, #tpu.memory_space<vmem>> -> memref<128xi32, #tpu.memory_space<vmem>>
    %dma_start3A_14 = arith.constant 0 : i32
    %dma_start3A_15 = arith.constant 0 : i32
    %dma_start3A_16 = tpu.memref_slice %arg15[%dma_start3A_14, %dma_start3A_15] : memref<2048x16xf32, #tpu.memory_space<vmem_shared>> -> memref<2048x16xf32, #tpu.memory_space<vmem_shared>>
    tpu.enqueue_indirect_dma source(%arg13 : memref<128x16xf32, #tpu.memory_space<vmem>>) target(%dma_start3A_16 : memref<2048x16xf32, #tpu.memory_space<vmem_shared>>) offsets(%dma_start3A_13 : memref<128xi32, #tpu.memory_space<vmem>>) semaphore(%arg16 : memref<!tpu.dma_semaphore, #tpu.memory_space<semaphore_mem>>) {add = true}
    %dma_start3A_17 = arith.constant 1 : i32
    %dma_start3A_18 = arith.constant 0 : i32
    %dma_start3A_19 = tpu.memref_slice %arg12[%dma_start3A_17, %dma_start3A_18] : memref<8x128xi32, #tpu.memory_space<vmem>> -> memref<1x128xi32, #tpu.memory_space<vmem>>
    %dma_start3A_20 = tpu.memref_squeeze %dma_start3A_19 : memref<1x128xi32, #tpu.memory_space<vmem>> -> memref<128xi32, #tpu.memory_space<vmem>>
    %dma_start3A_21 = arith.constant 0 : i32
    %dma_start3A_22 = arith.constant 0 : i32
    %dma_start3A_23 = tpu.memref_slice %arg15[%dma_start3A_21, %dma_start3A_22] : memref<2048x16xf32, #tpu.memory_space<vmem_shared>> -> memref<2048x16xf32, #tpu.memory_space<vmem_shared>>
    tpu.enqueue_indirect_dma source(%arg13 : memref<128x16xf32, #tpu.memory_space<vmem>>) target(%dma_start3A_23 : memref<2048x16xf32, #tpu.memory_space<vmem_shared>>) offsets(%dma_start3A_20 : memref<128xi32, #tpu.memory_space<vmem>>) semaphore(%arg16 : memref<!tpu.dma_semaphore, #tpu.memory_space<semaphore_mem>>) {add = true}
    %dma_start3A_24 = arith.constant 2 : i32
    %dma_start3A_25 = arith.constant 0 : i32
    %dma_start3A_26 = tpu.memref_slice %arg12[%dma_start3A_24, %dma_start3A_25] : memref<8x128xi32, #tpu.memory_space<vmem>> -> memref<1x128xi32, #tpu.memory_space<vmem>>
    %dma_start3A_27 = tpu.memref_squeeze %dma_start3A_26 : memref<1x128xi32, #tpu.memory_space<vmem>> -> memref<128xi32, #tpu.memory_space<vmem>>
    %dma_start3A_28 = arith.constant 0 : i32
    %dma_start3A_29 = arith.constant 0 : i32
    %dma_start3A_30 = tpu.memref_slice %arg15[%dma_start3A_28, %dma_start3A_29] : memref<2048x16xf32, #tpu.memory_space<vmem_shared>> -> memref<2048x16xf32, #tpu.memory_space<vmem_shared>>
    tpu.enqueue_indirect_dma source(%arg13 : memref<128x16xf32, #tpu.memory_space<vmem>>) target(%dma_start3A_30 : memref<2048x16xf32, #tpu.memory_space<vmem_shared>>) offsets(%dma_start3A_27 : memref<128xi32, #tpu.memory_space<vmem>>) semaphore(%arg16 : memref<!tpu.dma_semaphore, #tpu.memory_space<semaphore_mem>>) {add = true}
    %dma_start3A_31 = arith.constant 3 : i32
    %dma_start3A_32 = arith.constant 0 : i32
    %dma_start3A_33 = tpu.memref_slice %arg12[%dma_start3A_31, %dma_start3A_32] : memref<8x128xi32, #tpu.memory_space<vmem>> -> memref<1x128xi32, #tpu.memory_space<vmem>>
    %dma_start3A_34 = tpu.memref_squeeze %dma_start3A_33 : memref<1x128xi32, #tpu.memory_space<vmem>> -> memref<128xi32, #tpu.memory_space<vmem>>
    %dma_start3A_35 = arith.constant 0 : i32
    %dma_start3A_36 = arith.constant 0 : i32
    %dma_start3A_37 = tpu.memref_slice %arg15[%dma_start3A_35, %dma_start3A_36] : memref<2048x16xf32, #tpu.memory_space<vmem_shared>> -> memref<2048x16xf32, #tpu.memory_space<vmem_shared>>
    tpu.enqueue_indirect_dma source(%arg13 : memref<128x16xf32, #tpu.memory_space<vmem>>) target(%dma_start3A_37 : memref<2048x16xf32, #tpu.memory_space<vmem_shared>>) offsets(%dma_start3A_34 : memref<128xi32, #tpu.memory_space<vmem>>) semaphore(%arg16 : memref<!tpu.dma_semaphore, #tpu.memory_space<semaphore_mem>>) {add = true}
    %dma_start3A_38 = arith.constant 4 : i32
    %dma_start3A_39 = arith.constant 0 : i32
    %dma_start3A_40 = tpu.memref_slice %arg12[%dma_start3A_38, %dma_start3A_39] : memref<8x128xi32, #tpu.memory_space<vmem>> -> memref<1x128xi32, #tpu.memory_space<vmem>>
    %dma_start3A_41 = tpu.memref_squeeze %dma_start3A_40 : memref<1x128xi32, #tpu.memory_space<vmem>> -> memref<128xi32, #tpu.memory_space<vmem>>
    %dma_start3A_42 = arith.constant 0 : i32
    %dma_start3A_43 = arith.constant 0 : i32
    %dma_start3A_44 = tpu.memref_slice %arg15[%dma_start3A_42, %dma_start3A_43] : memref<2048x16xf32, #tpu.memory_space<vmem_shared>> -> memref<2048x16xf32, #tpu.memory_space<vmem_shared>>
    tpu.enqueue_indirect_dma source(%arg13 : memref<128x16xf32, #tpu.memory_space<vmem>>) target(%dma_start3A_44 : memref<2048x16xf32, #tpu.memory_space<vmem_shared>>) offsets(%dma_start3A_41 : memref<128xi32, #tpu.memory_space<vmem>>) semaphore(%arg16 : memref<!tpu.dma_semaphore, #tpu.memory_space<semaphore_mem>>) {add = true}
    %dma_start3A_45 = arith.constant 5 : i32
    %dma_start3A_46 = arith.constant 0 : i32
    %dma_start3A_47 = tpu.memref_slice %arg12[%dma_start3A_45, %dma_start3A_46] : memref<8x128xi32, #tpu.memory_space<vmem>> -> memref<1x128xi32, #tpu.memory_space<vmem>>
    %dma_start3A_48 = tpu.memref_squeeze %dma_start3A_47 : memref<1x128xi32, #tpu.memory_space<vmem>> -> memref<128xi32, #tpu.memory_space<vmem>>
    %dma_start3A_49 = arith.constant 0 : i32
    %dma_start3A_50 = arith.constant 0 : i32
    %dma_start3A_51 = tpu.memref_slice %arg15[%dma_start3A_49, %dma_start3A_50] : memref<2048x16xf32, #tpu.memory_space<vmem_shared>> -> memref<2048x16xf32, #tpu.memory_space<vmem_shared>>
    tpu.enqueue_indirect_dma source(%arg13 : memref<128x16xf32, #tpu.memory_space<vmem>>) target(%dma_start3A_51 : memref<2048x16xf32, #tpu.memory_space<vmem_shared>>) offsets(%dma_start3A_48 : memref<128xi32, #tpu.memory_space<vmem>>) semaphore(%arg16 : memref<!tpu.dma_semaphore, #tpu.memory_space<semaphore_mem>>) {add = true}
    %dma_start3A_52 = arith.constant 6 : i32
    %dma_start3A_53 = arith.constant 0 : i32
    %dma_start3A_54 = tpu.memref_slice %arg12[%dma_start3A_52, %dma_start3A_53] : memref<8x128xi32, #tpu.memory_space<vmem>> -> memref<1x128xi32, #tpu.memory_space<vmem>>
    %dma_start3A_55 = tpu.memref_squeeze %dma_start3A_54 : memref<1x128xi32, #tpu.memory_space<vmem>> -> memref<128xi32, #tpu.memory_space<vmem>>
    %dma_start3A_56 = arith.constant 0 : i32
    %dma_start3A_57 = arith.constant 0 : i32
    %dma_start3A_58 = tpu.memref_slice %arg15[%dma_start3A_56, %dma_start3A_57] : memref<2048x16xf32, #tpu.memory_space<vmem_shared>> -> memref<2048x16xf32, #tpu.memory_space<vmem_shared>>
    tpu.enqueue_indirect_dma source(%arg13 : memref<128x16xf32, #tpu.memory_space<vmem>>) target(%dma_start3A_58 : memref<2048x16xf32, #tpu.memory_space<vmem_shared>>) offsets(%dma_start3A_55 : memref<128xi32, #tpu.memory_space<vmem>>) semaphore(%arg16 : memref<!tpu.dma_semaphore, #tpu.memory_space<semaphore_mem>>) {add = true}
    %dma_start3A_59 = arith.constant 7 : i32
    %dma_start3A_60 = arith.constant 0 : i32
    %dma_start3A_61 = tpu.memref_slice %arg12[%dma_start3A_59, %dma_start3A_60] : memref<8x128xi32, #tpu.memory_space<vmem>> -> memref<1x128xi32, #tpu.memory_space<vmem>>
    %dma_start3A_62 = tpu.memref_squeeze %dma_start3A_61 : memref<1x128xi32, #tpu.memory_space<vmem>> -> memref<128xi32, #tpu.memory_space<vmem>>
    %dma_start3A_63 = arith.constant 0 : i32
    %dma_start3A_64 = arith.constant 0 : i32
    %dma_start3A_65 = tpu.memref_slice %arg15[%dma_start3A_63, %dma_start3A_64] : memref<2048x16xf32, #tpu.memory_space<vmem_shared>> -> memref<2048x16xf32, #tpu.memory_space<vmem_shared>>
    tpu.enqueue_indirect_dma source(%arg13 : memref<128x16xf32, #tpu.memory_space<vmem>>) target(%dma_start3A_65 : memref<2048x16xf32, #tpu.memory_space<vmem_shared>>) offsets(%dma_start3A_62 : memref<128xi32, #tpu.memory_space<vmem>>) semaphore(%arg16 : memref<!tpu.dma_semaphore, #tpu.memory_space<semaphore_mem>>) {add = true}
    %dma_wait3A = arith.constant 0 : i32
    %dma_wait3A_66 = arith.constant 0 : i32
    %dma_wait3A_67 = tpu.memref_slice %arg12[%dma_wait3A, %dma_wait3A_66] : memref<8x128xi32, #tpu.memory_space<vmem>> -> memref<1x128xi32, #tpu.memory_space<vmem>>
    %dma_wait3A_68 = tpu.memref_squeeze %dma_wait3A_67 : memref<1x128xi32, #tpu.memory_space<vmem>> -> memref<128xi32, #tpu.memory_space<vmem>>
    %dma_wait3A_69 = arith.constant 0 : i32
    %dma_wait3A_70 = arith.constant 0 : i32
    %dma_wait3A_71 = tpu.memref_slice %arg15[%dma_wait3A_69, %dma_wait3A_70] : memref<2048x16xf32, #tpu.memory_space<vmem_shared>> -> memref<2048x16xf32, #tpu.memory_space<vmem_shared>>
    tpu.wait_indirect_dma semaphore(%arg16 : memref<!tpu.dma_semaphore, #tpu.memory_space<semaphore_mem>>) src(%arg13 : memref<128x16xf32, #tpu.memory_space<vmem>>) dst(%dma_wait3A_71 : memref<2048x16xf32, #tpu.memory_space<vmem_shared>>)
    %dma_wait3A_72 = arith.constant 1 : i32
    %dma_wait3A_73 = arith.constant 0 : i32
    %dma_wait3A_74 = tpu.memref_slice %arg12[%dma_wait3A_72, %dma_wait3A_73] : memref<8x128xi32, #tpu.memory_space<vmem>> -> memref<1x128xi32, #tpu.memory_space<vmem>>
    %dma_wait3A_75 = tpu.memref_squeeze %dma_wait3A_74 : memref<1x128xi32, #tpu.memory_space<vmem>> -> memref<128xi32, #tpu.memory_space<vmem>>
    %dma_wait3A_76 = arith.constant 0 : i32
    %dma_wait3A_77 = arith.constant 0 : i32
    %dma_wait3A_78 = tpu.memref_slice %arg15[%dma_wait3A_76, %dma_wait3A_77] : memref<2048x16xf32, #tpu.memory_space<vmem_shared>> -> memref<2048x16xf32, #tpu.memory_space<vmem_shared>>
    tpu.wait_indirect_dma semaphore(%arg16 : memref<!tpu.dma_semaphore, #tpu.memory_space<semaphore_mem>>) src(%arg13 : memref<128x16xf32, #tpu.memory_space<vmem>>) dst(%dma_wait3A_78 : memref<2048x16xf32, #tpu.memory_space<vmem_shared>>)
    %dma_wait3A_79 = arith.constant 2 : i32
    %dma_wait3A_80 = arith.constant 0 : i32
    %dma_wait3A_81 = tpu.memref_slice %arg12[%dma_wait3A_79, %dma_wait3A_80] : memref<8x128xi32, #tpu.memory_space<vmem>> -> memref<1x128xi32, #tpu.memory_space<vmem>>
    %dma_wait3A_82 = tpu.memref_squeeze %dma_wait3A_81 : memref<1x128xi32, #tpu.memory_space<vmem>> -> memref<128xi32, #tpu.memory_space<vmem>>
    %dma_wait3A_83 = arith.constant 0 : i32
    %dma_wait3A_84 = arith.constant 0 : i32
    %dma_wait3A_85 = tpu.memref_slice %arg15[%dma_wait3A_83, %dma_wait3A_84] : memref<2048x16xf32, #tpu.memory_space<vmem_shared>> -> memref<2048x16xf32, #tpu.memory_space<vmem_shared>>
    tpu.wait_indirect_dma semaphore(%arg16 : memref<!tpu.dma_semaphore, #tpu.memory_space<semaphore_mem>>) src(%arg13 : memref<128x16xf32, #tpu.memory_space<vmem>>) dst(%dma_wait3A_85 : memref<2048x16xf32, #tpu.memory_space<vmem_shared>>)
    %dma_wait3A_86 = arith.constant 3 : i32
    %dma_wait3A_87 = arith.constant 0 : i32
    %dma_wait3A_88 = tpu.memref_slice %arg12[%dma_wait3A_86, %dma_wait3A_87] : memref<8x128xi32, #tpu.memory_space<vmem>> -> memref<1x128xi32, #tpu.memory_space<vmem>>
    %dma_wait3A_89 = tpu.memref_squeeze %dma_wait3A_88 : memref<1x128xi32, #tpu.memory_space<vmem>> -> memref<128xi32, #tpu.memory_space<vmem>>
    %dma_wait3A_90 = arith.constant 0 : i32
    %dma_wait3A_91 = arith.constant 0 : i32
    %dma_wait3A_92 = tpu.memref_slice %arg15[%dma_wait3A_90, %dma_wait3A_91] : memref<2048x16xf32, #tpu.memory_space<vmem_shared>> -> memref<2048x16xf32, #tpu.memory_space<vmem_shared>>
    tpu.wait_indirect_dma semaphore(%arg16 : memref<!tpu.dma_semaphore, #tpu.memory_space<semaphore_mem>>) src(%arg13 : memref<128x16xf32, #tpu.memory_space<vmem>>) dst(%dma_wait3A_92 : memref<2048x16xf32, #tpu.memory_space<vmem_shared>>)
    %dma_wait3A_93 = arith.constant 4 : i32
    %dma_wait3A_94 = arith.constant 0 : i32
    %dma_wait3A_95 = tpu.memref_slice %arg12[%dma_wait3A_93, %dma_wait3A_94] : memref<8x128xi32, #tpu.memory_space<vmem>> -> memref<1x128xi32, #tpu.memory_space<vmem>>
    %dma_wait3A_96 = tpu.memref_squeeze %dma_wait3A_95 : memref<1x128xi32, #tpu.memory_space<vmem>> -> memref<128xi32, #tpu.memory_space<vmem>>
    %dma_wait3A_97 = arith.constant 0 : i32
    %dma_wait3A_98 = arith.constant 0 : i32
    %dma_wait3A_99 = tpu.memref_slice %arg15[%dma_wait3A_97, %dma_wait3A_98] : memref<2048x16xf32, #tpu.memory_space<vmem_shared>> -> memref<2048x16xf32, #tpu.memory_space<vmem_shared>>
    tpu.wait_indirect_dma semaphore(%arg16 : memref<!tpu.dma_semaphore, #tpu.memory_space<semaphore_mem>>) src(%arg13 : memref<128x16xf32, #tpu.memory_space<vmem>>) dst(%dma_wait3A_99 : memref<2048x16xf32, #tpu.memory_space<vmem_shared>>)
    %dma_wait3A_100 = arith.constant 5 : i32
    %dma_wait3A_101 = arith.constant 0 : i32
    %dma_wait3A_102 = tpu.memref_slice %arg12[%dma_wait3A_100, %dma_wait3A_101] : memref<8x128xi32, #tpu.memory_space<vmem>> -> memref<1x128xi32, #tpu.memory_space<vmem>>
    %dma_wait3A_103 = tpu.memref_squeeze %dma_wait3A_102 : memref<1x128xi32, #tpu.memory_space<vmem>> -> memref<128xi32, #tpu.memory_space<vmem>>
    %dma_wait3A_104 = arith.constant 0 : i32
    %dma_wait3A_105 = arith.constant 0 : i32
    %dma_wait3A_106 = tpu.memref_slice %arg15[%dma_wait3A_104, %dma_wait3A_105] : memref<2048x16xf32, #tpu.memory_space<vmem_shared>> -> memref<2048x16xf32, #tpu.memory_space<vmem_shared>>
    tpu.wait_indirect_dma semaphore(%arg16 : memref<!tpu.dma_semaphore, #tpu.memory_space<semaphore_mem>>) src(%arg13 : memref<128x16xf32, #tpu.memory_space<vmem>>) dst(%dma_wait3A_106 : memref<2048x16xf32, #tpu.memory_space<vmem_shared>>)
    %dma_wait3A_107 = arith.constant 6 : i32
    %dma_wait3A_108 = arith.constant 0 : i32
    %dma_wait3A_109 = tpu.memref_slice %arg12[%dma_wait3A_107, %dma_wait3A_108] : memref<8x128xi32, #tpu.memory_space<vmem>> -> memref<1x128xi32, #tpu.memory_space<vmem>>
    %dma_wait3A_110 = tpu.memref_squeeze %dma_wait3A_109 : memref<1x128xi32, #tpu.memory_space<vmem>> -> memref<128xi32, #tpu.memory_space<vmem>>
    %dma_wait3A_111 = arith.constant 0 : i32
    %dma_wait3A_112 = arith.constant 0 : i32
    %dma_wait3A_113 = tpu.memref_slice %arg15[%dma_wait3A_111, %dma_wait3A_112] : memref<2048x16xf32, #tpu.memory_space<vmem_shared>> -> memref<2048x16xf32, #tpu.memory_space<vmem_shared>>
    tpu.wait_indirect_dma semaphore(%arg16 : memref<!tpu.dma_semaphore, #tpu.memory_space<semaphore_mem>>) src(%arg13 : memref<128x16xf32, #tpu.memory_space<vmem>>) dst(%dma_wait3A_113 : memref<2048x16xf32, #tpu.memory_space<vmem_shared>>)
    %dma_wait3A_114 = arith.constant 7 : i32
    %dma_wait3A_115 = arith.constant 0 : i32
    %dma_wait3A_116 = tpu.memref_slice %arg12[%dma_wait3A_114, %dma_wait3A_115] : memref<8x128xi32, #tpu.memory_space<vmem>> -> memref<1x128xi32, #tpu.memory_space<vmem>>
    %dma_wait3A_117 = tpu.memref_squeeze %dma_wait3A_116 : memref<1x128xi32, #tpu.memory_space<vmem>> -> memref<128xi32, #tpu.memory_space<vmem>>
    %dma_wait3A_118 = arith.constant 0 : i32
    %dma_wait3A_119 = arith.constant 0 : i32
    %dma_wait3A_120 = tpu.memref_slice %arg15[%dma_wait3A_118, %dma_wait3A_119] : memref<2048x16xf32, #tpu.memory_space<vmem_shared>> -> memref<2048x16xf32, #tpu.memory_space<vmem_shared>>
    tpu.wait_indirect_dma semaphore(%arg16 : memref<!tpu.dma_semaphore, #tpu.memory_space<semaphore_mem>>) src(%arg13 : memref<128x16xf32, #tpu.memory_space<vmem>>) dst(%dma_wait3A_120 : memref<2048x16xf32, #tpu.memory_space<vmem_shared>>)
    %barrier3A_121 = arith.constant 0 : index
    tpu.barrier barrier_id(%barrier3A_121)
    %eq3A = arith.constant 0 : i32
    %eq3A_122 = arith.cmpi eq, %arg0, %eq3A : i32
    %convert_element_type3A = arith.extui %eq3A_122 : i1 to i32
    %cond3A = arith.constant 0 : i32
    %cond3A_123 = arith.cmpi ne, %convert_element_type3A, %cond3A : i32
    scf.if %cond3A_123 {
      "tpu.region"() ({
        %run_scoped3A = tpu.sem_alloc : memref<!tpu.dma_semaphore, #tpu.memory_space<semaphore_mem>>
        %dma_start3A_129 = arith.constant 0 : i32
        %dma_start3A_130 = tpu.memref_slice %arg8[%multiple_of3A, %dma_start3A_129] : memref<32768x16xf32, #tpu.memory_space<hbm>> -> memref<2048x16xf32, #tpu.memory_space<hbm>>
        %dma_start3A_131 = arith.constant 0 : i32
        %dma_start3A_132 = tpu.memref_slice %arg14[%multiple_of3A, %dma_start3A_131] : memref<32768x16xf32, #tpu.memory_space<vmem_shared>> -> memref<2048x16xf32, #tpu.memory_space<vmem_shared>>
        tpu.enqueue_dma source(%dma_start3A_132 : memref<2048x16xf32, #tpu.memory_space<vmem_shared>>) target(%dma_start3A_130 : memref<2048x16xf32, #tpu.memory_space<hbm>>) target_semaphore(%run_scoped3A : memref<!tpu.dma_semaphore, #tpu.memory_space<semaphore_mem>>)
        %dma_wait3A_133 = arith.constant 0 : i32
        %dma_wait3A_134 = tpu.memref_slice %arg8[%multiple_of3A, %dma_wait3A_133] : memref<32768x16xf32, #tpu.memory_space<hbm>> -> memref<2048x16xf32, #tpu.memory_space<hbm>>
        %dma_wait3A_135 = arith.constant 0 : i32
        %dma_wait3A_136 = tpu.memref_slice %arg14[%multiple_of3A, %dma_wait3A_135] : memref<32768x16xf32, #tpu.memory_space<vmem_shared>> -> memref<2048x16xf32, #tpu.memory_space<vmem_shared>>
        tpu.wait_dma2 semaphore(%run_scoped3A : memref<!tpu.dma_semaphore, #tpu.memory_space<semaphore_mem>>) src(%dma_wait3A_136 : memref<2048x16xf32, #tpu.memory_space<vmem_shared>>) dst(%dma_wait3A_134 : memref<2048x16xf32, #tpu.memory_space<hbm>>)
        tpu.yield
      }) : () -> ()
      "tpu.region"() ({
        %run_scoped3A = tpu.sem_alloc : memref<!tpu.dma_semaphore, #tpu.memory_space<semaphore_mem>>
        %dma_start3A_129 = arith.constant 0 : i32
        %dma_start3A_130 = tpu.memref_slice %arg10[%multiple_of3A_3, %dma_start3A_129] : memref<2048x16xf32, #tpu.memory_space<hbm>> -> memref<128x16xf32, #tpu.memory_space<hbm>>
        %dma_start3A_131 = arith.constant 0 : i32
        %dma_start3A_132 = tpu.memref_slice %arg15[%multiple_of3A_3, %dma_start3A_131] : memref<2048x16xf32, #tpu.memory_space<vmem_shared>> -> memref<128x16xf32, #tpu.memory_space<vmem_shared>>
        tpu.enqueue_dma source(%dma_start3A_132 : memref<128x16xf32, #tpu.memory_space<vmem_shared>>) target(%dma_start3A_130 : memref<128x16xf32, #tpu.memory_space<hbm>>) target_semaphore(%run_scoped3A : memref<!tpu.dma_semaphore, #tpu.memory_space<semaphore_mem>>)
        %dma_wait3A_133 = arith.constant 0 : i32
        %dma_wait3A_134 = tpu.memref_slice %arg10[%multiple_of3A_3, %dma_wait3A_133] : memref<2048x16xf32, #tpu.memory_space<hbm>> -> memref<128x16xf32, #tpu.memory_space<hbm>>
        %dma_wait3A_135 = arith.constant 0 : i32
        %dma_wait3A_136 = tpu.memref_slice %arg15[%multiple_of3A_3, %dma_wait3A_135] : memref<2048x16xf32, #tpu.memory_space<vmem_shared>> -> memref<128x16xf32, #tpu.memory_space<vmem_shared>>
        tpu.wait_dma2 semaphore(%run_scoped3A : memref<!tpu.dma_semaphore, #tpu.memory_space<semaphore_mem>>) src(%dma_wait3A_136 : memref<128x16xf32, #tpu.memory_space<vmem_shared>>) dst(%dma_wait3A_134 : memref<128x16xf32, #tpu.memory_space<hbm>>)
        tpu.yield
      }) : () -> ()
    } else {
    }
    %eq3A_124 = arith.constant 1 : i32
    %eq3A_125 = arith.cmpi eq, %arg0, %eq3A_124 : i32
    %convert_element_type3A_126 = arith.extui %eq3A_125 : i1 to i32
    %cond3A_127 = arith.constant 0 : i32
    %cond3A_128 = arith.cmpi ne, %convert_element_type3A_126, %cond3A_127 : i32
    scf.if %cond3A_128 {
      "tpu.region"() ({
        %run_scoped3A = tpu.sem_alloc : memref<!tpu.dma_semaphore, #tpu.memory_space<semaphore_mem>>
        %dma_start3A_129 = arith.constant 0 : i32
        %dma_start3A_130 = tpu.memref_slice %arg9[%multiple_of3A, %dma_start3A_129] : memref<32768x16xf32, #tpu.memory_space<hbm>> -> memref<2048x16xf32, #tpu.memory_space<hbm>>
        %dma_start3A_131 = arith.constant 0 : i32
        %dma_start3A_132 = tpu.memref_slice %arg14[%multiple_of3A, %dma_start3A_131] : memref<32768x16xf32, #tpu.memory_space<vmem_shared>> -> memref<2048x16xf32, #tpu.memory_space<vmem_shared>>
        tpu.enqueue_dma source(%dma_start3A_132 : memref<2048x16xf32, #tpu.memory_space<vmem_shared>>) target(%dma_start3A_130 : memref<2048x16xf32, #tpu.memory_space<hbm>>) target_semaphore(%run_scoped3A : memref<!tpu.dma_semaphore, #tpu.memory_space<semaphore_mem>>)
        %dma_wait3A_133 = arith.constant 0 : i32
        %dma_wait3A_134 = tpu.memref_slice %arg9[%multiple_of3A, %dma_wait3A_133] : memref<32768x16xf32, #tpu.memory_space<hbm>> -> memref<2048x16xf32, #tpu.memory_space<hbm>>
        %dma_wait3A_135 = arith.constant 0 : i32
        %dma_wait3A_136 = tpu.memref_slice %arg14[%multiple_of3A, %dma_wait3A_135] : memref<32768x16xf32, #tpu.memory_space<vmem_shared>> -> memref<2048x16xf32, #tpu.memory_space<vmem_shared>>
        tpu.wait_dma2 semaphore(%run_scoped3A : memref<!tpu.dma_semaphore, #tpu.memory_space<semaphore_mem>>) src(%dma_wait3A_136 : memref<2048x16xf32, #tpu.memory_space<vmem_shared>>) dst(%dma_wait3A_134 : memref<2048x16xf32, #tpu.memory_space<hbm>>)
        tpu.yield
      }) : () -> ()
      "tpu.region"() ({
        %run_scoped3A = tpu.sem_alloc : memref<!tpu.dma_semaphore, #tpu.memory_space<semaphore_mem>>
        %dma_start3A_129 = arith.constant 0 : i32
        %dma_start3A_130 = tpu.memref_slice %arg11[%multiple_of3A_3, %dma_start3A_129] : memref<2048x16xf32, #tpu.memory_space<hbm>> -> memref<128x16xf32, #tpu.memory_space<hbm>>
        %dma_start3A_131 = arith.constant 0 : i32
        %dma_start3A_132 = tpu.memref_slice %arg15[%multiple_of3A_3, %dma_start3A_131] : memref<2048x16xf32, #tpu.memory_space<vmem_shared>> -> memref<128x16xf32, #tpu.memory_space<vmem_shared>>
        tpu.enqueue_dma source(%dma_start3A_132 : memref<128x16xf32, #tpu.memory_space<vmem_shared>>) target(%dma_start3A_130 : memref<128x16xf32, #tpu.memory_space<hbm>>) target_semaphore(%run_scoped3A : memref<!tpu.dma_semaphore, #tpu.memory_space<semaphore_mem>>)
        %dma_wait3A_133 = arith.constant 0 : i32
        %dma_wait3A_134 = tpu.memref_slice %arg11[%multiple_of3A_3, %dma_wait3A_133] : memref<2048x16xf32, #tpu.memory_space<hbm>> -> memref<128x16xf32, #tpu.memory_space<hbm>>
        %dma_wait3A_135 = arith.constant 0 : i32
        %dma_wait3A_136 = tpu.memref_slice %arg15[%multiple_of3A_3, %dma_wait3A_135] : memref<2048x16xf32, #tpu.memory_space<vmem_shared>> -> memref<128x16xf32, #tpu.memory_space<vmem_shared>>
        tpu.wait_dma2 semaphore(%run_scoped3A : memref<!tpu.dma_semaphore, #tpu.memory_space<semaphore_mem>>) src(%dma_wait3A_136 : memref<128x16xf32, #tpu.memory_space<vmem_shared>>) dst(%dma_wait3A_134 : memref<128x16xf32, #tpu.memory_space<hbm>>)
        tpu.yield
      }) : () -> ()
    } else {
    }
    return
  }
}

#map = affine_map<(d0, d1) -> (0, 0)>
#map1 = affine_map<(d0, d1) -> (0, 0, 0)>
module attributes {stable_mosaic.version = 14 : i64} {
  func.func @run(%arg0: i32, %arg1: i32, %arg2: memref<100000x64xbf16, #tpu.memory_space<hbm>>, %arg3: memref<512x8x128xi32, #tpu.memory_space<hbm>>, %arg4: memref<512x8x128xi32, #tpu.memory_space<hbm>>, %arg5: memref<2048x64xbf16, #tpu.memory_space<hbm>>, %arg6: memref<32768x64xbf16, #tpu.memory_space<hbm>>, %arg7: memref<32768x64xbf16, #tpu.memory_space<hbm>>, %arg8: memref<8x128xi32, #tpu.memory_space<vmem>>, %arg9: memref<8x128xi32, #tpu.memory_space<vmem>>, %arg10: memref<1024x64xbf16, #tpu.memory_space<vmem>>, %arg11: memref<32768x64xbf16, #tpu.memory_space<vmem_shared>>, %arg12: memref<!tpu.dma_semaphore, #tpu.memory_space<semaphore_mem>>, %arg13: memref<!tpu.dma_semaphore, #tpu.memory_space<semaphore_mem>>) attributes {dimension_semantics = [#tpu.dimension_semantics<core_parallel>, #tpu.dimension_semantics<subcore_parallel>], iteration_bounds = array<i64: 2, 16>, scalar_prefetch = 0 : i64, scratch_operands = 6 : i64, tpu.core_type = #tpu.core_type<sc_vector_subcore>, window_params = [{transform_indices = #map}, {transform_indices = #map1}, {transform_indices = #map1}, {transform_indices = #map}, {transform_indices = #map}, {transform_indices = #map}]} {
    %mul3A = arith.constant 2048 : i32
    %mul3A_0 = arith.muli %arg1, %mul3A : i32
    %multiple_of3A = tpu.assume_multiple %mul3A_0, 2048 : i32
    "tpu.region"() ({
      %run_scoped3A = tpu.sem_alloc : memref<!tpu.dma_semaphore, #tpu.memory_space<semaphore_mem>>
      %dma_start3A = arith.constant 0 : i32
      %dma_start3A_16 = tpu.memref_slice %arg11[%multiple_of3A, %dma_start3A] : memref<32768x64xbf16, #tpu.memory_space<vmem_shared>> -> memref<2048x64xbf16, #tpu.memory_space<vmem_shared>>
      tpu.enqueue_dma source(%arg5 : memref<2048x64xbf16, #tpu.memory_space<hbm>>) target(%dma_start3A_16 : memref<2048x64xbf16, #tpu.memory_space<vmem_shared>>) target_semaphore(%run_scoped3A : memref<!tpu.dma_semaphore, #tpu.memory_space<semaphore_mem>>)
      %dma_wait3A = arith.constant 0 : i32
      %dma_wait3A_17 = tpu.memref_slice %arg11[%multiple_of3A, %dma_wait3A] : memref<32768x64xbf16, #tpu.memory_space<vmem_shared>> -> memref<2048x64xbf16, #tpu.memory_space<vmem_shared>>
      tpu.wait_dma2 semaphore(%run_scoped3A : memref<!tpu.dma_semaphore, #tpu.memory_space<semaphore_mem>>) src(%arg5 : memref<2048x64xbf16, #tpu.memory_space<hbm>>) dst(%dma_wait3A_17 : memref<2048x64xbf16, #tpu.memory_space<vmem_shared>>)
      tpu.yield
    }) : () -> ()
    %barrier3A = arith.constant 0 : index
    tpu.barrier barrier_id(%barrier3A)
    %mul3A_1 = arith.constant 16 : i32
    %mul3A_2 = arith.muli %arg0, %mul3A_1 : i32
    %add3A = arith.addi %mul3A_2, %arg1 : i32
    %scan3A = arith.constant 0 : i32
    %scan3A_3 = arith.constant 0 : i32
    %scan3A_4 = arith.constant 16 : i32
    %scan3A_5 = arith.addi %scan3A_3, %scan3A_4 : i32
    %scan3A_6 = arith.constant 1 : i32
    scf.for %scan3A_16 = %scan3A_3 to %scan3A_5 step %scan3A_6  : i32 {
      %mul3A_17 = arith.constant 16 : i32
      %mul3A_18 = arith.muli %add3A, %mul3A_17 : i32
      %add3A_19 = arith.addi %mul3A_18, %scan3A_16 : i32
      "tpu.region"() ({
        %run_scoped3A = tpu.sem_alloc : memref<!tpu.dma_semaphore, #tpu.memory_space<semaphore_mem>>
        %dma_start3A_338 = arith.constant 0 : i32
        %dma_start3A_339 = arith.constant 0 : i32
        %dma_start3A_340 = tpu.memref_slice %arg3[%add3A_19, %dma_start3A_338, %dma_start3A_339] : memref<512x8x128xi32, #tpu.memory_space<hbm>> -> memref<1x8x128xi32, #tpu.memory_space<hbm>>
        %dma_start3A_341 = tpu.memref_squeeze %dma_start3A_340 : memref<1x8x128xi32, #tpu.memory_space<hbm>> -> memref<8x128xi32, #tpu.memory_space<hbm>>
        %dma_start3A_342 = arith.constant 0 : i32
        %dma_start3A_343 = arith.constant 0 : i32
        %dma_start3A_344 = tpu.memref_slice %arg3[%add3A_19, %dma_start3A_342, %dma_start3A_343] : memref<512x8x128xi32, #tpu.memory_space<hbm>> -> memref<1x8x128xi32, #tpu.memory_space<hbm>>
        %dma_start3A_345 = tpu.memref_squeeze %dma_start3A_344 : memref<1x8x128xi32, #tpu.memory_space<hbm>> -> memref<8x128xi32, #tpu.memory_space<hbm>>
        tpu.enqueue_dma source(%dma_start3A_345 : memref<8x128xi32, #tpu.memory_space<hbm>>) target(%arg8 : memref<8x128xi32, #tpu.memory_space<vmem>>) target_semaphore(%run_scoped3A : memref<!tpu.dma_semaphore, #tpu.memory_space<semaphore_mem>>)
        %dma_wait3A_346 = arith.constant 0 : i32
        %dma_wait3A_347 = arith.constant 0 : i32
        %dma_wait3A_348 = tpu.memref_slice %arg3[%add3A_19, %dma_wait3A_346, %dma_wait3A_347] : memref<512x8x128xi32, #tpu.memory_space<hbm>> -> memref<1x8x128xi32, #tpu.memory_space<hbm>>
        %dma_wait3A_349 = tpu.memref_squeeze %dma_wait3A_348 : memref<1x8x128xi32, #tpu.memory_space<hbm>> -> memref<8x128xi32, #tpu.memory_space<hbm>>
        %dma_wait3A_350 = arith.constant 0 : i32
        %dma_wait3A_351 = arith.constant 0 : i32
        %dma_wait3A_352 = tpu.memref_slice %arg3[%add3A_19, %dma_wait3A_350, %dma_wait3A_351] : memref<512x8x128xi32, #tpu.memory_space<hbm>> -> memref<1x8x128xi32, #tpu.memory_space<hbm>>
        %dma_wait3A_353 = tpu.memref_squeeze %dma_wait3A_352 : memref<1x8x128xi32, #tpu.memory_space<hbm>> -> memref<8x128xi32, #tpu.memory_space<hbm>>
        tpu.wait_dma2 semaphore(%run_scoped3A : memref<!tpu.dma_semaphore, #tpu.memory_space<semaphore_mem>>) src(%dma_wait3A_353 : memref<8x128xi32, #tpu.memory_space<hbm>>) dst(%arg8 : memref<8x128xi32, #tpu.memory_space<vmem>>)
        tpu.yield
      }) : () -> ()
      "tpu.region"() ({
        %run_scoped3A = tpu.sem_alloc : memref<!tpu.dma_semaphore, #tpu.memory_space<semaphore_mem>>
        %dma_start3A_338 = arith.constant 0 : i32
        %dma_start3A_339 = arith.constant 0 : i32
        %dma_start3A_340 = tpu.memref_slice %arg4[%add3A_19, %dma_start3A_338, %dma_start3A_339] : memref<512x8x128xi32, #tpu.memory_space<hbm>> -> memref<1x8x128xi32, #tpu.memory_space<hbm>>
        %dma_start3A_341 = tpu.memref_squeeze %dma_start3A_340 : memref<1x8x128xi32, #tpu.memory_space<hbm>> -> memref<8x128xi32, #tpu.memory_space<hbm>>
        %dma_start3A_342 = arith.constant 0 : i32
        %dma_start3A_343 = arith.constant 0 : i32
        %dma_start3A_344 = tpu.memref_slice %arg4[%add3A_19, %dma_start3A_342, %dma_start3A_343] : memref<512x8x128xi32, #tpu.memory_space<hbm>> -> memref<1x8x128xi32, #tpu.memory_space<hbm>>
        %dma_start3A_345 = tpu.memref_squeeze %dma_start3A_344 : memref<1x8x128xi32, #tpu.memory_space<hbm>> -> memref<8x128xi32, #tpu.memory_space<hbm>>
        tpu.enqueue_dma source(%dma_start3A_345 : memref<8x128xi32, #tpu.memory_space<hbm>>) target(%arg9 : memref<8x128xi32, #tpu.memory_space<vmem>>) target_semaphore(%run_scoped3A : memref<!tpu.dma_semaphore, #tpu.memory_space<semaphore_mem>>)
        %dma_wait3A_346 = arith.constant 0 : i32
        %dma_wait3A_347 = arith.constant 0 : i32
        %dma_wait3A_348 = tpu.memref_slice %arg4[%add3A_19, %dma_wait3A_346, %dma_wait3A_347] : memref<512x8x128xi32, #tpu.memory_space<hbm>> -> memref<1x8x128xi32, #tpu.memory_space<hbm>>
        %dma_wait3A_349 = tpu.memref_squeeze %dma_wait3A_348 : memref<1x8x128xi32, #tpu.memory_space<hbm>> -> memref<8x128xi32, #tpu.memory_space<hbm>>
        %dma_wait3A_350 = arith.constant 0 : i32
        %dma_wait3A_351 = arith.constant 0 : i32
        %dma_wait3A_352 = tpu.memref_slice %arg4[%add3A_19, %dma_wait3A_350, %dma_wait3A_351] : memref<512x8x128xi32, #tpu.memory_space<hbm>> -> memref<1x8x128xi32, #tpu.memory_space<hbm>>
        %dma_wait3A_353 = tpu.memref_squeeze %dma_wait3A_352 : memref<1x8x128xi32, #tpu.memory_space<hbm>> -> memref<8x128xi32, #tpu.memory_space<hbm>>
        tpu.wait_dma2 semaphore(%run_scoped3A : memref<!tpu.dma_semaphore, #tpu.memory_space<semaphore_mem>>) src(%dma_wait3A_353 : memref<8x128xi32, #tpu.memory_space<hbm>>) dst(%arg9 : memref<8x128xi32, #tpu.memory_space<vmem>>)
        tpu.yield
      }) : () -> ()
      %dma_start3A = arith.constant 0 : i32
      %dma_start3A_20 = arith.constant 0 : i32
      %dma_start3A_21 = arith.constant 0 : i32
      %dma_start3A_22 = tpu.memref_slice %arg10[%dma_start3A_20, %dma_start3A_21] : memref<1024x64xbf16, #tpu.memory_space<vmem>> -> memref<128x64xbf16, #tpu.memory_space<vmem>>
      %dma_start3A_23 = arith.constant 0 : i32
      %dma_start3A_24 = tpu.memref_slice %arg8[%dma_start3A, %dma_start3A_23] : memref<8x128xi32, #tpu.memory_space<vmem>> -> memref<1x128xi32, #tpu.memory_space<vmem>>
      %dma_start3A_25 = tpu.memref_squeeze %dma_start3A_24 : memref<1x128xi32, #tpu.memory_space<vmem>> -> memref<128xi32, #tpu.memory_space<vmem>>
      %dma_start3A_26 = arith.constant 0 : i32
      %dma_start3A_27 = arith.constant 0 : i32
      %dma_start3A_28 = tpu.memref_slice %arg2[%dma_start3A_26, %dma_start3A_27] : memref<100000x64xbf16, #tpu.memory_space<hbm>> -> memref<100000x64xbf16, #tpu.memory_space<hbm>>
      tpu.enqueue_indirect_dma source(%dma_start3A_28 : memref<100000x64xbf16, #tpu.memory_space<hbm>>) target(%dma_start3A_22 : memref<128x64xbf16, #tpu.memory_space<vmem>>) offsets(%dma_start3A_25 : memref<128xi32, #tpu.memory_space<vmem>>) semaphore(%arg12 : memref<!tpu.dma_semaphore, #tpu.memory_space<semaphore_mem>>)
      %dma_start3A_29 = arith.constant 1 : i32
      %dma_start3A_30 = arith.constant 128 : i32
      %dma_start3A_31 = arith.constant 0 : i32
      %dma_start3A_32 = tpu.memref_slice %arg10[%dma_start3A_30, %dma_start3A_31] : memref<1024x64xbf16, #tpu.memory_space<vmem>> -> memref<128x64xbf16, #tpu.memory_space<vmem>>
      %dma_start3A_33 = arith.constant 0 : i32
      %dma_start3A_34 = tpu.memref_slice %arg8[%dma_start3A_29, %dma_start3A_33] : memref<8x128xi32, #tpu.memory_space<vmem>> -> memref<1x128xi32, #tpu.memory_space<vmem>>
      %dma_start3A_35 = tpu.memref_squeeze %dma_start3A_34 : memref<1x128xi32, #tpu.memory_space<vmem>> -> memref<128xi32, #tpu.memory_space<vmem>>
      %dma_start3A_36 = arith.constant 0 : i32
      %dma_start3A_37 = arith.constant 0 : i32
      %dma_start3A_38 = tpu.memref_slice %arg2[%dma_start3A_36, %dma_start3A_37] : memref<100000x64xbf16, #tpu.memory_space<hbm>> -> memref<100000x64xbf16, #tpu.memory_space<hbm>>
      tpu.enqueue_indirect_dma source(%dma_start3A_38 : memref<100000x64xbf16, #tpu.memory_space<hbm>>) target(%dma_start3A_32 : memref<128x64xbf16, #tpu.memory_space<vmem>>) offsets(%dma_start3A_35 : memref<128xi32, #tpu.memory_space<vmem>>) semaphore(%arg12 : memref<!tpu.dma_semaphore, #tpu.memory_space<semaphore_mem>>)
      %dma_start3A_39 = arith.constant 2 : i32
      %dma_start3A_40 = arith.constant 256 : i32
      %dma_start3A_41 = arith.constant 0 : i32
      %dma_start3A_42 = tpu.memref_slice %arg10[%dma_start3A_40, %dma_start3A_41] : memref<1024x64xbf16, #tpu.memory_space<vmem>> -> memref<128x64xbf16, #tpu.memory_space<vmem>>
      %dma_start3A_43 = arith.constant 0 : i32
      %dma_start3A_44 = tpu.memref_slice %arg8[%dma_start3A_39, %dma_start3A_43] : memref<8x128xi32, #tpu.memory_space<vmem>> -> memref<1x128xi32, #tpu.memory_space<vmem>>
      %dma_start3A_45 = tpu.memref_squeeze %dma_start3A_44 : memref<1x128xi32, #tpu.memory_space<vmem>> -> memref<128xi32, #tpu.memory_space<vmem>>
      %dma_start3A_46 = arith.constant 0 : i32
      %dma_start3A_47 = arith.constant 0 : i32
      %dma_start3A_48 = tpu.memref_slice %arg2[%dma_start3A_46, %dma_start3A_47] : memref<100000x64xbf16, #tpu.memory_space<hbm>> -> memref<100000x64xbf16, #tpu.memory_space<hbm>>
      tpu.enqueue_indirect_dma source(%dma_start3A_48 : memref<100000x64xbf16, #tpu.memory_space<hbm>>) target(%dma_start3A_42 : memref<128x64xbf16, #tpu.memory_space<vmem>>) offsets(%dma_start3A_45 : memref<128xi32, #tpu.memory_space<vmem>>) semaphore(%arg12 : memref<!tpu.dma_semaphore, #tpu.memory_space<semaphore_mem>>)
      %dma_start3A_49 = arith.constant 3 : i32
      %dma_start3A_50 = arith.constant 384 : i32
      %dma_start3A_51 = arith.constant 0 : i32
      %dma_start3A_52 = tpu.memref_slice %arg10[%dma_start3A_50, %dma_start3A_51] : memref<1024x64xbf16, #tpu.memory_space<vmem>> -> memref<128x64xbf16, #tpu.memory_space<vmem>>
      %dma_start3A_53 = arith.constant 0 : i32
      %dma_start3A_54 = tpu.memref_slice %arg8[%dma_start3A_49, %dma_start3A_53] : memref<8x128xi32, #tpu.memory_space<vmem>> -> memref<1x128xi32, #tpu.memory_space<vmem>>
      %dma_start3A_55 = tpu.memref_squeeze %dma_start3A_54 : memref<1x128xi32, #tpu.memory_space<vmem>> -> memref<128xi32, #tpu.memory_space<vmem>>
      %dma_start3A_56 = arith.constant 0 : i32
      %dma_start3A_57 = arith.constant 0 : i32
      %dma_start3A_58 = tpu.memref_slice %arg2[%dma_start3A_56, %dma_start3A_57] : memref<100000x64xbf16, #tpu.memory_space<hbm>> -> memref<100000x64xbf16, #tpu.memory_space<hbm>>
      tpu.enqueue_indirect_dma source(%dma_start3A_58 : memref<100000x64xbf16, #tpu.memory_space<hbm>>) target(%dma_start3A_52 : memref<128x64xbf16, #tpu.memory_space<vmem>>) offsets(%dma_start3A_55 : memref<128xi32, #tpu.memory_space<vmem>>) semaphore(%arg12 : memref<!tpu.dma_semaphore, #tpu.memory_space<semaphore_mem>>)
      %dma_start3A_59 = arith.constant 4 : i32
      %dma_start3A_60 = arith.constant 512 : i32
      %dma_start3A_61 = arith.constant 0 : i32
      %dma_start3A_62 = tpu.memref_slice %arg10[%dma_start3A_60, %dma_start3A_61] : memref<1024x64xbf16, #tpu.memory_space<vmem>> -> memref<128x64xbf16, #tpu.memory_space<vmem>>
      %dma_start3A_63 = arith.constant 0 : i32
      %dma_start3A_64 = tpu.memref_slice %arg8[%dma_start3A_59, %dma_start3A_63] : memref<8x128xi32, #tpu.memory_space<vmem>> -> memref<1x128xi32, #tpu.memory_space<vmem>>
      %dma_start3A_65 = tpu.memref_squeeze %dma_start3A_64 : memref<1x128xi32, #tpu.memory_space<vmem>> -> memref<128xi32, #tpu.memory_space<vmem>>
      %dma_start3A_66 = arith.constant 0 : i32
      %dma_start3A_67 = arith.constant 0 : i32
      %dma_start3A_68 = tpu.memref_slice %arg2[%dma_start3A_66, %dma_start3A_67] : memref<100000x64xbf16, #tpu.memory_space<hbm>> -> memref<100000x64xbf16, #tpu.memory_space<hbm>>
      tpu.enqueue_indirect_dma source(%dma_start3A_68 : memref<100000x64xbf16, #tpu.memory_space<hbm>>) target(%dma_start3A_62 : memref<128x64xbf16, #tpu.memory_space<vmem>>) offsets(%dma_start3A_65 : memref<128xi32, #tpu.memory_space<vmem>>) semaphore(%arg12 : memref<!tpu.dma_semaphore, #tpu.memory_space<semaphore_mem>>)
      %dma_start3A_69 = arith.constant 5 : i32
      %dma_start3A_70 = arith.constant 640 : i32
      %dma_start3A_71 = arith.constant 0 : i32
      %dma_start3A_72 = tpu.memref_slice %arg10[%dma_start3A_70, %dma_start3A_71] : memref<1024x64xbf16, #tpu.memory_space<vmem>> -> memref<128x64xbf16, #tpu.memory_space<vmem>>
      %dma_start3A_73 = arith.constant 0 : i32
      %dma_start3A_74 = tpu.memref_slice %arg8[%dma_start3A_69, %dma_start3A_73] : memref<8x128xi32, #tpu.memory_space<vmem>> -> memref<1x128xi32, #tpu.memory_space<vmem>>
      %dma_start3A_75 = tpu.memref_squeeze %dma_start3A_74 : memref<1x128xi32, #tpu.memory_space<vmem>> -> memref<128xi32, #tpu.memory_space<vmem>>
      %dma_start3A_76 = arith.constant 0 : i32
      %dma_start3A_77 = arith.constant 0 : i32
      %dma_start3A_78 = tpu.memref_slice %arg2[%dma_start3A_76, %dma_start3A_77] : memref<100000x64xbf16, #tpu.memory_space<hbm>> -> memref<100000x64xbf16, #tpu.memory_space<hbm>>
      tpu.enqueue_indirect_dma source(%dma_start3A_78 : memref<100000x64xbf16, #tpu.memory_space<hbm>>) target(%dma_start3A_72 : memref<128x64xbf16, #tpu.memory_space<vmem>>) offsets(%dma_start3A_75 : memref<128xi32, #tpu.memory_space<vmem>>) semaphore(%arg12 : memref<!tpu.dma_semaphore, #tpu.memory_space<semaphore_mem>>)
      %dma_start3A_79 = arith.constant 6 : i32
      %dma_start3A_80 = arith.constant 768 : i32
      %dma_start3A_81 = arith.constant 0 : i32
      %dma_start3A_82 = tpu.memref_slice %arg10[%dma_start3A_80, %dma_start3A_81] : memref<1024x64xbf16, #tpu.memory_space<vmem>> -> memref<128x64xbf16, #tpu.memory_space<vmem>>
      %dma_start3A_83 = arith.constant 0 : i32
      %dma_start3A_84 = tpu.memref_slice %arg8[%dma_start3A_79, %dma_start3A_83] : memref<8x128xi32, #tpu.memory_space<vmem>> -> memref<1x128xi32, #tpu.memory_space<vmem>>
      %dma_start3A_85 = tpu.memref_squeeze %dma_start3A_84 : memref<1x128xi32, #tpu.memory_space<vmem>> -> memref<128xi32, #tpu.memory_space<vmem>>
      %dma_start3A_86 = arith.constant 0 : i32
      %dma_start3A_87 = arith.constant 0 : i32
      %dma_start3A_88 = tpu.memref_slice %arg2[%dma_start3A_86, %dma_start3A_87] : memref<100000x64xbf16, #tpu.memory_space<hbm>> -> memref<100000x64xbf16, #tpu.memory_space<hbm>>
      tpu.enqueue_indirect_dma source(%dma_start3A_88 : memref<100000x64xbf16, #tpu.memory_space<hbm>>) target(%dma_start3A_82 : memref<128x64xbf16, #tpu.memory_space<vmem>>) offsets(%dma_start3A_85 : memref<128xi32, #tpu.memory_space<vmem>>) semaphore(%arg12 : memref<!tpu.dma_semaphore, #tpu.memory_space<semaphore_mem>>)
      %dma_start3A_89 = arith.constant 7 : i32
      %dma_start3A_90 = arith.constant 896 : i32
      %dma_start3A_91 = arith.constant 0 : i32
      %dma_start3A_92 = tpu.memref_slice %arg10[%dma_start3A_90, %dma_start3A_91] : memref<1024x64xbf16, #tpu.memory_space<vmem>> -> memref<128x64xbf16, #tpu.memory_space<vmem>>
      %dma_start3A_93 = arith.constant 0 : i32
      %dma_start3A_94 = tpu.memref_slice %arg8[%dma_start3A_89, %dma_start3A_93] : memref<8x128xi32, #tpu.memory_space<vmem>> -> memref<1x128xi32, #tpu.memory_space<vmem>>
      %dma_start3A_95 = tpu.memref_squeeze %dma_start3A_94 : memref<1x128xi32, #tpu.memory_space<vmem>> -> memref<128xi32, #tpu.memory_space<vmem>>
      %dma_start3A_96 = arith.constant 0 : i32
      %dma_start3A_97 = arith.constant 0 : i32
      %dma_start3A_98 = tpu.memref_slice %arg2[%dma_start3A_96, %dma_start3A_97] : memref<100000x64xbf16, #tpu.memory_space<hbm>> -> memref<100000x64xbf16, #tpu.memory_space<hbm>>
      tpu.enqueue_indirect_dma source(%dma_start3A_98 : memref<100000x64xbf16, #tpu.memory_space<hbm>>) target(%dma_start3A_92 : memref<128x64xbf16, #tpu.memory_space<vmem>>) offsets(%dma_start3A_95 : memref<128xi32, #tpu.memory_space<vmem>>) semaphore(%arg12 : memref<!tpu.dma_semaphore, #tpu.memory_space<semaphore_mem>>)
      %dma_wait3A = arith.constant 0 : i32
      %dma_wait3A_99 = arith.constant 0 : i32
      %dma_wait3A_100 = arith.constant 0 : i32
      %dma_wait3A_101 = tpu.memref_slice %arg10[%dma_wait3A_99, %dma_wait3A_100] : memref<1024x64xbf16, #tpu.memory_space<vmem>> -> memref<128x64xbf16, #tpu.memory_space<vmem>>
      %dma_wait3A_102 = arith.constant 0 : i32
      %dma_wait3A_103 = tpu.memref_slice %arg8[%dma_wait3A, %dma_wait3A_102] : memref<8x128xi32, #tpu.memory_space<vmem>> -> memref<1x128xi32, #tpu.memory_space<vmem>>
      %dma_wait3A_104 = tpu.memref_squeeze %dma_wait3A_103 : memref<1x128xi32, #tpu.memory_space<vmem>> -> memref<128xi32, #tpu.memory_space<vmem>>
      %dma_wait3A_105 = arith.constant 0 : i32
      %dma_wait3A_106 = arith.constant 0 : i32
      %dma_wait3A_107 = tpu.memref_slice %arg2[%dma_wait3A_105, %dma_wait3A_106] : memref<100000x64xbf16, #tpu.memory_space<hbm>> -> memref<100000x64xbf16, #tpu.memory_space<hbm>>
      tpu.wait_indirect_dma semaphore(%arg12 : memref<!tpu.dma_semaphore, #tpu.memory_space<semaphore_mem>>) src(%dma_wait3A_107 : memref<100000x64xbf16, #tpu.memory_space<hbm>>) dst(%dma_wait3A_101 : memref<128x64xbf16, #tpu.memory_space<vmem>>)
      %dma_wait3A_108 = arith.constant 1 : i32
      %dma_wait3A_109 = arith.constant 128 : i32
      %dma_wait3A_110 = arith.constant 0 : i32
      %dma_wait3A_111 = tpu.memref_slice %arg10[%dma_wait3A_109, %dma_wait3A_110] : memref<1024x64xbf16, #tpu.memory_space<vmem>> -> memref<128x64xbf16, #tpu.memory_space<vmem>>
      %dma_wait3A_112 = arith.constant 0 : i32
      %dma_wait3A_113 = tpu.memref_slice %arg8[%dma_wait3A_108, %dma_wait3A_112] : memref<8x128xi32, #tpu.memory_space<vmem>> -> memref<1x128xi32, #tpu.memory_space<vmem>>
      %dma_wait3A_114 = tpu.memref_squeeze %dma_wait3A_113 : memref<1x128xi32, #tpu.memory_space<vmem>> -> memref<128xi32, #tpu.memory_space<vmem>>
      %dma_wait3A_115 = arith.constant 0 : i32
      %dma_wait3A_116 = arith.constant 0 : i32
      %dma_wait3A_117 = tpu.memref_slice %arg2[%dma_wait3A_115, %dma_wait3A_116] : memref<100000x64xbf16, #tpu.memory_space<hbm>> -> memref<100000x64xbf16, #tpu.memory_space<hbm>>
      tpu.wait_indirect_dma semaphore(%arg12 : memref<!tpu.dma_semaphore, #tpu.memory_space<semaphore_mem>>) src(%dma_wait3A_117 : memref<100000x64xbf16, #tpu.memory_space<hbm>>) dst(%dma_wait3A_111 : memref<128x64xbf16, #tpu.memory_space<vmem>>)
      %dma_wait3A_118 = arith.constant 2 : i32
      %dma_wait3A_119 = arith.constant 256 : i32
      %dma_wait3A_120 = arith.constant 0 : i32
      %dma_wait3A_121 = tpu.memref_slice %arg10[%dma_wait3A_119, %dma_wait3A_120] : memref<1024x64xbf16, #tpu.memory_space<vmem>> -> memref<128x64xbf16, #tpu.memory_space<vmem>>
      %dma_wait3A_122 = arith.constant 0 : i32
      %dma_wait3A_123 = tpu.memref_slice %arg8[%dma_wait3A_118, %dma_wait3A_122] : memref<8x128xi32, #tpu.memory_space<vmem>> -> memref<1x128xi32, #tpu.memory_space<vmem>>
      %dma_wait3A_124 = tpu.memref_squeeze %dma_wait3A_123 : memref<1x128xi32, #tpu.memory_space<vmem>> -> memref<128xi32, #tpu.memory_space<vmem>>
      %dma_wait3A_125 = arith.constant 0 : i32
      %dma_wait3A_126 = arith.constant 0 : i32
      %dma_wait3A_127 = tpu.memref_slice %arg2[%dma_wait3A_125, %dma_wait3A_126] : memref<100000x64xbf16, #tpu.memory_space<hbm>> -> memref<100000x64xbf16, #tpu.memory_space<hbm>>
      tpu.wait_indirect_dma semaphore(%arg12 : memref<!tpu.dma_semaphore, #tpu.memory_space<semaphore_mem>>) src(%dma_wait3A_127 : memref<100000x64xbf16, #tpu.memory_space<hbm>>) dst(%dma_wait3A_121 : memref<128x64xbf16, #tpu.memory_space<vmem>>)
      %dma_wait3A_128 = arith.constant 3 : i32
      %dma_wait3A_129 = arith.constant 384 : i32
      %dma_wait3A_130 = arith.constant 0 : i32
      %dma_wait3A_131 = tpu.memref_slice %arg10[%dma_wait3A_129, %dma_wait3A_130] : memref<1024x64xbf16, #tpu.memory_space<vmem>> -> memref<128x64xbf16, #tpu.memory_space<vmem>>
      %dma_wait3A_132 = arith.constant 0 : i32
      %dma_wait3A_133 = tpu.memref_slice %arg8[%dma_wait3A_128, %dma_wait3A_132] : memref<8x128xi32, #tpu.memory_space<vmem>> -> memref<1x128xi32, #tpu.memory_space<vmem>>
      %dma_wait3A_134 = tpu.memref_squeeze %dma_wait3A_133 : memref<1x128xi32, #tpu.memory_space<vmem>> -> memref<128xi32, #tpu.memory_space<vmem>>
      %dma_wait3A_135 = arith.constant 0 : i32
      %dma_wait3A_136 = arith.constant 0 : i32
      %dma_wait3A_137 = tpu.memref_slice %arg2[%dma_wait3A_135, %dma_wait3A_136] : memref<100000x64xbf16, #tpu.memory_space<hbm>> -> memref<100000x64xbf16, #tpu.memory_space<hbm>>
      tpu.wait_indirect_dma semaphore(%arg12 : memref<!tpu.dma_semaphore, #tpu.memory_space<semaphore_mem>>) src(%dma_wait3A_137 : memref<100000x64xbf16, #tpu.memory_space<hbm>>) dst(%dma_wait3A_131 : memref<128x64xbf16, #tpu.memory_space<vmem>>)
      %dma_wait3A_138 = arith.constant 4 : i32
      %dma_wait3A_139 = arith.constant 512 : i32
      %dma_wait3A_140 = arith.constant 0 : i32
      %dma_wait3A_141 = tpu.memref_slice %arg10[%dma_wait3A_139, %dma_wait3A_140] : memref<1024x64xbf16, #tpu.memory_space<vmem>> -> memref<128x64xbf16, #tpu.memory_space<vmem>>
      %dma_wait3A_142 = arith.constant 0 : i32
      %dma_wait3A_143 = tpu.memref_slice %arg8[%dma_wait3A_138, %dma_wait3A_142] : memref<8x128xi32, #tpu.memory_space<vmem>> -> memref<1x128xi32, #tpu.memory_space<vmem>>
      %dma_wait3A_144 = tpu.memref_squeeze %dma_wait3A_143 : memref<1x128xi32, #tpu.memory_space<vmem>> -> memref<128xi32, #tpu.memory_space<vmem>>
      %dma_wait3A_145 = arith.constant 0 : i32
      %dma_wait3A_146 = arith.constant 0 : i32
      %dma_wait3A_147 = tpu.memref_slice %arg2[%dma_wait3A_145, %dma_wait3A_146] : memref<100000x64xbf16, #tpu.memory_space<hbm>> -> memref<100000x64xbf16, #tpu.memory_space<hbm>>
      tpu.wait_indirect_dma semaphore(%arg12 : memref<!tpu.dma_semaphore, #tpu.memory_space<semaphore_mem>>) src(%dma_wait3A_147 : memref<100000x64xbf16, #tpu.memory_space<hbm>>) dst(%dma_wait3A_141 : memref<128x64xbf16, #tpu.memory_space<vmem>>)
      %dma_wait3A_148 = arith.constant 5 : i32
      %dma_wait3A_149 = arith.constant 640 : i32
      %dma_wait3A_150 = arith.constant 0 : i32
      %dma_wait3A_151 = tpu.memref_slice %arg10[%dma_wait3A_149, %dma_wait3A_150] : memref<1024x64xbf16, #tpu.memory_space<vmem>> -> memref<128x64xbf16, #tpu.memory_space<vmem>>
      %dma_wait3A_152 = arith.constant 0 : i32
      %dma_wait3A_153 = tpu.memref_slice %arg8[%dma_wait3A_148, %dma_wait3A_152] : memref<8x128xi32, #tpu.memory_space<vmem>> -> memref<1x128xi32, #tpu.memory_space<vmem>>
      %dma_wait3A_154 = tpu.memref_squeeze %dma_wait3A_153 : memref<1x128xi32, #tpu.memory_space<vmem>> -> memref<128xi32, #tpu.memory_space<vmem>>
      %dma_wait3A_155 = arith.constant 0 : i32
      %dma_wait3A_156 = arith.constant 0 : i32
      %dma_wait3A_157 = tpu.memref_slice %arg2[%dma_wait3A_155, %dma_wait3A_156] : memref<100000x64xbf16, #tpu.memory_space<hbm>> -> memref<100000x64xbf16, #tpu.memory_space<hbm>>
      tpu.wait_indirect_dma semaphore(%arg12 : memref<!tpu.dma_semaphore, #tpu.memory_space<semaphore_mem>>) src(%dma_wait3A_157 : memref<100000x64xbf16, #tpu.memory_space<hbm>>) dst(%dma_wait3A_151 : memref<128x64xbf16, #tpu.memory_space<vmem>>)
      %dma_wait3A_158 = arith.constant 6 : i32
      %dma_wait3A_159 = arith.constant 768 : i32
      %dma_wait3A_160 = arith.constant 0 : i32
      %dma_wait3A_161 = tpu.memref_slice %arg10[%dma_wait3A_159, %dma_wait3A_160] : memref<1024x64xbf16, #tpu.memory_space<vmem>> -> memref<128x64xbf16, #tpu.memory_space<vmem>>
      %dma_wait3A_162 = arith.constant 0 : i32
      %dma_wait3A_163 = tpu.memref_slice %arg8[%dma_wait3A_158, %dma_wait3A_162] : memref<8x128xi32, #tpu.memory_space<vmem>> -> memref<1x128xi32, #tpu.memory_space<vmem>>
      %dma_wait3A_164 = tpu.memref_squeeze %dma_wait3A_163 : memref<1x128xi32, #tpu.memory_space<vmem>> -> memref<128xi32, #tpu.memory_space<vmem>>
      %dma_wait3A_165 = arith.constant 0 : i32
      %dma_wait3A_166 = arith.constant 0 : i32
      %dma_wait3A_167 = tpu.memref_slice %arg2[%dma_wait3A_165, %dma_wait3A_166] : memref<100000x64xbf16, #tpu.memory_space<hbm>> -> memref<100000x64xbf16, #tpu.memory_space<hbm>>
      tpu.wait_indirect_dma semaphore(%arg12 : memref<!tpu.dma_semaphore, #tpu.memory_space<semaphore_mem>>) src(%dma_wait3A_167 : memref<100000x64xbf16, #tpu.memory_space<hbm>>) dst(%dma_wait3A_161 : memref<128x64xbf16, #tpu.memory_space<vmem>>)
      %dma_wait3A_168 = arith.constant 7 : i32
      %dma_wait3A_169 = arith.constant 896 : i32
      %dma_wait3A_170 = arith.constant 0 : i32
      %dma_wait3A_171 = tpu.memref_slice %arg10[%dma_wait3A_169, %dma_wait3A_170] : memref<1024x64xbf16, #tpu.memory_space<vmem>> -> memref<128x64xbf16, #tpu.memory_space<vmem>>
      %dma_wait3A_172 = arith.constant 0 : i32
      %dma_wait3A_173 = tpu.memref_slice %arg8[%dma_wait3A_168, %dma_wait3A_172] : memref<8x128xi32, #tpu.memory_space<vmem>> -> memref<1x128xi32, #tpu.memory_space<vmem>>
      %dma_wait3A_174 = tpu.memref_squeeze %dma_wait3A_173 : memref<1x128xi32, #tpu.memory_space<vmem>> -> memref<128xi32, #tpu.memory_space<vmem>>
      %dma_wait3A_175 = arith.constant 0 : i32
      %dma_wait3A_176 = arith.constant 0 : i32
      %dma_wait3A_177 = tpu.memref_slice %arg2[%dma_wait3A_175, %dma_wait3A_176] : memref<100000x64xbf16, #tpu.memory_space<hbm>> -> memref<100000x64xbf16, #tpu.memory_space<hbm>>
      tpu.wait_indirect_dma semaphore(%arg12 : memref<!tpu.dma_semaphore, #tpu.memory_space<semaphore_mem>>) src(%dma_wait3A_177 : memref<100000x64xbf16, #tpu.memory_space<hbm>>) dst(%dma_wait3A_171 : memref<128x64xbf16, #tpu.memory_space<vmem>>)
      %dma_start3A_178 = arith.constant 0 : i32
      %dma_start3A_179 = arith.constant 0 : i32
      %dma_start3A_180 = arith.constant 0 : i32
      %dma_start3A_181 = tpu.memref_slice %arg10[%dma_start3A_179, %dma_start3A_180] : memref<1024x64xbf16, #tpu.memory_space<vmem>> -> memref<128x64xbf16, #tpu.memory_space<vmem>>
      %dma_start3A_182 = arith.constant 0 : i32
      %dma_start3A_183 = tpu.memref_slice %arg9[%dma_start3A_178, %dma_start3A_182] : memref<8x128xi32, #tpu.memory_space<vmem>> -> memref<1x128xi32, #tpu.memory_space<vmem>>
      %dma_start3A_184 = tpu.memref_squeeze %dma_start3A_183 : memref<1x128xi32, #tpu.memory_space<vmem>> -> memref<128xi32, #tpu.memory_space<vmem>>
      %dma_start3A_185 = arith.constant 0 : i32
      %dma_start3A_186 = arith.constant 0 : i32
      %dma_start3A_187 = tpu.memref_slice %arg11[%dma_start3A_185, %dma_start3A_186] : memref<32768x64xbf16, #tpu.memory_space<vmem_shared>> -> memref<32768x64xbf16, #tpu.memory_space<vmem_shared>>
      tpu.enqueue_indirect_dma source(%dma_start3A_181 : memref<128x64xbf16, #tpu.memory_space<vmem>>) target(%dma_start3A_187 : memref<32768x64xbf16, #tpu.memory_space<vmem_shared>>) offsets(%dma_start3A_184 : memref<128xi32, #tpu.memory_space<vmem>>) semaphore(%arg13 : memref<!tpu.dma_semaphore, #tpu.memory_space<semaphore_mem>>) {add = true}
      %dma_start3A_188 = arith.constant 1 : i32
      %dma_start3A_189 = arith.constant 128 : i32
      %dma_start3A_190 = arith.constant 0 : i32
      %dma_start3A_191 = tpu.memref_slice %arg10[%dma_start3A_189, %dma_start3A_190] : memref<1024x64xbf16, #tpu.memory_space<vmem>> -> memref<128x64xbf16, #tpu.memory_space<vmem>>
      %dma_start3A_192 = arith.constant 0 : i32
      %dma_start3A_193 = tpu.memref_slice %arg9[%dma_start3A_188, %dma_start3A_192] : memref<8x128xi32, #tpu.memory_space<vmem>> -> memref<1x128xi32, #tpu.memory_space<vmem>>
      %dma_start3A_194 = tpu.memref_squeeze %dma_start3A_193 : memref<1x128xi32, #tpu.memory_space<vmem>> -> memref<128xi32, #tpu.memory_space<vmem>>
      %dma_start3A_195 = arith.constant 0 : i32
      %dma_start3A_196 = arith.constant 0 : i32
      %dma_start3A_197 = tpu.memref_slice %arg11[%dma_start3A_195, %dma_start3A_196] : memref<32768x64xbf16, #tpu.memory_space<vmem_shared>> -> memref<32768x64xbf16, #tpu.memory_space<vmem_shared>>
      tpu.enqueue_indirect_dma source(%dma_start3A_191 : memref<128x64xbf16, #tpu.memory_space<vmem>>) target(%dma_start3A_197 : memref<32768x64xbf16, #tpu.memory_space<vmem_shared>>) offsets(%dma_start3A_194 : memref<128xi32, #tpu.memory_space<vmem>>) semaphore(%arg13 : memref<!tpu.dma_semaphore, #tpu.memory_space<semaphore_mem>>) {add = true}
      %dma_start3A_198 = arith.constant 2 : i32
      %dma_start3A_199 = arith.constant 256 : i32
      %dma_start3A_200 = arith.constant 0 : i32
      %dma_start3A_201 = tpu.memref_slice %arg10[%dma_start3A_199, %dma_start3A_200] : memref<1024x64xbf16, #tpu.memory_space<vmem>> -> memref<128x64xbf16, #tpu.memory_space<vmem>>
      %dma_start3A_202 = arith.constant 0 : i32
      %dma_start3A_203 = tpu.memref_slice %arg9[%dma_start3A_198, %dma_start3A_202] : memref<8x128xi32, #tpu.memory_space<vmem>> -> memref<1x128xi32, #tpu.memory_space<vmem>>
      %dma_start3A_204 = tpu.memref_squeeze %dma_start3A_203 : memref<1x128xi32, #tpu.memory_space<vmem>> -> memref<128xi32, #tpu.memory_space<vmem>>
      %dma_start3A_205 = arith.constant 0 : i32
      %dma_start3A_206 = arith.constant 0 : i32
      %dma_start3A_207 = tpu.memref_slice %arg11[%dma_start3A_205, %dma_start3A_206] : memref<32768x64xbf16, #tpu.memory_space<vmem_shared>> -> memref<32768x64xbf16, #tpu.memory_space<vmem_shared>>
      tpu.enqueue_indirect_dma source(%dma_start3A_201 : memref<128x64xbf16, #tpu.memory_space<vmem>>) target(%dma_start3A_207 : memref<32768x64xbf16, #tpu.memory_space<vmem_shared>>) offsets(%dma_start3A_204 : memref<128xi32, #tpu.memory_space<vmem>>) semaphore(%arg13 : memref<!tpu.dma_semaphore, #tpu.memory_space<semaphore_mem>>) {add = true}
      %dma_start3A_208 = arith.constant 3 : i32
      %dma_start3A_209 = arith.constant 384 : i32
      %dma_start3A_210 = arith.constant 0 : i32
      %dma_start3A_211 = tpu.memref_slice %arg10[%dma_start3A_209, %dma_start3A_210] : memref<1024x64xbf16, #tpu.memory_space<vmem>> -> memref<128x64xbf16, #tpu.memory_space<vmem>>
      %dma_start3A_212 = arith.constant 0 : i32
      %dma_start3A_213 = tpu.memref_slice %arg9[%dma_start3A_208, %dma_start3A_212] : memref<8x128xi32, #tpu.memory_space<vmem>> -> memref<1x128xi32, #tpu.memory_space<vmem>>
      %dma_start3A_214 = tpu.memref_squeeze %dma_start3A_213 : memref<1x128xi32, #tpu.memory_space<vmem>> -> memref<128xi32, #tpu.memory_space<vmem>>
      %dma_start3A_215 = arith.constant 0 : i32
      %dma_start3A_216 = arith.constant 0 : i32
      %dma_start3A_217 = tpu.memref_slice %arg11[%dma_start3A_215, %dma_start3A_216] : memref<32768x64xbf16, #tpu.memory_space<vmem_shared>> -> memref<32768x64xbf16, #tpu.memory_space<vmem_shared>>
      tpu.enqueue_indirect_dma source(%dma_start3A_211 : memref<128x64xbf16, #tpu.memory_space<vmem>>) target(%dma_start3A_217 : memref<32768x64xbf16, #tpu.memory_space<vmem_shared>>) offsets(%dma_start3A_214 : memref<128xi32, #tpu.memory_space<vmem>>) semaphore(%arg13 : memref<!tpu.dma_semaphore, #tpu.memory_space<semaphore_mem>>) {add = true}
      %dma_start3A_218 = arith.constant 4 : i32
      %dma_start3A_219 = arith.constant 512 : i32
      %dma_start3A_220 = arith.constant 0 : i32
      %dma_start3A_221 = tpu.memref_slice %arg10[%dma_start3A_219, %dma_start3A_220] : memref<1024x64xbf16, #tpu.memory_space<vmem>> -> memref<128x64xbf16, #tpu.memory_space<vmem>>
      %dma_start3A_222 = arith.constant 0 : i32
      %dma_start3A_223 = tpu.memref_slice %arg9[%dma_start3A_218, %dma_start3A_222] : memref<8x128xi32, #tpu.memory_space<vmem>> -> memref<1x128xi32, #tpu.memory_space<vmem>>
      %dma_start3A_224 = tpu.memref_squeeze %dma_start3A_223 : memref<1x128xi32, #tpu.memory_space<vmem>> -> memref<128xi32, #tpu.memory_space<vmem>>
      %dma_start3A_225 = arith.constant 0 : i32
      %dma_start3A_226 = arith.constant 0 : i32
      %dma_start3A_227 = tpu.memref_slice %arg11[%dma_start3A_225, %dma_start3A_226] : memref<32768x64xbf16, #tpu.memory_space<vmem_shared>> -> memref<32768x64xbf16, #tpu.memory_space<vmem_shared>>
      tpu.enqueue_indirect_dma source(%dma_start3A_221 : memref<128x64xbf16, #tpu.memory_space<vmem>>) target(%dma_start3A_227 : memref<32768x64xbf16, #tpu.memory_space<vmem_shared>>) offsets(%dma_start3A_224 : memref<128xi32, #tpu.memory_space<vmem>>) semaphore(%arg13 : memref<!tpu.dma_semaphore, #tpu.memory_space<semaphore_mem>>) {add = true}
      %dma_start3A_228 = arith.constant 5 : i32
      %dma_start3A_229 = arith.constant 640 : i32
      %dma_start3A_230 = arith.constant 0 : i32
      %dma_start3A_231 = tpu.memref_slice %arg10[%dma_start3A_229, %dma_start3A_230] : memref<1024x64xbf16, #tpu.memory_space<vmem>> -> memref<128x64xbf16, #tpu.memory_space<vmem>>
      %dma_start3A_232 = arith.constant 0 : i32
      %dma_start3A_233 = tpu.memref_slice %arg9[%dma_start3A_228, %dma_start3A_232] : memref<8x128xi32, #tpu.memory_space<vmem>> -> memref<1x128xi32, #tpu.memory_space<vmem>>
      %dma_start3A_234 = tpu.memref_squeeze %dma_start3A_233 : memref<1x128xi32, #tpu.memory_space<vmem>> -> memref<128xi32, #tpu.memory_space<vmem>>
      %dma_start3A_235 = arith.constant 0 : i32
      %dma_start3A_236 = arith.constant 0 : i32
      %dma_start3A_237 = tpu.memref_slice %arg11[%dma_start3A_235, %dma_start3A_236] : memref<32768x64xbf16, #tpu.memory_space<vmem_shared>> -> memref<32768x64xbf16, #tpu.memory_space<vmem_shared>>
      tpu.enqueue_indirect_dma source(%dma_start3A_231 : memref<128x64xbf16, #tpu.memory_space<vmem>>) target(%dma_start3A_237 : memref<32768x64xbf16, #tpu.memory_space<vmem_shared>>) offsets(%dma_start3A_234 : memref<128xi32, #tpu.memory_space<vmem>>) semaphore(%arg13 : memref<!tpu.dma_semaphore, #tpu.memory_space<semaphore_mem>>) {add = true}
      %dma_start3A_238 = arith.constant 6 : i32
      %dma_start3A_239 = arith.constant 768 : i32
      %dma_start3A_240 = arith.constant 0 : i32
      %dma_start3A_241 = tpu.memref_slice %arg10[%dma_start3A_239, %dma_start3A_240] : memref<1024x64xbf16, #tpu.memory_space<vmem>> -> memref<128x64xbf16, #tpu.memory_space<vmem>>
      %dma_start3A_242 = arith.constant 0 : i32
      %dma_start3A_243 = tpu.memref_slice %arg9[%dma_start3A_238, %dma_start3A_242] : memref<8x128xi32, #tpu.memory_space<vmem>> -> memref<1x128xi32, #tpu.memory_space<vmem>>
      %dma_start3A_244 = tpu.memref_squeeze %dma_start3A_243 : memref<1x128xi32, #tpu.memory_space<vmem>> -> memref<128xi32, #tpu.memory_space<vmem>>
      %dma_start3A_245 = arith.constant 0 : i32
      %dma_start3A_246 = arith.constant 0 : i32
      %dma_start3A_247 = tpu.memref_slice %arg11[%dma_start3A_245, %dma_start3A_246] : memref<32768x64xbf16, #tpu.memory_space<vmem_shared>> -> memref<32768x64xbf16, #tpu.memory_space<vmem_shared>>
      tpu.enqueue_indirect_dma source(%dma_start3A_241 : memref<128x64xbf16, #tpu.memory_space<vmem>>) target(%dma_start3A_247 : memref<32768x64xbf16, #tpu.memory_space<vmem_shared>>) offsets(%dma_start3A_244 : memref<128xi32, #tpu.memory_space<vmem>>) semaphore(%arg13 : memref<!tpu.dma_semaphore, #tpu.memory_space<semaphore_mem>>) {add = true}
      %dma_start3A_248 = arith.constant 7 : i32
      %dma_start3A_249 = arith.constant 896 : i32
      %dma_start3A_250 = arith.constant 0 : i32
      %dma_start3A_251 = tpu.memref_slice %arg10[%dma_start3A_249, %dma_start3A_250] : memref<1024x64xbf16, #tpu.memory_space<vmem>> -> memref<128x64xbf16, #tpu.memory_space<vmem>>
      %dma_start3A_252 = arith.constant 0 : i32
      %dma_start3A_253 = tpu.memref_slice %arg9[%dma_start3A_248, %dma_start3A_252] : memref<8x128xi32, #tpu.memory_space<vmem>> -> memref<1x128xi32, #tpu.memory_space<vmem>>
      %dma_start3A_254 = tpu.memref_squeeze %dma_start3A_253 : memref<1x128xi32, #tpu.memory_space<vmem>> -> memref<128xi32, #tpu.memory_space<vmem>>
      %dma_start3A_255 = arith.constant 0 : i32
      %dma_start3A_256 = arith.constant 0 : i32
      %dma_start3A_257 = tpu.memref_slice %arg11[%dma_start3A_255, %dma_start3A_256] : memref<32768x64xbf16, #tpu.memory_space<vmem_shared>> -> memref<32768x64xbf16, #tpu.memory_space<vmem_shared>>
      tpu.enqueue_indirect_dma source(%dma_start3A_251 : memref<128x64xbf16, #tpu.memory_space<vmem>>) target(%dma_start3A_257 : memref<32768x64xbf16, #tpu.memory_space<vmem_shared>>) offsets(%dma_start3A_254 : memref<128xi32, #tpu.memory_space<vmem>>) semaphore(%arg13 : memref<!tpu.dma_semaphore, #tpu.memory_space<semaphore_mem>>) {add = true}
      %dma_wait3A_258 = arith.constant 0 : i32
      %dma_wait3A_259 = arith.constant 0 : i32
      %dma_wait3A_260 = arith.constant 0 : i32
      %dma_wait3A_261 = tpu.memref_slice %arg10[%dma_wait3A_259, %dma_wait3A_260] : memref<1024x64xbf16, #tpu.memory_space<vmem>> -> memref<128x64xbf16, #tpu.memory_space<vmem>>
      %dma_wait3A_262 = arith.constant 0 : i32
      %dma_wait3A_263 = tpu.memref_slice %arg9[%dma_wait3A_258, %dma_wait3A_262] : memref<8x128xi32, #tpu.memory_space<vmem>> -> memref<1x128xi32, #tpu.memory_space<vmem>>
      %dma_wait3A_264 = tpu.memref_squeeze %dma_wait3A_263 : memref<1x128xi32, #tpu.memory_space<vmem>> -> memref<128xi32, #tpu.memory_space<vmem>>
      %dma_wait3A_265 = arith.constant 0 : i32
      %dma_wait3A_266 = arith.constant 0 : i32
      %dma_wait3A_267 = tpu.memref_slice %arg11[%dma_wait3A_265, %dma_wait3A_266] : memref<32768x64xbf16, #tpu.memory_space<vmem_shared>> -> memref<32768x64xbf16, #tpu.memory_space<vmem_shared>>
      tpu.wait_indirect_dma semaphore(%arg13 : memref<!tpu.dma_semaphore, #tpu.memory_space<semaphore_mem>>) src(%dma_wait3A_261 : memref<128x64xbf16, #tpu.memory_space<vmem>>) dst(%dma_wait3A_267 : memref<32768x64xbf16, #tpu.memory_space<vmem_shared>>)
      %dma_wait3A_268 = arith.constant 1 : i32
      %dma_wait3A_269 = arith.constant 128 : i32
      %dma_wait3A_270 = arith.constant 0 : i32
      %dma_wait3A_271 = tpu.memref_slice %arg10[%dma_wait3A_269, %dma_wait3A_270] : memref<1024x64xbf16, #tpu.memory_space<vmem>> -> memref<128x64xbf16, #tpu.memory_space<vmem>>
      %dma_wait3A_272 = arith.constant 0 : i32
      %dma_wait3A_273 = tpu.memref_slice %arg9[%dma_wait3A_268, %dma_wait3A_272] : memref<8x128xi32, #tpu.memory_space<vmem>> -> memref<1x128xi32, #tpu.memory_space<vmem>>
      %dma_wait3A_274 = tpu.memref_squeeze %dma_wait3A_273 : memref<1x128xi32, #tpu.memory_space<vmem>> -> memref<128xi32, #tpu.memory_space<vmem>>
      %dma_wait3A_275 = arith.constant 0 : i32
      %dma_wait3A_276 = arith.constant 0 : i32
      %dma_wait3A_277 = tpu.memref_slice %arg11[%dma_wait3A_275, %dma_wait3A_276] : memref<32768x64xbf16, #tpu.memory_space<vmem_shared>> -> memref<32768x64xbf16, #tpu.memory_space<vmem_shared>>
      tpu.wait_indirect_dma semaphore(%arg13 : memref<!tpu.dma_semaphore, #tpu.memory_space<semaphore_mem>>) src(%dma_wait3A_271 : memref<128x64xbf16, #tpu.memory_space<vmem>>) dst(%dma_wait3A_277 : memref<32768x64xbf16, #tpu.memory_space<vmem_shared>>)
      %dma_wait3A_278 = arith.constant 2 : i32
      %dma_wait3A_279 = arith.constant 256 : i32
      %dma_wait3A_280 = arith.constant 0 : i32
      %dma_wait3A_281 = tpu.memref_slice %arg10[%dma_wait3A_279, %dma_wait3A_280] : memref<1024x64xbf16, #tpu.memory_space<vmem>> -> memref<128x64xbf16, #tpu.memory_space<vmem>>
      %dma_wait3A_282 = arith.constant 0 : i32
      %dma_wait3A_283 = tpu.memref_slice %arg9[%dma_wait3A_278, %dma_wait3A_282] : memref<8x128xi32, #tpu.memory_space<vmem>> -> memref<1x128xi32, #tpu.memory_space<vmem>>
      %dma_wait3A_284 = tpu.memref_squeeze %dma_wait3A_283 : memref<1x128xi32, #tpu.memory_space<vmem>> -> memref<128xi32, #tpu.memory_space<vmem>>
      %dma_wait3A_285 = arith.constant 0 : i32
      %dma_wait3A_286 = arith.constant 0 : i32
      %dma_wait3A_287 = tpu.memref_slice %arg11[%dma_wait3A_285, %dma_wait3A_286] : memref<32768x64xbf16, #tpu.memory_space<vmem_shared>> -> memref<32768x64xbf16, #tpu.memory_space<vmem_shared>>
      tpu.wait_indirect_dma semaphore(%arg13 : memref<!tpu.dma_semaphore, #tpu.memory_space<semaphore_mem>>) src(%dma_wait3A_281 : memref<128x64xbf16, #tpu.memory_space<vmem>>) dst(%dma_wait3A_287 : memref<32768x64xbf16, #tpu.memory_space<vmem_shared>>)
      %dma_wait3A_288 = arith.constant 3 : i32
      %dma_wait3A_289 = arith.constant 384 : i32
      %dma_wait3A_290 = arith.constant 0 : i32
      %dma_wait3A_291 = tpu.memref_slice %arg10[%dma_wait3A_289, %dma_wait3A_290] : memref<1024x64xbf16, #tpu.memory_space<vmem>> -> memref<128x64xbf16, #tpu.memory_space<vmem>>
      %dma_wait3A_292 = arith.constant 0 : i32
      %dma_wait3A_293 = tpu.memref_slice %arg9[%dma_wait3A_288, %dma_wait3A_292] : memref<8x128xi32, #tpu.memory_space<vmem>> -> memref<1x128xi32, #tpu.memory_space<vmem>>
      %dma_wait3A_294 = tpu.memref_squeeze %dma_wait3A_293 : memref<1x128xi32, #tpu.memory_space<vmem>> -> memref<128xi32, #tpu.memory_space<vmem>>
      %dma_wait3A_295 = arith.constant 0 : i32
      %dma_wait3A_296 = arith.constant 0 : i32
      %dma_wait3A_297 = tpu.memref_slice %arg11[%dma_wait3A_295, %dma_wait3A_296] : memref<32768x64xbf16, #tpu.memory_space<vmem_shared>> -> memref<32768x64xbf16, #tpu.memory_space<vmem_shared>>
      tpu.wait_indirect_dma semaphore(%arg13 : memref<!tpu.dma_semaphore, #tpu.memory_space<semaphore_mem>>) src(%dma_wait3A_291 : memref<128x64xbf16, #tpu.memory_space<vmem>>) dst(%dma_wait3A_297 : memref<32768x64xbf16, #tpu.memory_space<vmem_shared>>)
      %dma_wait3A_298 = arith.constant 4 : i32
      %dma_wait3A_299 = arith.constant 512 : i32
      %dma_wait3A_300 = arith.constant 0 : i32
      %dma_wait3A_301 = tpu.memref_slice %arg10[%dma_wait3A_299, %dma_wait3A_300] : memref<1024x64xbf16, #tpu.memory_space<vmem>> -> memref<128x64xbf16, #tpu.memory_space<vmem>>
      %dma_wait3A_302 = arith.constant 0 : i32
      %dma_wait3A_303 = tpu.memref_slice %arg9[%dma_wait3A_298, %dma_wait3A_302] : memref<8x128xi32, #tpu.memory_space<vmem>> -> memref<1x128xi32, #tpu.memory_space<vmem>>
      %dma_wait3A_304 = tpu.memref_squeeze %dma_wait3A_303 : memref<1x128xi32, #tpu.memory_space<vmem>> -> memref<128xi32, #tpu.memory_space<vmem>>
      %dma_wait3A_305 = arith.constant 0 : i32
      %dma_wait3A_306 = arith.constant 0 : i32
      %dma_wait3A_307 = tpu.memref_slice %arg11[%dma_wait3A_305, %dma_wait3A_306] : memref<32768x64xbf16, #tpu.memory_space<vmem_shared>> -> memref<32768x64xbf16, #tpu.memory_space<vmem_shared>>
      tpu.wait_indirect_dma semaphore(%arg13 : memref<!tpu.dma_semaphore, #tpu.memory_space<semaphore_mem>>) src(%dma_wait3A_301 : memref<128x64xbf16, #tpu.memory_space<vmem>>) dst(%dma_wait3A_307 : memref<32768x64xbf16, #tpu.memory_space<vmem_shared>>)
      %dma_wait3A_308 = arith.constant 5 : i32
      %dma_wait3A_309 = arith.constant 640 : i32
      %dma_wait3A_310 = arith.constant 0 : i32
      %dma_wait3A_311 = tpu.memref_slice %arg10[%dma_wait3A_309, %dma_wait3A_310] : memref<1024x64xbf16, #tpu.memory_space<vmem>> -> memref<128x64xbf16, #tpu.memory_space<vmem>>
      %dma_wait3A_312 = arith.constant 0 : i32
      %dma_wait3A_313 = tpu.memref_slice %arg9[%dma_wait3A_308, %dma_wait3A_312] : memref<8x128xi32, #tpu.memory_space<vmem>> -> memref<1x128xi32, #tpu.memory_space<vmem>>
      %dma_wait3A_314 = tpu.memref_squeeze %dma_wait3A_313 : memref<1x128xi32, #tpu.memory_space<vmem>> -> memref<128xi32, #tpu.memory_space<vmem>>
      %dma_wait3A_315 = arith.constant 0 : i32
      %dma_wait3A_316 = arith.constant 0 : i32
      %dma_wait3A_317 = tpu.memref_slice %arg11[%dma_wait3A_315, %dma_wait3A_316] : memref<32768x64xbf16, #tpu.memory_space<vmem_shared>> -> memref<32768x64xbf16, #tpu.memory_space<vmem_shared>>
      tpu.wait_indirect_dma semaphore(%arg13 : memref<!tpu.dma_semaphore, #tpu.memory_space<semaphore_mem>>) src(%dma_wait3A_311 : memref<128x64xbf16, #tpu.memory_space<vmem>>) dst(%dma_wait3A_317 : memref<32768x64xbf16, #tpu.memory_space<vmem_shared>>)
      %dma_wait3A_318 = arith.constant 6 : i32
      %dma_wait3A_319 = arith.constant 768 : i32
      %dma_wait3A_320 = arith.constant 0 : i32
      %dma_wait3A_321 = tpu.memref_slice %arg10[%dma_wait3A_319, %dma_wait3A_320] : memref<1024x64xbf16, #tpu.memory_space<vmem>> -> memref<128x64xbf16, #tpu.memory_space<vmem>>
      %dma_wait3A_322 = arith.constant 0 : i32
      %dma_wait3A_323 = tpu.memref_slice %arg9[%dma_wait3A_318, %dma_wait3A_322] : memref<8x128xi32, #tpu.memory_space<vmem>> -> memref<1x128xi32, #tpu.memory_space<vmem>>
      %dma_wait3A_324 = tpu.memref_squeeze %dma_wait3A_323 : memref<1x128xi32, #tpu.memory_space<vmem>> -> memref<128xi32, #tpu.memory_space<vmem>>
      %dma_wait3A_325 = arith.constant 0 : i32
      %dma_wait3A_326 = arith.constant 0 : i32
      %dma_wait3A_327 = tpu.memref_slice %arg11[%dma_wait3A_325, %dma_wait3A_326] : memref<32768x64xbf16, #tpu.memory_space<vmem_shared>> -> memref<32768x64xbf16, #tpu.memory_space<vmem_shared>>
      tpu.wait_indirect_dma semaphore(%arg13 : memref<!tpu.dma_semaphore, #tpu.memory_space<semaphore_mem>>) src(%dma_wait3A_321 : memref<128x64xbf16, #tpu.memory_space<vmem>>) dst(%dma_wait3A_327 : memref<32768x64xbf16, #tpu.memory_space<vmem_shared>>)
      %dma_wait3A_328 = arith.constant 7 : i32
      %dma_wait3A_329 = arith.constant 896 : i32
      %dma_wait3A_330 = arith.constant 0 : i32
      %dma_wait3A_331 = tpu.memref_slice %arg10[%dma_wait3A_329, %dma_wait3A_330] : memref<1024x64xbf16, #tpu.memory_space<vmem>> -> memref<128x64xbf16, #tpu.memory_space<vmem>>
      %dma_wait3A_332 = arith.constant 0 : i32
      %dma_wait3A_333 = tpu.memref_slice %arg9[%dma_wait3A_328, %dma_wait3A_332] : memref<8x128xi32, #tpu.memory_space<vmem>> -> memref<1x128xi32, #tpu.memory_space<vmem>>
      %dma_wait3A_334 = tpu.memref_squeeze %dma_wait3A_333 : memref<1x128xi32, #tpu.memory_space<vmem>> -> memref<128xi32, #tpu.memory_space<vmem>>
      %dma_wait3A_335 = arith.constant 0 : i32
      %dma_wait3A_336 = arith.constant 0 : i32
      %dma_wait3A_337 = tpu.memref_slice %arg11[%dma_wait3A_335, %dma_wait3A_336] : memref<32768x64xbf16, #tpu.memory_space<vmem_shared>> -> memref<32768x64xbf16, #tpu.memory_space<vmem_shared>>
      tpu.wait_indirect_dma semaphore(%arg13 : memref<!tpu.dma_semaphore, #tpu.memory_space<semaphore_mem>>) src(%dma_wait3A_331 : memref<128x64xbf16, #tpu.memory_space<vmem>>) dst(%dma_wait3A_337 : memref<32768x64xbf16, #tpu.memory_space<vmem_shared>>)
    }
    %scan3A_7 = arith.constant 16 : i32
    %barrier3A_8 = arith.constant 0 : index
    tpu.barrier barrier_id(%barrier3A_8)
    %eq3A = arith.constant 0 : i32
    %eq3A_9 = arith.cmpi eq, %arg0, %eq3A : i32
    %convert_element_type3A = arith.extui %eq3A_9 : i1 to i32
    %cond3A = arith.constant 0 : i32
    %cond3A_10 = arith.cmpi ne, %convert_element_type3A, %cond3A : i32
    scf.if %cond3A_10 {
      "tpu.region"() ({
        %run_scoped3A = tpu.sem_alloc : memref<!tpu.dma_semaphore, #tpu.memory_space<semaphore_mem>>
        %dma_start3A = arith.constant 0 : i32
        %dma_start3A_16 = tpu.memref_slice %arg6[%multiple_of3A, %dma_start3A] : memref<32768x64xbf16, #tpu.memory_space<hbm>> -> memref<2048x64xbf16, #tpu.memory_space<hbm>>
        %dma_start3A_17 = arith.constant 0 : i32
        %dma_start3A_18 = tpu.memref_slice %arg11[%multiple_of3A, %dma_start3A_17] : memref<32768x64xbf16, #tpu.memory_space<vmem_shared>> -> memref<2048x64xbf16, #tpu.memory_space<vmem_shared>>
        tpu.enqueue_dma source(%dma_start3A_18 : memref<2048x64xbf16, #tpu.memory_space<vmem_shared>>) target(%dma_start3A_16 : memref<2048x64xbf16, #tpu.memory_space<hbm>>) target_semaphore(%run_scoped3A : memref<!tpu.dma_semaphore, #tpu.memory_space<semaphore_mem>>)
        %dma_wait3A = arith.constant 0 : i32
        %dma_wait3A_19 = tpu.memref_slice %arg6[%multiple_of3A, %dma_wait3A] : memref<32768x64xbf16, #tpu.memory_space<hbm>> -> memref<2048x64xbf16, #tpu.memory_space<hbm>>
        %dma_wait3A_20 = arith.constant 0 : i32
        %dma_wait3A_21 = tpu.memref_slice %arg11[%multiple_of3A, %dma_wait3A_20] : memref<32768x64xbf16, #tpu.memory_space<vmem_shared>> -> memref<2048x64xbf16, #tpu.memory_space<vmem_shared>>
        tpu.wait_dma2 semaphore(%run_scoped3A : memref<!tpu.dma_semaphore, #tpu.memory_space<semaphore_mem>>) src(%dma_wait3A_21 : memref<2048x64xbf16, #tpu.memory_space<vmem_shared>>) dst(%dma_wait3A_19 : memref<2048x64xbf16, #tpu.memory_space<hbm>>)
        tpu.yield
      }) : () -> ()
    } else {
    }
    %eq3A_11 = arith.constant 1 : i32
    %eq3A_12 = arith.cmpi eq, %arg0, %eq3A_11 : i32
    %convert_element_type3A_13 = arith.extui %eq3A_12 : i1 to i32
    %cond3A_14 = arith.constant 0 : i32
    %cond3A_15 = arith.cmpi ne, %convert_element_type3A_13, %cond3A_14 : i32
    scf.if %cond3A_15 {
      "tpu.region"() ({
        %run_scoped3A = tpu.sem_alloc : memref<!tpu.dma_semaphore, #tpu.memory_space<semaphore_mem>>
        %dma_start3A = arith.constant 0 : i32
        %dma_start3A_16 = tpu.memref_slice %arg7[%multiple_of3A, %dma_start3A] : memref<32768x64xbf16, #tpu.memory_space<hbm>> -> memref<2048x64xbf16, #tpu.memory_space<hbm>>
        %dma_start3A_17 = arith.constant 0 : i32
        %dma_start3A_18 = tpu.memref_slice %arg11[%multiple_of3A, %dma_start3A_17] : memref<32768x64xbf16, #tpu.memory_space<vmem_shared>> -> memref<2048x64xbf16, #tpu.memory_space<vmem_shared>>
        tpu.enqueue_dma source(%dma_start3A_18 : memref<2048x64xbf16, #tpu.memory_space<vmem_shared>>) target(%dma_start3A_16 : memref<2048x64xbf16, #tpu.memory_space<hbm>>) target_semaphore(%run_scoped3A : memref<!tpu.dma_semaphore, #tpu.memory_space<semaphore_mem>>)
        %dma_wait3A = arith.constant 0 : i32
        %dma_wait3A_19 = tpu.memref_slice %arg7[%multiple_of3A, %dma_wait3A] : memref<32768x64xbf16, #tpu.memory_space<hbm>> -> memref<2048x64xbf16, #tpu.memory_space<hbm>>
        %dma_wait3A_20 = arith.constant 0 : i32
        %dma_wait3A_21 = tpu.memref_slice %arg11[%multiple_of3A, %dma_wait3A_20] : memref<32768x64xbf16, #tpu.memory_space<vmem_shared>> -> memref<2048x64xbf16, #tpu.memory_space<vmem_shared>>
        tpu.wait_dma2 semaphore(%run_scoped3A : memref<!tpu.dma_semaphore, #tpu.memory_space<semaphore_mem>>) src(%dma_wait3A_21 : memref<2048x64xbf16, #tpu.memory_space<vmem_shared>>) dst(%dma_wait3A_19 : memref<2048x64xbf16, #tpu.memory_space<hbm>>)
        tpu.yield
      }) : () -> ()
    } else {
    }
    return
  }
}

#map = affine_map<(d0, d1) -> (0, 0)>
#map1 = affine_map<(d0, d1) -> (0, 0, 0)>
module attributes {stable_mosaic.version = 14 : i64} {
  func.func @run(%arg0: i32, %arg1: i32, %arg2: memref<32768x64xf32, #tpu.memory_space<hbm>>, %arg3: memref<32x8x128xi32, #tpu.memory_space<hbm>>, %arg4: memref<32x8x128xi32, #tpu.memory_space<hbm>>, %arg5: memref<128x64xf32, #tpu.memory_space<hbm>>, %arg6: memref<2048x64xf32, #tpu.memory_space<hbm>>, %arg7: memref<2048x64xf32, #tpu.memory_space<hbm>>, %arg8: memref<8x128xi32, #tpu.memory_space<vmem>>, %arg9: memref<8x128xi32, #tpu.memory_space<vmem>>, %arg10: memref<1024x64xf32, #tpu.memory_space<vmem>>, %arg11: memref<2048x64xf32, #tpu.memory_space<vmem_shared>>, %arg12: memref<!tpu.dma_semaphore, #tpu.memory_space<semaphore_mem>>, %arg13: memref<!tpu.dma_semaphore, #tpu.memory_space<semaphore_mem>>) attributes {dimension_semantics = [#tpu.dimension_semantics<core_parallel>, #tpu.dimension_semantics<subcore_parallel>], iteration_bounds = array<i64: 2, 16>, scalar_prefetch = 0 : i64, scratch_operands = 6 : i64, tpu.core_type = #tpu.core_type<sc_vector_subcore>, window_params = [{transform_indices = #map}, {transform_indices = #map1}, {transform_indices = #map1}, {transform_indices = #map}, {transform_indices = #map}, {transform_indices = #map}]} {
    %mul3A = arith.constant 128 : i32
    %mul3A_0 = arith.muli %arg1, %mul3A : i32
    %multiple_of3A = tpu.assume_multiple %mul3A_0, 128 : i32
    "tpu.region"() ({
      %run_scoped3A = tpu.sem_alloc : memref<!tpu.dma_semaphore, #tpu.memory_space<semaphore_mem>>
      %dma_start3A_329 = arith.constant 0 : i32
      %dma_start3A_330 = tpu.memref_slice %arg11[%multiple_of3A, %dma_start3A_329] : memref<2048x64xf32, #tpu.memory_space<vmem_shared>> -> memref<128x64xf32, #tpu.memory_space<vmem_shared>>
      tpu.enqueue_dma source(%arg5 : memref<128x64xf32, #tpu.memory_space<hbm>>) target(%dma_start3A_330 : memref<128x64xf32, #tpu.memory_space<vmem_shared>>) target_semaphore(%run_scoped3A : memref<!tpu.dma_semaphore, #tpu.memory_space<semaphore_mem>>)
      %dma_wait3A_331 = arith.constant 0 : i32
      %dma_wait3A_332 = tpu.memref_slice %arg11[%multiple_of3A, %dma_wait3A_331] : memref<2048x64xf32, #tpu.memory_space<vmem_shared>> -> memref<128x64xf32, #tpu.memory_space<vmem_shared>>
      tpu.wait_dma2 semaphore(%run_scoped3A : memref<!tpu.dma_semaphore, #tpu.memory_space<semaphore_mem>>) src(%arg5 : memref<128x64xf32, #tpu.memory_space<hbm>>) dst(%dma_wait3A_332 : memref<128x64xf32, #tpu.memory_space<vmem_shared>>)
      tpu.yield
    }) : () -> ()
    %barrier3A = arith.constant 0 : index
    tpu.barrier barrier_id(%barrier3A)
    %mul3A_1 = arith.constant 16 : i32
    %mul3A_2 = arith.muli %arg0, %mul3A_1 : i32
    %add3A = arith.addi %mul3A_2, %arg1 : i32
    "tpu.region"() ({
      %run_scoped3A = tpu.sem_alloc : memref<!tpu.dma_semaphore, #tpu.memory_space<semaphore_mem>>
      %dma_start3A_329 = arith.constant 0 : i32
      %dma_start3A_330 = arith.constant 0 : i32
      %dma_start3A_331 = tpu.memref_slice %arg3[%add3A, %dma_start3A_329, %dma_start3A_330] : memref<32x8x128xi32, #tpu.memory_space<hbm>> -> memref<1x8x128xi32, #tpu.memory_space<hbm>>
      %dma_start3A_332 = tpu.memref_squeeze %dma_start3A_331 : memref<1x8x128xi32, #tpu.memory_space<hbm>> -> memref<8x128xi32, #tpu.memory_space<hbm>>
      %dma_start3A_333 = arith.constant 0 : i32
      %dma_start3A_334 = arith.constant 0 : i32
      %dma_start3A_335 = tpu.memref_slice %arg3[%add3A, %dma_start3A_333, %dma_start3A_334] : memref<32x8x128xi32, #tpu.memory_space<hbm>> -> memref<1x8x128xi32, #tpu.memory_space<hbm>>
      %dma_start3A_336 = tpu.memref_squeeze %dma_start3A_335 : memref<1x8x128xi32, #tpu.memory_space<hbm>> -> memref<8x128xi32, #tpu.memory_space<hbm>>
      tpu.enqueue_dma source(%dma_start3A_336 : memref<8x128xi32, #tpu.memory_space<hbm>>) target(%arg8 : memref<8x128xi32, #tpu.memory_space<vmem>>) target_semaphore(%run_scoped3A : memref<!tpu.dma_semaphore, #tpu.memory_space<semaphore_mem>>)
      %dma_wait3A_337 = arith.constant 0 : i32
      %dma_wait3A_338 = arith.constant 0 : i32
      %dma_wait3A_339 = tpu.memref_slice %arg3[%add3A, %dma_wait3A_337, %dma_wait3A_338] : memref<32x8x128xi32, #tpu.memory_space<hbm>> -> memref<1x8x128xi32, #tpu.memory_space<hbm>>
      %dma_wait3A_340 = tpu.memref_squeeze %dma_wait3A_339 : memref<1x8x128xi32, #tpu.memory_space<hbm>> -> memref<8x128xi32, #tpu.memory_space<hbm>>
      %dma_wait3A_341 = arith.constant 0 : i32
      %dma_wait3A_342 = arith.constant 0 : i32
      %dma_wait3A_343 = tpu.memref_slice %arg3[%add3A, %dma_wait3A_341, %dma_wait3A_342] : memref<32x8x128xi32, #tpu.memory_space<hbm>> -> memref<1x8x128xi32, #tpu.memory_space<hbm>>
      %dma_wait3A_344 = tpu.memref_squeeze %dma_wait3A_343 : memref<1x8x128xi32, #tpu.memory_space<hbm>> -> memref<8x128xi32, #tpu.memory_space<hbm>>
      tpu.wait_dma2 semaphore(%run_scoped3A : memref<!tpu.dma_semaphore, #tpu.memory_space<semaphore_mem>>) src(%dma_wait3A_344 : memref<8x128xi32, #tpu.memory_space<hbm>>) dst(%arg8 : memref<8x128xi32, #tpu.memory_space<vmem>>)
      tpu.yield
    }) : () -> ()
    "tpu.region"() ({
      %run_scoped3A = tpu.sem_alloc : memref<!tpu.dma_semaphore, #tpu.memory_space<semaphore_mem>>
      %dma_start3A_329 = arith.constant 0 : i32
      %dma_start3A_330 = arith.constant 0 : i32
      %dma_start3A_331 = tpu.memref_slice %arg4[%add3A, %dma_start3A_329, %dma_start3A_330] : memref<32x8x128xi32, #tpu.memory_space<hbm>> -> memref<1x8x128xi32, #tpu.memory_space<hbm>>
      %dma_start3A_332 = tpu.memref_squeeze %dma_start3A_331 : memref<1x8x128xi32, #tpu.memory_space<hbm>> -> memref<8x128xi32, #tpu.memory_space<hbm>>
      %dma_start3A_333 = arith.constant 0 : i32
      %dma_start3A_334 = arith.constant 0 : i32
      %dma_start3A_335 = tpu.memref_slice %arg4[%add3A, %dma_start3A_333, %dma_start3A_334] : memref<32x8x128xi32, #tpu.memory_space<hbm>> -> memref<1x8x128xi32, #tpu.memory_space<hbm>>
      %dma_start3A_336 = tpu.memref_squeeze %dma_start3A_335 : memref<1x8x128xi32, #tpu.memory_space<hbm>> -> memref<8x128xi32, #tpu.memory_space<hbm>>
      tpu.enqueue_dma source(%dma_start3A_336 : memref<8x128xi32, #tpu.memory_space<hbm>>) target(%arg9 : memref<8x128xi32, #tpu.memory_space<vmem>>) target_semaphore(%run_scoped3A : memref<!tpu.dma_semaphore, #tpu.memory_space<semaphore_mem>>)
      %dma_wait3A_337 = arith.constant 0 : i32
      %dma_wait3A_338 = arith.constant 0 : i32
      %dma_wait3A_339 = tpu.memref_slice %arg4[%add3A, %dma_wait3A_337, %dma_wait3A_338] : memref<32x8x128xi32, #tpu.memory_space<hbm>> -> memref<1x8x128xi32, #tpu.memory_space<hbm>>
      %dma_wait3A_340 = tpu.memref_squeeze %dma_wait3A_339 : memref<1x8x128xi32, #tpu.memory_space<hbm>> -> memref<8x128xi32, #tpu.memory_space<hbm>>
      %dma_wait3A_341 = arith.constant 0 : i32
      %dma_wait3A_342 = arith.constant 0 : i32
      %dma_wait3A_343 = tpu.memref_slice %arg4[%add3A, %dma_wait3A_341, %dma_wait3A_342] : memref<32x8x128xi32, #tpu.memory_space<hbm>> -> memref<1x8x128xi32, #tpu.memory_space<hbm>>
      %dma_wait3A_344 = tpu.memref_squeeze %dma_wait3A_343 : memref<1x8x128xi32, #tpu.memory_space<hbm>> -> memref<8x128xi32, #tpu.memory_space<hbm>>
      tpu.wait_dma2 semaphore(%run_scoped3A : memref<!tpu.dma_semaphore, #tpu.memory_space<semaphore_mem>>) src(%dma_wait3A_344 : memref<8x128xi32, #tpu.memory_space<hbm>>) dst(%arg9 : memref<8x128xi32, #tpu.memory_space<vmem>>)
      tpu.yield
    }) : () -> ()
    %dma_start3A = arith.constant 0 : i32
    %dma_start3A_3 = arith.constant 0 : i32
    %dma_start3A_4 = arith.constant 0 : i32
    %dma_start3A_5 = tpu.memref_slice %arg10[%dma_start3A_3, %dma_start3A_4] : memref<1024x64xf32, #tpu.memory_space<vmem>> -> memref<128x64xf32, #tpu.memory_space<vmem>>
    %dma_start3A_6 = arith.constant 0 : i32
    %dma_start3A_7 = tpu.memref_slice %arg8[%dma_start3A, %dma_start3A_6] : memref<8x128xi32, #tpu.memory_space<vmem>> -> memref<1x128xi32, #tpu.memory_space<vmem>>
    %dma_start3A_8 = tpu.memref_squeeze %dma_start3A_7 : memref<1x128xi32, #tpu.memory_space<vmem>> -> memref<128xi32, #tpu.memory_space<vmem>>
    %dma_start3A_9 = arith.constant 0 : i32
    %dma_start3A_10 = arith.constant 0 : i32
    %dma_start3A_11 = tpu.memref_slice %arg2[%dma_start3A_9, %dma_start3A_10] : memref<32768x64xf32, #tpu.memory_space<hbm>> -> memref<32768x64xf32, #tpu.memory_space<hbm>>
    tpu.enqueue_indirect_dma source(%dma_start3A_11 : memref<32768x64xf32, #tpu.memory_space<hbm>>) target(%dma_start3A_5 : memref<128x64xf32, #tpu.memory_space<vmem>>) offsets(%dma_start3A_8 : memref<128xi32, #tpu.memory_space<vmem>>) semaphore(%arg12 : memref<!tpu.dma_semaphore, #tpu.memory_space<semaphore_mem>>)
    %dma_start3A_12 = arith.constant 1 : i32
    %dma_start3A_13 = arith.constant 128 : i32
    %dma_start3A_14 = arith.constant 0 : i32
    %dma_start3A_15 = tpu.memref_slice %arg10[%dma_start3A_13, %dma_start3A_14] : memref<1024x64xf32, #tpu.memory_space<vmem>> -> memref<128x64xf32, #tpu.memory_space<vmem>>
    %dma_start3A_16 = arith.constant 0 : i32
    %dma_start3A_17 = tpu.memref_slice %arg8[%dma_start3A_12, %dma_start3A_16] : memref<8x128xi32, #tpu.memory_space<vmem>> -> memref<1x128xi32, #tpu.memory_space<vmem>>
    %dma_start3A_18 = tpu.memref_squeeze %dma_start3A_17 : memref<1x128xi32, #tpu.memory_space<vmem>> -> memref<128xi32, #tpu.memory_space<vmem>>
    %dma_start3A_19 = arith.constant 0 : i32
    %dma_start3A_20 = arith.constant 0 : i32
    %dma_start3A_21 = tpu.memref_slice %arg2[%dma_start3A_19, %dma_start3A_20] : memref<32768x64xf32, #tpu.memory_space<hbm>> -> memref<32768x64xf32, #tpu.memory_space<hbm>>
    tpu.enqueue_indirect_dma source(%dma_start3A_21 : memref<32768x64xf32, #tpu.memory_space<hbm>>) target(%dma_start3A_15 : memref<128x64xf32, #tpu.memory_space<vmem>>) offsets(%dma_start3A_18 : memref<128xi32, #tpu.memory_space<vmem>>) semaphore(%arg12 : memref<!tpu.dma_semaphore, #tpu.memory_space<semaphore_mem>>)
    %dma_start3A_22 = arith.constant 2 : i32
    %dma_start3A_23 = arith.constant 256 : i32
    %dma_start3A_24 = arith.constant 0 : i32
    %dma_start3A_25 = tpu.memref_slice %arg10[%dma_start3A_23, %dma_start3A_24] : memref<1024x64xf32, #tpu.memory_space<vmem>> -> memref<128x64xf32, #tpu.memory_space<vmem>>
    %dma_start3A_26 = arith.constant 0 : i32
    %dma_start3A_27 = tpu.memref_slice %arg8[%dma_start3A_22, %dma_start3A_26] : memref<8x128xi32, #tpu.memory_space<vmem>> -> memref<1x128xi32, #tpu.memory_space<vmem>>
    %dma_start3A_28 = tpu.memref_squeeze %dma_start3A_27 : memref<1x128xi32, #tpu.memory_space<vmem>> -> memref<128xi32, #tpu.memory_space<vmem>>
    %dma_start3A_29 = arith.constant 0 : i32
    %dma_start3A_30 = arith.constant 0 : i32
    %dma_start3A_31 = tpu.memref_slice %arg2[%dma_start3A_29, %dma_start3A_30] : memref<32768x64xf32, #tpu.memory_space<hbm>> -> memref<32768x64xf32, #tpu.memory_space<hbm>>
    tpu.enqueue_indirect_dma source(%dma_start3A_31 : memref<32768x64xf32, #tpu.memory_space<hbm>>) target(%dma_start3A_25 : memref<128x64xf32, #tpu.memory_space<vmem>>) offsets(%dma_start3A_28 : memref<128xi32, #tpu.memory_space<vmem>>) semaphore(%arg12 : memref<!tpu.dma_semaphore, #tpu.memory_space<semaphore_mem>>)
    %dma_start3A_32 = arith.constant 3 : i32
    %dma_start3A_33 = arith.constant 384 : i32
    %dma_start3A_34 = arith.constant 0 : i32
    %dma_start3A_35 = tpu.memref_slice %arg10[%dma_start3A_33, %dma_start3A_34] : memref<1024x64xf32, #tpu.memory_space<vmem>> -> memref<128x64xf32, #tpu.memory_space<vmem>>
    %dma_start3A_36 = arith.constant 0 : i32
    %dma_start3A_37 = tpu.memref_slice %arg8[%dma_start3A_32, %dma_start3A_36] : memref<8x128xi32, #tpu.memory_space<vmem>> -> memref<1x128xi32, #tpu.memory_space<vmem>>
    %dma_start3A_38 = tpu.memref_squeeze %dma_start3A_37 : memref<1x128xi32, #tpu.memory_space<vmem>> -> memref<128xi32, #tpu.memory_space<vmem>>
    %dma_start3A_39 = arith.constant 0 : i32
    %dma_start3A_40 = arith.constant 0 : i32
    %dma_start3A_41 = tpu.memref_slice %arg2[%dma_start3A_39, %dma_start3A_40] : memref<32768x64xf32, #tpu.memory_space<hbm>> -> memref<32768x64xf32, #tpu.memory_space<hbm>>
    tpu.enqueue_indirect_dma source(%dma_start3A_41 : memref<32768x64xf32, #tpu.memory_space<hbm>>) target(%dma_start3A_35 : memref<128x64xf32, #tpu.memory_space<vmem>>) offsets(%dma_start3A_38 : memref<128xi32, #tpu.memory_space<vmem>>) semaphore(%arg12 : memref<!tpu.dma_semaphore, #tpu.memory_space<semaphore_mem>>)
    %dma_start3A_42 = arith.constant 4 : i32
    %dma_start3A_43 = arith.constant 512 : i32
    %dma_start3A_44 = arith.constant 0 : i32
    %dma_start3A_45 = tpu.memref_slice %arg10[%dma_start3A_43, %dma_start3A_44] : memref<1024x64xf32, #tpu.memory_space<vmem>> -> memref<128x64xf32, #tpu.memory_space<vmem>>
    %dma_start3A_46 = arith.constant 0 : i32
    %dma_start3A_47 = tpu.memref_slice %arg8[%dma_start3A_42, %dma_start3A_46] : memref<8x128xi32, #tpu.memory_space<vmem>> -> memref<1x128xi32, #tpu.memory_space<vmem>>
    %dma_start3A_48 = tpu.memref_squeeze %dma_start3A_47 : memref<1x128xi32, #tpu.memory_space<vmem>> -> memref<128xi32, #tpu.memory_space<vmem>>
    %dma_start3A_49 = arith.constant 0 : i32
    %dma_start3A_50 = arith.constant 0 : i32
    %dma_start3A_51 = tpu.memref_slice %arg2[%dma_start3A_49, %dma_start3A_50] : memref<32768x64xf32, #tpu.memory_space<hbm>> -> memref<32768x64xf32, #tpu.memory_space<hbm>>
    tpu.enqueue_indirect_dma source(%dma_start3A_51 : memref<32768x64xf32, #tpu.memory_space<hbm>>) target(%dma_start3A_45 : memref<128x64xf32, #tpu.memory_space<vmem>>) offsets(%dma_start3A_48 : memref<128xi32, #tpu.memory_space<vmem>>) semaphore(%arg12 : memref<!tpu.dma_semaphore, #tpu.memory_space<semaphore_mem>>)
    %dma_start3A_52 = arith.constant 5 : i32
    %dma_start3A_53 = arith.constant 640 : i32
    %dma_start3A_54 = arith.constant 0 : i32
    %dma_start3A_55 = tpu.memref_slice %arg10[%dma_start3A_53, %dma_start3A_54] : memref<1024x64xf32, #tpu.memory_space<vmem>> -> memref<128x64xf32, #tpu.memory_space<vmem>>
    %dma_start3A_56 = arith.constant 0 : i32
    %dma_start3A_57 = tpu.memref_slice %arg8[%dma_start3A_52, %dma_start3A_56] : memref<8x128xi32, #tpu.memory_space<vmem>> -> memref<1x128xi32, #tpu.memory_space<vmem>>
    %dma_start3A_58 = tpu.memref_squeeze %dma_start3A_57 : memref<1x128xi32, #tpu.memory_space<vmem>> -> memref<128xi32, #tpu.memory_space<vmem>>
    %dma_start3A_59 = arith.constant 0 : i32
    %dma_start3A_60 = arith.constant 0 : i32
    %dma_start3A_61 = tpu.memref_slice %arg2[%dma_start3A_59, %dma_start3A_60] : memref<32768x64xf32, #tpu.memory_space<hbm>> -> memref<32768x64xf32, #tpu.memory_space<hbm>>
    tpu.enqueue_indirect_dma source(%dma_start3A_61 : memref<32768x64xf32, #tpu.memory_space<hbm>>) target(%dma_start3A_55 : memref<128x64xf32, #tpu.memory_space<vmem>>) offsets(%dma_start3A_58 : memref<128xi32, #tpu.memory_space<vmem>>) semaphore(%arg12 : memref<!tpu.dma_semaphore, #tpu.memory_space<semaphore_mem>>)
    %dma_start3A_62 = arith.constant 6 : i32
    %dma_start3A_63 = arith.constant 768 : i32
    %dma_start3A_64 = arith.constant 0 : i32
    %dma_start3A_65 = tpu.memref_slice %arg10[%dma_start3A_63, %dma_start3A_64] : memref<1024x64xf32, #tpu.memory_space<vmem>> -> memref<128x64xf32, #tpu.memory_space<vmem>>
    %dma_start3A_66 = arith.constant 0 : i32
    %dma_start3A_67 = tpu.memref_slice %arg8[%dma_start3A_62, %dma_start3A_66] : memref<8x128xi32, #tpu.memory_space<vmem>> -> memref<1x128xi32, #tpu.memory_space<vmem>>
    %dma_start3A_68 = tpu.memref_squeeze %dma_start3A_67 : memref<1x128xi32, #tpu.memory_space<vmem>> -> memref<128xi32, #tpu.memory_space<vmem>>
    %dma_start3A_69 = arith.constant 0 : i32
    %dma_start3A_70 = arith.constant 0 : i32
    %dma_start3A_71 = tpu.memref_slice %arg2[%dma_start3A_69, %dma_start3A_70] : memref<32768x64xf32, #tpu.memory_space<hbm>> -> memref<32768x64xf32, #tpu.memory_space<hbm>>
    tpu.enqueue_indirect_dma source(%dma_start3A_71 : memref<32768x64xf32, #tpu.memory_space<hbm>>) target(%dma_start3A_65 : memref<128x64xf32, #tpu.memory_space<vmem>>) offsets(%dma_start3A_68 : memref<128xi32, #tpu.memory_space<vmem>>) semaphore(%arg12 : memref<!tpu.dma_semaphore, #tpu.memory_space<semaphore_mem>>)
    %dma_start3A_72 = arith.constant 7 : i32
    %dma_start3A_73 = arith.constant 896 : i32
    %dma_start3A_74 = arith.constant 0 : i32
    %dma_start3A_75 = tpu.memref_slice %arg10[%dma_start3A_73, %dma_start3A_74] : memref<1024x64xf32, #tpu.memory_space<vmem>> -> memref<128x64xf32, #tpu.memory_space<vmem>>
    %dma_start3A_76 = arith.constant 0 : i32
    %dma_start3A_77 = tpu.memref_slice %arg8[%dma_start3A_72, %dma_start3A_76] : memref<8x128xi32, #tpu.memory_space<vmem>> -> memref<1x128xi32, #tpu.memory_space<vmem>>
    %dma_start3A_78 = tpu.memref_squeeze %dma_start3A_77 : memref<1x128xi32, #tpu.memory_space<vmem>> -> memref<128xi32, #tpu.memory_space<vmem>>
    %dma_start3A_79 = arith.constant 0 : i32
    %dma_start3A_80 = arith.constant 0 : i32
    %dma_start3A_81 = tpu.memref_slice %arg2[%dma_start3A_79, %dma_start3A_80] : memref<32768x64xf32, #tpu.memory_space<hbm>> -> memref<32768x64xf32, #tpu.memory_space<hbm>>
    tpu.enqueue_indirect_dma source(%dma_start3A_81 : memref<32768x64xf32, #tpu.memory_space<hbm>>) target(%dma_start3A_75 : memref<128x64xf32, #tpu.memory_space<vmem>>) offsets(%dma_start3A_78 : memref<128xi32, #tpu.memory_space<vmem>>) semaphore(%arg12 : memref<!tpu.dma_semaphore, #tpu.memory_space<semaphore_mem>>)
    %dma_wait3A = arith.constant 0 : i32
    %dma_wait3A_82 = arith.constant 0 : i32
    %dma_wait3A_83 = arith.constant 0 : i32
    %dma_wait3A_84 = tpu.memref_slice %arg10[%dma_wait3A_82, %dma_wait3A_83] : memref<1024x64xf32, #tpu.memory_space<vmem>> -> memref<128x64xf32, #tpu.memory_space<vmem>>
    %dma_wait3A_85 = arith.constant 0 : i32
    %dma_wait3A_86 = tpu.memref_slice %arg8[%dma_wait3A, %dma_wait3A_85] : memref<8x128xi32, #tpu.memory_space<vmem>> -> memref<1x128xi32, #tpu.memory_space<vmem>>
    %dma_wait3A_87 = tpu.memref_squeeze %dma_wait3A_86 : memref<1x128xi32, #tpu.memory_space<vmem>> -> memref<128xi32, #tpu.memory_space<vmem>>
    %dma_wait3A_88 = arith.constant 0 : i32
    %dma_wait3A_89 = arith.constant 0 : i32
    %dma_wait3A_90 = tpu.memref_slice %arg2[%dma_wait3A_88, %dma_wait3A_89] : memref<32768x64xf32, #tpu.memory_space<hbm>> -> memref<32768x64xf32, #tpu.memory_space<hbm>>
    tpu.wait_indirect_dma semaphore(%arg12 : memref<!tpu.dma_semaphore, #tpu.memory_space<semaphore_mem>>) src(%dma_wait3A_90 : memref<32768x64xf32, #tpu.memory_space<hbm>>) dst(%dma_wait3A_84 : memref<128x64xf32, #tpu.memory_space<vmem>>)
    %dma_wait3A_91 = arith.constant 1 : i32
    %dma_wait3A_92 = arith.constant 128 : i32
    %dma_wait3A_93 = arith.constant 0 : i32
    %dma_wait3A_94 = tpu.memref_slice %arg10[%dma_wait3A_92, %dma_wait3A_93] : memref<1024x64xf32, #tpu.memory_space<vmem>> -> memref<128x64xf32, #tpu.memory_space<vmem>>
    %dma_wait3A_95 = arith.constant 0 : i32
    %dma_wait3A_96 = tpu.memref_slice %arg8[%dma_wait3A_91, %dma_wait3A_95] : memref<8x128xi32, #tpu.memory_space<vmem>> -> memref<1x128xi32, #tpu.memory_space<vmem>>
    %dma_wait3A_97 = tpu.memref_squeeze %dma_wait3A_96 : memref<1x128xi32, #tpu.memory_space<vmem>> -> memref<128xi32, #tpu.memory_space<vmem>>
    %dma_wait3A_98 = arith.constant 0 : i32
    %dma_wait3A_99 = arith.constant 0 : i32
    %dma_wait3A_100 = tpu.memref_slice %arg2[%dma_wait3A_98, %dma_wait3A_99] : memref<32768x64xf32, #tpu.memory_space<hbm>> -> memref<32768x64xf32, #tpu.memory_space<hbm>>
    tpu.wait_indirect_dma semaphore(%arg12 : memref<!tpu.dma_semaphore, #tpu.memory_space<semaphore_mem>>) src(%dma_wait3A_100 : memref<32768x64xf32, #tpu.memory_space<hbm>>) dst(%dma_wait3A_94 : memref<128x64xf32, #tpu.memory_space<vmem>>)
    %dma_wait3A_101 = arith.constant 2 : i32
    %dma_wait3A_102 = arith.constant 256 : i32
    %dma_wait3A_103 = arith.constant 0 : i32
    %dma_wait3A_104 = tpu.memref_slice %arg10[%dma_wait3A_102, %dma_wait3A_103] : memref<1024x64xf32, #tpu.memory_space<vmem>> -> memref<128x64xf32, #tpu.memory_space<vmem>>
    %dma_wait3A_105 = arith.constant 0 : i32
    %dma_wait3A_106 = tpu.memref_slice %arg8[%dma_wait3A_101, %dma_wait3A_105] : memref<8x128xi32, #tpu.memory_space<vmem>> -> memref<1x128xi32, #tpu.memory_space<vmem>>
    %dma_wait3A_107 = tpu.memref_squeeze %dma_wait3A_106 : memref<1x128xi32, #tpu.memory_space<vmem>> -> memref<128xi32, #tpu.memory_space<vmem>>
    %dma_wait3A_108 = arith.constant 0 : i32
    %dma_wait3A_109 = arith.constant 0 : i32
    %dma_wait3A_110 = tpu.memref_slice %arg2[%dma_wait3A_108, %dma_wait3A_109] : memref<32768x64xf32, #tpu.memory_space<hbm>> -> memref<32768x64xf32, #tpu.memory_space<hbm>>
    tpu.wait_indirect_dma semaphore(%arg12 : memref<!tpu.dma_semaphore, #tpu.memory_space<semaphore_mem>>) src(%dma_wait3A_110 : memref<32768x64xf32, #tpu.memory_space<hbm>>) dst(%dma_wait3A_104 : memref<128x64xf32, #tpu.memory_space<vmem>>)
    %dma_wait3A_111 = arith.constant 3 : i32
    %dma_wait3A_112 = arith.constant 384 : i32
    %dma_wait3A_113 = arith.constant 0 : i32
    %dma_wait3A_114 = tpu.memref_slice %arg10[%dma_wait3A_112, %dma_wait3A_113] : memref<1024x64xf32, #tpu.memory_space<vmem>> -> memref<128x64xf32, #tpu.memory_space<vmem>>
    %dma_wait3A_115 = arith.constant 0 : i32
    %dma_wait3A_116 = tpu.memref_slice %arg8[%dma_wait3A_111, %dma_wait3A_115] : memref<8x128xi32, #tpu.memory_space<vmem>> -> memref<1x128xi32, #tpu.memory_space<vmem>>
    %dma_wait3A_117 = tpu.memref_squeeze %dma_wait3A_116 : memref<1x128xi32, #tpu.memory_space<vmem>> -> memref<128xi32, #tpu.memory_space<vmem>>
    %dma_wait3A_118 = arith.constant 0 : i32
    %dma_wait3A_119 = arith.constant 0 : i32
    %dma_wait3A_120 = tpu.memref_slice %arg2[%dma_wait3A_118, %dma_wait3A_119] : memref<32768x64xf32, #tpu.memory_space<hbm>> -> memref<32768x64xf32, #tpu.memory_space<hbm>>
    tpu.wait_indirect_dma semaphore(%arg12 : memref<!tpu.dma_semaphore, #tpu.memory_space<semaphore_mem>>) src(%dma_wait3A_120 : memref<32768x64xf32, #tpu.memory_space<hbm>>) dst(%dma_wait3A_114 : memref<128x64xf32, #tpu.memory_space<vmem>>)
    %dma_wait3A_121 = arith.constant 4 : i32
    %dma_wait3A_122 = arith.constant 512 : i32
    %dma_wait3A_123 = arith.constant 0 : i32
    %dma_wait3A_124 = tpu.memref_slice %arg10[%dma_wait3A_122, %dma_wait3A_123] : memref<1024x64xf32, #tpu.memory_space<vmem>> -> memref<128x64xf32, #tpu.memory_space<vmem>>
    %dma_wait3A_125 = arith.constant 0 : i32
    %dma_wait3A_126 = tpu.memref_slice %arg8[%dma_wait3A_121, %dma_wait3A_125] : memref<8x128xi32, #tpu.memory_space<vmem>> -> memref<1x128xi32, #tpu.memory_space<vmem>>
    %dma_wait3A_127 = tpu.memref_squeeze %dma_wait3A_126 : memref<1x128xi32, #tpu.memory_space<vmem>> -> memref<128xi32, #tpu.memory_space<vmem>>
    %dma_wait3A_128 = arith.constant 0 : i32
    %dma_wait3A_129 = arith.constant 0 : i32
    %dma_wait3A_130 = tpu.memref_slice %arg2[%dma_wait3A_128, %dma_wait3A_129] : memref<32768x64xf32, #tpu.memory_space<hbm>> -> memref<32768x64xf32, #tpu.memory_space<hbm>>
    tpu.wait_indirect_dma semaphore(%arg12 : memref<!tpu.dma_semaphore, #tpu.memory_space<semaphore_mem>>) src(%dma_wait3A_130 : memref<32768x64xf32, #tpu.memory_space<hbm>>) dst(%dma_wait3A_124 : memref<128x64xf32, #tpu.memory_space<vmem>>)
    %dma_wait3A_131 = arith.constant 5 : i32
    %dma_wait3A_132 = arith.constant 640 : i32
    %dma_wait3A_133 = arith.constant 0 : i32
    %dma_wait3A_134 = tpu.memref_slice %arg10[%dma_wait3A_132, %dma_wait3A_133] : memref<1024x64xf32, #tpu.memory_space<vmem>> -> memref<128x64xf32, #tpu.memory_space<vmem>>
    %dma_wait3A_135 = arith.constant 0 : i32
    %dma_wait3A_136 = tpu.memref_slice %arg8[%dma_wait3A_131, %dma_wait3A_135] : memref<8x128xi32, #tpu.memory_space<vmem>> -> memref<1x128xi32, #tpu.memory_space<vmem>>
    %dma_wait3A_137 = tpu.memref_squeeze %dma_wait3A_136 : memref<1x128xi32, #tpu.memory_space<vmem>> -> memref<128xi32, #tpu.memory_space<vmem>>
    %dma_wait3A_138 = arith.constant 0 : i32
    %dma_wait3A_139 = arith.constant 0 : i32
    %dma_wait3A_140 = tpu.memref_slice %arg2[%dma_wait3A_138, %dma_wait3A_139] : memref<32768x64xf32, #tpu.memory_space<hbm>> -> memref<32768x64xf32, #tpu.memory_space<hbm>>
    tpu.wait_indirect_dma semaphore(%arg12 : memref<!tpu.dma_semaphore, #tpu.memory_space<semaphore_mem>>) src(%dma_wait3A_140 : memref<32768x64xf32, #tpu.memory_space<hbm>>) dst(%dma_wait3A_134 : memref<128x64xf32, #tpu.memory_space<vmem>>)
    %dma_wait3A_141 = arith.constant 6 : i32
    %dma_wait3A_142 = arith.constant 768 : i32
    %dma_wait3A_143 = arith.constant 0 : i32
    %dma_wait3A_144 = tpu.memref_slice %arg10[%dma_wait3A_142, %dma_wait3A_143] : memref<1024x64xf32, #tpu.memory_space<vmem>> -> memref<128x64xf32, #tpu.memory_space<vmem>>
    %dma_wait3A_145 = arith.constant 0 : i32
    %dma_wait3A_146 = tpu.memref_slice %arg8[%dma_wait3A_141, %dma_wait3A_145] : memref<8x128xi32, #tpu.memory_space<vmem>> -> memref<1x128xi32, #tpu.memory_space<vmem>>
    %dma_wait3A_147 = tpu.memref_squeeze %dma_wait3A_146 : memref<1x128xi32, #tpu.memory_space<vmem>> -> memref<128xi32, #tpu.memory_space<vmem>>
    %dma_wait3A_148 = arith.constant 0 : i32
    %dma_wait3A_149 = arith.constant 0 : i32
    %dma_wait3A_150 = tpu.memref_slice %arg2[%dma_wait3A_148, %dma_wait3A_149] : memref<32768x64xf32, #tpu.memory_space<hbm>> -> memref<32768x64xf32, #tpu.memory_space<hbm>>
    tpu.wait_indirect_dma semaphore(%arg12 : memref<!tpu.dma_semaphore, #tpu.memory_space<semaphore_mem>>) src(%dma_wait3A_150 : memref<32768x64xf32, #tpu.memory_space<hbm>>) dst(%dma_wait3A_144 : memref<128x64xf32, #tpu.memory_space<vmem>>)
    %dma_wait3A_151 = arith.constant 7 : i32
    %dma_wait3A_152 = arith.constant 896 : i32
    %dma_wait3A_153 = arith.constant 0 : i32
    %dma_wait3A_154 = tpu.memref_slice %arg10[%dma_wait3A_152, %dma_wait3A_153] : memref<1024x64xf32, #tpu.memory_space<vmem>> -> memref<128x64xf32, #tpu.memory_space<vmem>>
    %dma_wait3A_155 = arith.constant 0 : i32
    %dma_wait3A_156 = tpu.memref_slice %arg8[%dma_wait3A_151, %dma_wait3A_155] : memref<8x128xi32, #tpu.memory_space<vmem>> -> memref<1x128xi32, #tpu.memory_space<vmem>>
    %dma_wait3A_157 = tpu.memref_squeeze %dma_wait3A_156 : memref<1x128xi32, #tpu.memory_space<vmem>> -> memref<128xi32, #tpu.memory_space<vmem>>
    %dma_wait3A_158 = arith.constant 0 : i32
    %dma_wait3A_159 = arith.constant 0 : i32
    %dma_wait3A_160 = tpu.memref_slice %arg2[%dma_wait3A_158, %dma_wait3A_159] : memref<32768x64xf32, #tpu.memory_space<hbm>> -> memref<32768x64xf32, #tpu.memory_space<hbm>>
    tpu.wait_indirect_dma semaphore(%arg12 : memref<!tpu.dma_semaphore, #tpu.memory_space<semaphore_mem>>) src(%dma_wait3A_160 : memref<32768x64xf32, #tpu.memory_space<hbm>>) dst(%dma_wait3A_154 : memref<128x64xf32, #tpu.memory_space<vmem>>)
    %dma_start3A_161 = arith.constant 0 : i32
    %dma_start3A_162 = arith.constant 0 : i32
    %dma_start3A_163 = arith.constant 0 : i32
    %dma_start3A_164 = tpu.memref_slice %arg10[%dma_start3A_162, %dma_start3A_163] : memref<1024x64xf32, #tpu.memory_space<vmem>> -> memref<128x64xf32, #tpu.memory_space<vmem>>
    %dma_start3A_165 = arith.constant 0 : i32
    %dma_start3A_166 = tpu.memref_slice %arg9[%dma_start3A_161, %dma_start3A_165] : memref<8x128xi32, #tpu.memory_space<vmem>> -> memref<1x128xi32, #tpu.memory_space<vmem>>
    %dma_start3A_167 = tpu.memref_squeeze %dma_start3A_166 : memref<1x128xi32, #tpu.memory_space<vmem>> -> memref<128xi32, #tpu.memory_space<vmem>>
    %dma_start3A_168 = arith.constant 0 : i32
    %dma_start3A_169 = arith.constant 0 : i32
    %dma_start3A_170 = tpu.memref_slice %arg11[%dma_start3A_168, %dma_start3A_169] : memref<2048x64xf32, #tpu.memory_space<vmem_shared>> -> memref<2048x64xf32, #tpu.memory_space<vmem_shared>>
    tpu.enqueue_indirect_dma source(%dma_start3A_164 : memref<128x64xf32, #tpu.memory_space<vmem>>) target(%dma_start3A_170 : memref<2048x64xf32, #tpu.memory_space<vmem_shared>>) offsets(%dma_start3A_167 : memref<128xi32, #tpu.memory_space<vmem>>) semaphore(%arg13 : memref<!tpu.dma_semaphore, #tpu.memory_space<semaphore_mem>>) {add = true}
    %dma_start3A_171 = arith.constant 1 : i32
    %dma_start3A_172 = arith.constant 128 : i32
    %dma_start3A_173 = arith.constant 0 : i32
    %dma_start3A_174 = tpu.memref_slice %arg10[%dma_start3A_172, %dma_start3A_173] : memref<1024x64xf32, #tpu.memory_space<vmem>> -> memref<128x64xf32, #tpu.memory_space<vmem>>
    %dma_start3A_175 = arith.constant 0 : i32
    %dma_start3A_176 = tpu.memref_slice %arg9[%dma_start3A_171, %dma_start3A_175] : memref<8x128xi32, #tpu.memory_space<vmem>> -> memref<1x128xi32, #tpu.memory_space<vmem>>
    %dma_start3A_177 = tpu.memref_squeeze %dma_start3A_176 : memref<1x128xi32, #tpu.memory_space<vmem>> -> memref<128xi32, #tpu.memory_space<vmem>>
    %dma_start3A_178 = arith.constant 0 : i32
    %dma_start3A_179 = arith.constant 0 : i32
    %dma_start3A_180 = tpu.memref_slice %arg11[%dma_start3A_178, %dma_start3A_179] : memref<2048x64xf32, #tpu.memory_space<vmem_shared>> -> memref<2048x64xf32, #tpu.memory_space<vmem_shared>>
    tpu.enqueue_indirect_dma source(%dma_start3A_174 : memref<128x64xf32, #tpu.memory_space<vmem>>) target(%dma_start3A_180 : memref<2048x64xf32, #tpu.memory_space<vmem_shared>>) offsets(%dma_start3A_177 : memref<128xi32, #tpu.memory_space<vmem>>) semaphore(%arg13 : memref<!tpu.dma_semaphore, #tpu.memory_space<semaphore_mem>>) {add = true}
    %dma_start3A_181 = arith.constant 2 : i32
    %dma_start3A_182 = arith.constant 256 : i32
    %dma_start3A_183 = arith.constant 0 : i32
    %dma_start3A_184 = tpu.memref_slice %arg10[%dma_start3A_182, %dma_start3A_183] : memref<1024x64xf32, #tpu.memory_space<vmem>> -> memref<128x64xf32, #tpu.memory_space<vmem>>
    %dma_start3A_185 = arith.constant 0 : i32
    %dma_start3A_186 = tpu.memref_slice %arg9[%dma_start3A_181, %dma_start3A_185] : memref<8x128xi32, #tpu.memory_space<vmem>> -> memref<1x128xi32, #tpu.memory_space<vmem>>
    %dma_start3A_187 = tpu.memref_squeeze %dma_start3A_186 : memref<1x128xi32, #tpu.memory_space<vmem>> -> memref<128xi32, #tpu.memory_space<vmem>>
    %dma_start3A_188 = arith.constant 0 : i32
    %dma_start3A_189 = arith.constant 0 : i32
    %dma_start3A_190 = tpu.memref_slice %arg11[%dma_start3A_188, %dma_start3A_189] : memref<2048x64xf32, #tpu.memory_space<vmem_shared>> -> memref<2048x64xf32, #tpu.memory_space<vmem_shared>>
    tpu.enqueue_indirect_dma source(%dma_start3A_184 : memref<128x64xf32, #tpu.memory_space<vmem>>) target(%dma_start3A_190 : memref<2048x64xf32, #tpu.memory_space<vmem_shared>>) offsets(%dma_start3A_187 : memref<128xi32, #tpu.memory_space<vmem>>) semaphore(%arg13 : memref<!tpu.dma_semaphore, #tpu.memory_space<semaphore_mem>>) {add = true}
    %dma_start3A_191 = arith.constant 3 : i32
    %dma_start3A_192 = arith.constant 384 : i32
    %dma_start3A_193 = arith.constant 0 : i32
    %dma_start3A_194 = tpu.memref_slice %arg10[%dma_start3A_192, %dma_start3A_193] : memref<1024x64xf32, #tpu.memory_space<vmem>> -> memref<128x64xf32, #tpu.memory_space<vmem>>
    %dma_start3A_195 = arith.constant 0 : i32
    %dma_start3A_196 = tpu.memref_slice %arg9[%dma_start3A_191, %dma_start3A_195] : memref<8x128xi32, #tpu.memory_space<vmem>> -> memref<1x128xi32, #tpu.memory_space<vmem>>
    %dma_start3A_197 = tpu.memref_squeeze %dma_start3A_196 : memref<1x128xi32, #tpu.memory_space<vmem>> -> memref<128xi32, #tpu.memory_space<vmem>>
    %dma_start3A_198 = arith.constant 0 : i32
    %dma_start3A_199 = arith.constant 0 : i32
    %dma_start3A_200 = tpu.memref_slice %arg11[%dma_start3A_198, %dma_start3A_199] : memref<2048x64xf32, #tpu.memory_space<vmem_shared>> -> memref<2048x64xf32, #tpu.memory_space<vmem_shared>>
    tpu.enqueue_indirect_dma source(%dma_start3A_194 : memref<128x64xf32, #tpu.memory_space<vmem>>) target(%dma_start3A_200 : memref<2048x64xf32, #tpu.memory_space<vmem_shared>>) offsets(%dma_start3A_197 : memref<128xi32, #tpu.memory_space<vmem>>) semaphore(%arg13 : memref<!tpu.dma_semaphore, #tpu.memory_space<semaphore_mem>>) {add = true}
    %dma_start3A_201 = arith.constant 4 : i32
    %dma_start3A_202 = arith.constant 512 : i32
    %dma_start3A_203 = arith.constant 0 : i32
    %dma_start3A_204 = tpu.memref_slice %arg10[%dma_start3A_202, %dma_start3A_203] : memref<1024x64xf32, #tpu.memory_space<vmem>> -> memref<128x64xf32, #tpu.memory_space<vmem>>
    %dma_start3A_205 = arith.constant 0 : i32
    %dma_start3A_206 = tpu.memref_slice %arg9[%dma_start3A_201, %dma_start3A_205] : memref<8x128xi32, #tpu.memory_space<vmem>> -> memref<1x128xi32, #tpu.memory_space<vmem>>
    %dma_start3A_207 = tpu.memref_squeeze %dma_start3A_206 : memref<1x128xi32, #tpu.memory_space<vmem>> -> memref<128xi32, #tpu.memory_space<vmem>>
    %dma_start3A_208 = arith.constant 0 : i32
    %dma_start3A_209 = arith.constant 0 : i32
    %dma_start3A_210 = tpu.memref_slice %arg11[%dma_start3A_208, %dma_start3A_209] : memref<2048x64xf32, #tpu.memory_space<vmem_shared>> -> memref<2048x64xf32, #tpu.memory_space<vmem_shared>>
    tpu.enqueue_indirect_dma source(%dma_start3A_204 : memref<128x64xf32, #tpu.memory_space<vmem>>) target(%dma_start3A_210 : memref<2048x64xf32, #tpu.memory_space<vmem_shared>>) offsets(%dma_start3A_207 : memref<128xi32, #tpu.memory_space<vmem>>) semaphore(%arg13 : memref<!tpu.dma_semaphore, #tpu.memory_space<semaphore_mem>>) {add = true}
    %dma_start3A_211 = arith.constant 5 : i32
    %dma_start3A_212 = arith.constant 640 : i32
    %dma_start3A_213 = arith.constant 0 : i32
    %dma_start3A_214 = tpu.memref_slice %arg10[%dma_start3A_212, %dma_start3A_213] : memref<1024x64xf32, #tpu.memory_space<vmem>> -> memref<128x64xf32, #tpu.memory_space<vmem>>
    %dma_start3A_215 = arith.constant 0 : i32
    %dma_start3A_216 = tpu.memref_slice %arg9[%dma_start3A_211, %dma_start3A_215] : memref<8x128xi32, #tpu.memory_space<vmem>> -> memref<1x128xi32, #tpu.memory_space<vmem>>
    %dma_start3A_217 = tpu.memref_squeeze %dma_start3A_216 : memref<1x128xi32, #tpu.memory_space<vmem>> -> memref<128xi32, #tpu.memory_space<vmem>>
    %dma_start3A_218 = arith.constant 0 : i32
    %dma_start3A_219 = arith.constant 0 : i32
    %dma_start3A_220 = tpu.memref_slice %arg11[%dma_start3A_218, %dma_start3A_219] : memref<2048x64xf32, #tpu.memory_space<vmem_shared>> -> memref<2048x64xf32, #tpu.memory_space<vmem_shared>>
    tpu.enqueue_indirect_dma source(%dma_start3A_214 : memref<128x64xf32, #tpu.memory_space<vmem>>) target(%dma_start3A_220 : memref<2048x64xf32, #tpu.memory_space<vmem_shared>>) offsets(%dma_start3A_217 : memref<128xi32, #tpu.memory_space<vmem>>) semaphore(%arg13 : memref<!tpu.dma_semaphore, #tpu.memory_space<semaphore_mem>>) {add = true}
    %dma_start3A_221 = arith.constant 6 : i32
    %dma_start3A_222 = arith.constant 768 : i32
    %dma_start3A_223 = arith.constant 0 : i32
    %dma_start3A_224 = tpu.memref_slice %arg10[%dma_start3A_222, %dma_start3A_223] : memref<1024x64xf32, #tpu.memory_space<vmem>> -> memref<128x64xf32, #tpu.memory_space<vmem>>
    %dma_start3A_225 = arith.constant 0 : i32
    %dma_start3A_226 = tpu.memref_slice %arg9[%dma_start3A_221, %dma_start3A_225] : memref<8x128xi32, #tpu.memory_space<vmem>> -> memref<1x128xi32, #tpu.memory_space<vmem>>
    %dma_start3A_227 = tpu.memref_squeeze %dma_start3A_226 : memref<1x128xi32, #tpu.memory_space<vmem>> -> memref<128xi32, #tpu.memory_space<vmem>>
    %dma_start3A_228 = arith.constant 0 : i32
    %dma_start3A_229 = arith.constant 0 : i32
    %dma_start3A_230 = tpu.memref_slice %arg11[%dma_start3A_228, %dma_start3A_229] : memref<2048x64xf32, #tpu.memory_space<vmem_shared>> -> memref<2048x64xf32, #tpu.memory_space<vmem_shared>>
    tpu.enqueue_indirect_dma source(%dma_start3A_224 : memref<128x64xf32, #tpu.memory_space<vmem>>) target(%dma_start3A_230 : memref<2048x64xf32, #tpu.memory_space<vmem_shared>>) offsets(%dma_start3A_227 : memref<128xi32, #tpu.memory_space<vmem>>) semaphore(%arg13 : memref<!tpu.dma_semaphore, #tpu.memory_space<semaphore_mem>>) {add = true}
    %dma_start3A_231 = arith.constant 7 : i32
    %dma_start3A_232 = arith.constant 896 : i32
    %dma_start3A_233 = arith.constant 0 : i32
    %dma_start3A_234 = tpu.memref_slice %arg10[%dma_start3A_232, %dma_start3A_233] : memref<1024x64xf32, #tpu.memory_space<vmem>> -> memref<128x64xf32, #tpu.memory_space<vmem>>
    %dma_start3A_235 = arith.constant 0 : i32
    %dma_start3A_236 = tpu.memref_slice %arg9[%dma_start3A_231, %dma_start3A_235] : memref<8x128xi32, #tpu.memory_space<vmem>> -> memref<1x128xi32, #tpu.memory_space<vmem>>
    %dma_start3A_237 = tpu.memref_squeeze %dma_start3A_236 : memref<1x128xi32, #tpu.memory_space<vmem>> -> memref<128xi32, #tpu.memory_space<vmem>>
    %dma_start3A_238 = arith.constant 0 : i32
    %dma_start3A_239 = arith.constant 0 : i32
    %dma_start3A_240 = tpu.memref_slice %arg11[%dma_start3A_238, %dma_start3A_239] : memref<2048x64xf32, #tpu.memory_space<vmem_shared>> -> memref<2048x64xf32, #tpu.memory_space<vmem_shared>>
    tpu.enqueue_indirect_dma source(%dma_start3A_234 : memref<128x64xf32, #tpu.memory_space<vmem>>) target(%dma_start3A_240 : memref<2048x64xf32, #tpu.memory_space<vmem_shared>>) offsets(%dma_start3A_237 : memref<128xi32, #tpu.memory_space<vmem>>) semaphore(%arg13 : memref<!tpu.dma_semaphore, #tpu.memory_space<semaphore_mem>>) {add = true}
    %dma_wait3A_241 = arith.constant 0 : i32
    %dma_wait3A_242 = arith.constant 0 : i32
    %dma_wait3A_243 = arith.constant 0 : i32
    %dma_wait3A_244 = tpu.memref_slice %arg10[%dma_wait3A_242, %dma_wait3A_243] : memref<1024x64xf32, #tpu.memory_space<vmem>> -> memref<128x64xf32, #tpu.memory_space<vmem>>
    %dma_wait3A_245 = arith.constant 0 : i32
    %dma_wait3A_246 = tpu.memref_slice %arg9[%dma_wait3A_241, %dma_wait3A_245] : memref<8x128xi32, #tpu.memory_space<vmem>> -> memref<1x128xi32, #tpu.memory_space<vmem>>
    %dma_wait3A_247 = tpu.memref_squeeze %dma_wait3A_246 : memref<1x128xi32, #tpu.memory_space<vmem>> -> memref<128xi32, #tpu.memory_space<vmem>>
    %dma_wait3A_248 = arith.constant 0 : i32
    %dma_wait3A_249 = arith.constant 0 : i32
    %dma_wait3A_250 = tpu.memref_slice %arg11[%dma_wait3A_248, %dma_wait3A_249] : memref<2048x64xf32, #tpu.memory_space<vmem_shared>> -> memref<2048x64xf32, #tpu.memory_space<vmem_shared>>
    tpu.wait_indirect_dma semaphore(%arg13 : memref<!tpu.dma_semaphore, #tpu.memory_space<semaphore_mem>>) src(%dma_wait3A_244 : memref<128x64xf32, #tpu.memory_space<vmem>>) dst(%dma_wait3A_250 : memref<2048x64xf32, #tpu.memory_space<vmem_shared>>)
    %dma_wait3A_251 = arith.constant 1 : i32
    %dma_wait3A_252 = arith.constant 128 : i32
    %dma_wait3A_253 = arith.constant 0 : i32
    %dma_wait3A_254 = tpu.memref_slice %arg10[%dma_wait3A_252, %dma_wait3A_253] : memref<1024x64xf32, #tpu.memory_space<vmem>> -> memref<128x64xf32, #tpu.memory_space<vmem>>
    %dma_wait3A_255 = arith.constant 0 : i32
    %dma_wait3A_256 = tpu.memref_slice %arg9[%dma_wait3A_251, %dma_wait3A_255] : memref<8x128xi32, #tpu.memory_space<vmem>> -> memref<1x128xi32, #tpu.memory_space<vmem>>
    %dma_wait3A_257 = tpu.memref_squeeze %dma_wait3A_256 : memref<1x128xi32, #tpu.memory_space<vmem>> -> memref<128xi32, #tpu.memory_space<vmem>>
    %dma_wait3A_258 = arith.constant 0 : i32
    %dma_wait3A_259 = arith.constant 0 : i32
    %dma_wait3A_260 = tpu.memref_slice %arg11[%dma_wait3A_258, %dma_wait3A_259] : memref<2048x64xf32, #tpu.memory_space<vmem_shared>> -> memref<2048x64xf32, #tpu.memory_space<vmem_shared>>
    tpu.wait_indirect_dma semaphore(%arg13 : memref<!tpu.dma_semaphore, #tpu.memory_space<semaphore_mem>>) src(%dma_wait3A_254 : memref<128x64xf32, #tpu.memory_space<vmem>>) dst(%dma_wait3A_260 : memref<2048x64xf32, #tpu.memory_space<vmem_shared>>)
    %dma_wait3A_261 = arith.constant 2 : i32
    %dma_wait3A_262 = arith.constant 256 : i32
    %dma_wait3A_263 = arith.constant 0 : i32
    %dma_wait3A_264 = tpu.memref_slice %arg10[%dma_wait3A_262, %dma_wait3A_263] : memref<1024x64xf32, #tpu.memory_space<vmem>> -> memref<128x64xf32, #tpu.memory_space<vmem>>
    %dma_wait3A_265 = arith.constant 0 : i32
    %dma_wait3A_266 = tpu.memref_slice %arg9[%dma_wait3A_261, %dma_wait3A_265] : memref<8x128xi32, #tpu.memory_space<vmem>> -> memref<1x128xi32, #tpu.memory_space<vmem>>
    %dma_wait3A_267 = tpu.memref_squeeze %dma_wait3A_266 : memref<1x128xi32, #tpu.memory_space<vmem>> -> memref<128xi32, #tpu.memory_space<vmem>>
    %dma_wait3A_268 = arith.constant 0 : i32
    %dma_wait3A_269 = arith.constant 0 : i32
    %dma_wait3A_270 = tpu.memref_slice %arg11[%dma_wait3A_268, %dma_wait3A_269] : memref<2048x64xf32, #tpu.memory_space<vmem_shared>> -> memref<2048x64xf32, #tpu.memory_space<vmem_shared>>
    tpu.wait_indirect_dma semaphore(%arg13 : memref<!tpu.dma_semaphore, #tpu.memory_space<semaphore_mem>>) src(%dma_wait3A_264 : memref<128x64xf32, #tpu.memory_space<vmem>>) dst(%dma_wait3A_270 : memref<2048x64xf32, #tpu.memory_space<vmem_shared>>)
    %dma_wait3A_271 = arith.constant 3 : i32
    %dma_wait3A_272 = arith.constant 384 : i32
    %dma_wait3A_273 = arith.constant 0 : i32
    %dma_wait3A_274 = tpu.memref_slice %arg10[%dma_wait3A_272, %dma_wait3A_273] : memref<1024x64xf32, #tpu.memory_space<vmem>> -> memref<128x64xf32, #tpu.memory_space<vmem>>
    %dma_wait3A_275 = arith.constant 0 : i32
    %dma_wait3A_276 = tpu.memref_slice %arg9[%dma_wait3A_271, %dma_wait3A_275] : memref<8x128xi32, #tpu.memory_space<vmem>> -> memref<1x128xi32, #tpu.memory_space<vmem>>
    %dma_wait3A_277 = tpu.memref_squeeze %dma_wait3A_276 : memref<1x128xi32, #tpu.memory_space<vmem>> -> memref<128xi32, #tpu.memory_space<vmem>>
    %dma_wait3A_278 = arith.constant 0 : i32
    %dma_wait3A_279 = arith.constant 0 : i32
    %dma_wait3A_280 = tpu.memref_slice %arg11[%dma_wait3A_278, %dma_wait3A_279] : memref<2048x64xf32, #tpu.memory_space<vmem_shared>> -> memref<2048x64xf32, #tpu.memory_space<vmem_shared>>
    tpu.wait_indirect_dma semaphore(%arg13 : memref<!tpu.dma_semaphore, #tpu.memory_space<semaphore_mem>>) src(%dma_wait3A_274 : memref<128x64xf32, #tpu.memory_space<vmem>>) dst(%dma_wait3A_280 : memref<2048x64xf32, #tpu.memory_space<vmem_shared>>)
    %dma_wait3A_281 = arith.constant 4 : i32
    %dma_wait3A_282 = arith.constant 512 : i32
    %dma_wait3A_283 = arith.constant 0 : i32
    %dma_wait3A_284 = tpu.memref_slice %arg10[%dma_wait3A_282, %dma_wait3A_283] : memref<1024x64xf32, #tpu.memory_space<vmem>> -> memref<128x64xf32, #tpu.memory_space<vmem>>
    %dma_wait3A_285 = arith.constant 0 : i32
    %dma_wait3A_286 = tpu.memref_slice %arg9[%dma_wait3A_281, %dma_wait3A_285] : memref<8x128xi32, #tpu.memory_space<vmem>> -> memref<1x128xi32, #tpu.memory_space<vmem>>
    %dma_wait3A_287 = tpu.memref_squeeze %dma_wait3A_286 : memref<1x128xi32, #tpu.memory_space<vmem>> -> memref<128xi32, #tpu.memory_space<vmem>>
    %dma_wait3A_288 = arith.constant 0 : i32
    %dma_wait3A_289 = arith.constant 0 : i32
    %dma_wait3A_290 = tpu.memref_slice %arg11[%dma_wait3A_288, %dma_wait3A_289] : memref<2048x64xf32, #tpu.memory_space<vmem_shared>> -> memref<2048x64xf32, #tpu.memory_space<vmem_shared>>
    tpu.wait_indirect_dma semaphore(%arg13 : memref<!tpu.dma_semaphore, #tpu.memory_space<semaphore_mem>>) src(%dma_wait3A_284 : memref<128x64xf32, #tpu.memory_space<vmem>>) dst(%dma_wait3A_290 : memref<2048x64xf32, #tpu.memory_space<vmem_shared>>)
    %dma_wait3A_291 = arith.constant 5 : i32
    %dma_wait3A_292 = arith.constant 640 : i32
    %dma_wait3A_293 = arith.constant 0 : i32
    %dma_wait3A_294 = tpu.memref_slice %arg10[%dma_wait3A_292, %dma_wait3A_293] : memref<1024x64xf32, #tpu.memory_space<vmem>> -> memref<128x64xf32, #tpu.memory_space<vmem>>
    %dma_wait3A_295 = arith.constant 0 : i32
    %dma_wait3A_296 = tpu.memref_slice %arg9[%dma_wait3A_291, %dma_wait3A_295] : memref<8x128xi32, #tpu.memory_space<vmem>> -> memref<1x128xi32, #tpu.memory_space<vmem>>
    %dma_wait3A_297 = tpu.memref_squeeze %dma_wait3A_296 : memref<1x128xi32, #tpu.memory_space<vmem>> -> memref<128xi32, #tpu.memory_space<vmem>>
    %dma_wait3A_298 = arith.constant 0 : i32
    %dma_wait3A_299 = arith.constant 0 : i32
    %dma_wait3A_300 = tpu.memref_slice %arg11[%dma_wait3A_298, %dma_wait3A_299] : memref<2048x64xf32, #tpu.memory_space<vmem_shared>> -> memref<2048x64xf32, #tpu.memory_space<vmem_shared>>
    tpu.wait_indirect_dma semaphore(%arg13 : memref<!tpu.dma_semaphore, #tpu.memory_space<semaphore_mem>>) src(%dma_wait3A_294 : memref<128x64xf32, #tpu.memory_space<vmem>>) dst(%dma_wait3A_300 : memref<2048x64xf32, #tpu.memory_space<vmem_shared>>)
    %dma_wait3A_301 = arith.constant 6 : i32
    %dma_wait3A_302 = arith.constant 768 : i32
    %dma_wait3A_303 = arith.constant 0 : i32
    %dma_wait3A_304 = tpu.memref_slice %arg10[%dma_wait3A_302, %dma_wait3A_303] : memref<1024x64xf32, #tpu.memory_space<vmem>> -> memref<128x64xf32, #tpu.memory_space<vmem>>
    %dma_wait3A_305 = arith.constant 0 : i32
    %dma_wait3A_306 = tpu.memref_slice %arg9[%dma_wait3A_301, %dma_wait3A_305] : memref<8x128xi32, #tpu.memory_space<vmem>> -> memref<1x128xi32, #tpu.memory_space<vmem>>
    %dma_wait3A_307 = tpu.memref_squeeze %dma_wait3A_306 : memref<1x128xi32, #tpu.memory_space<vmem>> -> memref<128xi32, #tpu.memory_space<vmem>>
    %dma_wait3A_308 = arith.constant 0 : i32
    %dma_wait3A_309 = arith.constant 0 : i32
    %dma_wait3A_310 = tpu.memref_slice %arg11[%dma_wait3A_308, %dma_wait3A_309] : memref<2048x64xf32, #tpu.memory_space<vmem_shared>> -> memref<2048x64xf32, #tpu.memory_space<vmem_shared>>
    tpu.wait_indirect_dma semaphore(%arg13 : memref<!tpu.dma_semaphore, #tpu.memory_space<semaphore_mem>>) src(%dma_wait3A_304 : memref<128x64xf32, #tpu.memory_space<vmem>>) dst(%dma_wait3A_310 : memref<2048x64xf32, #tpu.memory_space<vmem_shared>>)
    %dma_wait3A_311 = arith.constant 7 : i32
    %dma_wait3A_312 = arith.constant 896 : i32
    %dma_wait3A_313 = arith.constant 0 : i32
    %dma_wait3A_314 = tpu.memref_slice %arg10[%dma_wait3A_312, %dma_wait3A_313] : memref<1024x64xf32, #tpu.memory_space<vmem>> -> memref<128x64xf32, #tpu.memory_space<vmem>>
    %dma_wait3A_315 = arith.constant 0 : i32
    %dma_wait3A_316 = tpu.memref_slice %arg9[%dma_wait3A_311, %dma_wait3A_315] : memref<8x128xi32, #tpu.memory_space<vmem>> -> memref<1x128xi32, #tpu.memory_space<vmem>>
    %dma_wait3A_317 = tpu.memref_squeeze %dma_wait3A_316 : memref<1x128xi32, #tpu.memory_space<vmem>> -> memref<128xi32, #tpu.memory_space<vmem>>
    %dma_wait3A_318 = arith.constant 0 : i32
    %dma_wait3A_319 = arith.constant 0 : i32
    %dma_wait3A_320 = tpu.memref_slice %arg11[%dma_wait3A_318, %dma_wait3A_319] : memref<2048x64xf32, #tpu.memory_space<vmem_shared>> -> memref<2048x64xf32, #tpu.memory_space<vmem_shared>>
    tpu.wait_indirect_dma semaphore(%arg13 : memref<!tpu.dma_semaphore, #tpu.memory_space<semaphore_mem>>) src(%dma_wait3A_314 : memref<128x64xf32, #tpu.memory_space<vmem>>) dst(%dma_wait3A_320 : memref<2048x64xf32, #tpu.memory_space<vmem_shared>>)
    %barrier3A_321 = arith.constant 0 : index
    tpu.barrier barrier_id(%barrier3A_321)
    %eq3A = arith.constant 0 : i32
    %eq3A_322 = arith.cmpi eq, %arg0, %eq3A : i32
    %convert_element_type3A = arith.extui %eq3A_322 : i1 to i32
    %cond3A = arith.constant 0 : i32
    %cond3A_323 = arith.cmpi ne, %convert_element_type3A, %cond3A : i32
    scf.if %cond3A_323 {
      "tpu.region"() ({
        %run_scoped3A = tpu.sem_alloc : memref<!tpu.dma_semaphore, #tpu.memory_space<semaphore_mem>>
        %dma_start3A_329 = arith.constant 0 : i32
        %dma_start3A_330 = tpu.memref_slice %arg6[%multiple_of3A, %dma_start3A_329] : memref<2048x64xf32, #tpu.memory_space<hbm>> -> memref<128x64xf32, #tpu.memory_space<hbm>>
        %dma_start3A_331 = arith.constant 0 : i32
        %dma_start3A_332 = tpu.memref_slice %arg11[%multiple_of3A, %dma_start3A_331] : memref<2048x64xf32, #tpu.memory_space<vmem_shared>> -> memref<128x64xf32, #tpu.memory_space<vmem_shared>>
        tpu.enqueue_dma source(%dma_start3A_332 : memref<128x64xf32, #tpu.memory_space<vmem_shared>>) target(%dma_start3A_330 : memref<128x64xf32, #tpu.memory_space<hbm>>) target_semaphore(%run_scoped3A : memref<!tpu.dma_semaphore, #tpu.memory_space<semaphore_mem>>)
        %dma_wait3A_333 = arith.constant 0 : i32
        %dma_wait3A_334 = tpu.memref_slice %arg6[%multiple_of3A, %dma_wait3A_333] : memref<2048x64xf32, #tpu.memory_space<hbm>> -> memref<128x64xf32, #tpu.memory_space<hbm>>
        %dma_wait3A_335 = arith.constant 0 : i32
        %dma_wait3A_336 = tpu.memref_slice %arg11[%multiple_of3A, %dma_wait3A_335] : memref<2048x64xf32, #tpu.memory_space<vmem_shared>> -> memref<128x64xf32, #tpu.memory_space<vmem_shared>>
        tpu.wait_dma2 semaphore(%run_scoped3A : memref<!tpu.dma_semaphore, #tpu.memory_space<semaphore_mem>>) src(%dma_wait3A_336 : memref<128x64xf32, #tpu.memory_space<vmem_shared>>) dst(%dma_wait3A_334 : memref<128x64xf32, #tpu.memory_space<hbm>>)
        tpu.yield
      }) : () -> ()
    } else {
    }
    %eq3A_324 = arith.constant 1 : i32
    %eq3A_325 = arith.cmpi eq, %arg0, %eq3A_324 : i32
    %convert_element_type3A_326 = arith.extui %eq3A_325 : i1 to i32
    %cond3A_327 = arith.constant 0 : i32
    %cond3A_328 = arith.cmpi ne, %convert_element_type3A_326, %cond3A_327 : i32
    scf.if %cond3A_328 {
      "tpu.region"() ({
        %run_scoped3A = tpu.sem_alloc : memref<!tpu.dma_semaphore, #tpu.memory_space<semaphore_mem>>
        %dma_start3A_329 = arith.constant 0 : i32
        %dma_start3A_330 = tpu.memref_slice %arg7[%multiple_of3A, %dma_start3A_329] : memref<2048x64xf32, #tpu.memory_space<hbm>> -> memref<128x64xf32, #tpu.memory_space<hbm>>
        %dma_start3A_331 = arith.constant 0 : i32
        %dma_start3A_332 = tpu.memref_slice %arg11[%multiple_of3A, %dma_start3A_331] : memref<2048x64xf32, #tpu.memory_space<vmem_shared>> -> memref<128x64xf32, #tpu.memory_space<vmem_shared>>
        tpu.enqueue_dma source(%dma_start3A_332 : memref<128x64xf32, #tpu.memory_space<vmem_shared>>) target(%dma_start3A_330 : memref<128x64xf32, #tpu.memory_space<hbm>>) target_semaphore(%run_scoped3A : memref<!tpu.dma_semaphore, #tpu.memory_space<semaphore_mem>>)
        %dma_wait3A_333 = arith.constant 0 : i32
        %dma_wait3A_334 = tpu.memref_slice %arg7[%multiple_of3A, %dma_wait3A_333] : memref<2048x64xf32, #tpu.memory_space<hbm>> -> memref<128x64xf32, #tpu.memory_space<hbm>>
        %dma_wait3A_335 = arith.constant 0 : i32
        %dma_wait3A_336 = tpu.memref_slice %arg11[%multiple_of3A, %dma_wait3A_335] : memref<2048x64xf32, #tpu.memory_space<vmem_shared>> -> memref<128x64xf32, #tpu.memory_space<vmem_shared>>
        tpu.wait_dma2 semaphore(%run_scoped3A : memref<!tpu.dma_semaphore, #tpu.memory_space<semaphore_mem>>) src(%dma_wait3A_336 : memref<128x64xf32, #tpu.memory_space<vmem_shared>>) dst(%dma_wait3A_334 : memref<128x64xf32, #tpu.memory_space<hbm>>)
        tpu.yield
      }) : () -> ()
    } else {
    }
    return
  }
}

#map = affine_map<(d0, d1) -> (0)>
#map1 = affine_map<(d0, d1) -> (0, 0, 0)>
module attributes {stable_mosaic.version = 14 : i64} {
  func.func @run(%arg0: i32, %arg1: i32, %arg2: memref<100000xi32, #tpu.memory_space<hbm>>, %arg3: memref<512x8x128xi32, #tpu.memory_space<hbm>>, %arg4: memref<512x8x128xi32, #tpu.memory_space<hbm>>, %arg5: memref<100000xi32, #tpu.memory_space<vmem>>, %arg6: memref<8x128xi32, #tpu.memory_space<vmem>>) attributes {dimension_semantics = [#tpu.dimension_semantics<core_parallel>, #tpu.dimension_semantics<subcore_parallel>], iteration_bounds = array<i64: 2, 16>, scalar_prefetch = 0 : i64, scratch_operands = 2 : i64, tpu.core_type = #tpu.core_type<sc_vector_subcore>, window_params = [{transform_indices = #map}, {transform_indices = #map1}, {transform_indices = #map1}]} {
    "tpu.region"() ({
      %run_scoped3A = tpu.sem_alloc : memref<!tpu.dma_semaphore, #tpu.memory_space<semaphore_mem>>
      tpu.enqueue_dma source(%arg2 : memref<100000xi32, #tpu.memory_space<hbm>>) target(%arg5 : memref<100000xi32, #tpu.memory_space<vmem>>) target_semaphore(%run_scoped3A : memref<!tpu.dma_semaphore, #tpu.memory_space<semaphore_mem>>)
      tpu.wait_dma2 semaphore(%run_scoped3A : memref<!tpu.dma_semaphore, #tpu.memory_space<semaphore_mem>>) src(%arg2 : memref<100000xi32, #tpu.memory_space<hbm>>) dst(%arg5 : memref<100000xi32, #tpu.memory_space<vmem>>)
      tpu.yield
    }) : () -> ()
    %mul3A = arith.constant 16 : i32
    %mul3A_0 = arith.muli %arg0, %mul3A : i32
    %add3A = arith.addi %mul3A_0, %arg1 : i32
    %scan3A = arith.constant 0 : i32
    %scan3A_1 = arith.constant 0 : i32
    %scan3A_2 = arith.constant 16 : i32
    %scan3A_3 = arith.addi %scan3A_1, %scan3A_2 : i32
    %scan3A_4 = arith.constant 1 : i32
    scf.for %scan3A_6 = %scan3A_1 to %scan3A_3 step %scan3A_4  : i32 {
      %mul3A_7 = arith.constant 16 : i32
      %mul3A_8 = arith.muli %add3A, %mul3A_7 : i32
      %add3A_9 = arith.addi %mul3A_8, %scan3A_6 : i32
      "tpu.region"() ({
        %run_scoped3A = tpu.sem_alloc : memref<!tpu.dma_semaphore, #tpu.memory_space<semaphore_mem>>
        %dma_start3A = arith.constant 0 : i32
        %dma_start3A_583 = arith.constant 0 : i32
        %dma_start3A_584 = tpu.memref_slice %arg3[%add3A_9, %dma_start3A, %dma_start3A_583] : memref<512x8x128xi32, #tpu.memory_space<hbm>> -> memref<1x8x128xi32, #tpu.memory_space<hbm>>
        %dma_start3A_585 = tpu.memref_squeeze %dma_start3A_584 : memref<1x8x128xi32, #tpu.memory_space<hbm>> -> memref<8x128xi32, #tpu.memory_space<hbm>>
        %dma_start3A_586 = arith.constant 0 : i32
        %dma_start3A_587 = arith.constant 0 : i32
        %dma_start3A_588 = tpu.memref_slice %arg3[%add3A_9, %dma_start3A_586, %dma_start3A_587] : memref<512x8x128xi32, #tpu.memory_space<hbm>> -> memref<1x8x128xi32, #tpu.memory_space<hbm>>
        %dma_start3A_589 = tpu.memref_squeeze %dma_start3A_588 : memref<1x8x128xi32, #tpu.memory_space<hbm>> -> memref<8x128xi32, #tpu.memory_space<hbm>>
        tpu.enqueue_dma source(%dma_start3A_589 : memref<8x128xi32, #tpu.memory_space<hbm>>) target(%arg6 : memref<8x128xi32, #tpu.memory_space<vmem>>) target_semaphore(%run_scoped3A : memref<!tpu.dma_semaphore, #tpu.memory_space<semaphore_mem>>)
        %dma_wait3A = arith.constant 0 : i32
        %dma_wait3A_590 = arith.constant 0 : i32
        %dma_wait3A_591 = tpu.memref_slice %arg3[%add3A_9, %dma_wait3A, %dma_wait3A_590] : memref<512x8x128xi32, #tpu.memory_space<hbm>> -> memref<1x8x128xi32, #tpu.memory_space<hbm>>
        %dma_wait3A_592 = tpu.memref_squeeze %dma_wait3A_591 : memref<1x8x128xi32, #tpu.memory_space<hbm>> -> memref<8x128xi32, #tpu.memory_space<hbm>>
        %dma_wait3A_593 = arith.constant 0 : i32
        %dma_wait3A_594 = arith.constant 0 : i32
        %dma_wait3A_595 = tpu.memref_slice %arg3[%add3A_9, %dma_wait3A_593, %dma_wait3A_594] : memref<512x8x128xi32, #tpu.memory_space<hbm>> -> memref<1x8x128xi32, #tpu.memory_space<hbm>>
        %dma_wait3A_596 = tpu.memref_squeeze %dma_wait3A_595 : memref<1x8x128xi32, #tpu.memory_space<hbm>> -> memref<8x128xi32, #tpu.memory_space<hbm>>
        tpu.wait_dma2 semaphore(%run_scoped3A : memref<!tpu.dma_semaphore, #tpu.memory_space<semaphore_mem>>) src(%dma_wait3A_596 : memref<8x128xi32, #tpu.memory_space<hbm>>) dst(%arg6 : memref<8x128xi32, #tpu.memory_space<vmem>>)
        tpu.yield
      }) : () -> ()
      %get3A = arith.constant 0 : i32
      %get3A_10 = arith.index_cast %get3A : i32 to index
      %get3A_11 = arith.constant 0 : index
      %get3A_12 = tpu.vector_load %arg6[%get3A_10, %get3A_11] {strides = array<i32>} : memref<8x128xi32, #tpu.memory_space<vmem>>, vector<16xi32>,
      %gather3A = tpu.vector_load_idx %arg5[%get3A_12] : memref<100000xi32, #tpu.memory_space<vmem>>[vector<16xi32>], vector<16xi32>,
      %swap3A = arith.constant 0 : i32
      %swap3A_13 = arith.index_cast %swap3A : i32 to index
      %swap3A_14 = arith.constant 0 : index
      %swap3A_15 = tpu.vector_load %arg6[%swap3A_13, %swap3A_14] {strides = array<i32>} : memref<8x128xi32, #tpu.memory_space<vmem>>, vector<16xi32>,
      tpu.vector_store %arg6[%swap3A_13, %swap3A_14], %gather3A {strides = array<i32>} : memref<8x128xi32, #tpu.memory_space<vmem>>, vector<16xi32>,
      %get3A_16 = arith.constant 0 : i32
      %get3A_17 = arith.index_cast %get3A_16 : i32 to index
      %get3A_18 = arith.constant 16 : index
      %get3A_19 = tpu.vector_load %arg6[%get3A_17, %get3A_18] {strides = array<i32>} : memref<8x128xi32, #tpu.memory_space<vmem>>, vector<16xi32>,
      %gather3A_20 = tpu.vector_load_idx %arg5[%get3A_19] : memref<100000xi32, #tpu.memory_space<vmem>>[vector<16xi32>], vector<16xi32>,
      %swap3A_21 = arith.constant 0 : i32
      %swap3A_22 = arith.index_cast %swap3A_21 : i32 to index
      %swap3A_23 = arith.constant 16 : index
      %swap3A_24 = tpu.vector_load %arg6[%swap3A_22, %swap3A_23] {strides = array<i32>} : memref<8x128xi32, #tpu.memory_space<vmem>>, vector<16xi32>,
      tpu.vector_store %arg6[%swap3A_22, %swap3A_23], %gather3A_20 {strides = array<i32>} : memref<8x128xi32, #tpu.memory_space<vmem>>, vector<16xi32>,
      %get3A_25 = arith.constant 0 : i32
      %get3A_26 = arith.index_cast %get3A_25 : i32 to index
      %get3A_27 = arith.constant 32 : index
      %get3A_28 = tpu.vector_load %arg6[%get3A_26, %get3A_27] {strides = array<i32>} : memref<8x128xi32, #tpu.memory_space<vmem>>, vector<16xi32>,
      %gather3A_29 = tpu.vector_load_idx %arg5[%get3A_28] : memref<100000xi32, #tpu.memory_space<vmem>>[vector<16xi32>], vector<16xi32>,
      %swap3A_30 = arith.constant 0 : i32
      %swap3A_31 = arith.index_cast %swap3A_30 : i32 to index
      %swap3A_32 = arith.constant 32 : index
      %swap3A_33 = tpu.vector_load %arg6[%swap3A_31, %swap3A_32] {strides = array<i32>} : memref<8x128xi32, #tpu.memory_space<vmem>>, vector<16xi32>,
      tpu.vector_store %arg6[%swap3A_31, %swap3A_32], %gather3A_29 {strides = array<i32>} : memref<8x128xi32, #tpu.memory_space<vmem>>, vector<16xi32>,
      %get3A_34 = arith.constant 0 : i32
      %get3A_35 = arith.index_cast %get3A_34 : i32 to index
      %get3A_36 = arith.constant 48 : index
      %get3A_37 = tpu.vector_load %arg6[%get3A_35, %get3A_36] {strides = array<i32>} : memref<8x128xi32, #tpu.memory_space<vmem>>, vector<16xi32>,
      %gather3A_38 = tpu.vector_load_idx %arg5[%get3A_37] : memref<100000xi32, #tpu.memory_space<vmem>>[vector<16xi32>], vector<16xi32>,
      %swap3A_39 = arith.constant 0 : i32
      %swap3A_40 = arith.index_cast %swap3A_39 : i32 to index
      %swap3A_41 = arith.constant 48 : index
      %swap3A_42 = tpu.vector_load %arg6[%swap3A_40, %swap3A_41] {strides = array<i32>} : memref<8x128xi32, #tpu.memory_space<vmem>>, vector<16xi32>,
      tpu.vector_store %arg6[%swap3A_40, %swap3A_41], %gather3A_38 {strides = array<i32>} : memref<8x128xi32, #tpu.memory_space<vmem>>, vector<16xi32>,
      %get3A_43 = arith.constant 0 : i32
      %get3A_44 = arith.index_cast %get3A_43 : i32 to index
      %get3A_45 = arith.constant 64 : index
      %get3A_46 = tpu.vector_load %arg6[%get3A_44, %get3A_45] {strides = array<i32>} : memref<8x128xi32, #tpu.memory_space<vmem>>, vector<16xi32>,
      %gather3A_47 = tpu.vector_load_idx %arg5[%get3A_46] : memref<100000xi32, #tpu.memory_space<vmem>>[vector<16xi32>], vector<16xi32>,
      %swap3A_48 = arith.constant 0 : i32
      %swap3A_49 = arith.index_cast %swap3A_48 : i32 to index
      %swap3A_50 = arith.constant 64 : index
      %swap3A_51 = tpu.vector_load %arg6[%swap3A_49, %swap3A_50] {strides = array<i32>} : memref<8x128xi32, #tpu.memory_space<vmem>>, vector<16xi32>,
      tpu.vector_store %arg6[%swap3A_49, %swap3A_50], %gather3A_47 {strides = array<i32>} : memref<8x128xi32, #tpu.memory_space<vmem>>, vector<16xi32>,
      %get3A_52 = arith.constant 0 : i32
      %get3A_53 = arith.index_cast %get3A_52 : i32 to index
      %get3A_54 = arith.constant 80 : index
      %get3A_55 = tpu.vector_load %arg6[%get3A_53, %get3A_54] {strides = array<i32>} : memref<8x128xi32, #tpu.memory_space<vmem>>, vector<16xi32>,
      %gather3A_56 = tpu.vector_load_idx %arg5[%get3A_55] : memref<100000xi32, #tpu.memory_space<vmem>>[vector<16xi32>], vector<16xi32>,
      %swap3A_57 = arith.constant 0 : i32
      %swap3A_58 = arith.index_cast %swap3A_57 : i32 to index
      %swap3A_59 = arith.constant 80 : index
      %swap3A_60 = tpu.vector_load %arg6[%swap3A_58, %swap3A_59] {strides = array<i32>} : memref<8x128xi32, #tpu.memory_space<vmem>>, vector<16xi32>,
      tpu.vector_store %arg6[%swap3A_58, %swap3A_59], %gather3A_56 {strides = array<i32>} : memref<8x128xi32, #tpu.memory_space<vmem>>, vector<16xi32>,
      %get3A_61 = arith.constant 0 : i32
      %get3A_62 = arith.index_cast %get3A_61 : i32 to index
      %get3A_63 = arith.constant 96 : index
      %get3A_64 = tpu.vector_load %arg6[%get3A_62, %get3A_63] {strides = array<i32>} : memref<8x128xi32, #tpu.memory_space<vmem>>, vector<16xi32>,
      %gather3A_65 = tpu.vector_load_idx %arg5[%get3A_64] : memref<100000xi32, #tpu.memory_space<vmem>>[vector<16xi32>], vector<16xi32>,
      %swap3A_66 = arith.constant 0 : i32
      %swap3A_67 = arith.index_cast %swap3A_66 : i32 to index
      %swap3A_68 = arith.constant 96 : index
      %swap3A_69 = tpu.vector_load %arg6[%swap3A_67, %swap3A_68] {strides = array<i32>} : memref<8x128xi32, #tpu.memory_space<vmem>>, vector<16xi32>,
      tpu.vector_store %arg6[%swap3A_67, %swap3A_68], %gather3A_65 {strides = array<i32>} : memref<8x128xi32, #tpu.memory_space<vmem>>, vector<16xi32>,
      %get3A_70 = arith.constant 0 : i32
      %get3A_71 = arith.index_cast %get3A_70 : i32 to index
      %get3A_72 = arith.constant 112 : index
      %get3A_73 = tpu.vector_load %arg6[%get3A_71, %get3A_72] {strides = array<i32>} : memref<8x128xi32, #tpu.memory_space<vmem>>, vector<16xi32>,
      %gather3A_74 = tpu.vector_load_idx %arg5[%get3A_73] : memref<100000xi32, #tpu.memory_space<vmem>>[vector<16xi32>], vector<16xi32>,
      %swap3A_75 = arith.constant 0 : i32
      %swap3A_76 = arith.index_cast %swap3A_75 : i32 to index
      %swap3A_77 = arith.constant 112 : index
      %swap3A_78 = tpu.vector_load %arg6[%swap3A_76, %swap3A_77] {strides = array<i32>} : memref<8x128xi32, #tpu.memory_space<vmem>>, vector<16xi32>,
      tpu.vector_store %arg6[%swap3A_76, %swap3A_77], %gather3A_74 {strides = array<i32>} : memref<8x128xi32, #tpu.memory_space<vmem>>, vector<16xi32>,
      %get3A_79 = arith.constant 1 : i32
      %get3A_80 = arith.index_cast %get3A_79 : i32 to index
      %get3A_81 = arith.constant 0 : index
      %get3A_82 = tpu.vector_load %arg6[%get3A_80, %get3A_81] {strides = array<i32>} : memref<8x128xi32, #tpu.memory_space<vmem>>, vector<16xi32>,
      %gather3A_83 = tpu.vector_load_idx %arg5[%get3A_82] : memref<100000xi32, #tpu.memory_space<vmem>>[vector<16xi32>], vector<16xi32>,
      %swap3A_84 = arith.constant 1 : i32
      %swap3A_85 = arith.index_cast %swap3A_84 : i32 to index
      %swap3A_86 = arith.constant 0 : index
      %swap3A_87 = tpu.vector_load %arg6[%swap3A_85, %swap3A_86] {strides = array<i32>} : memref<8x128xi32, #tpu.memory_space<vmem>>, vector<16xi32>,
      tpu.vector_store %arg6[%swap3A_85, %swap3A_86], %gather3A_83 {strides = array<i32>} : memref<8x128xi32, #tpu.memory_space<vmem>>, vector<16xi32>,
      %get3A_88 = arith.constant 1 : i32
      %get3A_89 = arith.index_cast %get3A_88 : i32 to index
      %get3A_90 = arith.constant 16 : index
      %get3A_91 = tpu.vector_load %arg6[%get3A_89, %get3A_90] {strides = array<i32>} : memref<8x128xi32, #tpu.memory_space<vmem>>, vector<16xi32>,
      %gather3A_92 = tpu.vector_load_idx %arg5[%get3A_91] : memref<100000xi32, #tpu.memory_space<vmem>>[vector<16xi32>], vector<16xi32>,
      %swap3A_93 = arith.constant 1 : i32
      %swap3A_94 = arith.index_cast %swap3A_93 : i32 to index
      %swap3A_95 = arith.constant 16 : index
      %swap3A_96 = tpu.vector_load %arg6[%swap3A_94, %swap3A_95] {strides = array<i32>} : memref<8x128xi32, #tpu.memory_space<vmem>>, vector<16xi32>,
      tpu.vector_store %arg6[%swap3A_94, %swap3A_95], %gather3A_92 {strides = array<i32>} : memref<8x128xi32, #tpu.memory_space<vmem>>, vector<16xi32>,
      %get3A_97 = arith.constant 1 : i32
      %get3A_98 = arith.index_cast %get3A_97 : i32 to index
      %get3A_99 = arith.constant 32 : index
      %get3A_100 = tpu.vector_load %arg6[%get3A_98, %get3A_99] {strides = array<i32>} : memref<8x128xi32, #tpu.memory_space<vmem>>, vector<16xi32>,
      %gather3A_101 = tpu.vector_load_idx %arg5[%get3A_100] : memref<100000xi32, #tpu.memory_space<vmem>>[vector<16xi32>], vector<16xi32>,
      %swap3A_102 = arith.constant 1 : i32
      %swap3A_103 = arith.index_cast %swap3A_102 : i32 to index
      %swap3A_104 = arith.constant 32 : index
      %swap3A_105 = tpu.vector_load %arg6[%swap3A_103, %swap3A_104] {strides = array<i32>} : memref<8x128xi32, #tpu.memory_space<vmem>>, vector<16xi32>,
      tpu.vector_store %arg6[%swap3A_103, %swap3A_104], %gather3A_101 {strides = array<i32>} : memref<8x128xi32, #tpu.memory_space<vmem>>, vector<16xi32>,
      %get3A_106 = arith.constant 1 : i32
      %get3A_107 = arith.index_cast %get3A_106 : i32 to index
      %get3A_108 = arith.constant 48 : index
      %get3A_109 = tpu.vector_load %arg6[%get3A_107, %get3A_108] {strides = array<i32>} : memref<8x128xi32, #tpu.memory_space<vmem>>, vector<16xi32>,
      %gather3A_110 = tpu.vector_load_idx %arg5[%get3A_109] : memref<100000xi32, #tpu.memory_space<vmem>>[vector<16xi32>], vector<16xi32>,
      %swap3A_111 = arith.constant 1 : i32
      %swap3A_112 = arith.index_cast %swap3A_111 : i32 to index
      %swap3A_113 = arith.constant 48 : index
      %swap3A_114 = tpu.vector_load %arg6[%swap3A_112, %swap3A_113] {strides = array<i32>} : memref<8x128xi32, #tpu.memory_space<vmem>>, vector<16xi32>,
      tpu.vector_store %arg6[%swap3A_112, %swap3A_113], %gather3A_110 {strides = array<i32>} : memref<8x128xi32, #tpu.memory_space<vmem>>, vector<16xi32>,
      %get3A_115 = arith.constant 1 : i32
      %get3A_116 = arith.index_cast %get3A_115 : i32 to index
      %get3A_117 = arith.constant 64 : index
      %get3A_118 = tpu.vector_load %arg6[%get3A_116, %get3A_117] {strides = array<i32>} : memref<8x128xi32, #tpu.memory_space<vmem>>, vector<16xi32>,
      %gather3A_119 = tpu.vector_load_idx %arg5[%get3A_118] : memref<100000xi32, #tpu.memory_space<vmem>>[vector<16xi32>], vector<16xi32>,
      %swap3A_120 = arith.constant 1 : i32
      %swap3A_121 = arith.index_cast %swap3A_120 : i32 to index
      %swap3A_122 = arith.constant 64 : index
      %swap3A_123 = tpu.vector_load %arg6[%swap3A_121, %swap3A_122] {strides = array<i32>} : memref<8x128xi32, #tpu.memory_space<vmem>>, vector<16xi32>,
      tpu.vector_store %arg6[%swap3A_121, %swap3A_122], %gather3A_119 {strides = array<i32>} : memref<8x128xi32, #tpu.memory_space<vmem>>, vector<16xi32>,
      %get3A_124 = arith.constant 1 : i32
      %get3A_125 = arith.index_cast %get3A_124 : i32 to index
      %get3A_126 = arith.constant 80 : index
      %get3A_127 = tpu.vector_load %arg6[%get3A_125, %get3A_126] {strides = array<i32>} : memref<8x128xi32, #tpu.memory_space<vmem>>, vector<16xi32>,
      %gather3A_128 = tpu.vector_load_idx %arg5[%get3A_127] : memref<100000xi32, #tpu.memory_space<vmem>>[vector<16xi32>], vector<16xi32>,
      %swap3A_129 = arith.constant 1 : i32
      %swap3A_130 = arith.index_cast %swap3A_129 : i32 to index
      %swap3A_131 = arith.constant 80 : index
      %swap3A_132 = tpu.vector_load %arg6[%swap3A_130, %swap3A_131] {strides = array<i32>} : memref<8x128xi32, #tpu.memory_space<vmem>>, vector<16xi32>,
      tpu.vector_store %arg6[%swap3A_130, %swap3A_131], %gather3A_128 {strides = array<i32>} : memref<8x128xi32, #tpu.memory_space<vmem>>, vector<16xi32>,
      %get3A_133 = arith.constant 1 : i32
      %get3A_134 = arith.index_cast %get3A_133 : i32 to index
      %get3A_135 = arith.constant 96 : index
      %get3A_136 = tpu.vector_load %arg6[%get3A_134, %get3A_135] {strides = array<i32>} : memref<8x128xi32, #tpu.memory_space<vmem>>, vector<16xi32>,
      %gather3A_137 = tpu.vector_load_idx %arg5[%get3A_136] : memref<100000xi32, #tpu.memory_space<vmem>>[vector<16xi32>], vector<16xi32>,
      %swap3A_138 = arith.constant 1 : i32
      %swap3A_139 = arith.index_cast %swap3A_138 : i32 to index
      %swap3A_140 = arith.constant 96 : index
      %swap3A_141 = tpu.vector_load %arg6[%swap3A_139, %swap3A_140] {strides = array<i32>} : memref<8x128xi32, #tpu.memory_space<vmem>>, vector<16xi32>,
      tpu.vector_store %arg6[%swap3A_139, %swap3A_140], %gather3A_137 {strides = array<i32>} : memref<8x128xi32, #tpu.memory_space<vmem>>, vector<16xi32>,
      %get3A_142 = arith.constant 1 : i32
      %get3A_143 = arith.index_cast %get3A_142 : i32 to index
      %get3A_144 = arith.constant 112 : index
      %get3A_145 = tpu.vector_load %arg6[%get3A_143, %get3A_144] {strides = array<i32>} : memref<8x128xi32, #tpu.memory_space<vmem>>, vector<16xi32>,
      %gather3A_146 = tpu.vector_load_idx %arg5[%get3A_145] : memref<100000xi32, #tpu.memory_space<vmem>>[vector<16xi32>], vector<16xi32>,
      %swap3A_147 = arith.constant 1 : i32
      %swap3A_148 = arith.index_cast %swap3A_147 : i32 to index
      %swap3A_149 = arith.constant 112 : index
      %swap3A_150 = tpu.vector_load %arg6[%swap3A_148, %swap3A_149] {strides = array<i32>} : memref<8x128xi32, #tpu.memory_space<vmem>>, vector<16xi32>,
      tpu.vector_store %arg6[%swap3A_148, %swap3A_149], %gather3A_146 {strides = array<i32>} : memref<8x128xi32, #tpu.memory_space<vmem>>, vector<16xi32>,
      %get3A_151 = arith.constant 2 : i32
      %get3A_152 = arith.index_cast %get3A_151 : i32 to index
      %get3A_153 = arith.constant 0 : index
      %get3A_154 = tpu.vector_load %arg6[%get3A_152, %get3A_153] {strides = array<i32>} : memref<8x128xi32, #tpu.memory_space<vmem>>, vector<16xi32>,
      %gather3A_155 = tpu.vector_load_idx %arg5[%get3A_154] : memref<100000xi32, #tpu.memory_space<vmem>>[vector<16xi32>], vector<16xi32>,
      %swap3A_156 = arith.constant 2 : i32
      %swap3A_157 = arith.index_cast %swap3A_156 : i32 to index
      %swap3A_158 = arith.constant 0 : index
      %swap3A_159 = tpu.vector_load %arg6[%swap3A_157, %swap3A_158] {strides = array<i32>} : memref<8x128xi32, #tpu.memory_space<vmem>>, vector<16xi32>,
      tpu.vector_store %arg6[%swap3A_157, %swap3A_158], %gather3A_155 {strides = array<i32>} : memref<8x128xi32, #tpu.memory_space<vmem>>, vector<16xi32>,
      %get3A_160 = arith.constant 2 : i32
      %get3A_161 = arith.index_cast %get3A_160 : i32 to index
      %get3A_162 = arith.constant 16 : index
      %get3A_163 = tpu.vector_load %arg6[%get3A_161, %get3A_162] {strides = array<i32>} : memref<8x128xi32, #tpu.memory_space<vmem>>, vector<16xi32>,
      %gather3A_164 = tpu.vector_load_idx %arg5[%get3A_163] : memref<100000xi32, #tpu.memory_space<vmem>>[vector<16xi32>], vector<16xi32>,
      %swap3A_165 = arith.constant 2 : i32
      %swap3A_166 = arith.index_cast %swap3A_165 : i32 to index
      %swap3A_167 = arith.constant 16 : index
      %swap3A_168 = tpu.vector_load %arg6[%swap3A_166, %swap3A_167] {strides = array<i32>} : memref<8x128xi32, #tpu.memory_space<vmem>>, vector<16xi32>,
      tpu.vector_store %arg6[%swap3A_166, %swap3A_167], %gather3A_164 {strides = array<i32>} : memref<8x128xi32, #tpu.memory_space<vmem>>, vector<16xi32>,
      %get3A_169 = arith.constant 2 : i32
      %get3A_170 = arith.index_cast %get3A_169 : i32 to index
      %get3A_171 = arith.constant 32 : index
      %get3A_172 = tpu.vector_load %arg6[%get3A_170, %get3A_171] {strides = array<i32>} : memref<8x128xi32, #tpu.memory_space<vmem>>, vector<16xi32>,
      %gather3A_173 = tpu.vector_load_idx %arg5[%get3A_172] : memref<100000xi32, #tpu.memory_space<vmem>>[vector<16xi32>], vector<16xi32>,
      %swap3A_174 = arith.constant 2 : i32
      %swap3A_175 = arith.index_cast %swap3A_174 : i32 to index
      %swap3A_176 = arith.constant 32 : index
      %swap3A_177 = tpu.vector_load %arg6[%swap3A_175, %swap3A_176] {strides = array<i32>} : memref<8x128xi32, #tpu.memory_space<vmem>>, vector<16xi32>,
      tpu.vector_store %arg6[%swap3A_175, %swap3A_176], %gather3A_173 {strides = array<i32>} : memref<8x128xi32, #tpu.memory_space<vmem>>, vector<16xi32>,
      %get3A_178 = arith.constant 2 : i32
      %get3A_179 = arith.index_cast %get3A_178 : i32 to index
      %get3A_180 = arith.constant 48 : index
      %get3A_181 = tpu.vector_load %arg6[%get3A_179, %get3A_180] {strides = array<i32>} : memref<8x128xi32, #tpu.memory_space<vmem>>, vector<16xi32>,
      %gather3A_182 = tpu.vector_load_idx %arg5[%get3A_181] : memref<100000xi32, #tpu.memory_space<vmem>>[vector<16xi32>], vector<16xi32>,
      %swap3A_183 = arith.constant 2 : i32
      %swap3A_184 = arith.index_cast %swap3A_183 : i32 to index
      %swap3A_185 = arith.constant 48 : index
      %swap3A_186 = tpu.vector_load %arg6[%swap3A_184, %swap3A_185] {strides = array<i32>} : memref<8x128xi32, #tpu.memory_space<vmem>>, vector<16xi32>,
      tpu.vector_store %arg6[%swap3A_184, %swap3A_185], %gather3A_182 {strides = array<i32>} : memref<8x128xi32, #tpu.memory_space<vmem>>, vector<16xi32>,
      %get3A_187 = arith.constant 2 : i32
      %get3A_188 = arith.index_cast %get3A_187 : i32 to index
      %get3A_189 = arith.constant 64 : index
      %get3A_190 = tpu.vector_load %arg6[%get3A_188, %get3A_189] {strides = array<i32>} : memref<8x128xi32, #tpu.memory_space<vmem>>, vector<16xi32>,
      %gather3A_191 = tpu.vector_load_idx %arg5[%get3A_190] : memref<100000xi32, #tpu.memory_space<vmem>>[vector<16xi32>], vector<16xi32>,
      %swap3A_192 = arith.constant 2 : i32
      %swap3A_193 = arith.index_cast %swap3A_192 : i32 to index
      %swap3A_194 = arith.constant 64 : index
      %swap3A_195 = tpu.vector_load %arg6[%swap3A_193, %swap3A_194] {strides = array<i32>} : memref<8x128xi32, #tpu.memory_space<vmem>>, vector<16xi32>,
      tpu.vector_store %arg6[%swap3A_193, %swap3A_194], %gather3A_191 {strides = array<i32>} : memref<8x128xi32, #tpu.memory_space<vmem>>, vector<16xi32>,
      %get3A_196 = arith.constant 2 : i32
      %get3A_197 = arith.index_cast %get3A_196 : i32 to index
      %get3A_198 = arith.constant 80 : index
      %get3A_199 = tpu.vector_load %arg6[%get3A_197, %get3A_198] {strides = array<i32>} : memref<8x128xi32, #tpu.memory_space<vmem>>, vector<16xi32>,
      %gather3A_200 = tpu.vector_load_idx %arg5[%get3A_199] : memref<100000xi32, #tpu.memory_space<vmem>>[vector<16xi32>], vector<16xi32>,
      %swap3A_201 = arith.constant 2 : i32
      %swap3A_202 = arith.index_cast %swap3A_201 : i32 to index
      %swap3A_203 = arith.constant 80 : index
      %swap3A_204 = tpu.vector_load %arg6[%swap3A_202, %swap3A_203] {strides = array<i32>} : memref<8x128xi32, #tpu.memory_space<vmem>>, vector<16xi32>,
      tpu.vector_store %arg6[%swap3A_202, %swap3A_203], %gather3A_200 {strides = array<i32>} : memref<8x128xi32, #tpu.memory_space<vmem>>, vector<16xi32>,
      %get3A_205 = arith.constant 2 : i32
      %get3A_206 = arith.index_cast %get3A_205 : i32 to index
      %get3A_207 = arith.constant 96 : index
      %get3A_208 = tpu.vector_load %arg6[%get3A_206, %get3A_207] {strides = array<i32>} : memref<8x128xi32, #tpu.memory_space<vmem>>, vector<16xi32>,
      %gather3A_209 = tpu.vector_load_idx %arg5[%get3A_208] : memref<100000xi32, #tpu.memory_space<vmem>>[vector<16xi32>], vector<16xi32>,
      %swap3A_210 = arith.constant 2 : i32
      %swap3A_211 = arith.index_cast %swap3A_210 : i32 to index
      %swap3A_212 = arith.constant 96 : index
      %swap3A_213 = tpu.vector_load %arg6[%swap3A_211, %swap3A_212] {strides = array<i32>} : memref<8x128xi32, #tpu.memory_space<vmem>>, vector<16xi32>,
      tpu.vector_store %arg6[%swap3A_211, %swap3A_212], %gather3A_209 {strides = array<i32>} : memref<8x128xi32, #tpu.memory_space<vmem>>, vector<16xi32>,
      %get3A_214 = arith.constant 2 : i32
      %get3A_215 = arith.index_cast %get3A_214 : i32 to index
      %get3A_216 = arith.constant 112 : index
      %get3A_217 = tpu.vector_load %arg6[%get3A_215, %get3A_216] {strides = array<i32>} : memref<8x128xi32, #tpu.memory_space<vmem>>, vector<16xi32>,
      %gather3A_218 = tpu.vector_load_idx %arg5[%get3A_217] : memref<100000xi32, #tpu.memory_space<vmem>>[vector<16xi32>], vector<16xi32>,
      %swap3A_219 = arith.constant 2 : i32
      %swap3A_220 = arith.index_cast %swap3A_219 : i32 to index
      %swap3A_221 = arith.constant 112 : index
      %swap3A_222 = tpu.vector_load %arg6[%swap3A_220, %swap3A_221] {strides = array<i32>} : memref<8x128xi32, #tpu.memory_space<vmem>>, vector<16xi32>,
      tpu.vector_store %arg6[%swap3A_220, %swap3A_221], %gather3A_218 {strides = array<i32>} : memref<8x128xi32, #tpu.memory_space<vmem>>, vector<16xi32>,
      %get3A_223 = arith.constant 3 : i32
      %get3A_224 = arith.index_cast %get3A_223 : i32 to index
      %get3A_225 = arith.constant 0 : index
      %get3A_226 = tpu.vector_load %arg6[%get3A_224, %get3A_225] {strides = array<i32>} : memref<8x128xi32, #tpu.memory_space<vmem>>, vector<16xi32>,
      %gather3A_227 = tpu.vector_load_idx %arg5[%get3A_226] : memref<100000xi32, #tpu.memory_space<vmem>>[vector<16xi32>], vector<16xi32>,
      %swap3A_228 = arith.constant 3 : i32
      %swap3A_229 = arith.index_cast %swap3A_228 : i32 to index
      %swap3A_230 = arith.constant 0 : index
      %swap3A_231 = tpu.vector_load %arg6[%swap3A_229, %swap3A_230] {strides = array<i32>} : memref<8x128xi32, #tpu.memory_space<vmem>>, vector<16xi32>,
      tpu.vector_store %arg6[%swap3A_229, %swap3A_230], %gather3A_227 {strides = array<i32>} : memref<8x128xi32, #tpu.memory_space<vmem>>, vector<16xi32>,
      %get3A_232 = arith.constant 3 : i32
      %get3A_233 = arith.index_cast %get3A_232 : i32 to index
      %get3A_234 = arith.constant 16 : index
      %get3A_235 = tpu.vector_load %arg6[%get3A_233, %get3A_234] {strides = array<i32>} : memref<8x128xi32, #tpu.memory_space<vmem>>, vector<16xi32>,
      %gather3A_236 = tpu.vector_load_idx %arg5[%get3A_235] : memref<100000xi32, #tpu.memory_space<vmem>>[vector<16xi32>], vector<16xi32>,
      %swap3A_237 = arith.constant 3 : i32
      %swap3A_238 = arith.index_cast %swap3A_237 : i32 to index
      %swap3A_239 = arith.constant 16 : index
      %swap3A_240 = tpu.vector_load %arg6[%swap3A_238, %swap3A_239] {strides = array<i32>} : memref<8x128xi32, #tpu.memory_space<vmem>>, vector<16xi32>,
      tpu.vector_store %arg6[%swap3A_238, %swap3A_239], %gather3A_236 {strides = array<i32>} : memref<8x128xi32, #tpu.memory_space<vmem>>, vector<16xi32>,
      %get3A_241 = arith.constant 3 : i32
      %get3A_242 = arith.index_cast %get3A_241 : i32 to index
      %get3A_243 = arith.constant 32 : index
      %get3A_244 = tpu.vector_load %arg6[%get3A_242, %get3A_243] {strides = array<i32>} : memref<8x128xi32, #tpu.memory_space<vmem>>, vector<16xi32>,
      %gather3A_245 = tpu.vector_load_idx %arg5[%get3A_244] : memref<100000xi32, #tpu.memory_space<vmem>>[vector<16xi32>], vector<16xi32>,
      %swap3A_246 = arith.constant 3 : i32
      %swap3A_247 = arith.index_cast %swap3A_246 : i32 to index
      %swap3A_248 = arith.constant 32 : index
      %swap3A_249 = tpu.vector_load %arg6[%swap3A_247, %swap3A_248] {strides = array<i32>} : memref<8x128xi32, #tpu.memory_space<vmem>>, vector<16xi32>,
      tpu.vector_store %arg6[%swap3A_247, %swap3A_248], %gather3A_245 {strides = array<i32>} : memref<8x128xi32, #tpu.memory_space<vmem>>, vector<16xi32>,
      %get3A_250 = arith.constant 3 : i32
      %get3A_251 = arith.index_cast %get3A_250 : i32 to index
      %get3A_252 = arith.constant 48 : index
      %get3A_253 = tpu.vector_load %arg6[%get3A_251, %get3A_252] {strides = array<i32>} : memref<8x128xi32, #tpu.memory_space<vmem>>, vector<16xi32>,
      %gather3A_254 = tpu.vector_load_idx %arg5[%get3A_253] : memref<100000xi32, #tpu.memory_space<vmem>>[vector<16xi32>], vector<16xi32>,
      %swap3A_255 = arith.constant 3 : i32
      %swap3A_256 = arith.index_cast %swap3A_255 : i32 to index
      %swap3A_257 = arith.constant 48 : index
      %swap3A_258 = tpu.vector_load %arg6[%swap3A_256, %swap3A_257] {strides = array<i32>} : memref<8x128xi32, #tpu.memory_space<vmem>>, vector<16xi32>,
      tpu.vector_store %arg6[%swap3A_256, %swap3A_257], %gather3A_254 {strides = array<i32>} : memref<8x128xi32, #tpu.memory_space<vmem>>, vector<16xi32>,
      %get3A_259 = arith.constant 3 : i32
      %get3A_260 = arith.index_cast %get3A_259 : i32 to index
      %get3A_261 = arith.constant 64 : index
      %get3A_262 = tpu.vector_load %arg6[%get3A_260, %get3A_261] {strides = array<i32>} : memref<8x128xi32, #tpu.memory_space<vmem>>, vector<16xi32>,
      %gather3A_263 = tpu.vector_load_idx %arg5[%get3A_262] : memref<100000xi32, #tpu.memory_space<vmem>>[vector<16xi32>], vector<16xi32>,
      %swap3A_264 = arith.constant 3 : i32
      %swap3A_265 = arith.index_cast %swap3A_264 : i32 to index
      %swap3A_266 = arith.constant 64 : index
      %swap3A_267 = tpu.vector_load %arg6[%swap3A_265, %swap3A_266] {strides = array<i32>} : memref<8x128xi32, #tpu.memory_space<vmem>>, vector<16xi32>,
      tpu.vector_store %arg6[%swap3A_265, %swap3A_266], %gather3A_263 {strides = array<i32>} : memref<8x128xi32, #tpu.memory_space<vmem>>, vector<16xi32>,
      %get3A_268 = arith.constant 3 : i32
      %get3A_269 = arith.index_cast %get3A_268 : i32 to index
      %get3A_270 = arith.constant 80 : index
      %get3A_271 = tpu.vector_load %arg6[%get3A_269, %get3A_270] {strides = array<i32>} : memref<8x128xi32, #tpu.memory_space<vmem>>, vector<16xi32>,
      %gather3A_272 = tpu.vector_load_idx %arg5[%get3A_271] : memref<100000xi32, #tpu.memory_space<vmem>>[vector<16xi32>], vector<16xi32>,
      %swap3A_273 = arith.constant 3 : i32
      %swap3A_274 = arith.index_cast %swap3A_273 : i32 to index
      %swap3A_275 = arith.constant 80 : index
      %swap3A_276 = tpu.vector_load %arg6[%swap3A_274, %swap3A_275] {strides = array<i32>} : memref<8x128xi32, #tpu.memory_space<vmem>>, vector<16xi32>,
      tpu.vector_store %arg6[%swap3A_274, %swap3A_275], %gather3A_272 {strides = array<i32>} : memref<8x128xi32, #tpu.memory_space<vmem>>, vector<16xi32>,
      %get3A_277 = arith.constant 3 : i32
      %get3A_278 = arith.index_cast %get3A_277 : i32 to index
      %get3A_279 = arith.constant 96 : index
      %get3A_280 = tpu.vector_load %arg6[%get3A_278, %get3A_279] {strides = array<i32>} : memref<8x128xi32, #tpu.memory_space<vmem>>, vector<16xi32>,
      %gather3A_281 = tpu.vector_load_idx %arg5[%get3A_280] : memref<100000xi32, #tpu.memory_space<vmem>>[vector<16xi32>], vector<16xi32>,
      %swap3A_282 = arith.constant 3 : i32
      %swap3A_283 = arith.index_cast %swap3A_282 : i32 to index
      %swap3A_284 = arith.constant 96 : index
      %swap3A_285 = tpu.vector_load %arg6[%swap3A_283, %swap3A_284] {strides = array<i32>} : memref<8x128xi32, #tpu.memory_space<vmem>>, vector<16xi32>,
      tpu.vector_store %arg6[%swap3A_283, %swap3A_284], %gather3A_281 {strides = array<i32>} : memref<8x128xi32, #tpu.memory_space<vmem>>, vector<16xi32>,
      %get3A_286 = arith.constant 3 : i32
      %get3A_287 = arith.index_cast %get3A_286 : i32 to index
      %get3A_288 = arith.constant 112 : index
      %get3A_289 = tpu.vector_load %arg6[%get3A_287, %get3A_288] {strides = array<i32>} : memref<8x128xi32, #tpu.memory_space<vmem>>, vector<16xi32>,
      %gather3A_290 = tpu.vector_load_idx %arg5[%get3A_289] : memref<100000xi32, #tpu.memory_space<vmem>>[vector<16xi32>], vector<16xi32>,
      %swap3A_291 = arith.constant 3 : i32
      %swap3A_292 = arith.index_cast %swap3A_291 : i32 to index
      %swap3A_293 = arith.constant 112 : index
      %swap3A_294 = tpu.vector_load %arg6[%swap3A_292, %swap3A_293] {strides = array<i32>} : memref<8x128xi32, #tpu.memory_space<vmem>>, vector<16xi32>,
      tpu.vector_store %arg6[%swap3A_292, %swap3A_293], %gather3A_290 {strides = array<i32>} : memref<8x128xi32, #tpu.memory_space<vmem>>, vector<16xi32>,
      %get3A_295 = arith.constant 4 : i32
      %get3A_296 = arith.index_cast %get3A_295 : i32 to index
      %get3A_297 = arith.constant 0 : index
      %get3A_298 = tpu.vector_load %arg6[%get3A_296, %get3A_297] {strides = array<i32>} : memref<8x128xi32, #tpu.memory_space<vmem>>, vector<16xi32>,
      %gather3A_299 = tpu.vector_load_idx %arg5[%get3A_298] : memref<100000xi32, #tpu.memory_space<vmem>>[vector<16xi32>], vector<16xi32>,
      %swap3A_300 = arith.constant 4 : i32
      %swap3A_301 = arith.index_cast %swap3A_300 : i32 to index
      %swap3A_302 = arith.constant 0 : index
      %swap3A_303 = tpu.vector_load %arg6[%swap3A_301, %swap3A_302] {strides = array<i32>} : memref<8x128xi32, #tpu.memory_space<vmem>>, vector<16xi32>,
      tpu.vector_store %arg6[%swap3A_301, %swap3A_302], %gather3A_299 {strides = array<i32>} : memref<8x128xi32, #tpu.memory_space<vmem>>, vector<16xi32>,
      %get3A_304 = arith.constant 4 : i32
      %get3A_305 = arith.index_cast %get3A_304 : i32 to index
      %get3A_306 = arith.constant 16 : index
      %get3A_307 = tpu.vector_load %arg6[%get3A_305, %get3A_306] {strides = array<i32>} : memref<8x128xi32, #tpu.memory_space<vmem>>, vector<16xi32>,
      %gather3A_308 = tpu.vector_load_idx %arg5[%get3A_307] : memref<100000xi32, #tpu.memory_space<vmem>>[vector<16xi32>], vector<16xi32>,
      %swap3A_309 = arith.constant 4 : i32
      %swap3A_310 = arith.index_cast %swap3A_309 : i32 to index
      %swap3A_311 = arith.constant 16 : index
      %swap3A_312 = tpu.vector_load %arg6[%swap3A_310, %swap3A_311] {strides = array<i32>} : memref<8x128xi32, #tpu.memory_space<vmem>>, vector<16xi32>,
      tpu.vector_store %arg6[%swap3A_310, %swap3A_311], %gather3A_308 {strides = array<i32>} : memref<8x128xi32, #tpu.memory_space<vmem>>, vector<16xi32>,
      %get3A_313 = arith.constant 4 : i32
      %get3A_314 = arith.index_cast %get3A_313 : i32 to index
      %get3A_315 = arith.constant 32 : index
      %get3A_316 = tpu.vector_load %arg6[%get3A_314, %get3A_315] {strides = array<i32>} : memref<8x128xi32, #tpu.memory_space<vmem>>, vector<16xi32>,
      %gather3A_317 = tpu.vector_load_idx %arg5[%get3A_316] : memref<100000xi32, #tpu.memory_space<vmem>>[vector<16xi32>], vector<16xi32>,
      %swap3A_318 = arith.constant 4 : i32
      %swap3A_319 = arith.index_cast %swap3A_318 : i32 to index
      %swap3A_320 = arith.constant 32 : index
      %swap3A_321 = tpu.vector_load %arg6[%swap3A_319, %swap3A_320] {strides = array<i32>} : memref<8x128xi32, #tpu.memory_space<vmem>>, vector<16xi32>,
      tpu.vector_store %arg6[%swap3A_319, %swap3A_320], %gather3A_317 {strides = array<i32>} : memref<8x128xi32, #tpu.memory_space<vmem>>, vector<16xi32>,
      %get3A_322 = arith.constant 4 : i32
      %get3A_323 = arith.index_cast %get3A_322 : i32 to index
      %get3A_324 = arith.constant 48 : index
      %get3A_325 = tpu.vector_load %arg6[%get3A_323, %get3A_324] {strides = array<i32>} : memref<8x128xi32, #tpu.memory_space<vmem>>, vector<16xi32>,
      %gather3A_326 = tpu.vector_load_idx %arg5[%get3A_325] : memref<100000xi32, #tpu.memory_space<vmem>>[vector<16xi32>], vector<16xi32>,
      %swap3A_327 = arith.constant 4 : i32
      %swap3A_328 = arith.index_cast %swap3A_327 : i32 to index
      %swap3A_329 = arith.constant 48 : index
      %swap3A_330 = tpu.vector_load %arg6[%swap3A_328, %swap3A_329] {strides = array<i32>} : memref<8x128xi32, #tpu.memory_space<vmem>>, vector<16xi32>,
      tpu.vector_store %arg6[%swap3A_328, %swap3A_329], %gather3A_326 {strides = array<i32>} : memref<8x128xi32, #tpu.memory_space<vmem>>, vector<16xi32>,
      %get3A_331 = arith.constant 4 : i32
      %get3A_332 = arith.index_cast %get3A_331 : i32 to index
      %get3A_333 = arith.constant 64 : index
      %get3A_334 = tpu.vector_load %arg6[%get3A_332, %get3A_333] {strides = array<i32>} : memref<8x128xi32, #tpu.memory_space<vmem>>, vector<16xi32>,
      %gather3A_335 = tpu.vector_load_idx %arg5[%get3A_334] : memref<100000xi32, #tpu.memory_space<vmem>>[vector<16xi32>], vector<16xi32>,
      %swap3A_336 = arith.constant 4 : i32
      %swap3A_337 = arith.index_cast %swap3A_336 : i32 to index
      %swap3A_338 = arith.constant 64 : index
      %swap3A_339 = tpu.vector_load %arg6[%swap3A_337, %swap3A_338] {strides = array<i32>} : memref<8x128xi32, #tpu.memory_space<vmem>>, vector<16xi32>,
      tpu.vector_store %arg6[%swap3A_337, %swap3A_338], %gather3A_335 {strides = array<i32>} : memref<8x128xi32, #tpu.memory_space<vmem>>, vector<16xi32>,
      %get3A_340 = arith.constant 4 : i32
      %get3A_341 = arith.index_cast %get3A_340 : i32 to index
      %get3A_342 = arith.constant 80 : index
      %get3A_343 = tpu.vector_load %arg6[%get3A_341, %get3A_342] {strides = array<i32>} : memref<8x128xi32, #tpu.memory_space<vmem>>, vector<16xi32>,
      %gather3A_344 = tpu.vector_load_idx %arg5[%get3A_343] : memref<100000xi32, #tpu.memory_space<vmem>>[vector<16xi32>], vector<16xi32>,
      %swap3A_345 = arith.constant 4 : i32
      %swap3A_346 = arith.index_cast %swap3A_345 : i32 to index
      %swap3A_347 = arith.constant 80 : index
      %swap3A_348 = tpu.vector_load %arg6[%swap3A_346, %swap3A_347] {strides = array<i32>} : memref<8x128xi32, #tpu.memory_space<vmem>>, vector<16xi32>,
      tpu.vector_store %arg6[%swap3A_346, %swap3A_347], %gather3A_344 {strides = array<i32>} : memref<8x128xi32, #tpu.memory_space<vmem>>, vector<16xi32>,
      %get3A_349 = arith.constant 4 : i32
      %get3A_350 = arith.index_cast %get3A_349 : i32 to index
      %get3A_351 = arith.constant 96 : index
      %get3A_352 = tpu.vector_load %arg6[%get3A_350, %get3A_351] {strides = array<i32>} : memref<8x128xi32, #tpu.memory_space<vmem>>, vector<16xi32>,
      %gather3A_353 = tpu.vector_load_idx %arg5[%get3A_352] : memref<100000xi32, #tpu.memory_space<vmem>>[vector<16xi32>], vector<16xi32>,
      %swap3A_354 = arith.constant 4 : i32
      %swap3A_355 = arith.index_cast %swap3A_354 : i32 to index
      %swap3A_356 = arith.constant 96 : index
      %swap3A_357 = tpu.vector_load %arg6[%swap3A_355, %swap3A_356] {strides = array<i32>} : memref<8x128xi32, #tpu.memory_space<vmem>>, vector<16xi32>,
      tpu.vector_store %arg6[%swap3A_355, %swap3A_356], %gather3A_353 {strides = array<i32>} : memref<8x128xi32, #tpu.memory_space<vmem>>, vector<16xi32>,
      %get3A_358 = arith.constant 4 : i32
      %get3A_359 = arith.index_cast %get3A_358 : i32 to index
      %get3A_360 = arith.constant 112 : index
      %get3A_361 = tpu.vector_load %arg6[%get3A_359, %get3A_360] {strides = array<i32>} : memref<8x128xi32, #tpu.memory_space<vmem>>, vector<16xi32>,
      %gather3A_362 = tpu.vector_load_idx %arg5[%get3A_361] : memref<100000xi32, #tpu.memory_space<vmem>>[vector<16xi32>], vector<16xi32>,
      %swap3A_363 = arith.constant 4 : i32
      %swap3A_364 = arith.index_cast %swap3A_363 : i32 to index
      %swap3A_365 = arith.constant 112 : index
      %swap3A_366 = tpu.vector_load %arg6[%swap3A_364, %swap3A_365] {strides = array<i32>} : memref<8x128xi32, #tpu.memory_space<vmem>>, vector<16xi32>,
      tpu.vector_store %arg6[%swap3A_364, %swap3A_365], %gather3A_362 {strides = array<i32>} : memref<8x128xi32, #tpu.memory_space<vmem>>, vector<16xi32>,
      %get3A_367 = arith.constant 5 : i32
      %get3A_368 = arith.index_cast %get3A_367 : i32 to index
      %get3A_369 = arith.constant 0 : index
      %get3A_370 = tpu.vector_load %arg6[%get3A_368, %get3A_369] {strides = array<i32>} : memref<8x128xi32, #tpu.memory_space<vmem>>, vector<16xi32>,
      %gather3A_371 = tpu.vector_load_idx %arg5[%get3A_370] : memref<100000xi32, #tpu.memory_space<vmem>>[vector<16xi32>], vector<16xi32>,
      %swap3A_372 = arith.constant 5 : i32
      %swap3A_373 = arith.index_cast %swap3A_372 : i32 to index
      %swap3A_374 = arith.constant 0 : index
      %swap3A_375 = tpu.vector_load %arg6[%swap3A_373, %swap3A_374] {strides = array<i32>} : memref<8x128xi32, #tpu.memory_space<vmem>>, vector<16xi32>,
      tpu.vector_store %arg6[%swap3A_373, %swap3A_374], %gather3A_371 {strides = array<i32>} : memref<8x128xi32, #tpu.memory_space<vmem>>, vector<16xi32>,
      %get3A_376 = arith.constant 5 : i32
      %get3A_377 = arith.index_cast %get3A_376 : i32 to index
      %get3A_378 = arith.constant 16 : index
      %get3A_379 = tpu.vector_load %arg6[%get3A_377, %get3A_378] {strides = array<i32>} : memref<8x128xi32, #tpu.memory_space<vmem>>, vector<16xi32>,
      %gather3A_380 = tpu.vector_load_idx %arg5[%get3A_379] : memref<100000xi32, #tpu.memory_space<vmem>>[vector<16xi32>], vector<16xi32>,
      %swap3A_381 = arith.constant 5 : i32
      %swap3A_382 = arith.index_cast %swap3A_381 : i32 to index
      %swap3A_383 = arith.constant 16 : index
      %swap3A_384 = tpu.vector_load %arg6[%swap3A_382, %swap3A_383] {strides = array<i32>} : memref<8x128xi32, #tpu.memory_space<vmem>>, vector<16xi32>,
      tpu.vector_store %arg6[%swap3A_382, %swap3A_383], %gather3A_380 {strides = array<i32>} : memref<8x128xi32, #tpu.memory_space<vmem>>, vector<16xi32>,
      %get3A_385 = arith.constant 5 : i32
      %get3A_386 = arith.index_cast %get3A_385 : i32 to index
      %get3A_387 = arith.constant 32 : index
      %get3A_388 = tpu.vector_load %arg6[%get3A_386, %get3A_387] {strides = array<i32>} : memref<8x128xi32, #tpu.memory_space<vmem>>, vector<16xi32>,
      %gather3A_389 = tpu.vector_load_idx %arg5[%get3A_388] : memref<100000xi32, #tpu.memory_space<vmem>>[vector<16xi32>], vector<16xi32>,
      %swap3A_390 = arith.constant 5 : i32
      %swap3A_391 = arith.index_cast %swap3A_390 : i32 to index
      %swap3A_392 = arith.constant 32 : index
      %swap3A_393 = tpu.vector_load %arg6[%swap3A_391, %swap3A_392] {strides = array<i32>} : memref<8x128xi32, #tpu.memory_space<vmem>>, vector<16xi32>,
      tpu.vector_store %arg6[%swap3A_391, %swap3A_392], %gather3A_389 {strides = array<i32>} : memref<8x128xi32, #tpu.memory_space<vmem>>, vector<16xi32>,
      %get3A_394 = arith.constant 5 : i32
      %get3A_395 = arith.index_cast %get3A_394 : i32 to index
      %get3A_396 = arith.constant 48 : index
      %get3A_397 = tpu.vector_load %arg6[%get3A_395, %get3A_396] {strides = array<i32>} : memref<8x128xi32, #tpu.memory_space<vmem>>, vector<16xi32>,
      %gather3A_398 = tpu.vector_load_idx %arg5[%get3A_397] : memref<100000xi32, #tpu.memory_space<vmem>>[vector<16xi32>], vector<16xi32>,
      %swap3A_399 = arith.constant 5 : i32
      %swap3A_400 = arith.index_cast %swap3A_399 : i32 to index
      %swap3A_401 = arith.constant 48 : index
      %swap3A_402 = tpu.vector_load %arg6[%swap3A_400, %swap3A_401] {strides = array<i32>} : memref<8x128xi32, #tpu.memory_space<vmem>>, vector<16xi32>,
      tpu.vector_store %arg6[%swap3A_400, %swap3A_401], %gather3A_398 {strides = array<i32>} : memref<8x128xi32, #tpu.memory_space<vmem>>, vector<16xi32>,
      %get3A_403 = arith.constant 5 : i32
      %get3A_404 = arith.index_cast %get3A_403 : i32 to index
      %get3A_405 = arith.constant 64 : index
      %get3A_406 = tpu.vector_load %arg6[%get3A_404, %get3A_405] {strides = array<i32>} : memref<8x128xi32, #tpu.memory_space<vmem>>, vector<16xi32>,
      %gather3A_407 = tpu.vector_load_idx %arg5[%get3A_406] : memref<100000xi32, #tpu.memory_space<vmem>>[vector<16xi32>], vector<16xi32>,
      %swap3A_408 = arith.constant 5 : i32
      %swap3A_409 = arith.index_cast %swap3A_408 : i32 to index
      %swap3A_410 = arith.constant 64 : index
      %swap3A_411 = tpu.vector_load %arg6[%swap3A_409, %swap3A_410] {strides = array<i32>} : memref<8x128xi32, #tpu.memory_space<vmem>>, vector<16xi32>,
      tpu.vector_store %arg6[%swap3A_409, %swap3A_410], %gather3A_407 {strides = array<i32>} : memref<8x128xi32, #tpu.memory_space<vmem>>, vector<16xi32>,
      %get3A_412 = arith.constant 5 : i32
      %get3A_413 = arith.index_cast %get3A_412 : i32 to index
      %get3A_414 = arith.constant 80 : index
      %get3A_415 = tpu.vector_load %arg6[%get3A_413, %get3A_414] {strides = array<i32>} : memref<8x128xi32, #tpu.memory_space<vmem>>, vector<16xi32>,
      %gather3A_416 = tpu.vector_load_idx %arg5[%get3A_415] : memref<100000xi32, #tpu.memory_space<vmem>>[vector<16xi32>], vector<16xi32>,
      %swap3A_417 = arith.constant 5 : i32
      %swap3A_418 = arith.index_cast %swap3A_417 : i32 to index
      %swap3A_419 = arith.constant 80 : index
      %swap3A_420 = tpu.vector_load %arg6[%swap3A_418, %swap3A_419] {strides = array<i32>} : memref<8x128xi32, #tpu.memory_space<vmem>>, vector<16xi32>,
      tpu.vector_store %arg6[%swap3A_418, %swap3A_419], %gather3A_416 {strides = array<i32>} : memref<8x128xi32, #tpu.memory_space<vmem>>, vector<16xi32>,
      %get3A_421 = arith.constant 5 : i32
      %get3A_422 = arith.index_cast %get3A_421 : i32 to index
      %get3A_423 = arith.constant 96 : index
      %get3A_424 = tpu.vector_load %arg6[%get3A_422, %get3A_423] {strides = array<i32>} : memref<8x128xi32, #tpu.memory_space<vmem>>, vector<16xi32>,
      %gather3A_425 = tpu.vector_load_idx %arg5[%get3A_424] : memref<100000xi32, #tpu.memory_space<vmem>>[vector<16xi32>], vector<16xi32>,
      %swap3A_426 = arith.constant 5 : i32
      %swap3A_427 = arith.index_cast %swap3A_426 : i32 to index
      %swap3A_428 = arith.constant 96 : index
      %swap3A_429 = tpu.vector_load %arg6[%swap3A_427, %swap3A_428] {strides = array<i32>} : memref<8x128xi32, #tpu.memory_space<vmem>>, vector<16xi32>,
      tpu.vector_store %arg6[%swap3A_427, %swap3A_428], %gather3A_425 {strides = array<i32>} : memref<8x128xi32, #tpu.memory_space<vmem>>, vector<16xi32>,
      %get3A_430 = arith.constant 5 : i32
      %get3A_431 = arith.index_cast %get3A_430 : i32 to index
      %get3A_432 = arith.constant 112 : index
      %get3A_433 = tpu.vector_load %arg6[%get3A_431, %get3A_432] {strides = array<i32>} : memref<8x128xi32, #tpu.memory_space<vmem>>, vector<16xi32>,
      %gather3A_434 = tpu.vector_load_idx %arg5[%get3A_433] : memref<100000xi32, #tpu.memory_space<vmem>>[vector<16xi32>], vector<16xi32>,
      %swap3A_435 = arith.constant 5 : i32
      %swap3A_436 = arith.index_cast %swap3A_435 : i32 to index
      %swap3A_437 = arith.constant 112 : index
      %swap3A_438 = tpu.vector_load %arg6[%swap3A_436, %swap3A_437] {strides = array<i32>} : memref<8x128xi32, #tpu.memory_space<vmem>>, vector<16xi32>,
      tpu.vector_store %arg6[%swap3A_436, %swap3A_437], %gather3A_434 {strides = array<i32>} : memref<8x128xi32, #tpu.memory_space<vmem>>, vector<16xi32>,
      %get3A_439 = arith.constant 6 : i32
      %get3A_440 = arith.index_cast %get3A_439 : i32 to index
      %get3A_441 = arith.constant 0 : index
      %get3A_442 = tpu.vector_load %arg6[%get3A_440, %get3A_441] {strides = array<i32>} : memref<8x128xi32, #tpu.memory_space<vmem>>, vector<16xi32>,
      %gather3A_443 = tpu.vector_load_idx %arg5[%get3A_442] : memref<100000xi32, #tpu.memory_space<vmem>>[vector<16xi32>], vector<16xi32>,
      %swap3A_444 = arith.constant 6 : i32
      %swap3A_445 = arith.index_cast %swap3A_444 : i32 to index
      %swap3A_446 = arith.constant 0 : index
      %swap3A_447 = tpu.vector_load %arg6[%swap3A_445, %swap3A_446] {strides = array<i32>} : memref<8x128xi32, #tpu.memory_space<vmem>>, vector<16xi32>,
      tpu.vector_store %arg6[%swap3A_445, %swap3A_446], %gather3A_443 {strides = array<i32>} : memref<8x128xi32, #tpu.memory_space<vmem>>, vector<16xi32>,
      %get3A_448 = arith.constant 6 : i32
      %get3A_449 = arith.index_cast %get3A_448 : i32 to index
      %get3A_450 = arith.constant 16 : index
      %get3A_451 = tpu.vector_load %arg6[%get3A_449, %get3A_450] {strides = array<i32>} : memref<8x128xi32, #tpu.memory_space<vmem>>, vector<16xi32>,
      %gather3A_452 = tpu.vector_load_idx %arg5[%get3A_451] : memref<100000xi32, #tpu.memory_space<vmem>>[vector<16xi32>], vector<16xi32>,
      %swap3A_453 = arith.constant 6 : i32
      %swap3A_454 = arith.index_cast %swap3A_453 : i32 to index
      %swap3A_455 = arith.constant 16 : index
      %swap3A_456 = tpu.vector_load %arg6[%swap3A_454, %swap3A_455] {strides = array<i32>} : memref<8x128xi32, #tpu.memory_space<vmem>>, vector<16xi32>,
      tpu.vector_store %arg6[%swap3A_454, %swap3A_455], %gather3A_452 {strides = array<i32>} : memref<8x128xi32, #tpu.memory_space<vmem>>, vector<16xi32>,
      %get3A_457 = arith.constant 6 : i32
      %get3A_458 = arith.index_cast %get3A_457 : i32 to index
      %get3A_459 = arith.constant 32 : index
      %get3A_460 = tpu.vector_load %arg6[%get3A_458, %get3A_459] {strides = array<i32>} : memref<8x128xi32, #tpu.memory_space<vmem>>, vector<16xi32>,
      %gather3A_461 = tpu.vector_load_idx %arg5[%get3A_460] : memref<100000xi32, #tpu.memory_space<vmem>>[vector<16xi32>], vector<16xi32>,
      %swap3A_462 = arith.constant 6 : i32
      %swap3A_463 = arith.index_cast %swap3A_462 : i32 to index
      %swap3A_464 = arith.constant 32 : index
      %swap3A_465 = tpu.vector_load %arg6[%swap3A_463, %swap3A_464] {strides = array<i32>} : memref<8x128xi32, #tpu.memory_space<vmem>>, vector<16xi32>,
      tpu.vector_store %arg6[%swap3A_463, %swap3A_464], %gather3A_461 {strides = array<i32>} : memref<8x128xi32, #tpu.memory_space<vmem>>, vector<16xi32>,
      %get3A_466 = arith.constant 6 : i32
      %get3A_467 = arith.index_cast %get3A_466 : i32 to index
      %get3A_468 = arith.constant 48 : index
      %get3A_469 = tpu.vector_load %arg6[%get3A_467, %get3A_468] {strides = array<i32>} : memref<8x128xi32, #tpu.memory_space<vmem>>, vector<16xi32>,
      %gather3A_470 = tpu.vector_load_idx %arg5[%get3A_469] : memref<100000xi32, #tpu.memory_space<vmem>>[vector<16xi32>], vector<16xi32>,
      %swap3A_471 = arith.constant 6 : i32
      %swap3A_472 = arith.index_cast %swap3A_471 : i32 to index
      %swap3A_473 = arith.constant 48 : index
      %swap3A_474 = tpu.vector_load %arg6[%swap3A_472, %swap3A_473] {strides = array<i32>} : memref<8x128xi32, #tpu.memory_space<vmem>>, vector<16xi32>,
      tpu.vector_store %arg6[%swap3A_472, %swap3A_473], %gather3A_470 {strides = array<i32>} : memref<8x128xi32, #tpu.memory_space<vmem>>, vector<16xi32>,
      %get3A_475 = arith.constant 6 : i32
      %get3A_476 = arith.index_cast %get3A_475 : i32 to index
      %get3A_477 = arith.constant 64 : index
      %get3A_478 = tpu.vector_load %arg6[%get3A_476, %get3A_477] {strides = array<i32>} : memref<8x128xi32, #tpu.memory_space<vmem>>, vector<16xi32>,
      %gather3A_479 = tpu.vector_load_idx %arg5[%get3A_478] : memref<100000xi32, #tpu.memory_space<vmem>>[vector<16xi32>], vector<16xi32>,
      %swap3A_480 = arith.constant 6 : i32
      %swap3A_481 = arith.index_cast %swap3A_480 : i32 to index
      %swap3A_482 = arith.constant 64 : index
      %swap3A_483 = tpu.vector_load %arg6[%swap3A_481, %swap3A_482] {strides = array<i32>} : memref<8x128xi32, #tpu.memory_space<vmem>>, vector<16xi32>,
      tpu.vector_store %arg6[%swap3A_481, %swap3A_482], %gather3A_479 {strides = array<i32>} : memref<8x128xi32, #tpu.memory_space<vmem>>, vector<16xi32>,
      %get3A_484 = arith.constant 6 : i32
      %get3A_485 = arith.index_cast %get3A_484 : i32 to index
      %get3A_486 = arith.constant 80 : index
      %get3A_487 = tpu.vector_load %arg6[%get3A_485, %get3A_486] {strides = array<i32>} : memref<8x128xi32, #tpu.memory_space<vmem>>, vector<16xi32>,
      %gather3A_488 = tpu.vector_load_idx %arg5[%get3A_487] : memref<100000xi32, #tpu.memory_space<vmem>>[vector<16xi32>], vector<16xi32>,
      %swap3A_489 = arith.constant 6 : i32
      %swap3A_490 = arith.index_cast %swap3A_489 : i32 to index
      %swap3A_491 = arith.constant 80 : index
      %swap3A_492 = tpu.vector_load %arg6[%swap3A_490, %swap3A_491] {strides = array<i32>} : memref<8x128xi32, #tpu.memory_space<vmem>>, vector<16xi32>,
      tpu.vector_store %arg6[%swap3A_490, %swap3A_491], %gather3A_488 {strides = array<i32>} : memref<8x128xi32, #tpu.memory_space<vmem>>, vector<16xi32>,
      %get3A_493 = arith.constant 6 : i32
      %get3A_494 = arith.index_cast %get3A_493 : i32 to index
      %get3A_495 = arith.constant 96 : index
      %get3A_496 = tpu.vector_load %arg6[%get3A_494, %get3A_495] {strides = array<i32>} : memref<8x128xi32, #tpu.memory_space<vmem>>, vector<16xi32>,
      %gather3A_497 = tpu.vector_load_idx %arg5[%get3A_496] : memref<100000xi32, #tpu.memory_space<vmem>>[vector<16xi32>], vector<16xi32>,
      %swap3A_498 = arith.constant 6 : i32
      %swap3A_499 = arith.index_cast %swap3A_498 : i32 to index
      %swap3A_500 = arith.constant 96 : index
      %swap3A_501 = tpu.vector_load %arg6[%swap3A_499, %swap3A_500] {strides = array<i32>} : memref<8x128xi32, #tpu.memory_space<vmem>>, vector<16xi32>,
      tpu.vector_store %arg6[%swap3A_499, %swap3A_500], %gather3A_497 {strides = array<i32>} : memref<8x128xi32, #tpu.memory_space<vmem>>, vector<16xi32>,
      %get3A_502 = arith.constant 6 : i32
      %get3A_503 = arith.index_cast %get3A_502 : i32 to index
      %get3A_504 = arith.constant 112 : index
      %get3A_505 = tpu.vector_load %arg6[%get3A_503, %get3A_504] {strides = array<i32>} : memref<8x128xi32, #tpu.memory_space<vmem>>, vector<16xi32>,
      %gather3A_506 = tpu.vector_load_idx %arg5[%get3A_505] : memref<100000xi32, #tpu.memory_space<vmem>>[vector<16xi32>], vector<16xi32>,
      %swap3A_507 = arith.constant 6 : i32
      %swap3A_508 = arith.index_cast %swap3A_507 : i32 to index
      %swap3A_509 = arith.constant 112 : index
      %swap3A_510 = tpu.vector_load %arg6[%swap3A_508, %swap3A_509] {strides = array<i32>} : memref<8x128xi32, #tpu.memory_space<vmem>>, vector<16xi32>,
      tpu.vector_store %arg6[%swap3A_508, %swap3A_509], %gather3A_506 {strides = array<i32>} : memref<8x128xi32, #tpu.memory_space<vmem>>, vector<16xi32>,
      %get3A_511 = arith.constant 7 : i32
      %get3A_512 = arith.index_cast %get3A_511 : i32 to index
      %get3A_513 = arith.constant 0 : index
      %get3A_514 = tpu.vector_load %arg6[%get3A_512, %get3A_513] {strides = array<i32>} : memref<8x128xi32, #tpu.memory_space<vmem>>, vector<16xi32>,
      %gather3A_515 = tpu.vector_load_idx %arg5[%get3A_514] : memref<100000xi32, #tpu.memory_space<vmem>>[vector<16xi32>], vector<16xi32>,
      %swap3A_516 = arith.constant 7 : i32
      %swap3A_517 = arith.index_cast %swap3A_516 : i32 to index
      %swap3A_518 = arith.constant 0 : index
      %swap3A_519 = tpu.vector_load %arg6[%swap3A_517, %swap3A_518] {strides = array<i32>} : memref<8x128xi32, #tpu.memory_space<vmem>>, vector<16xi32>,
      tpu.vector_store %arg6[%swap3A_517, %swap3A_518], %gather3A_515 {strides = array<i32>} : memref<8x128xi32, #tpu.memory_space<vmem>>, vector<16xi32>,
      %get3A_520 = arith.constant 7 : i32
      %get3A_521 = arith.index_cast %get3A_520 : i32 to index
      %get3A_522 = arith.constant 16 : index
      %get3A_523 = tpu.vector_load %arg6[%get3A_521, %get3A_522] {strides = array<i32>} : memref<8x128xi32, #tpu.memory_space<vmem>>, vector<16xi32>,
      %gather3A_524 = tpu.vector_load_idx %arg5[%get3A_523] : memref<100000xi32, #tpu.memory_space<vmem>>[vector<16xi32>], vector<16xi32>,
      %swap3A_525 = arith.constant 7 : i32
      %swap3A_526 = arith.index_cast %swap3A_525 : i32 to index
      %swap3A_527 = arith.constant 16 : index
      %swap3A_528 = tpu.vector_load %arg6[%swap3A_526, %swap3A_527] {strides = array<i32>} : memref<8x128xi32, #tpu.memory_space<vmem>>, vector<16xi32>,
      tpu.vector_store %arg6[%swap3A_526, %swap3A_527], %gather3A_524 {strides = array<i32>} : memref<8x128xi32, #tpu.memory_space<vmem>>, vector<16xi32>,
      %get3A_529 = arith.constant 7 : i32
      %get3A_530 = arith.index_cast %get3A_529 : i32 to index
      %get3A_531 = arith.constant 32 : index
      %get3A_532 = tpu.vector_load %arg6[%get3A_530, %get3A_531] {strides = array<i32>} : memref<8x128xi32, #tpu.memory_space<vmem>>, vector<16xi32>,
      %gather3A_533 = tpu.vector_load_idx %arg5[%get3A_532] : memref<100000xi32, #tpu.memory_space<vmem>>[vector<16xi32>], vector<16xi32>,
      %swap3A_534 = arith.constant 7 : i32
      %swap3A_535 = arith.index_cast %swap3A_534 : i32 to index
      %swap3A_536 = arith.constant 32 : index
      %swap3A_537 = tpu.vector_load %arg6[%swap3A_535, %swap3A_536] {strides = array<i32>} : memref<8x128xi32, #tpu.memory_space<vmem>>, vector<16xi32>,
      tpu.vector_store %arg6[%swap3A_535, %swap3A_536], %gather3A_533 {strides = array<i32>} : memref<8x128xi32, #tpu.memory_space<vmem>>, vector<16xi32>,
      %get3A_538 = arith.constant 7 : i32
      %get3A_539 = arith.index_cast %get3A_538 : i32 to index
      %get3A_540 = arith.constant 48 : index
      %get3A_541 = tpu.vector_load %arg6[%get3A_539, %get3A_540] {strides = array<i32>} : memref<8x128xi32, #tpu.memory_space<vmem>>, vector<16xi32>,
      %gather3A_542 = tpu.vector_load_idx %arg5[%get3A_541] : memref<100000xi32, #tpu.memory_space<vmem>>[vector<16xi32>], vector<16xi32>,
      %swap3A_543 = arith.constant 7 : i32
      %swap3A_544 = arith.index_cast %swap3A_543 : i32 to index
      %swap3A_545 = arith.constant 48 : index
      %swap3A_546 = tpu.vector_load %arg6[%swap3A_544, %swap3A_545] {strides = array<i32>} : memref<8x128xi32, #tpu.memory_space<vmem>>, vector<16xi32>,
      tpu.vector_store %arg6[%swap3A_544, %swap3A_545], %gather3A_542 {strides = array<i32>} : memref<8x128xi32, #tpu.memory_space<vmem>>, vector<16xi32>,
      %get3A_547 = arith.constant 7 : i32
      %get3A_548 = arith.index_cast %get3A_547 : i32 to index
      %get3A_549 = arith.constant 64 : index
      %get3A_550 = tpu.vector_load %arg6[%get3A_548, %get3A_549] {strides = array<i32>} : memref<8x128xi32, #tpu.memory_space<vmem>>, vector<16xi32>,
      %gather3A_551 = tpu.vector_load_idx %arg5[%get3A_550] : memref<100000xi32, #tpu.memory_space<vmem>>[vector<16xi32>], vector<16xi32>,
      %swap3A_552 = arith.constant 7 : i32
      %swap3A_553 = arith.index_cast %swap3A_552 : i32 to index
      %swap3A_554 = arith.constant 64 : index
      %swap3A_555 = tpu.vector_load %arg6[%swap3A_553, %swap3A_554] {strides = array<i32>} : memref<8x128xi32, #tpu.memory_space<vmem>>, vector<16xi32>,
      tpu.vector_store %arg6[%swap3A_553, %swap3A_554], %gather3A_551 {strides = array<i32>} : memref<8x128xi32, #tpu.memory_space<vmem>>, vector<16xi32>,
      %get3A_556 = arith.constant 7 : i32
      %get3A_557 = arith.index_cast %get3A_556 : i32 to index
      %get3A_558 = arith.constant 80 : index
      %get3A_559 = tpu.vector_load %arg6[%get3A_557, %get3A_558] {strides = array<i32>} : memref<8x128xi32, #tpu.memory_space<vmem>>, vector<16xi32>,
      %gather3A_560 = tpu.vector_load_idx %arg5[%get3A_559] : memref<100000xi32, #tpu.memory_space<vmem>>[vector<16xi32>], vector<16xi32>,
      %swap3A_561 = arith.constant 7 : i32
      %swap3A_562 = arith.index_cast %swap3A_561 : i32 to index
      %swap3A_563 = arith.constant 80 : index
      %swap3A_564 = tpu.vector_load %arg6[%swap3A_562, %swap3A_563] {strides = array<i32>} : memref<8x128xi32, #tpu.memory_space<vmem>>, vector<16xi32>,
      tpu.vector_store %arg6[%swap3A_562, %swap3A_563], %gather3A_560 {strides = array<i32>} : memref<8x128xi32, #tpu.memory_space<vmem>>, vector<16xi32>,
      %get3A_565 = arith.constant 7 : i32
      %get3A_566 = arith.index_cast %get3A_565 : i32 to index
      %get3A_567 = arith.constant 96 : index
      %get3A_568 = tpu.vector_load %arg6[%get3A_566, %get3A_567] {strides = array<i32>} : memref<8x128xi32, #tpu.memory_space<vmem>>, vector<16xi32>,
      %gather3A_569 = tpu.vector_load_idx %arg5[%get3A_568] : memref<100000xi32, #tpu.memory_space<vmem>>[vector<16xi32>], vector<16xi32>,
      %swap3A_570 = arith.constant 7 : i32
      %swap3A_571 = arith.index_cast %swap3A_570 : i32 to index
      %swap3A_572 = arith.constant 96 : index
      %swap3A_573 = tpu.vector_load %arg6[%swap3A_571, %swap3A_572] {strides = array<i32>} : memref<8x128xi32, #tpu.memory_space<vmem>>, vector<16xi32>,
      tpu.vector_store %arg6[%swap3A_571, %swap3A_572], %gather3A_569 {strides = array<i32>} : memref<8x128xi32, #tpu.memory_space<vmem>>, vector<16xi32>,
      %get3A_574 = arith.constant 7 : i32
      %get3A_575 = arith.index_cast %get3A_574 : i32 to index
      %get3A_576 = arith.constant 112 : index
      %get3A_577 = tpu.vector_load %arg6[%get3A_575, %get3A_576] {strides = array<i32>} : memref<8x128xi32, #tpu.memory_space<vmem>>, vector<16xi32>,
      %gather3A_578 = tpu.vector_load_idx %arg5[%get3A_577] : memref<100000xi32, #tpu.memory_space<vmem>>[vector<16xi32>], vector<16xi32>,
      %swap3A_579 = arith.constant 7 : i32
      %swap3A_580 = arith.index_cast %swap3A_579 : i32 to index
      %swap3A_581 = arith.constant 112 : index
      %swap3A_582 = tpu.vector_load %arg6[%swap3A_580, %swap3A_581] {strides = array<i32>} : memref<8x128xi32, #tpu.memory_space<vmem>>, vector<16xi32>,
      tpu.vector_store %arg6[%swap3A_580, %swap3A_581], %gather3A_578 {strides = array<i32>} : memref<8x128xi32, #tpu.memory_space<vmem>>, vector<16xi32>,
      "tpu.region"() ({
        %run_scoped3A = tpu.sem_alloc : memref<!tpu.dma_semaphore, #tpu.memory_space<semaphore_mem>>
        %dma_start3A = arith.constant 0 : i32
        %dma_start3A_583 = arith.constant 0 : i32
        %dma_start3A_584 = tpu.memref_slice %arg4[%add3A_9, %dma_start3A, %dma_start3A_583] : memref<512x8x128xi32, #tpu.memory_space<hbm>> -> memref<1x8x128xi32, #tpu.memory_space<hbm>>
        %dma_start3A_585 = tpu.memref_squeeze %dma_start3A_584 : memref<1x8x128xi32, #tpu.memory_space<hbm>> -> memref<8x128xi32, #tpu.memory_space<hbm>>
        %dma_start3A_586 = arith.constant 0 : i32
        %dma_start3A_587 = arith.constant 0 : i32
        %dma_start3A_588 = tpu.memref_slice %arg4[%add3A_9, %dma_start3A_586, %dma_start3A_587] : memref<512x8x128xi32, #tpu.memory_space<hbm>> -> memref<1x8x128xi32, #tpu.memory_space<hbm>>
        %dma_start3A_589 = tpu.memref_squeeze %dma_start3A_588 : memref<1x8x128xi32, #tpu.memory_space<hbm>> -> memref<8x128xi32, #tpu.memory_space<hbm>>
        tpu.enqueue_dma source(%arg6 : memref<8x128xi32, #tpu.memory_space<vmem>>) target(%dma_start3A_589 : memref<8x128xi32, #tpu.memory_space<hbm>>) target_semaphore(%run_scoped3A : memref<!tpu.dma_semaphore, #tpu.memory_space<semaphore_mem>>)
        %dma_wait3A = arith.constant 0 : i32
        %dma_wait3A_590 = arith.constant 0 : i32
        %dma_wait3A_591 = tpu.memref_slice %arg4[%add3A_9, %dma_wait3A, %dma_wait3A_590] : memref<512x8x128xi32, #tpu.memory_space<hbm>> -> memref<1x8x128xi32, #tpu.memory_space<hbm>>
        %dma_wait3A_592 = tpu.memref_squeeze %dma_wait3A_591 : memref<1x8x128xi32, #tpu.memory_space<hbm>> -> memref<8x128xi32, #tpu.memory_space<hbm>>
        %dma_wait3A_593 = arith.constant 0 : i32
        %dma_wait3A_594 = arith.constant 0 : i32
        %dma_wait3A_595 = tpu.memref_slice %arg4[%add3A_9, %dma_wait3A_593, %dma_wait3A_594] : memref<512x8x128xi32, #tpu.memory_space<hbm>> -> memref<1x8x128xi32, #tpu.memory_space<hbm>>
        %dma_wait3A_596 = tpu.memref_squeeze %dma_wait3A_595 : memref<1x8x128xi32, #tpu.memory_space<hbm>> -> memref<8x128xi32, #tpu.memory_space<hbm>>
        tpu.wait_dma2 semaphore(%run_scoped3A : memref<!tpu.dma_semaphore, #tpu.memory_space<semaphore_mem>>) src(%arg6 : memref<8x128xi32, #tpu.memory_space<vmem>>) dst(%dma_wait3A_596 : memref<8x128xi32, #tpu.memory_space<hbm>>)
        tpu.yield
      }) : () -> ()
    }
    %scan3A_5 = arith.constant 16 : i32
    return
  }
}

module attributes {stable_mosaic.version = 14 : i64} {
  func.func @_mm_body(%arg0: i32, %arg1: memref<4096x128xf32, #tpu.memory_space<vmem>>, %arg2: memref<128x64xf32, #tpu.memory_space<vmem>>, %arg3: memref<4096x64xbf16, #tpu.memory_space<vmem>>) attributes {dimension_semantics = [#tpu.dimension_semantics<arbitrary>], iteration_bounds = array<i64: 25>, scalar_prefetch = 0 : i64, scratch_operands = 0 : i64, tpu.core_type = #tpu.core_type<tc>, window_params = [{transform_indices = @transform_0, window_bounds = array<i64: 4096, 128>}, {pipeline_mode = #tpu.pipeline_mode<synchronous>, transform_indices = @transform_1, window_bounds = array<i64: 128, 64>}, {transform_indices = @transform_2, window_bounds = array<i64: 4096, 64>}]} {
    %get3A = arith.constant 0 : index
    %get3A_0 = arith.constant 0 : index
    %get3A_1 = vector.load %arg1[%get3A, %get3A_0] : memref<4096x128xf32, #tpu.memory_space<vmem>>, vector<4096x128xf32>
    %get3A_2 = arith.constant 0 : index
    %get3A_3 = arith.constant 0 : index
    %get3A_4 = vector.load %arg2[%get3A_2, %get3A_3] : memref<128x64xf32, #tpu.memory_space<vmem>>, vector<128x64xf32>
    %dot_general3A = arith.constant dense<0.000000e+00> : vector<4096x64xf32>
    %dot_general3A_5 = tpu.matmul %get3A_1, %get3A_4, %dot_general3A {dimension_numbers = #tpu.dot_dimension_numbers<[1], [0], [0], [1], [0, 0, 1, 1], [], []>, transpose_lhs_hint = false} : vector<4096x128xf32>, vector<128x64xf32>, vector<4096x64xf32> -> vector<4096x64xf32>
    %convert_element_type3A = arith.truncf %dot_general3A_5 : vector<4096x64xf32> to vector<4096x64xbf16>
    %swap3A = arith.constant 0 : index
    %swap3A_6 = arith.constant 0 : index
    %swap3A_7 = vector.load %arg3[%swap3A, %swap3A_6] : memref<4096x64xbf16, #tpu.memory_space<vmem>>, vector<4096x64xbf16>
    tpu.vector_store %arg3[%swap3A, %swap3A_6], %convert_element_type3A {strides = array<i32>} : memref<4096x64xbf16, #tpu.memory_space<vmem>>, vector<4096x64xbf16>,
    return
  }
  func.func @transform_0(%arg0: i32) -> (i32, i32) {
    %c0_i32 = arith.constant 0 : i32
    %c0_i32_0 = arith.constant 0 : i32
    return %arg0, %c0_i32 : i32, i32
  }
  func.func @transform_1(%arg0: i32) -> (i32, i32) {
    %c0_i32 = arith.constant 0 : i32
    %c0_i32_0 = arith.constant 0 : i32
    %c0_i32_1 = arith.constant 0 : i32
    return %c0_i32, %c0_i32_0 : i32, i32
  }
  func.func @transform_2(%arg0: i32) -> (i32, i32) {
    %c0_i32 = arith.constant 0 : i32
    %c0_i32_0 = arith.constant 0 : i32
    return %arg0, %c0_i32 : i32, i32
  }
}

module attributes {stable_mosaic.version = 14 : i64} {
  func.func @_mid_body(%arg0: i32, %arg1: memref<2048x64xbf16, #tpu.memory_space<vmem>>, %arg2: memref<2048x64xbf16, #tpu.memory_space<vmem>>, %arg3: memref<2048x16xf32, #tpu.memory_space<vmem>>, %arg4: memref<2048x16xf32, #tpu.memory_space<vmem>>, %arg5: memref<1x64xf32, #tpu.memory_space<vmem>>, %arg6: memref<64x64xf32, #tpu.memory_space<vmem>>, %arg7: memref<2048x64xf32, #tpu.memory_space<vmem>>) attributes {dimension_semantics = [#tpu.dimension_semantics<arbitrary>], iteration_bounds = array<i64: 16>, scalar_prefetch = 0 : i64, scratch_operands = 0 : i64, tpu.core_type = #tpu.core_type<tc>, window_params = [{transform_indices = @transform_0, window_bounds = array<i64: 2048, 64>}, {transform_indices = @transform_1, window_bounds = array<i64: 2048, 64>}, {transform_indices = @transform_2, window_bounds = array<i64: 2048, 16>}, {transform_indices = @transform_3, window_bounds = array<i64: 2048, 16>}, {pipeline_mode = #tpu.pipeline_mode<synchronous>, transform_indices = @transform_4, window_bounds = array<i64: 1, 64>}, {pipeline_mode = #tpu.pipeline_mode<synchronous>, transform_indices = @transform_5, window_bounds = array<i64: 64, 64>}, {transform_indices = @transform_6, window_bounds = array<i64: 2048, 64>}]} {
    %get3A = arith.constant 0 : index
    %get3A_0 = arith.constant 0 : index
    %get3A_1 = vector.load %arg3[%get3A, %get3A_0] : memref<2048x16xf32, #tpu.memory_space<vmem>>, vector<2048x16xf32>
    %slice3A = vector.extract_strided_slice %get3A_1 {offsets = [0, 0], sizes = [2048, 1], strides = [1, 1]} : vector<2048x16xf32> to vector<2048x1xf32>
    %get3A_2 = arith.constant 0 : index
    %get3A_3 = arith.constant 0 : index
    %get3A_4 = vector.load %arg4[%get3A_2, %get3A_3] : memref<2048x16xf32, #tpu.memory_space<vmem>>, vector<2048x16xf32>
    %slice3A_5 = vector.extract_strided_slice %get3A_4 {offsets = [0, 0], sizes = [2048, 1], strides = [1, 1]} : vector<2048x16xf32> to vector<2048x1xf32>
    %add3A = arith.addf %slice3A, %slice3A_5 : vector<2048x1xf32>
    %get3A_6 = arith.constant 0 : index
    %get3A_7 = arith.constant 0 : index
    %get3A_8 = vector.load %arg1[%get3A_6, %get3A_7] : memref<2048x64xbf16, #tpu.memory_space<vmem>>, vector<2048x64xbf16>
    %get3A_9 = arith.constant 0 : index
    %get3A_10 = arith.constant 0 : index
    %get3A_11 = vector.load %arg2[%get3A_9, %get3A_10] : memref<2048x64xbf16, #tpu.memory_space<vmem>>, vector<2048x64xbf16>
    %add3A_12 = arith.addf %get3A_8, %get3A_11 : vector<2048x64xbf16>
    %convert_element_type3A = arith.extf %add3A_12 : vector<2048x64xbf16> to vector<2048x64xf32>
    %max3A = arith.constant 1.000000e+00 : f32
    %max3A_13 = vector.broadcast %max3A : f32 to vector<2048x1xf32>
    %max3A_14 = arith.maximumf %add3A, %max3A_13 : vector<2048x1xf32>
    %div3A = vector.broadcast %max3A_14 : vector<2048x1xf32> to vector<2048x64xf32>
    %div3A_15 = arith.divf %convert_element_type3A, %div3A : vector<2048x64xf32>
    %get3A_16 = arith.constant 0 : index
    %get3A_17 = arith.constant 0 : index
    %get3A_18 = vector.load %arg5[%get3A_16, %get3A_17] : memref<1x64xf32, #tpu.memory_space<vmem>>, vector<1x64xf32>
    %add3A_19 = vector.broadcast %get3A_18 : vector<1x64xf32> to vector<2048x64xf32>
    %add3A_20 = arith.addf %div3A_15, %add3A_19 : vector<2048x64xf32>
    %max3A_21 = arith.constant 0.000000e+00 : f32
    %max3A_22 = vector.broadcast %max3A_21 : f32 to vector<2048x64xf32>
    %max3A_23 = arith.maximumf %add3A_20, %max3A_22 : vector<2048x64xf32>
    %get3A_24 = arith.constant 0 : index
    %get3A_25 = arith.constant 0 : index
    %get3A_26 = vector.load %arg6[%get3A_24, %get3A_25] : memref<64x64xf32, #tpu.memory_space<vmem>>, vector<64x64xf32>
    %dot_general3A = arith.constant dense<0.000000e+00> : vector<2048x64xf32>
    %dot_general3A_27 = tpu.matmul %max3A_23, %get3A_26, %dot_general3A {dimension_numbers = #tpu.dot_dimension_numbers<[1], [0], [0], [1], [0, 0, 1, 1], [], []>, transpose_lhs_hint = false} : vector<2048x64xf32>, vector<64x64xf32>, vector<2048x64xf32> -> vector<2048x64xf32>
    %swap3A = arith.constant 0 : index
    %swap3A_28 = arith.constant 0 : index
    %swap3A_29 = vector.load %arg7[%swap3A, %swap3A_28] : memref<2048x64xf32, #tpu.memory_space<vmem>>, vector<2048x64xf32>
    tpu.vector_store %arg7[%swap3A, %swap3A_28], %dot_general3A_27 {strides = array<i32>} : memref<2048x64xf32, #tpu.memory_space<vmem>>, vector<2048x64xf32>,
    return
  }
  func.func @transform_0(%arg0: i32) -> (i32, i32) {
    %c0_i32 = arith.constant 0 : i32
    %c0_i32_0 = arith.constant 0 : i32
    return %arg0, %c0_i32 : i32, i32
  }
  func.func @transform_1(%arg0: i32) -> (i32, i32) {
    %c0_i32 = arith.constant 0 : i32
    %c0_i32_0 = arith.constant 0 : i32
    return %arg0, %c0_i32 : i32, i32
  }
  func.func @transform_2(%arg0: i32) -> (i32, i32) {
    %c0_i32 = arith.constant 0 : i32
    %c0_i32_0 = arith.constant 0 : i32
    return %arg0, %c0_i32 : i32, i32
  }
  func.func @transform_3(%arg0: i32) -> (i32, i32) {
    %c0_i32 = arith.constant 0 : i32
    %c0_i32_0 = arith.constant 0 : i32
    return %arg0, %c0_i32 : i32, i32
  }
  func.func @transform_4(%arg0: i32) -> (i32, i32) {
    %c0_i32 = arith.constant 0 : i32
    %c0_i32_0 = arith.constant 0 : i32
    %c0_i32_1 = arith.constant 0 : i32
    return %c0_i32, %c0_i32_0 : i32, i32
  }
  func.func @transform_5(%arg0: i32) -> (i32, i32) {
    %c0_i32 = arith.constant 0 : i32
    %c0_i32_0 = arith.constant 0 : i32
    %c0_i32_1 = arith.constant 0 : i32
    return %c0_i32, %c0_i32_0 : i32, i32
  }
  func.func @transform_6(%arg0: i32) -> (i32, i32) {
    %c0_i32 = arith.constant 0 : i32
    %c0_i32_0 = arith.constant 0 : i32
    return %arg0, %c0_i32 : i32, i32
  }
}

module attributes {stable_mosaic.version = 14 : i64} {
  func.func @_final_body(%arg0: i32, %arg1: memref<2048x64xf32, #tpu.memory_space<vmem>>, %arg2: memref<2048x64xf32, #tpu.memory_space<vmem>>, %arg3: memref<2048x16xf32, #tpu.memory_space<vmem>>, %arg4: memref<2048x16xf32, #tpu.memory_space<vmem>>, %arg5: memref<1x64xf32, #tpu.memory_space<vmem>>, %arg6: memref<2048x64xf32, #tpu.memory_space<vmem>>) attributes {dimension_semantics = [#tpu.dimension_semantics<arbitrary>], iteration_bounds = array<i64: 1>, scalar_prefetch = 0 : i64, scratch_operands = 0 : i64, tpu.core_type = #tpu.core_type<tc>, window_params = [{pipeline_mode = #tpu.pipeline_mode<synchronous>, transform_indices = @transform_0, window_bounds = array<i64: 2048, 64>}, {pipeline_mode = #tpu.pipeline_mode<synchronous>, transform_indices = @transform_1, window_bounds = array<i64: 2048, 64>}, {pipeline_mode = #tpu.pipeline_mode<synchronous>, transform_indices = @transform_2, window_bounds = array<i64: 2048, 16>}, {pipeline_mode = #tpu.pipeline_mode<synchronous>, transform_indices = @transform_3, window_bounds = array<i64: 2048, 16>}, {pipeline_mode = #tpu.pipeline_mode<synchronous>, transform_indices = @transform_4, window_bounds = array<i64: 1, 64>}, {pipeline_mode = #tpu.pipeline_mode<synchronous>, transform_indices = @transform_5, window_bounds = array<i64: 2048, 64>}]} {
    %get3A = arith.constant 0 : index
    %get3A_0 = arith.constant 0 : index
    %get3A_1 = vector.load %arg1[%get3A, %get3A_0] : memref<2048x64xf32, #tpu.memory_space<vmem>>, vector<2048x64xf32>
    %get3A_2 = arith.constant 0 : index
    %get3A_3 = arith.constant 0 : index
    %get3A_4 = vector.load %arg2[%get3A_2, %get3A_3] : memref<2048x64xf32, #tpu.memory_space<vmem>>, vector<2048x64xf32>
    %add3A = arith.addf %get3A_1, %get3A_4 : vector<2048x64xf32>
    %get3A_5 = arith.constant 0 : index
    %get3A_6 = arith.constant 0 : index
    %get3A_7 = vector.load %arg3[%get3A_5, %get3A_6] : memref<2048x16xf32, #tpu.memory_space<vmem>>, vector<2048x16xf32>
    %slice3A = vector.extract_strided_slice %get3A_7 {offsets = [0, 0], sizes = [2048, 1], strides = [1, 1]} : vector<2048x16xf32> to vector<2048x1xf32>
    %get3A_8 = arith.constant 0 : index
    %get3A_9 = arith.constant 0 : index
    %get3A_10 = vector.load %arg4[%get3A_8, %get3A_9] : memref<2048x16xf32, #tpu.memory_space<vmem>>, vector<2048x16xf32>
    %slice3A_11 = vector.extract_strided_slice %get3A_10 {offsets = [0, 0], sizes = [2048, 1], strides = [1, 1]} : vector<2048x16xf32> to vector<2048x1xf32>
    %add3A_12 = arith.addf %slice3A, %slice3A_11 : vector<2048x1xf32>
    %max3A = arith.constant 1.000000e+00 : f32
    %max3A_13 = vector.broadcast %max3A : f32 to vector<2048x1xf32>
    %max3A_14 = arith.maximumf %add3A_12, %max3A_13 : vector<2048x1xf32>
    %div3A = vector.broadcast %max3A_14 : vector<2048x1xf32> to vector<2048x64xf32>
    %div3A_15 = arith.divf %add3A, %div3A : vector<2048x64xf32>
    %get3A_16 = arith.constant 0 : index
    %get3A_17 = arith.constant 0 : index
    %get3A_18 = vector.load %arg5[%get3A_16, %get3A_17] : memref<1x64xf32, #tpu.memory_space<vmem>>, vector<1x64xf32>
    %add3A_19 = vector.broadcast %get3A_18 : vector<1x64xf32> to vector<2048x64xf32>
    %add3A_20 = arith.addf %div3A_15, %add3A_19 : vector<2048x64xf32>
    %reduce_max3A = arith.constant dense<0xFF800000> : vector<2048xf32>
    %reduce_max3A_21 = vector.multi_reduction <maximumf>, %add3A_20, %reduce_max3A [1] : vector<2048x64xf32> to vector<2048xf32>
    %broadcast_in_dim3A = vector.shape_cast %reduce_max3A_21 : vector<2048xf32> to vector<2048x1xf32>
    %sub3A = vector.broadcast %broadcast_in_dim3A : vector<2048x1xf32> to vector<2048x64xf32>
    %sub3A_22 = arith.subf %add3A_20, %sub3A : vector<2048x64xf32>
    %exp3A = math.exp %sub3A_22 : vector<2048x64xf32>
    %reduce_sum3A = arith.constant dense<0.000000e+00> : vector<2048xf32>
    %reduce_sum3A_23 = vector.multi_reduction <add>, %exp3A, %reduce_sum3A [1] : vector<2048x64xf32> to vector<2048xf32>
    %broadcast_in_dim3A_24 = vector.shape_cast %reduce_sum3A_23 : vector<2048xf32> to vector<2048x1xf32>
    %log3A = math.log %broadcast_in_dim3A_24 : vector<2048x1xf32>
    %add3A_25 = arith.addf %log3A, %broadcast_in_dim3A : vector<2048x1xf32>
    %sub3A_26 = vector.broadcast %add3A_25 : vector<2048x1xf32> to vector<2048x64xf32>
    %sub3A_27 = arith.subf %add3A_20, %sub3A_26 : vector<2048x64xf32>
    %swap3A = arith.constant 0 : index
    %swap3A_28 = arith.constant 0 : index
    %swap3A_29 = vector.load %arg6[%swap3A, %swap3A_28] : memref<2048x64xf32, #tpu.memory_space<vmem>>, vector<2048x64xf32>
    tpu.vector_store %arg6[%swap3A, %swap3A_28], %sub3A_27 {strides = array<i32>} : memref<2048x64xf32, #tpu.memory_space<vmem>>, vector<2048x64xf32>,
    return
  }
  func.func @transform_0(%arg0: i32) -> (i32, i32) {
    %c0_i32 = arith.constant 0 : i32
    %c0_i32_0 = arith.constant 0 : i32
    %c0_i32_1 = arith.constant 0 : i32
    return %c0_i32, %c0_i32_0 : i32, i32
  }
  func.func @transform_1(%arg0: i32) -> (i32, i32) {
    %c0_i32 = arith.constant 0 : i32
    %c0_i32_0 = arith.constant 0 : i32
    %c0_i32_1 = arith.constant 0 : i32
    return %c0_i32, %c0_i32_0 : i32, i32
  }
  func.func @transform_2(%arg0: i32) -> (i32, i32) {
    %c0_i32 = arith.constant 0 : i32
    %c0_i32_0 = arith.constant 0 : i32
    %c0_i32_1 = arith.constant 0 : i32
    return %c0_i32, %c0_i32_0 : i32, i32
  }
  func.func @transform_3(%arg0: i32) -> (i32, i32) {
    %c0_i32 = arith.constant 0 : i32
    %c0_i32_0 = arith.constant 0 : i32
    %c0_i32_1 = arith.constant 0 : i32
    return %c0_i32, %c0_i32_0 : i32, i32
  }
  func.func @transform_4(%arg0: i32) -> (i32, i32) {
    %c0_i32 = arith.constant 0 : i32
    %c0_i32_0 = arith.constant 0 : i32
    %c0_i32_1 = arith.constant 0 : i32
    return %c0_i32, %c0_i32_0 : i32, i32
  }
  func.func @transform_5(%arg0: i32) -> (i32, i32) {
    %c0_i32 = arith.constant 0 : i32
    %c0_i32_0 = arith.constant 0 : i32
    %c0_i32_1 = arith.constant 0 : i32
    return %c0_i32, %c0_i32_0 : i32, i32
  }
}

</mosaic_0001>

<sc_bundles>
// kernel: kernel.12.cloned.1.call-start
scs
__scs_entry_jumppad:
0x0: {  	(pc) =	sbr.rel $0x88, $3  }
0x1: {  	(tag) =	ssettag $0x0;
	lr =	simm.s32 $0x1  }
0x2: {  	[smem:$0x3F97] =	sst lr;
	_ =	strace $0xD0000000  }
0x3: {  	_ = 	snop  }
0x4: {  	_ = 	snop  }
0x5: {  	_ = 	snop  }
0x6: {  	_ = 	snop  }
0x7: {  	_ = 	snop  }
__scs_overlays_trampoline_lowered:
0x8: {  	[smem:$0x3FA6] =	sst s0  }
0x9: {  	[smem:$0x3FA7] =	sst s1  }
0xa: {  	[smem:$0x3FA8] =	sst s2  }
0xb: {  	[smem:$0x3FA9] =	sst s3  }
0xc: {  	[smem:$0x3FAA] =	sst s4  }
0xd: {  	[smem:$0x3FAB] =	sst s5  }
0xe: {  	[smem:$0x3FAC] =	sst s6  }
0xf: {  	[smem:$0x3FAD] =	sst s7  }
0x10: {  	[smem:$0x3FAE] =	sst s8  }
0x11: {  	[smem:$0x3FAF] =	sst s9;
	s0 =	simm.s32 @!p0 $0x0  }
0x12: {  	s1 =	sld [smem:$0x3F95];
	s0 =	simm.s32 @p0 $0x1  }
0x13: {  	[smem:$0x3FB0] =	sst s0;
	s0 =	simm.s32 @!p1 $0x0  }
0x14: {  	s2 =	sld [smem:$0x3F94];
	s0 =	simm.s32 @p1 $0x1  }
0x15: {  	[smem:$0x3FB1] =	sst s0;
	s0 =	simm.s32 @!p2 $0x0  }
0x16: {  	s3 =	sld [smem:$0x3FDB];
	s0 =	simm.s32 @p2 $0x1  }
0x17: {  	s4 =	simm.s32 $0x1BF5;
	[smem:$0x3FB3] =	sst s0  }
0x18: {  	s0 =	sld [smem:$0x3F96];
	_ =	swait.ge [sflag:s4], $0x0  }
0x19: {  	s7 =	sld [smem:$0x3F97]  }
0x1a: {  	s8 =	sadd.s32 $0xFFFFE003, lr  }
0x1b: {  	s9 =	sadd.s32 $0xFFFFFEF7, lr;
	s5 =	simm.s32 $0xFFFFFFFF;
	p2 =	slt.u32 s8, $0xFFFFF086  }
0x1c: {  	p1 =	slt.u32 s9, $0xF7A;
	s5 =	simm.s32 @!p2 $0x0  }
0x1d: {  	s5 =	simm.s32 @p1 $0x1;
	p0 =	seq.s32 s7, s2  }
0x1e: {  	s7 =	smul.u32 @!p0 $0xF7A, s2;
	p2 =	seq.s32 @!p0 s5, $0x0  }
0x1f: {  	s9 =	smul.u32 $0xF7A, s1;
	s8 =	simm.s32 @!p0 $0x1BF5;
	p2 =	por !p2, p0  }
0x20: {  	[sflag:s8] =	ssyncset.s32 @!p0 $0xFFFFF086;
	s6 =	sadd.s32 @!p0 s3, s7;
	s7 =	simm.s32 @!p0 $0x108  }
0x21: {  	s3 =	sadd.s32 s3, s9;
	s6 =	sadd.s32 @!p0 $0x88, s6;
	s7 =	simm.s32 @p2 $0x1082  }
0x22: {  	[simem:s7], [sflag:s8] =	dma.local @!p0 [hbm:s6], $0xF7A  }
0x23: {  	s9 =	sor.u32 $0xD0000000, s2;
	s6 =	simm.s32 $0x108;
	_ =	swait.ge @!p0 [sflag:s8], $0x0  }
0x24: {  	s3 =	sadd.s32 $0x88, s3;
	s6 =	simm.s32 @!p1 $0x1082;
	[sflag:s4] =	ssyncset.s32 $0xFFFFF086  }
0x25: {  	[simem:s6], [sflag:s4] =	dma.local [hbm:s3], $0xF7A  }
0x26: {  	[smem:$0x3F97] =	sst s1;
	(tag) =	ssettag s2;
	_ =	strace s9  }
0x27: {  	s1 =	sld [smem:$0x3FA7]  }
0x28: {  	s2 =	sld [smem:$0x3FA8]  }
0x29: {  	s4 =	sld [smem:$0x3FAA]  }
0x2a: {  	p0 =	seq.s32 s5, $0x0;
	s5 =	sld [smem:$0x3FAB]  }
0x2b: {  	s6 =	sld [smem:$0x3FAC]  }
0x2c: {  	s7 =	sld [smem:$0x3FAD]  }
0x2d: {  	s3 =	simm.s32 $0x108;
	s8 =	sld [smem:$0x3FAE]  }
0x2e: {  	s3 =	simm.s32 @!p0 $0x1082;
	s9 =	sld [smem:$0x3FAF]  }
0x2f: {  	lr =	sadd.s32 s0, s3;
	s0 =	sld [smem:$0x3FA6]  }
0x30: {  	s3 =	sld [smem:$0x3FA9]  }
0x31: {  	[smem:$0x3FB2] =	sst s10  }
0x32: {  	s10 =	sld [smem:$0x3FB0];
	_ =	sdelay $0x3  }
0x33: {  	p0 =	seq.s32 s10, $0x1;
	s10 =	sld [smem:$0x3FB2];
	_ =	sdelay $0x3  }
0x34: {  	[smem:$0x3FB2] =	sst s10  }
0x35: {  	s10 =	sld [smem:$0x3FB1];
	_ =	sdelay $0x3  }
0x36: {  	p1 =	seq.s32 s10, $0x1;
	s10 =	sld [smem:$0x3FB2];
	_ =	sdelay $0x3  }
0x37: {  	[smem:$0x3FB2] =	sst s10  }
0x38: {  	s10 =	sld [smem:$0x3FB3]  }
0x39: {  	_ = 	snop;
	(pc) =	sbr.ind lr, $3  }
0x3a: {  	_ = 	snop  }
0x3b: {  	_ = 	snop  }
0x3c: {  	p2 =	seq.s32 s10, $0x1;
	s10 =	sld [smem:$0x3FB2]  }
0x3d: {  	_ =	shalt  }
0x3e: {  	_ =	shalt  }
0x3f: {  	_ =	shalt  }
0x40: {  	_ =	shalt  }
0x41: {  	_ =	shalt  }
0x42: {  	_ =	shalt  }
0x43: {  	_ =	shalt  }
0x44: {  	_ =	shalt  }
0x45: {  	_ =	shalt  }
0x46: {  	_ =	shalt  }
0x47: {  	_ =	shalt  }
0x48: {  	_ =	shalt  }
0x49: {  	_ =	shalt  }
0x4a: {  	_ =	shalt  }
0x4b: {  	_ =	shalt  }
0x4c: {  	_ =	shalt  }
0x4d: {  	_ =	shalt  }
0x4e: {  	_ =	shalt  }
0x4f: {  	_ =	shalt  }
0x50: {  	_ =	shalt  }
0x51: {  	_ =	shalt  }
0x52: {  	_ =	shalt  }
0x53: {  	_ =	shalt  }
0x54: {  	_ =	shalt  }
0x55: {  	_ =	shalt  }
0x56: {  	_ =	shalt  }
0x57: {  	_ =	shalt  }
0x58: {  	_ =	shalt  }
0x59: {  	_ =	shalt  }
0x5a: {  	_ =	shalt  }
0x5b: {  	_ =	shalt  }
0x5c: {  	_ =	shalt  }
0x5d: {  	_ =	shalt  }
0x5e: {  	_ =	shalt  }
0x5f: {  	_ =	shalt  }
0x60: {  	_ =	shalt  }
0x61: {  	_ =	shalt  }
0x62: {  	_ =	shalt  }
0x63: {  	_ =	shalt  }
0x64: {  	_ =	shalt  }
0x65: {  	_ =	shalt  }
0x66: {  	_ =	shalt  }
0x67: {  	_ =	shalt  }
0x68: {  	_ =	shalt  }
0x69: {  	_ =	shalt  }
0x6a: {  	_ =	shalt  }
0x6b: {  	_ =	shalt  }
0x6c: {  	_ =	shalt  }
0x6d: {  	_ =	shalt  }
0x6e: {  	_ =	shalt  }
0x6f: {  	_ =	shalt  }
0x70: {  	_ =	shalt  }
0x71: {  	_ =	shalt  }
0x72: {  	_ =	shalt  }
0x73: {  	_ =	shalt  }
0x74: {  	_ =	shalt  }
0x75: {  	_ =	shalt  }
0x76: {  	_ =	shalt  }
0x77: {  	_ =	shalt  }
0x78: {  	_ =	shalt  }
0x79: {  	_ =	shalt  }
0x7a: {  	_ =	shalt  }
0x7b: {  	_ =	shalt  }
0x7c: {  	_ =	shalt  }
0x7d: {  	_ =	shalt  }
0x7e: {  	_ =	shalt  }
0x7f: {  	_ =	shalt  }
0x80: {  	_ =	shalt  }
0x81: {  	_ =	shalt  }
0x82: {  	_ =	shalt  }
0x83: {  	_ =	shalt  }
0x84: {  	_ =	shalt  }
0x85: {  	_ =	shalt  }
0x86: {  	_ =	shalt  }
0x87: {  	_ =	shalt  }
.Lfunc_end0:
.L_simem_size_0:
called_computation.1_lowered:
.L_overlay_start_0:
0x88: {  	s2 =	sld [smem:$0x3FD9]  }
0x89: {  	s3 =	sld [smem:$0x3FFE];
	_ =	sdelay $0x1  }
0x8a: {  	s1 =	srdreg.scid  }
0x8b: {  	s0 =	sand.u32 $0x1, s1  }
0x8c: {  	s17 =	sshll.u32 s0, $0xA;
	s2 =	sadd.s32 s3, s2  }
0x8d: {  	s2 =	sadd.s32 s2, s17  }
0x8e: {  	[smem:$0x3FBE] =	sst s2  }
0x8f: {  	_ = 	snop  }
0x90: {  	s2 =	sld [smem:$0x3FC6]  }
0x91: {  	s18 =	sld [smem:$0x3FD0];
	(tm) =	ssettm $0x1  }
0x92: {  	s4 =	sld [smem:$0x3FFB];
	_ =	sdelay $0x3  }
0x93: {  	_ =	strace s4  }
0x94: {  	s4 =	sld [smem:$0x3FFC];
	_ =	sdelay $0x3  }
0x95: {  	_ =	strace s4  }
0x96: {  	s4 =	sld [smem:$0x3FFD];
	_ =	sdelay $0x3  }
0x97: {  	_ =	strace s4  }
0x98: {  	_ =	strace $0x8FFFFFFF  }
0x99: {  	s19 =	sld [smem:$0x3FDB];
	_ =	sdelay $0x1  }
0x9a: {  	s5 =	simm.s32 $_scs_section_size  }
0x9b: {  	s6 =	simm.s32 $_size__tile_overlayer_lowered;
	s7 =	simm.s32 $_tile_overlayer_lowered  }
0x9c: {  	s22 =	simm.s32 $0x1BFF;
	s21 =	sshll.u32 s7, $0x1;
	s4 =	sadd.s32 s5, s19  }
0x9d: {  	s8 =	simm.s32 $0x0;
	s20 =	sshll.u32 s6, $0x1;
	s6 =	sadd.s32 s21, s4  }
0x9e: {  	[timem:s8], [sflag:s22] =	dma.local [hbm:s6], s20  }
0x9f: {  	_ =	swait.ge [sflag:s22], s20  }
0xa0: {  	s5 =	ssub.s32 $0x0, s20;
	[sflag:s22] =	ssyncset.done $0x0  }
0xa1: {  	[sflag:s22] =	ssyncadd.s32 s5;
	_ =	sdelay $0x1  }
0xa2: {  	s23 =	simm.s32 $0x1B8B  }
0xa3: {  	_ =	swait.ge [sflag:s23], $0x1  }
0xa4: {  	[sflag:s23] =	ssyncset.done $0x0  }
0xa5: {  	s25 =	simm.s32 $0x1B8E;
	s24 =	sld [smem:$0x3FFE];
	[sflag:s23] =	ssyncadd.s32 $0xFFFFFFFF  }
0xa6: {  	s26 =	simm.s32 $execute0_lowered;
	[smem:$0x3FD2] =	sst s25  }
0xa7: {  	s6 =	sshll.u32 s26, $0x1;
	_ =	strace $0x80000049;
	[dreg:$0x1] =	wrdreg $0xFFFFFFFF  }
0xa8: {  	s28 =	simm.s32 $_size_execute0_lowered;
	s4 =	sadd.s32 s4, s6;
	[dreg:$0x0] =	wrdreg $0x0  }
0xa9: {  	s6 =	sshll.u32 s28, $0x1;
	[dreg:$0x2] =	wrdreg s4  }
0xaa: {  	[dreg:$0x3] =	wrdreg s6  }
0xab: {  	[dreg:$0x4] =	wrdreg $0xC0  }
0xac: {  	_ =	task [dreg:s8], $0x5FFFF  }
0xad: {  	[dreg:$0x1] =	wrdreg $0xFFFFFFFF  }
0xae: {  	[dreg:$0x0] =	wrdreg $0x60  }
0xaf: {  	[dreg:$0x2] =	wrdreg s24  }
0xb0: {  	[dreg:$0x3] =	wrdreg s2  }
0xb1: {  	[dreg:$0x4] =	wrdreg s18  }
0xb2: {  	[dreg:$0x5] =	wrdreg $0x88000  }
0xb3: {  	[dreg:$0x6] =	wrdreg $0x9  }
0xb4: {  	_ =	task.clear_ibuf [dreg:s8], $0x7FFFF;
	_ =	strace $0x90000049  }
0xb5: {  	s29 =	simm.s32 $0x9;
	_ =	strace $0x8000004B  }
0xb6: {  	_ =	swait.ge [sflag:s29], $0x1  }
0xb7: {  	[sflag:s29] =	ssyncadd.s32 $0xFFFFFFFF  }
0xb8: {  	_ =	strace $0x9000004B  }
0xb9: {  	_ =	sfence  }
0xba: {  	s30 =	sld [smem:$0x0];
	_ =	sdelay $0x2  }
0xbb: {  	s31 =	sshll.u32 s1, $0xD;
	s1 =	sshrl.u32 s1, $0x2  }
0xbc: {  	s3 =	sand.u32 $0x4000, s31;
	s1 =	sadd.s32 s1, s30  }
0xbd: {  	s0 =	sor.u32 s3, s0;
	s1 =	sshll.u32 s1, $0x11  }
0xbe: {  	s0 =	sor.u32 s1, s0  }
0xbf: {  	s0 =	sadd.s32 $0x8F2B, s0  }
0xc0: {  	[sflag:s0] =	ssyncadd.remote.s32 $0x1  }
0xc1: {  	_ =	sfence.sel $0xFFFF  }
0xc2: {  	[dreg:$0x0] =	wrdreg $0xFFFFFFFF;
	(pc) =	sbr.abs _section_cstart, $3  }
0xc3: {  	[dreg:$0x1] =	wrdreg $0xFFFFFFFF  }
0xc4: {  	_ =	task.clear_ibuf [dreg:s8], $0x2FFFF;
	_ =	strace $0x9FFFFFFF  }
0xc5: {  	(tm) =	ssettm $0x7FFFFFFF  }
tec
execute0_lowered:
.L_overlay_start_1:
0x0: {  	(tag) =	ssettag $0x1  }
0x1: {  	s0 =	rddreg [dreg:$0x0]  }
0x2: {  	s1 =	rddreg [dreg:$0x1]  }
0x3: {  	s2 =	rddreg [dreg:$0x3];
	s3 =	simm.s32 $0x0;
	s4 =	srdreg.scid  }
0x4: {  	s11 =	stileid.u32;
	s13 =	simm.s32 $0x800;
	s25 =	simm.s32 $0x100  }
0x5: {  	s14 =	simm.s32 $0x1800;
	s26 =	simm.s32 $0x180;
	s15 =	simm.s32 $0x2800  }
0x6: {  	s16 =	simm.s32 $0x3800;
	s17 =	simm.s32 $0x200;
	s18 =	simm.s32 $0x4800  }
0x7: {  	s28 =	simm.s32 $0x500;
	s29 =	simm.s32 $0x580;
	s30 =	simm.s32 $0x600  }
0x8: {  	s31 =	simm.s32 $0x680;
	[smem:$0x7FF] =	sst s3;
	s5 =	sadd.s32 $0x12A00, s0  }
0x9: {  	s4 =	sand.u32 $0x1, s4;
	s10 =	sshll.u32 s11, $0x10;
	s20 =	sshll.u32 s11, $0x6  }
0xa: {  	s21 =	sshll.u32 s11, $0xD;
	s22 =	sshll.u32 s11, $0xB;
	s11 =	simm.s32 $0x400  }
0xb: {  	_ =	strace $0x8000004A;
	s6 =	sshll.u32 s4, $0xF;
	s7 =	ssub.s32 $0x2, s4  }
0xc: {  	s19 =	sadd.s32 s10, s2;
	s12 =	sor.u32 $0x1C03, s20;
	[dreg:$0x7] =	wrdreg s25  }
0xd: {  	p0 =	seq.s32 s4, $0x1;
	s10 =	simm.s32 $0x74600;
	[dreg:$0x8] =	wrdreg s26  }
0xe: {  	s20 =	simm.s32 $0x5800;
	s25 =	simm.s32 $0x1;
	s26 =	simm.s32 $0x480  }
0xf: {  	s4 =	simm.s32 $0x780;
	s8 =	sadd.s32 s6, s0;
	s9 =	sshrl.u32 s7, $0x1  }
0x10: {  	s1 =	sadd.s32 s6, s1;
	s10 =	simm.s32 @!p0 $0x94600;
	s7 =	ssub.s32 s7, s9  }
0x11: {  	s1 =	sadd.s32 s22, s1;
	s6 =	sadd.s32 s22, s8;
	s0 =	sadd.s32 s10, s0  }
0x12: {  	s8 =	sshrl.u32 s19, $0x3;
	s10 =	simm.s32 $0x3;
	s19 =	simm.s32 $0x280  }
0x13: {  	s22 =	simm.s32 $0x6800;
	s9 =	simm.s32 $0x0;
	[dreg:$0x5] =	wrdreg s1  }
0x14: {  	s23 =	sadd.s32 $0x2A00, s6;
	s24 =	smax.u32 s7, $0x1;
	[dreg:$0xc] =	wrdreg s8  }
0x15: {  	s7 =	smov.u32 s12;
	s0 =	sadd.s32 s0, s21;
	[dreg:$0xa] =	wrdreg s24  }
0x16: {  	s12 =	simm.s32 $0x80;
	s21 =	simm.s32 $0x300;
	[dreg:$0xb] =	wrdreg s0  }
0x17: {  	s1 =	simm.s32 $0x2;
	[dreg:$0x6] =	wrdreg s23;
	s23 =	simm.s32 $0x380  }
0x18: {  	s24 =	simm.s32 $0x7800;
	s0 =	simm.s32 $0x700;
	[dreg:$0x9] =	wrdreg s7  }
.LBB2_1:
0x19: {  	[dreg:$0xd] =	wrdreg s9  }
0x1a: {  	s6 =	rddreg [dreg:$0x2]  }
0x1b: {  	[spmem:s8], [sflag:s7] =	dma.local [hbm:s6], $0x2000  }
0x1c: {  	_ =	swait.ge [sflag:s10], $0x2000  }
0x1d: {  	[sflag:s10] =	ssyncset.done $0x0  }
0x1e: {  	[sflag:s10] =	ssyncadd.s32 $0xFFFFE000  }
0x1f: {  	[bflag:$0x0] =	sbarrier.arrive $0xFFFF  }
0x20: {  	s9 =	rddreg [dreg:$0x6]  }
0x21: {  	s6 =	sadd.s32 $0x0, s9  }
0x22: {  	[tilespmem:s3], [sflag:$0x3] =	stream.linear.gather [hbm4b:s6+s3], $0x400, $0x38;
	[tilespmem:$0x18800] =	vst v63  }
0x23: {  	_ =	swait.ge [sflag:s10], $0x400  }
0x24: {  	s7 =	rddreg [dreg:$0x5];
	[sflag:s10] =	ssyncset.done $0x0  }
0x25: {  	[sflag:s10] =	ssyncadd.s32 $0xFFFFFC00;
	s6 =	sadd.s32 $0x0, s7  }
0x26: {  	[tilespmem:s11], [sflag:$0x3] =	stream.linear.gather [hbm4b:s6+s3], $0x400, $0x38;
	[tilespmem:$0x18800] =	vst v63  }
0x27: {  	_ =	swait.ge [sflag:s10], $0x400  }
0x28: {  	[sflag:s10] =	ssyncset.done $0x0  }
0x29: {  	[sflag:s10] =	ssyncadd.s32 $0xFFFFFC00  }
0x2a: {  	[tilespmem:s13], [sflag:$0x1] =	stream.indirect.gather [hbm4b:s5+s12], $0x20, s3, s12, $0xb8;
	[tilespmem:$0x18800] =	vst v63  }
0x2b: {  	_ = 	snop  }
0x2c: {  	[tilespmem:s14], [sflag:$0x1] =	stream.indirect.gather [hbm4b:s5+s12], $0x20, s12, s12, $0xb8;
	[tilespmem:$0x18800] =	vst v63  }
0x2d: {  	s8 =	rddreg [dreg:$0x7]  }
0x2e: {  	[tilespmem:s15], [sflag:$0x1] =	stream.indirect.gather [hbm4b:s5+s12], $0x20, s8, s12, $0xb8;
	[tilespmem:$0x18800] =	vst v63  }
0x2f: {  	s9 =	rddreg [dreg:$0x8]  }
0x30: {  	[tilespmem:s16], [sflag:$0x1] =	stream.indirect.gather [hbm4b:s5+s12], $0x20, s9, s12, $0xb8;
	[tilespmem:$0x18800] =	vst v63  }
0x31: {  	_ = 	snop  }
0x32: {  	[tilespmem:s18], [sflag:$0x1] =	stream.indirect.gather [hbm4b:s5+s12], $0x20, s17, s12, $0xb8;
	[tilespmem:$0x18800] =	vst v63  }
0x33: {  	_ = 	snop  }
0x34: {  	[tilespmem:s20], [sflag:$0x1] =	stream.indirect.gather [hbm4b:s5+s12], $0x20, s19, s12, $0xb8;
	[tilespmem:$0x18800] =	vst v63  }
0x35: {  	_ = 	snop  }
0x36: {  	[tilespmem:s22], [sflag:$0x1] =	stream.indirect.gather [hbm4b:s5+s12], $0x20, s21, s12, $0xb8;
	[tilespmem:$0x18800] =	vst v63  }
0x37: {  	_ = 	snop  }
0x38: {  	[tilespmem:s24], [sflag:$0x1] =	stream.indirect.gather [hbm4b:s5+s12], $0x20, s23, s12, $0xb8;
	[tilespmem:$0x18800] =	vst v63  }
0x39: {  	_ =	swait.ge [sflag:s25], $0x1000  }
0x3a: {  	[sflag:s25] =	ssyncset.done $0x0  }
0x3b: {  	[sflag:s25] =	ssyncadd.s32 $0xFFFFF000  }
0x3c: {  	_ =	swait.ge [sflag:s25], $0x1000  }
0x3d: {  	[sflag:s25] =	ssyncset.done $0x0  }
0x3e: {  	[sflag:s25] =	ssyncadd.s32 $0xFFFFF000  }
0x3f: {  	_ =	swait.ge [sflag:s25], $0x1000  }
0x40: {  	[sflag:s25] =	ssyncset.done $0x0  }
0x41: {  	[sflag:s25] =	ssyncadd.s32 $0xFFFFF000  }
0x42: {  	_ =	swait.ge [sflag:s25], $0x1000  }
0x43: {  	[sflag:s25] =	ssyncset.done $0x0  }
0x44: {  	[sflag:s25] =	ssyncadd.s32 $0xFFFFF000  }
0x45: {  	_ =	swait.ge [sflag:s25], $0x1000  }
0x46: {  	[sflag:s25] =	ssyncset.done $0x0  }
0x47: {  	[sflag:s25] =	ssyncadd.s32 $0xFFFFF000  }
0x48: {  	_ =	swait.ge [sflag:s25], $0x1000  }
0x49: {  	[sflag:s25] =	ssyncset.done $0x0  }
0x4a: {  	[sflag:s25] =	ssyncadd.s32 $0xFFFFF000  }
0x4b: {  	_ =	swait.ge [sflag:s25], $0x1000  }
0x4c: {  	[sflag:s25] =	ssyncset.done $0x0  }
0x4d: {  	[sflag:s25] =	ssyncadd.s32 $0xFFFFF000  }
0x4e: {  	_ =	swait.ge [sflag:s25], $0x1000  }
0x4f: {  	[sflag:s25] =	ssyncset.done $0x0  }
0x50: {  	[sflag:s25] =	ssyncadd.s32 $0xFFFFF000  }
0x51: {  	[spmem:s2] =	stream.indirect.scatter.add.bf16 [tilespmem:s13], [sflag:$0x2], $0x20, s11, s12, $0xb8;
	[tilespmem:$0x18800] =	vst v63  }
0x52: {  	_ = 	snop  }
0x53: {  	[spmem:s2] =	stream.indirect.scatter.add.bf16 [tilespmem:s14], [sflag:$0x2], $0x20, s26, s12, $0xb8;
	[tilespmem:$0x18800] =	vst v63  }
0x54: {  	_ = 	snop  }
0x55: {  	[spmem:s2] =	stream.indirect.scatter.add.bf16 [tilespmem:s15], [sflag:$0x2], $0x20, s28, s12, $0xb8;
	[tilespmem:$0x18800] =	vst v63  }
0x56: {  	_ = 	snop  }
0x57: {  	[spmem:s2] =	stream.indirect.scatter.add.bf16 [tilespmem:s16], [sflag:$0x2], $0x20, s29, s12, $0xb8;
	[tilespmem:$0x18800] =	vst v63  }
0x58: {  	_ = 	snop  }
0x59: {  	[spmem:s2] =	stream.indirect.scatter.add.bf16 [tilespmem:s18], [sflag:$0x2], $0x20, s30, s12, $0xb8;
	[tilespmem:$0x18800] =	vst v63  }
0x5a: {  	_ = 	snop  }
0x5b: {  	[spmem:s2] =	stream.indirect.scatter.add.bf16 [tilespmem:s20], [sflag:$0x2], $0x20, s31, s12, $0xb8;
	[tilespmem:$0x18800] =	vst v63  }
0x5c: {  	_ = 	snop  }
0x5d: {  	[spmem:s2] =	stream.indirect.scatter.add.bf16 [tilespmem:s22], [sflag:$0x2], $0x20, s0, s12, $0xb8;
	[tilespmem:$0x18800] =	vst v63  }
0x5e: {  	_ = 	snop  }
0x5f: {  	[spmem:s2] =	stream.indirect.scatter.add.bf16 [tilespmem:s24], [sflag:$0x2], $0x20, s4, s12, $0xb8;
	[tilespmem:$0x18800] =	vst v63  }
0x60: {  	_ =	swait.ge [sflag:s1], $0x1000  }
0x61: {  	[sflag:s1] =	ssyncset.done $0x0  }
0x62: {  	[sflag:s1] =	ssyncadd.s32 $0xFFFFF000  }
0x63: {  	_ =	swait.ge [sflag:s1], $0x1000  }
0x64: {  	[sflag:s1] =	ssyncset.done $0x0  }
0x65: {  	[sflag:s1] =	ssyncadd.s32 $0xFFFFF000  }
0x66: {  	_ =	swait.ge [sflag:s1], $0x1000  }
0x67: {  	[sflag:s1] =	ssyncset.done $0x0  }
0x68: {  	[sflag:s1] =	ssyncadd.s32 $0xFFFFF000  }
0x69: {  	_ =	swait.ge [sflag:s1], $0x1000  }
0x6a: {  	[sflag:s1] =	ssyncset.done $0x0  }
0x6b: {  	[sflag:s1] =	ssyncadd.s32 $0xFFFFF000  }
0x6c: {  	_ =	swait.ge [sflag:s1], $0x1000  }
0x6d: {  	[sflag:s1] =	ssyncset.done $0x0  }
0x6e: {  	[sflag:s1] =	ssyncadd.s32 $0xFFFFF000  }
0x6f: {  	_ =	swait.ge [sflag:s1], $0x1000  }
0x70: {  	[sflag:s1] =	ssyncset.done $0x0  }
0x71: {  	[sflag:s1] =	ssyncadd.s32 $0xFFFFF000  }
0x72: {  	_ =	swait.ge [sflag:s1], $0x1000  }
0x73: {  	[sflag:s1] =	ssyncset.done $0x0  }
0x74: {  	[sflag:s1] =	ssyncadd.s32 $0xFFFFF000  }
0x75: {  	s6 =	simm.s32 $0x100;
	_ =	swait.ge [sflag:s1], $0x1000  }
0x76: {  	s8 =	simm.s32 $0x80;
	s9 =	rddreg [dreg:$0x6];
	[sflag:s1] =	ssyncset.done $0x0  }
.LBB2_2:
0x77: {  	[sflag:s1] =	ssyncadd.s32 $0xFFFFF000;
	s9 =	sadd.s32 s8, s9  }
0x78: {  	[tilespmem:s3], [sflag:$0x3] =	stream.linear.gather [hbm4b:s9+s3], $0x400, $0x38;
	[tilespmem:$0x18800] =	vst v63  }
0x79: {  	_ =	swait.ge [sflag:s10], $0x400  }
0x7a: {  	s9 =	rddreg [dreg:$0x5];
	[sflag:s10] =	ssyncset.done $0x0  }
0x7b: {  	[sflag:s10] =	ssyncadd.s32 $0xFFFFFC00;
	s9 =	sadd.s32 s8, s9  }
0x7c: {  	[tilespmem:s11], [sflag:$0x3] =	stream.linear.gather [hbm4b:s9+s3], $0x400, $0x38;
	[tilespmem:$0x18800] =	vst v63  }
0x7d: {  	_ =	swait.ge [sflag:s10], $0x400  }
0x7e: {  	[sflag:s10] =	ssyncset.done $0x0  }
0x7f: {  	[sflag:s10] =	ssyncadd.s32 $0xFFFFFC00  }
0x80: {  	[tilespmem:s13], [sflag:$0x1] =	stream.indirect.gather [hbm4b:s5+s12], $0x20, s3, s12, $0xb8;
	[tilespmem:$0x18800] =	vst v63  }
0x81: {  	s7 =	smov.u32 s6  }
0x82: {  	[tilespmem:s14], [sflag:$0x1] =	stream.indirect.gather [hbm4b:s5+s12], $0x20, s12, s12, $0xb8;
	[tilespmem:$0x18800] =	vst v63  }
0x83: {  	s8 =	smov.u32 s7;
	s7 =	rddreg [dreg:$0x7]  }
0x84: {  	[tilespmem:s15], [sflag:$0x1] =	stream.indirect.gather [hbm4b:s5+s12], $0x20, s7, s12, $0xb8;
	[tilespmem:$0x18800] =	vst v63  }
0x85: {  	s9 =	rddreg [dreg:$0x8]  }
0x86: {  	[tilespmem:s16], [sflag:$0x1] =	stream.indirect.gather [hbm4b:s5+s12], $0x20, s9, s12, $0xb8;
	[tilespmem:$0x18800] =	vst v63  }
0x87: {  	_ = 	snop  }
0x88: {  	[tilespmem:s18], [sflag:$0x1] =	stream.indirect.gather [hbm4b:s5+s12], $0x20, s17, s12, $0xb8;
	[tilespmem:$0x18800] =	vst v63  }
0x89: {  	_ = 	snop  }
0x8a: {  	[tilespmem:s20], [sflag:$0x1] =	stream.indirect.gather [hbm4b:s5+s12], $0x20, s19, s12, $0xb8;
	[tilespmem:$0x18800] =	vst v63  }
0x8b: {  	_ = 	snop  }
0x8c: {  	[tilespmem:s22], [sflag:$0x1] =	stream.indirect.gather [hbm4b:s5+s12], $0x20, s21, s12, $0xb8;
	[tilespmem:$0x18800] =	vst v63  }
0x8d: {  	_ = 	snop  }
0x8e: {  	[tilespmem:s24], [sflag:$0x1] =	stream.indirect.gather [hbm4b:s5+s12], $0x20, s23, s12, $0xb8;
	[tilespmem:$0x18800] =	vst v63  }
0x8f: {  	_ =	swait.ge [sflag:s25], $0x1000  }
0x90: {  	[sflag:s25] =	ssyncset.done $0x0  }
0x91: {  	[sflag:s25] =	ssyncadd.s32 $0xFFFFF000  }
0x92: {  	_ =	swait.ge [sflag:s25], $0x1000  }
0x93: {  	[sflag:s25] =	ssyncset.done $0x0  }
0x94: {  	[sflag:s25] =	ssyncadd.s32 $0xFFFFF000  }
0x95: {  	_ =	swait.ge [sflag:s25], $0x1000  }
0x96: {  	[sflag:s25] =	ssyncset.done $0x0  }
0x97: {  	[sflag:s25] =	ssyncadd.s32 $0xFFFFF000  }
0x98: {  	_ =	swait.ge [sflag:s25], $0x1000  }
0x99: {  	[sflag:s25] =	ssyncset.done $0x0  }
0x9a: {  	[sflag:s25] =	ssyncadd.s32 $0xFFFFF000  }
0x9b: {  	_ =	swait.ge [sflag:s25], $0x1000  }
0x9c: {  	[sflag:s25] =	ssyncset.done $0x0  }
0x9d: {  	[sflag:s25] =	ssyncadd.s32 $0xFFFFF000  }
0x9e: {  	_ =	swait.ge [sflag:s25], $0x1000  }
0x9f: {  	[sflag:s25] =	ssyncset.done $0x0  }
0xa0: {  	[sflag:s25] =	ssyncadd.s32 $0xFFFFF000  }
0xa1: {  	_ =	swait.ge [sflag:s25], $0x1000  }
0xa2: {  	[sflag:s25] =	ssyncset.done $0x0  }
0xa3: {  	[sflag:s25] =	ssyncadd.s32 $0xFFFFF000  }
0xa4: {  	_ =	swait.ge [sflag:s25], $0x1000  }
0xa5: {  	[sflag:s25] =	ssyncset.done $0x0  }
0xa6: {  	[sflag:s25] =	ssyncadd.s32 $0xFFFFF000  }
0xa7: {  	[spmem:s2] =	stream.indirect.scatter.add.bf16 [tilespmem:s13], [sflag:$0x2], $0x20, s11, s12, $0xb8;
	[tilespmem:$0x18800] =	vst v63  }
0xa8: {  	_ = 	snop  }
0xa9: {  	[spmem:s2] =	stream.indirect.scatter.add.bf16 [tilespmem:s14], [sflag:$0x2], $0x20, s26, s12, $0xb8;
	[tilespmem:$0x18800] =	vst v63  }
0xaa: {  	_ = 	snop  }
0xab: {  	[spmem:s2] =	stream.indirect.scatter.add.bf16 [tilespmem:s15], [sflag:$0x2], $0x20, s28, s12, $0xb8;
	[tilespmem:$0x18800] =	vst v63  }
0xac: {  	_ = 	snop  }
0xad: {  	[spmem:s2] =	stream.indirect.scatter.add.bf16 [tilespmem:s16], [sflag:$0x2], $0x20, s29, s12, $0xb8;
	[tilespmem:$0x18800] =	vst v63  }
0xae: {  	_ = 	snop  }
0xaf: {  	[spmem:s2] =	stream.indirect.scatter.add.bf16 [tilespmem:s18], [sflag:$0x2], $0x20, s30, s12, $0xb8;
	[tilespmem:$0x18800] =	vst v63  }
0xb0: {  	_ = 	snop  }
0xb1: {  	[spmem:s2] =	stream.indirect.scatter.add.bf16 [tilespmem:s20], [sflag:$0x2], $0x20, s31, s12, $0xb8;
	[tilespmem:$0x18800] =	vst v63  }
0xb2: {  	_ = 	snop  }
0xb3: {  	[spmem:s2] =	stream.indirect.scatter.add.bf16 [tilespmem:s22], [sflag:$0x2], $0x20, s0, s12, $0xb8;
	[tilespmem:$0x18800] =	vst v63  }
0xb4: {  	_ = 	snop  }
0xb5: {  	[spmem:s2] =	stream.indirect.scatter.add.bf16 [tilespmem:s24], [sflag:$0x2], $0x20, s4, s12, $0xb8;
	[tilespmem:$0x18800] =	vst v63  }
0xb6: {  	_ =	swait.ge [sflag:s1], $0x1000  }
0xb7: {  	[sflag:s1] =	ssyncset.done $0x0  }
0xb8: {  	[sflag:s1] =	ssyncadd.s32 $0xFFFFF000  }
0xb9: {  	_ =	swait.ge [sflag:s1], $0x1000  }
0xba: {  	[sflag:s1] =	ssyncset.done $0x0  }
0xbb: {  	[sflag:s1] =	ssyncadd.s32 $0xFFFFF000  }
0xbc: {  	_ =	swait.ge [sflag:s1], $0x1000  }
0xbd: {  	[sflag:s1] =	ssyncset.done $0x0  }
0xbe: {  	[sflag:s1] =	ssyncadd.s32 $0xFFFFF000  }
0xbf: {  	_ =	swait.ge [sflag:s1], $0x1000  }
0xc0: {  	[sflag:s1] =	ssyncset.done $0x0  }
0xc1: {  	[sflag:s1] =	ssyncadd.s32 $0xFFFFF000  }
0xc2: {  	_ =	swait.ge [sflag:s1], $0x1000  }
0xc3: {  	[sflag:s1] =	ssyncset.done $0x0  }
0xc4: {  	[sflag:s1] =	ssyncadd.s32 $0xFFFFF000  }
0xc5: {  	_ =	swait.ge [sflag:s1], $0x1000  }
0xc6: {  	[sflag:s1] =	ssyncset.done $0x0  }
0xc7: {  	p0 =	sne.s32 s6, $0x780;
	[sflag:s1] =	ssyncadd.s32 $0xFFFFF000  }
.Ltmp0:
0xc8: {  	_ =	swait.ge [sflag:s1], $0x1000;
	(pc) =	sbr.rel @p0 .LBB2_2-.Ltmp0, $4  }
0xc9: {  	[sflag:s1] =	ssyncset.done $0x0  }
0xca: {  	[sflag:s1] =	ssyncadd.s32 $0xFFFFF000  }
0xcb: {  	_ =	swait.ge [sflag:s1], $0x1000  }
0xcc: {  	s6 =	sadd.s32 $0x80, s6;
	s9 =	rddreg [dreg:$0x6];
	[sflag:s1] =	ssyncset.done $0x0  }
0xcd: {  	[sflag:s1] =	ssyncadd.s32 $0xFFFFF000;
	s6 =	sadd.s32 s8, s9  }
0xce: {  	[tilespmem:s3], [sflag:$0x3] =	stream.linear.gather [hbm4b:s6+s3], $0x400, $0x38;
	[tilespmem:$0x18800] =	vst v63  }
0xcf: {  	_ =	swait.ge [sflag:s10], $0x400  }
0xd0: {  	s7 =	rddreg [dreg:$0x5];
	[sflag:s10] =	ssyncset.done $0x0  }
0xd1: {  	[sflag:s10] =	ssyncadd.s32 $0xFFFFFC00;
	s6 =	sadd.s32 s8, s7  }
0xd2: {  	[tilespmem:s11], [sflag:$0x3] =	stream.linear.gather [hbm4b:s6+s3], $0x400, $0x38;
	[tilespmem:$0x18800] =	vst v63  }
0xd3: {  	_ =	swait.ge [sflag:s10], $0x400  }
0xd4: {  	[sflag:s10] =	ssyncset.done $0x0  }
0xd5: {  	[sflag:s10] =	ssyncadd.s32 $0xFFFFFC00  }
0xd6: {  	[tilespmem:s13], [sflag:$0x1] =	stream.indirect.gather [hbm4b:s5+s12], $0x20, s3, s12, $0xb8;
	[tilespmem:$0x18800] =	vst v63  }
0xd7: {  	_ = 	snop  }
0xd8: {  	[tilespmem:s14], [sflag:$0x1] =	stream.indirect.gather [hbm4b:s5+s12], $0x20, s12, s12, $0xb8;
	[tilespmem:$0x18800] =	vst v63  }
0xd9: {  	s8 =	rddreg [dreg:$0x7]  }
0xda: {  	[tilespmem:s15], [sflag:$0x1] =	stream.indirect.gather [hbm4b:s5+s12], $0x20, s8, s12, $0xb8;
	[tilespmem:$0x18800] =	vst v63  }
0xdb: {  	s7 =	rddreg [dreg:$0x8]  }
0xdc: {  	[tilespmem:s16], [sflag:$0x1] =	stream.indirect.gather [hbm4b:s5+s12], $0x20, s7, s12, $0xb8;
	[tilespmem:$0x18800] =	vst v63  }
0xdd: {  	_ = 	snop  }
0xde: {  	[tilespmem:s18], [sflag:$0x1] =	stream.indirect.gather [hbm4b:s5+s12], $0x20, s17, s12, $0xb8;
	[tilespmem:$0x18800] =	vst v63  }
0xdf: {  	_ = 	snop  }
0xe0: {  	[tilespmem:s20], [sflag:$0x1] =	stream.indirect.gather [hbm4b:s5+s12], $0x20, s19, s12, $0xb8;
	[tilespmem:$0x18800] =	vst v63  }
0xe1: {  	_ = 	snop  }
0xe2: {  	[tilespmem:s22], [sflag:$0x1] =	stream.indirect.gather [hbm4b:s5+s12], $0x20, s21, s12, $0xb8;
	[tilespmem:$0x18800] =	vst v63  }
0xe3: {  	_ = 	snop  }
0xe4: {  	[tilespmem:s24], [sflag:$0x1] =	stream.indirect.gather [hbm4b:s5+s12], $0x20, s23, s12, $0xb8;
	[tilespmem:$0x18800] =	vst v63  }
0xe5: {  	_ =	swait.ge [sflag:s25], $0x1000  }
0xe6: {  	[sflag:s25] =	ssyncset.done $0x0  }
0xe7: {  	[sflag:s25] =	ssyncadd.s32 $0xFFFFF000  }
0xe8: {  	_ =	swait.ge [sflag:s25], $0x1000  }
0xe9: {  	[sflag:s25] =	ssyncset.done $0x0  }
0xea: {  	[sflag:s25] =	ssyncadd.s32 $0xFFFFF000  }
0xeb: {  	_ =	swait.ge [sflag:s25], $0x1000  }
0xec: {  	[sflag:s25] =	ssyncset.done $0x0  }
0xed: {  	[sflag:s25] =	ssyncadd.s32 $0xFFFFF000  }
0xee: {  	_ =	swait.ge [sflag:s25], $0x1000  }
0xef: {  	[sflag:s25] =	ssyncset.done $0x0  }
0xf0: {  	[sflag:s25] =	ssyncadd.s32 $0xFFFFF000  }
0xf1: {  	_ =	swait.ge [sflag:s25], $0x1000  }
0xf2: {  	[sflag:s25] =	ssyncset.done $0x0  }
0xf3: {  	[sflag:s25] =	ssyncadd.s32 $0xFFFFF000  }
0xf4: {  	_ =	swait.ge [sflag:s25], $0x1000  }
0xf5: {  	[sflag:s25] =	ssyncset.done $0x0  }
0xf6: {  	[sflag:s25] =	ssyncadd.s32 $0xFFFFF000  }
0xf7: {  	_ =	swait.ge [sflag:s25], $0x1000  }
0xf8: {  	[sflag:s25] =	ssyncset.done $0x0  }
0xf9: {  	[sflag:s25] =	ssyncadd.s32 $0xFFFFF000  }
0xfa: {  	_ =	swait.ge [sflag:s25], $0x1000  }
0xfb: {  	[sflag:s25] =	ssyncset.done $0x0  }
0xfc: {  	[sflag:s25] =	ssyncadd.s32 $0xFFFFF000  }
0xfd: {  	[spmem:s2] =	stream.indirect.scatter.add.bf16 [tilespmem:s13], [sflag:$0x2], $0x20, s11, s12, $0xb8;
	[tilespmem:$0x18800] =	vst v63  }
0xfe: {  	_ = 	snop  }
0xff: {  	[spmem:s2] =	stream.indirect.scatter.add.bf16 [tilespmem:s14], [sflag:$0x2], $0x20, s26, s12, $0xb8;
	[tilespmem:$0x18800] =	vst v63  }
0x100: {  	_ = 	snop  }
0x101: {  	[spmem:s2] =	stream.indirect.scatter.add.bf16 [tilespmem:s15], [sflag:$0x2], $0x20, s28, s12, $0xb8;
	[tilespmem:$0x18800] =	vst v63  }
0x102: {  	_ = 	snop  }
0x103: {  	[spmem:s2] =	stream.indirect.scatter.add.bf16 [tilespmem:s16], [sflag:$0x2], $0x20, s29, s12, $0xb8;
	[tilespmem:$0x18800] =	vst v63  }
0x104: {  	_ = 	snop  }
0x105: {  	[spmem:s2] =	stream.indirect.scatter.add.bf16 [tilespmem:s18], [sflag:$0x2], $0x20, s30, s12, $0xb8;
	[tilespmem:$0x18800] =	vst v63  }
0x106: {  	_ = 	snop  }
0x107: {  	[spmem:s2] =	stream.indirect.scatter.add.bf16 [tilespmem:s20], [sflag:$0x2], $0x20, s31, s12, $0xb8;
	[tilespmem:$0x18800] =	vst v63  }
0x108: {  	_ = 	snop  }
0x109: {  	[spmem:s2] =	stream.indirect.scatter.add.bf16 [tilespmem:s22], [sflag:$0x2], $0x20, s0, s12, $0xb8;
	[tilespmem:$0x18800] =	vst v63  }
0x10a: {  	_ = 	snop  }
0x10b: {  	[spmem:s2] =	stream.indirect.scatter.add.bf16 [tilespmem:s24], [sflag:$0x2], $0x20, s4, s12, $0xb8;
	[tilespmem:$0x18800] =	vst v63  }
0x10c: {  	_ =	swait.ge [sflag:s1], $0x1000  }
0x10d: {  	[sflag:s1] =	ssyncset.done $0x0  }
0x10e: {  	[sflag:s1] =	ssyncadd.s32 $0xFFFFF000  }
0x10f: {  	_ =	swait.ge [sflag:s1], $0x1000  }
0x110: {  	[sflag:s1] =	ssyncset.done $0x0  }
0x111: {  	[sflag:s1] =	ssyncadd.s32 $0xFFFFF000  }
0x112: {  	_ =	swait.ge [sflag:s1], $0x1000  }
0x113: {  	[sflag:s1] =	ssyncset.done $0x0  }
0x114: {  	[sflag:s1] =	ssyncadd.s32 $0xFFFFF000  }
0x115: {  	_ =	swait.ge [sflag:s1], $0x1000  }
0x116: {  	[sflag:s1] =	ssyncset.done $0x0  }
0x117: {  	[sflag:s1] =	ssyncadd.s32 $0xFFFFF000  }
0x118: {  	_ =	swait.ge [sflag:s1], $0x1000  }
0x119: {  	[sflag:s1] =	ssyncset.done $0x0  }
0x11a: {  	[sflag:s1] =	ssyncadd.s32 $0xFFFFF000  }
0x11b: {  	_ =	swait.ge [sflag:s1], $0x1000  }
0x11c: {  	[sflag:s1] =	ssyncset.done $0x0  }
0x11d: {  	[sflag:s1] =	ssyncadd.s32 $0xFFFFF000  }
0x11e: {  	_ =	swait.ge [sflag:s1], $0x1000  }
0x11f: {  	[sflag:s1] =	ssyncset.done $0x0  }
0x120: {  	[sflag:s1] =	ssyncadd.s32 $0xFFFFF000  }
0x121: {  	_ =	swait.ge [sflag:s1], $0x1000  }
0x122: {  	[sflag:s1] =	ssyncset.done $0x0  }
0x123: {  	[sflag:s1] =	ssyncadd.s32 $0xFFFFF000  }
0x124: {  	[bflag:$0x0] =	sbarrier.arrive $0xFFFF  }
0x125: {  	s7 =	rddreg [dreg:$0x9]  }
0x126: {  	s9 =	rddreg [dreg:$0xb]  }
0x127: {  	s8 =	rddreg [dreg:$0xc]  }
0x128: {  	[hbm:s9], [sflag:s7] =	dma.local [spmem:s8], $0x2000  }
0x129: {  	_ =	swait.ge [sflag:s10], $0x2000  }
0x12a: {  	s6 =	rddreg [dreg:$0xd]  }
0x12b: {  	s9 =	sadd.s32 $0x1, s6;
	s6 =	rddreg [dreg:$0xa]  }
0x12c: {  	p0 =	sne.s32 s9, s6  }
.Ltmp1:
0x12d: {  	_ = 	snop;
	(pc) =	sbr.rel @p0 .LBB2_1-.Ltmp1, $3  }
0x12e: {  	_ =	sdelay $0x1  }
0x12f: {  	[sflag:s10] =	ssyncset.done $0x0  }
0x130: {  	[sflag:s10] =	ssyncadd.s32 $0xFFFFE000  }
0x131: {  	_ =	sfence.sel $0x180000  }
0x132: {  	[bflag:$0x0] =	sbarrier.arrive $0xFFFF  }
0x133: {  	_ =	strace $0x9000004A  }
0x134: {  	s0 =	stileid.u32;
	[bflag:$0x2] =	sbarrier.arrive $0xFFFF  }
0x135: {  	p0 =	sne.s32 s0, $0x0;
	s0 =	rddreg [dreg:$0x4]  }
0x136: {  	s0 =	sadd.s32 @!p0 $0x100000, s0  }
0x137: {  	[sflag:s0] =	ssyncadd.tile.s32 @!p0 $0x1;
	_ =	shalt  }
.Lfunc_end2:
_tile_overlayer_lowered:
.L_overlay_start_2:
0x138: {  	(tag) =	ssettag $0x2  }
0x139: {  	s0 =	rddreg [dreg:$0x0];
	s2 =	stileid.u32  }
0x13a: {  	s1 =	rddreg [dreg:$0x1];
	p0 =	sne.s32 s2, $0x0  }
0x13b: {  	s3 =	rddreg [dreg:$0x2];
	[bflag:$0x3] =	sbarrier.arrive $0xFFFF;
	s2 =	simm.s32 @!p0 $0x1C03  }
0x13c: {  	[timem:s3], [sflag:s2] =	dma.local @!p0 [hbm:s0], s1  }
0x13d: {  	s0 =	simm.s32 @!p0 $0x3  }
0x13e: {  	_ =	swait.ge @!p0 [sflag:s0], s1  }
0x13f: {  	s1 =	ssub.s32 @!p0 $0x0, s1;
	[sflag:s0] =	ssyncset.done @!p0 $0x0  }
0x140: {  	[sflag:s0] =	ssyncadd.s32 @!p0 s1  }
0x141: {  	[bflag:$0x3] =	sbarrier.arrive $0xFFFF  }
0x142: {  	_ =	shalt  }

// kernel: kernel.15.cloned.1.call-start
scs
__scs_entry_jumppad:
0x0: {  	(pc) =	sbr.rel $0x88, $3  }
0x1: {  	(tag) =	ssettag $0x0;
	lr =	simm.s32 $0x1  }
0x2: {  	[smem:$0x3F97] =	sst lr;
	_ =	strace $0xD0000000  }
0x3: {  	_ = 	snop  }
0x4: {  	_ = 	snop  }
0x5: {  	_ = 	snop  }
0x6: {  	_ = 	snop  }
0x7: {  	_ = 	snop  }
__scs_overlays_trampoline_lowered:
0x8: {  	[smem:$0x3FA6] =	sst s0  }
0x9: {  	[smem:$0x3FA7] =	sst s1  }
0xa: {  	[smem:$0x3FA8] =	sst s2  }
0xb: {  	[smem:$0x3FA9] =	sst s3  }
0xc: {  	[smem:$0x3FAA] =	sst s4  }
0xd: {  	[smem:$0x3FAB] =	sst s5  }
0xe: {  	[smem:$0x3FAC] =	sst s6  }
0xf: {  	[smem:$0x3FAD] =	sst s7  }
0x10: {  	[smem:$0x3FAE] =	sst s8  }
0x11: {  	[smem:$0x3FAF] =	sst s9;
	s0 =	simm.s32 @!p0 $0x0  }
0x12: {  	s1 =	sld [smem:$0x3F95];
	s0 =	simm.s32 @p0 $0x1  }
0x13: {  	[smem:$0x3FB0] =	sst s0;
	s0 =	simm.s32 @!p1 $0x0  }
0x14: {  	s2 =	sld [smem:$0x3F94];
	s0 =	simm.s32 @p1 $0x1  }
0x15: {  	[smem:$0x3FB1] =	sst s0;
	s0 =	simm.s32 @!p2 $0x0  }
0x16: {  	s3 =	sld [smem:$0x3FDB];
	s0 =	simm.s32 @p2 $0x1  }
0x17: {  	s4 =	simm.s32 $0x1BF5;
	[smem:$0x3FB3] =	sst s0  }
0x18: {  	s0 =	sld [smem:$0x3F96];
	_ =	swait.ge [sflag:s4], $0x0  }
0x19: {  	s7 =	sld [smem:$0x3F97]  }
0x1a: {  	s8 =	sadd.s32 $0xFFFFE003, lr  }
0x1b: {  	s9 =	sadd.s32 $0xFFFFFEF7, lr;
	s5 =	simm.s32 $0xFFFFFFFF;
	p2 =	slt.u32 s8, $0xFFFFF086  }
0x1c: {  	p1 =	slt.u32 s9, $0xF7A;
	s5 =	simm.s32 @!p2 $0x0  }
0x1d: {  	s5 =	simm.s32 @p1 $0x1;
	p0 =	seq.s32 s7, s2  }
0x1e: {  	s7 =	smul.u32 @!p0 $0xF7A, s2;
	p2 =	seq.s32 @!p0 s5, $0x0  }
0x1f: {  	s9 =	smul.u32 $0xF7A, s1;
	s8 =	simm.s32 @!p0 $0x1BF5;
	p2 =	por !p2, p0  }
0x20: {  	[sflag:s8] =	ssyncset.s32 @!p0 $0xFFFFF086;
	s6 =	sadd.s32 @!p0 s3, s7;
	s7 =	simm.s32 @!p0 $0x108  }
0x21: {  	s3 =	sadd.s32 s3, s9;
	s6 =	sadd.s32 @!p0 $0x88, s6;
	s7 =	simm.s32 @p2 $0x1082  }
0x22: {  	[simem:s7], [sflag:s8] =	dma.local @!p0 [hbm:s6], $0xF7A  }
0x23: {  	s9 =	sor.u32 $0xD0000000, s2;
	s6 =	simm.s32 $0x108;
	_ =	swait.ge @!p0 [sflag:s8], $0x0  }
0x24: {  	s3 =	sadd.s32 $0x88, s3;
	s6 =	simm.s32 @!p1 $0x1082;
	[sflag:s4] =	ssyncset.s32 $0xFFFFF086  }
0x25: {  	[simem:s6], [sflag:s4] =	dma.local [hbm:s3], $0xF7A  }
0x26: {  	[smem:$0x3F97] =	sst s1;
	(tag) =	ssettag s2;
	_ =	strace s9  }
0x27: {  	s1 =	sld [smem:$0x3FA7]  }
0x28: {  	s2 =	sld [smem:$0x3FA8]  }
0x29: {  	s4 =	sld [smem:$0x3FAA]  }
0x2a: {  	p0 =	seq.s32 s5, $0x0;
	s5 =	sld [smem:$0x3FAB]  }
0x2b: {  	s6 =	sld [smem:$0x3FAC]  }
0x2c: {  	s7 =	sld [smem:$0x3FAD]  }
0x2d: {  	s3 =	simm.s32 $0x108;
	s8 =	sld [smem:$0x3FAE]  }
0x2e: {  	s3 =	simm.s32 @!p0 $0x1082;
	s9 =	sld [smem:$0x3FAF]  }
0x2f: {  	lr =	sadd.s32 s0, s3;
	s0 =	sld [smem:$0x3FA6]  }
0x30: {  	s3 =	sld [smem:$0x3FA9]  }
0x31: {  	[smem:$0x3FB2] =	sst s10  }
0x32: {  	s10 =	sld [smem:$0x3FB0];
	_ =	sdelay $0x3  }
0x33: {  	p0 =	seq.s32 s10, $0x1;
	s10 =	sld [smem:$0x3FB2];
	_ =	sdelay $0x3  }
0x34: {  	[smem:$0x3FB2] =	sst s10  }
0x35: {  	s10 =	sld [smem:$0x3FB1];
	_ =	sdelay $0x3  }
0x36: {  	p1 =	seq.s32 s10, $0x1;
	s10 =	sld [smem:$0x3FB2];
	_ =	sdelay $0x3  }
0x37: {  	[smem:$0x3FB2] =	sst s10  }
0x38: {  	s10 =	sld [smem:$0x3FB3]  }
0x39: {  	_ = 	snop;
	(pc) =	sbr.ind lr, $3  }
0x3a: {  	_ = 	snop  }
0x3b: {  	_ = 	snop  }
0x3c: {  	p2 =	seq.s32 s10, $0x1;
	s10 =	sld [smem:$0x3FB2]  }
0x3d: {  	_ =	shalt  }
0x3e: {  	_ =	shalt  }
0x3f: {  	_ =	shalt  }
0x40: {  	_ =	shalt  }
0x41: {  	_ =	shalt  }
0x42: {  	_ =	shalt  }
0x43: {  	_ =	shalt  }
0x44: {  	_ =	shalt  }
0x45: {  	_ =	shalt  }
0x46: {  	_ =	shalt  }
0x47: {  	_ =	shalt  }
0x48: {  	_ =	shalt  }
0x49: {  	_ =	shalt  }
0x4a: {  	_ =	shalt  }
0x4b: {  	_ =	shalt  }
0x4c: {  	_ =	shalt  }
0x4d: {  	_ =	shalt  }
0x4e: {  	_ =	shalt  }
0x4f: {  	_ =	shalt  }
0x50: {  	_ =	shalt  }
0x51: {  	_ =	shalt  }
0x52: {  	_ =	shalt  }
0x53: {  	_ =	shalt  }
0x54: {  	_ =	shalt  }
0x55: {  	_ =	shalt  }
0x56: {  	_ =	shalt  }
0x57: {  	_ =	shalt  }
0x58: {  	_ =	shalt  }
0x59: {  	_ =	shalt  }
0x5a: {  	_ =	shalt  }
0x5b: {  	_ =	shalt  }
0x5c: {  	_ =	shalt  }
0x5d: {  	_ =	shalt  }
0x5e: {  	_ =	shalt  }
0x5f: {  	_ =	shalt  }
0x60: {  	_ =	shalt  }
0x61: {  	_ =	shalt  }
0x62: {  	_ =	shalt  }
0x63: {  	_ =	shalt  }
0x64: {  	_ =	shalt  }
0x65: {  	_ =	shalt  }
0x66: {  	_ =	shalt  }
0x67: {  	_ =	shalt  }
0x68: {  	_ =	shalt  }
0x69: {  	_ =	shalt  }
0x6a: {  	_ =	shalt  }
0x6b: {  	_ =	shalt  }
0x6c: {  	_ =	shalt  }
0x6d: {  	_ =	shalt  }
0x6e: {  	_ =	shalt  }
0x6f: {  	_ =	shalt  }
0x70: {  	_ =	shalt  }
0x71: {  	_ =	shalt  }
0x72: {  	_ =	shalt  }
0x73: {  	_ =	shalt  }
0x74: {  	_ =	shalt  }
0x75: {  	_ =	shalt  }
0x76: {  	_ =	shalt  }
0x77: {  	_ =	shalt  }
0x78: {  	_ =	shalt  }
0x79: {  	_ =	shalt  }
0x7a: {  	_ =	shalt  }
0x7b: {  	_ =	shalt  }
0x7c: {  	_ =	shalt  }
0x7d: {  	_ =	shalt  }
0x7e: {  	_ =	shalt  }
0x7f: {  	_ =	shalt  }
0x80: {  	_ =	shalt  }
0x81: {  	_ =	shalt  }
0x82: {  	_ =	shalt  }
0x83: {  	_ =	shalt  }
0x84: {  	_ =	shalt  }
0x85: {  	_ =	shalt  }
0x86: {  	_ =	shalt  }
0x87: {  	_ =	shalt  }
.Lfunc_end0:
.L_simem_size_0:
called_computation.2_lowered:
.L_overlay_start_0:
0x88: {  	s2 =	sld [smem:$0x3FD9]  }
0x89: {  	s3 =	sld [smem:$0x3FFE];
	_ =	sdelay $0x1  }
0x8a: {  	s1 =	srdreg.scid  }
0x8b: {  	s0 =	sand.u32 $0x1, s1  }
0x8c: {  	s17 =	sshll.u32 s0, $0xA;
	s2 =	sadd.s32 s3, s2  }
0x8d: {  	s2 =	sadd.s32 s2, s17  }
0x8e: {  	[smem:$0x3FBE] =	sst s2  }
0x8f: {  	_ = 	snop  }
0x90: {  	s2 =	sld [smem:$0x3FC6]  }
0x91: {  	s18 =	sld [smem:$0x3FC4]  }
0x92: {  	s4 =	sld [smem:$0x3FD0];
	(tm) =	ssettm $0x1  }
0x93: {  	s5 =	sld [smem:$0x3FFB];
	_ =	sdelay $0x3  }
0x94: {  	_ =	strace s5  }
0x95: {  	s5 =	sld [smem:$0x3FFC];
	_ =	sdelay $0x3  }
0x96: {  	_ =	strace s5  }
0x97: {  	s5 =	sld [smem:$0x3FFD];
	_ =	sdelay $0x3  }
0x98: {  	_ =	strace s5  }
0x99: {  	_ =	strace $0x8FFFFFFF  }
0x9a: {  	s19 =	sld [smem:$0x3FDB];
	_ =	sdelay $0x1  }
0x9b: {  	s6 =	simm.s32 $_scs_section_size  }
0x9c: {  	s7 =	simm.s32 $_size__tile_overlayer_lowered;
	s8 =	simm.s32 $_tile_overlayer_lowered  }
0x9d: {  	s22 =	simm.s32 $0x1BFF;
	s21 =	sshll.u32 s8, $0x1;
	s5 =	sadd.s32 s6, s19  }
0x9e: {  	s9 =	simm.s32 $0x0;
	s20 =	sshll.u32 s7, $0x1;
	s7 =	sadd.s32 s21, s5  }
0x9f: {  	[timem:s9], [sflag:s22] =	dma.local [hbm:s7], s20  }
0xa0: {  	_ =	swait.ge [sflag:s22], s20  }
0xa1: {  	s6 =	ssub.s32 $0x0, s20;
	[sflag:s22] =	ssyncset.done $0x0  }
0xa2: {  	[sflag:s22] =	ssyncadd.s32 s6;
	_ =	sdelay $0x1  }
0xa3: {  	s23 =	simm.s32 $0x1B8B  }
0xa4: {  	_ =	swait.ge [sflag:s23], $0x1  }
0xa5: {  	[sflag:s23] =	ssyncset.done $0x0  }
0xa6: {  	s25 =	simm.s32 $0x1B8E;
	s24 =	sld [smem:$0x3FFE];
	[sflag:s23] =	ssyncadd.s32 $0xFFFFFFFF  }
0xa7: {  	s26 =	simm.s32 $execute0_lowered;
	[smem:$0x3FD2] =	sst s25  }
0xa8: {  	s7 =	sshll.u32 s26, $0x1;
	_ =	strace $0x8000004C;
	[dreg:$0x1] =	wrdreg $0xFFFFFFFF  }
0xa9: {  	s28 =	simm.s32 $_size_execute0_lowered;
	s5 =	sadd.s32 s5, s7;
	[dreg:$0x0] =	wrdreg $0x0  }
0xaa: {  	s7 =	sshll.u32 s28, $0x1;
	[dreg:$0x2] =	wrdreg s5  }
0xab: {  	[dreg:$0x3] =	wrdreg s7  }
0xac: {  	[dreg:$0x4] =	wrdreg $0xC0  }
0xad: {  	_ =	task [dreg:s9], $0x5FFFF  }
0xae: {  	[dreg:$0x1] =	wrdreg $0xFFFFFFFF  }
0xaf: {  	[dreg:$0x0] =	wrdreg $0x60  }
0xb0: {  	[dreg:$0x2] =	wrdreg s2  }
0xb1: {  	[dreg:$0x3] =	wrdreg s18  }
0xb2: {  	[dreg:$0x4] =	wrdreg s24  }
0xb3: {  	[dreg:$0x5] =	wrdreg s4  }
0xb4: {  	[dreg:$0x6] =	wrdreg $0xC000  }
0xb5: {  	[dreg:$0x7] =	wrdreg $0x8C000  }
0xb6: {  	[dreg:$0x8] =	wrdreg $0x9  }
0xb7: {  	_ =	task.clear_ibuf [dreg:s9], $0x9FFFF;
	_ =	strace $0x9000004C  }
0xb8: {  	s29 =	simm.s32 $0x9;
	_ =	strace $0x8000004E  }
0xb9: {  	_ =	swait.ge [sflag:s29], $0x1  }
0xba: {  	[sflag:s29] =	ssyncadd.s32 $0xFFFFFFFF  }
0xbb: {  	_ =	strace $0x9000004E  }
0xbc: {  	_ =	sfence  }
0xbd: {  	s30 =	sld [smem:$0x0];
	_ =	sdelay $0x2  }
0xbe: {  	s31 =	sshll.u32 s1, $0xD;
	s1 =	sshrl.u32 s1, $0x2  }
0xbf: {  	s3 =	sand.u32 $0x4000, s31;
	s1 =	sadd.s32 s1, s30  }
0xc0: {  	s0 =	sor.u32 s3, s0;
	s1 =	sshll.u32 s1, $0x11  }
0xc1: {  	s0 =	sor.u32 s1, s0  }
0xc2: {  	s0 =	sadd.s32 $0x8F2B, s0  }
0xc3: {  	[sflag:s0] =	ssyncadd.remote.s32 $0x1  }
0xc4: {  	_ =	sfence.sel $0xFFFF  }
0xc5: {  	[dreg:$0x0] =	wrdreg $0xFFFFFFFF;
	(pc) =	sbr.abs _section_cstart, $3  }
0xc6: {  	[dreg:$0x1] =	wrdreg $0xFFFFFFFF  }
0xc7: {  	_ =	task.clear_ibuf [dreg:s9], $0x2FFFF;
	_ =	strace $0x9FFFFFFF  }
0xc8: {  	(tm) =	ssettm $0x7FFFFFFF  }
0xc9: {  	_ =	shalt  }
tec
execute0_lowered:
.L_overlay_start_1:
0x0: {  	(tag) =	ssettag $0x1  }
0x1: {  	s12 =	rddreg [dreg:$0x0]  }
0x2: {  	s9 =	rddreg [dreg:$0x1]  }
0x3: {  	s8 =	rddreg [dreg:$0x2]  }
0x4: {  	s1 =	rddreg [dreg:$0x3]  }
0x5: {  	s2 =	rddreg [dreg:$0x4]  }
0x6: {  	s3 =	rddreg [dreg:$0x5]  }
0x7: {  	s0 =	rddreg [dreg:$0x6];
	s4 =	simm.s32 $0x0  }
0x8: {  	s7 =	srdreg.scid;
	s22 =	simm.s32 $0x280;
	s23 =	simm.s32 $0x300  }
0x9: {  	[smem:$0x7FF] =	sst s4;
	s5 =	sadd.s32 $0xB4600, s8;
	s6 =	sadd.s32 $0x2A00, s8  }
0xa: {  	s11 =	sand.u32 $0x1, s7;
	s13 =	sadd.s32 $0x12C00, s8;
	s14 =	sadd.s32 $0x2C00, s8  }
0xb: {  	s15 =	sadd.s32 $0x23C00, s8;
	s7 =	stileid.u32;
	s17 =	sadd.s32 $0x22C00, s8  }
0xc: {  	_ =	strace $0x8000004D;
	s10 =	ssub.s32 $0x2, s11;
	s24 =	sshll.u32 s7, $0xF  }
0xd: {  	s26 =	sshll.u32 s7, $0x7;
	s18 =	sshll.u32 s11, $0xB;
	s19 =	sshll.u32 s7, $0x6  }
0xe: {  	s20 =	sshll.u32 s7, $0xB;
	p0 =	seq.s32 s11, $0x1;
	s29 =	sshll.u32 s7, $0xC  }
0xf: {  	s21 =	sshll.u32 s7, $0x8;
	s30 =	sshll.u32 s11, $0xF;
	s16 =	sshrl.u32 s10, $0x1  }
0x10: {  	s25 =	sadd.s32 s24, s2;
	s18 =	sor.u32 s26, s18;
	s8 =	sor.u32 $0x1C02, s19  }
0x11: {  	s28 =	sadd.s32 s20, s3;
	s13 =	smov.u32 @p0 s14;
	s15 =	smov.u32 @p0 s17  }
0x12: {  	s31 =	sadd.s32 s30, s12;
	s17 =	simm.s32 $0x400;
	s19 =	simm.s32 $0x100  }
0x13: {  	s24 =	simm.s32 $0x380;
	s26 =	simm.s32 $0x0;
	s10 =	ssub.s32 s10, s16  }
0x14: {  	s9 =	sadd.s32 s9, s18;
	s11 =	sadd.s32 s13, s29;
	s12 =	sadd.s32 s15, s21  }
0x15: {  	s13 =	sadd.s32 s20, s31;
	s14 =	sshrl.u32 s25, $0x3;
	s15 =	simm.s32 $0x2  }
0x16: {  	s16 =	sshrl.u32 s28, $0x3;
	s18 =	simm.s32 $0x80;
	s20 =	simm.s32 $0x180  }
0x17: {  	s21 =	simm.s32 $0x200;
	s25 =	simm.s32 $0x1;
	s10 =	smax.u32 s10, $0x1  }
.LBB2_1:
0x18: {  	[spmem:s14], [sflag:s8] =	dma.local [hbm:s1], $0x1000  }
0x19: {  	_ =	swait.ge [sflag:s15], $0x1000  }
0x1a: {  	[sflag:s15] =	ssyncset.done $0x0  }
0x1b: {  	[sflag:s15] =	ssyncadd.s32 $0xFFFFF000  }
0x1c: {  	[spmem:s16], [sflag:s8] =	dma.local [hbm:s6], $0x100  }
0x1d: {  	_ =	swait.ge [sflag:s15], $0x100  }
0x1e: {  	[sflag:s15] =	ssyncset.done $0x0  }
0x1f: {  	[sflag:s15] =	ssyncadd.s32 $0xFFFFFF00  }
0x20: {  	[tilespmem:s17], [sflag:$0x2] =	stream.linear.gather [hbm4b:s5+s4], $0x800, $0x38;
	[tilespmem:$0x9400] =	vst v63  }
0x21: {  	_ =	swait.ge [sflag:s15], $0x800  }
0x22: {  	[sflag:s15] =	ssyncset.done $0x0  }
0x23: {  	[sflag:s15] =	ssyncadd.s32 $0xFFFFF800  }
0x24: {  	s28 =	sadd.s32 $0x0, s13;
	[bflag:$0x0] =	sbarrier.arrive $0xFFFF  }
0x25: {  	[tilespmem:s4], [sflag:$0x2] =	stream.linear.gather [hbm4b:s28+s4], $0x400, $0x38;
	[tilespmem:$0x9400] =	vst v63  }
0x26: {  	_ =	swait.ge [sflag:s15], $0x400  }
0x27: {  	[sflag:s15] =	ssyncset.done $0x0  }
0x28: {  	[sflag:s15] =	ssyncadd.s32 $0xFFFFFC00  }
0x29: {  	[spmem:s2] =	stream.indirect.scatter.add.f32 [tilespmem:s17], [sflag:$0x1], $0x10, s4, s18, $0xb8;
	[tilespmem:$0x9400] =	vst v63  }
0x2a: {  	_ = 	snop  }
0x2b: {  	[spmem:s2] =	stream.indirect.scatter.add.f32 [tilespmem:s17], [sflag:$0x1], $0x10, s18, s18, $0xb8;
	[tilespmem:$0x9400] =	vst v63  }
0x2c: {  	_ = 	snop  }
0x2d: {  	[spmem:s2] =	stream.indirect.scatter.add.f32 [tilespmem:s17], [sflag:$0x1], $0x10, s19, s18, $0xb8;
	[tilespmem:$0x9400] =	vst v63  }
0x2e: {  	_ = 	snop  }
0x2f: {  	[spmem:s2] =	stream.indirect.scatter.add.f32 [tilespmem:s17], [sflag:$0x1], $0x10, s20, s18, $0xb8;
	[tilespmem:$0x9400] =	vst v63  }
0x30: {  	_ = 	snop  }
0x31: {  	[spmem:s2] =	stream.indirect.scatter.add.f32 [tilespmem:s17], [sflag:$0x1], $0x10, s21, s18, $0xb8;
	[tilespmem:$0x9400] =	vst v63  }
0x32: {  	_ = 	snop  }
0x33: {  	[spmem:s2] =	stream.indirect.scatter.add.f32 [tilespmem:s17], [sflag:$0x1], $0x10, s22, s18, $0xb8;
	[tilespmem:$0x9400] =	vst v63  }
0x34: {  	_ = 	snop  }
0x35: {  	[spmem:s2] =	stream.indirect.scatter.add.f32 [tilespmem:s17], [sflag:$0x1], $0x10, s23, s18, $0xb8;
	[tilespmem:$0x9400] =	vst v63  }
0x36: {  	_ = 	snop  }
0x37: {  	[spmem:s2] =	stream.indirect.scatter.add.f32 [tilespmem:s17], [sflag:$0x1], $0x10, s24, s18, $0xb8;
	[tilespmem:$0x9400] =	vst v63  }
0x38: {  	_ =	swait.ge [sflag:s25], $0x800  }
0x39: {  	[sflag:s25] =	ssyncset.done $0x0  }
0x3a: {  	[sflag:s25] =	ssyncadd.s32 $0xFFFFF800  }
0x3b: {  	_ =	swait.ge [sflag:s25], $0x800  }
0x3c: {  	[sflag:s25] =	ssyncset.done $0x0  }
0x3d: {  	[sflag:s25] =	ssyncadd.s32 $0xFFFFF800  }
0x3e: {  	_ =	swait.ge [sflag:s25], $0x800  }
0x3f: {  	[sflag:s25] =	ssyncset.done $0x0  }
0x40: {  	[sflag:s25] =	ssyncadd.s32 $0xFFFFF800  }
0x41: {  	_ =	swait.ge [sflag:s25], $0x800  }
0x42: {  	[sflag:s25] =	ssyncset.done $0x0  }
0x43: {  	[sflag:s25] =	ssyncadd.s32 $0xFFFFF800  }
0x44: {  	_ =	swait.ge [sflag:s25], $0x800  }
0x45: {  	[sflag:s25] =	ssyncset.done $0x0  }
0x46: {  	[sflag:s25] =	ssyncadd.s32 $0xFFFFF800  }
0x47: {  	_ =	swait.ge [sflag:s25], $0x800  }
0x48: {  	[sflag:s25] =	ssyncset.done $0x0  }
0x49: {  	[sflag:s25] =	ssyncadd.s32 $0xFFFFF800  }
0x4a: {  	_ =	swait.ge [sflag:s25], $0x800  }
0x4b: {  	[sflag:s25] =	ssyncset.done $0x0  }
0x4c: {  	[sflag:s25] =	ssyncadd.s32 $0xFFFFF800  }
0x4d: {  	_ =	swait.ge [sflag:s25], $0x800  }
0x4e: {  	s30 =	simm.s32 $0x100;
	s28 =	simm.s32 $0x80;
	[sflag:s25] =	ssyncset.done $0x0  }
.LBB2_2:
0x4f: {  	s31 =	sadd.s32 s28, s13  }
0x50: {  	[sflag:s25] =	ssyncadd.s32 $0xFFFFF800;
	s28 =	smov.u32 s30;
	s29 =	sadd.s32 $0x80, s30  }
0x51: {  	[tilespmem:s4], [sflag:$0x2] =	stream.linear.gather [hbm4b:s31+s4], $0x400, $0x38;
	[tilespmem:$0x9400] =	vst v63  }
0x52: {  	p0 =	sne.s32 s30, $0x780;
	_ =	swait.ge [sflag:s15], $0x400  }
0x53: {  	[sflag:s15] =	ssyncset.done $0x0  }
0x54: {  	[sflag:s15] =	ssyncadd.s32 $0xFFFFFC00  }
0x55: {  	[spmem:s2] =	stream.indirect.scatter.add.f32 [tilespmem:s17], [sflag:$0x1], $0x10, s4, s18, $0xb8;
	[tilespmem:$0x9400] =	vst v63  }
0x56: {  	_ = 	snop  }
0x57: {  	[spmem:s2] =	stream.indirect.scatter.add.f32 [tilespmem:s17], [sflag:$0x1], $0x10, s18, s18, $0xb8;
	[tilespmem:$0x9400] =	vst v63  }
0x58: {  	_ = 	snop  }
0x59: {  	[spmem:s2] =	stream.indirect.scatter.add.f32 [tilespmem:s17], [sflag:$0x1], $0x10, s19, s18, $0xb8;
	[tilespmem:$0x9400] =	vst v63  }
0x5a: {  	_ = 	snop  }
0x5b: {  	[spmem:s2] =	stream.indirect.scatter.add.f32 [tilespmem:s17], [sflag:$0x1], $0x10, s20, s18, $0xb8;
	[tilespmem:$0x9400] =	vst v63  }
0x5c: {  	_ = 	snop  }
0x5d: {  	[spmem:s2] =	stream.indirect.scatter.add.f32 [tilespmem:s17], [sflag:$0x1], $0x10, s21, s18, $0xb8;
	[tilespmem:$0x9400] =	vst v63  }
0x5e: {  	_ = 	snop  }
0x5f: {  	[spmem:s2] =	stream.indirect.scatter.add.f32 [tilespmem:s17], [sflag:$0x1], $0x10, s22, s18, $0xb8;
	[tilespmem:$0x9400] =	vst v63  }
0x60: {  	_ = 	snop  }
0x61: {  	[spmem:s2] =	stream.indirect.scatter.add.f32 [tilespmem:s17], [sflag:$0x1], $0x10, s23, s18, $0xb8;
	[tilespmem:$0x9400] =	vst v63  }
0x62: {  	_ = 	snop  }
0x63: {  	[spmem:s2] =	stream.indirect.scatter.add.f32 [tilespmem:s17], [sflag:$0x1], $0x10, s24, s18, $0xb8;
	[tilespmem:$0x9400] =	vst v63  }
0x64: {  	_ =	swait.ge [sflag:s25], $0x800  }
0x65: {  	[sflag:s25] =	ssyncset.done $0x0  }
0x66: {  	[sflag:s25] =	ssyncadd.s32 $0xFFFFF800  }
0x67: {  	_ =	swait.ge [sflag:s25], $0x800  }
0x68: {  	[sflag:s25] =	ssyncset.done $0x0  }
0x69: {  	[sflag:s25] =	ssyncadd.s32 $0xFFFFF800  }
0x6a: {  	_ =	swait.ge [sflag:s25], $0x800  }
0x6b: {  	[sflag:s25] =	ssyncset.done $0x0  }
0x6c: {  	[sflag:s25] =	ssyncadd.s32 $0xFFFFF800  }
0x6d: {  	_ =	swait.ge [sflag:s25], $0x800  }
0x6e: {  	[sflag:s25] =	ssyncset.done $0x0  }
0x6f: {  	[sflag:s25] =	ssyncadd.s32 $0xFFFFF800  }
0x70: {  	_ =	swait.ge [sflag:s25], $0x800  }
0x71: {  	[sflag:s25] =	ssyncset.done $0x0  }
0x72: {  	[sflag:s25] =	ssyncadd.s32 $0xFFFFF800  }
0x73: {  	_ =	swait.ge [sflag:s25], $0x800  }
0x74: {  	[sflag:s25] =	ssyncset.done $0x0  }
0x75: {  	[sflag:s25] =	ssyncadd.s32 $0xFFFFF800  }
.Ltmp0:
0x76: {  	_ =	swait.ge [sflag:s25], $0x800;
	(pc) =	sbr.rel @p0 .LBB2_2-.Ltmp0, $4  }
0x77: {  	[sflag:s25] =	ssyncset.done $0x0  }
0x78: {  	[sflag:s25] =	ssyncadd.s32 $0xFFFFF800  }
0x79: {  	_ =	swait.ge [sflag:s25], $0x800  }
0x7a: {  	s30 =	smov.u32 s29;
	[sflag:s25] =	ssyncset.done $0x0  }
0x7b: {  	s28 =	sadd.s32 s28, s13;
	[sflag:s25] =	ssyncadd.s32 $0xFFFFF800  }
0x7c: {  	[tilespmem:s4], [sflag:$0x2] =	stream.linear.gather [hbm4b:s28+s4], $0x400, $0x38;
	[tilespmem:$0x9400] =	vst v63  }
0x7d: {  	_ =	swait.ge [sflag:s15], $0x400  }
0x7e: {  	[sflag:s15] =	ssyncset.done $0x0  }
0x7f: {  	[sflag:s15] =	ssyncadd.s32 $0xFFFFFC00  }
0x80: {  	[spmem:s2] =	stream.indirect.scatter.add.f32 [tilespmem:s17], [sflag:$0x1], $0x10, s4, s18, $0xb8;
	[tilespmem:$0x9400] =	vst v63  }
0x81: {  	_ = 	snop  }
0x82: {  	[spmem:s2] =	stream.indirect.scatter.add.f32 [tilespmem:s17], [sflag:$0x1], $0x10, s18, s18, $0xb8;
	[tilespmem:$0x9400] =	vst v63  }
0x83: {  	_ = 	snop  }
0x84: {  	[spmem:s2] =	stream.indirect.scatter.add.f32 [tilespmem:s17], [sflag:$0x1], $0x10, s19, s18, $0xb8;
	[tilespmem:$0x9400] =	vst v63  }
0x85: {  	_ = 	snop  }
0x86: {  	[spmem:s2] =	stream.indirect.scatter.add.f32 [tilespmem:s17], [sflag:$0x1], $0x10, s20, s18, $0xb8;
	[tilespmem:$0x9400] =	vst v63  }
0x87: {  	_ = 	snop  }
0x88: {  	[spmem:s2] =	stream.indirect.scatter.add.f32 [tilespmem:s17], [sflag:$0x1], $0x10, s21, s18, $0xb8;
	[tilespmem:$0x9400] =	vst v63  }
0x89: {  	_ = 	snop  }
0x8a: {  	[spmem:s2] =	stream.indirect.scatter.add.f32 [tilespmem:s17], [sflag:$0x1], $0x10, s22, s18, $0xb8;
	[tilespmem:$0x9400] =	vst v63  }
0x8b: {  	_ = 	snop  }
0x8c: {  	[spmem:s2] =	stream.indirect.scatter.add.f32 [tilespmem:s17], [sflag:$0x1], $0x10, s23, s18, $0xb8;
	[tilespmem:$0x9400] =	vst v63  }
0x8d: {  	_ = 	snop  }
0x8e: {  	[spmem:s2] =	stream.indirect.scatter.add.f32 [tilespmem:s17], [sflag:$0x1], $0x10, s24, s18, $0xb8;
	[tilespmem:$0x9400] =	vst v63  }
0x8f: {  	_ =	swait.ge [sflag:s25], $0x800  }
0x90: {  	[sflag:s25] =	ssyncset.done $0x0  }
0x91: {  	[sflag:s25] =	ssyncadd.s32 $0xFFFFF800  }
0x92: {  	_ =	swait.ge [sflag:s25], $0x800  }
0x93: {  	[sflag:s25] =	ssyncset.done $0x0  }
0x94: {  	[sflag:s25] =	ssyncadd.s32 $0xFFFFF800  }
0x95: {  	_ =	swait.ge [sflag:s25], $0x800  }
0x96: {  	[sflag:s25] =	ssyncset.done $0x0  }
0x97: {  	[sflag:s25] =	ssyncadd.s32 $0xFFFFF800  }
0x98: {  	_ =	swait.ge [sflag:s25], $0x800  }
0x99: {  	[sflag:s25] =	ssyncset.done $0x0  }
0x9a: {  	[sflag:s25] =	ssyncadd.s32 $0xFFFFF800  }
0x9b: {  	_ =	swait.ge [sflag:s25], $0x800  }
0x9c: {  	[sflag:s25] =	ssyncset.done $0x0  }
0x9d: {  	[sflag:s25] =	ssyncadd.s32 $0xFFFFF800  }
0x9e: {  	_ =	swait.ge [sflag:s25], $0x800  }
0x9f: {  	[sflag:s25] =	ssyncset.done $0x0  }
0xa0: {  	[sflag:s25] =	ssyncadd.s32 $0xFFFFF800  }
0xa1: {  	_ =	swait.ge [sflag:s25], $0x800  }
0xa2: {  	[sflag:s25] =	ssyncset.done $0x0  }
0xa3: {  	[sflag:s25] =	ssyncadd.s32 $0xFFFFF800  }
0xa4: {  	_ =	swait.ge [sflag:s25], $0x800  }
0xa5: {  	[sflag:s25] =	ssyncset.done $0x0  }
0xa6: {  	[sflag:s25] =	ssyncadd.s32 $0xFFFFF800  }
0xa7: {  	[tilespmem:s4], [sflag:$0x2] =	stream.linear.gather [hbm4b:s9+s4], $0x400, $0x38;
	[tilespmem:$0x9400] =	vst v63  }
0xa8: {  	_ =	swait.ge [sflag:s15], $0x400  }
0xa9: {  	[sflag:s15] =	ssyncset.done $0x0  }
0xaa: {  	[sflag:s15] =	ssyncadd.s32 $0xFFFFFC00  }
0xab: {  	[spmem:s3] =	stream.indirect.scatter.add.f32 [tilespmem:s17], [sflag:$0x1], $0x10, s4, s18, $0xb8;
	[tilespmem:$0x9400] =	vst v63  }
0xac: {  	_ = 	snop  }
0xad: {  	[spmem:s3] =	stream.indirect.scatter.add.f32 [tilespmem:s17], [sflag:$0x1], $0x10, s18, s18, $0xb8;
	[tilespmem:$0x9400] =	vst v63  }
0xae: {  	_ = 	snop  }
0xaf: {  	[spmem:s3] =	stream.indirect.scatter.add.f32 [tilespmem:s17], [sflag:$0x1], $0x10, s19, s18, $0xb8;
	[tilespmem:$0x9400] =	vst v63  }
0xb0: {  	_ = 	snop  }
0xb1: {  	[spmem:s3] =	stream.indirect.scatter.add.f32 [tilespmem:s17], [sflag:$0x1], $0x10, s20, s18, $0xb8;
	[tilespmem:$0x9400] =	vst v63  }
0xb2: {  	_ = 	snop  }
0xb3: {  	[spmem:s3] =	stream.indirect.scatter.add.f32 [tilespmem:s17], [sflag:$0x1], $0x10, s21, s18, $0xb8;
	[tilespmem:$0x9400] =	vst v63  }
0xb4: {  	_ = 	snop  }
0xb5: {  	[spmem:s3] =	stream.indirect.scatter.add.f32 [tilespmem:s17], [sflag:$0x1], $0x10, s22, s18, $0xb8;
	[tilespmem:$0x9400] =	vst v63  }
0xb6: {  	_ = 	snop  }
0xb7: {  	[spmem:s3] =	stream.indirect.scatter.add.f32 [tilespmem:s17], [sflag:$0x1], $0x10, s23, s18, $0xb8;
	[tilespmem:$0x9400] =	vst v63  }
0xb8: {  	_ = 	snop  }
0xb9: {  	[spmem:s3] =	stream.indirect.scatter.add.f32 [tilespmem:s17], [sflag:$0x1], $0x10, s24, s18, $0xb8;
	[tilespmem:$0x9400] =	vst v63  }
0xba: {  	_ =	swait.ge [sflag:s25], $0x800  }
0xbb: {  	[sflag:s25] =	ssyncset.done $0x0  }
0xbc: {  	[sflag:s25] =	ssyncadd.s32 $0xFFFFF800  }
0xbd: {  	_ =	swait.ge [sflag:s25], $0x800  }
0xbe: {  	[sflag:s25] =	ssyncset.done $0x0  }
0xbf: {  	[sflag:s25] =	ssyncadd.s32 $0xFFFFF800  }
0xc0: {  	_ =	swait.ge [sflag:s25], $0x800  }
0xc1: {  	[sflag:s25] =	ssyncset.done $0x0  }
0xc2: {  	[sflag:s25] =	ssyncadd.s32 $0xFFFFF800  }
0xc3: {  	_ =	swait.ge [sflag:s25], $0x800  }
0xc4: {  	[sflag:s25] =	ssyncset.done $0x0  }
0xc5: {  	[sflag:s25] =	ssyncadd.s32 $0xFFFFF800  }
0xc6: {  	_ =	swait.ge [sflag:s25], $0x800  }
0xc7: {  	[sflag:s25] =	ssyncset.done $0x0  }
0xc8: {  	[sflag:s25] =	ssyncadd.s32 $0xFFFFF800  }
0xc9: {  	_ =	swait.ge [sflag:s25], $0x800  }
0xca: {  	[sflag:s25] =	ssyncset.done $0x0  }
0xcb: {  	[sflag:s25] =	ssyncadd.s32 $0xFFFFF800  }
0xcc: {  	_ =	swait.ge [sflag:s25], $0x800  }
0xcd: {  	[sflag:s25] =	ssyncset.done $0x0  }
0xce: {  	[sflag:s25] =	ssyncadd.s32 $0xFFFFF800  }
0xcf: {  	_ =	swait.ge [sflag:s25], $0x800  }
0xd0: {  	[sflag:s25] =	ssyncset.done $0x0  }
0xd1: {  	[sflag:s25] =	ssyncadd.s32 $0xFFFFF800  }
0xd2: {  	[bflag:$0x0] =	sbarrier.arrive $0xFFFF  }
0xd3: {  	[hbm:s11], [sflag:s8] =	dma.local [spmem:s14], $0x1000  }
0xd4: {  	s26 =	sadd.s32 $0x1, s26;
	_ =	swait.ge [sflag:s15], $0x1000  }
0xd5: {  	p0 =	sne.s32 s26, s10;
	[sflag:s15] =	ssyncset.done $0x0  }
.Ltmp1:
0xd6: {  	[sflag:s15] =	ssyncadd.s32 $0xFFFFF000;
	(pc) =	sbr.rel @p0 .LBB2_1-.Ltmp1, $4  }
0xd7: {  	[hbm:s12], [sflag:s8] =	dma.local [spmem:s16], $0x100  }
0xd8: {  	_ =	swait.ge [sflag:s15], $0x100  }
0xd9: {  	[sflag:s15] =	ssyncset.done $0x0  }
0xda: {  	[sflag:s15] =	ssyncadd.s32 $0xFFFFFF00  }
0xdb: {  	_ =	sfence.sel $0x180000  }
0xdc: {  	[bflag:$0x0] =	sbarrier.arrive $0xFFFF  }
0xdd: {  	p0 =	sne.s32 s7, $0x0;
	_ =	strace $0x9000004D  }
0xde: {  	s0 =	sadd.s32 @!p0 $0x100000, s0;
	[bflag:$0x2] =	sbarrier.arrive $0xFFFF  }
0xdf: {  	[sflag:s0] =	ssyncadd.tile.s32 @!p0 $0x1;
	_ =	shalt  }
.Lfunc_end2:
_tile_overlayer_lowered:
.L_overlay_start_2:
0xe0: {  	(tag) =	ssettag $0x2  }
0xe1: {  	s0 =	rddreg [dreg:$0x0];
	s2 =	stileid.u32  }
0xe2: {  	s1 =	rddreg [dreg:$0x1];
	p0 =	sne.s32 s2, $0x0  }
0xe3: {  	s3 =	rddreg [dreg:$0x2];
	[bflag:$0x3] =	sbarrier.arrive $0xFFFF;
	s2 =	simm.s32 @!p0 $0x1C02  }
0xe4: {  	[timem:s3], [sflag:s2] =	dma.local @!p0 [hbm:s0], s1  }
0xe5: {  	s0 =	simm.s32 @!p0 $0x2  }
0xe6: {  	_ =	swait.ge @!p0 [sflag:s0], s1  }
0xe7: {  	s1 =	ssub.s32 @!p0 $0x0, s1;
	[sflag:s0] =	ssyncset.done @!p0 $0x0  }
0xe8: {  	[sflag:s0] =	ssyncadd.s32 @!p0 s1  }
0xe9: {  	[bflag:$0x3] =	sbarrier.arrive $0xFFFF  }
0xea: {  	_ =	shalt  }

// kernel: kernel.18.cloned.1.call-start
scs
__scs_entry_jumppad:
0x0: {  	(pc) =	sbr.rel $0x88, $3  }
0x1: {  	(tag) =	ssettag $0x0;
	lr =	simm.s32 $0x1  }
0x2: {  	[smem:$0x3F97] =	sst lr;
	_ =	strace $0xD0000000  }
0x3: {  	_ = 	snop  }
0x4: {  	_ = 	snop  }
0x5: {  	_ = 	snop  }
0x6: {  	_ = 	snop  }
0x7: {  	_ = 	snop  }
__scs_overlays_trampoline_lowered:
0x8: {  	[smem:$0x3FA6] =	sst s0  }
0x9: {  	[smem:$0x3FA7] =	sst s1  }
0xa: {  	[smem:$0x3FA8] =	sst s2  }
0xb: {  	[smem:$0x3FA9] =	sst s3  }
0xc: {  	[smem:$0x3FAA] =	sst s4  }
0xd: {  	[smem:$0x3FAB] =	sst s5  }
0xe: {  	[smem:$0x3FAC] =	sst s6  }
0xf: {  	[smem:$0x3FAD] =	sst s7  }
0x10: {  	[smem:$0x3FAE] =	sst s8  }
0x11: {  	[smem:$0x3FAF] =	sst s9;
	s0 =	simm.s32 @!p0 $0x0  }
0x12: {  	s1 =	sld [smem:$0x3F95];
	s0 =	simm.s32 @p0 $0x1  }
0x13: {  	[smem:$0x3FB0] =	sst s0;
	s0 =	simm.s32 @!p1 $0x0  }
0x14: {  	s2 =	sld [smem:$0x3F94];
	s0 =	simm.s32 @p1 $0x1  }
0x15: {  	[smem:$0x3FB1] =	sst s0;
	s0 =	simm.s32 @!p2 $0x0  }
0x16: {  	s3 =	sld [smem:$0x3FDB];
	s0 =	simm.s32 @p2 $0x1  }
0x17: {  	s4 =	simm.s32 $0x1BF5;
	[smem:$0x3FB3] =	sst s0  }
0x18: {  	s0 =	sld [smem:$0x3F96];
	_ =	swait.ge [sflag:s4], $0x0  }
0x19: {  	s7 =	sld [smem:$0x3F97]  }
0x1a: {  	s8 =	sadd.s32 $0xFFFFE003, lr  }
0x1b: {  	s9 =	sadd.s32 $0xFFFFFEF7, lr;
	s5 =	simm.s32 $0xFFFFFFFF;
	p2 =	slt.u32 s8, $0xFFFFF086  }
0x1c: {  	p1 =	slt.u32 s9, $0xF7A;
	s5 =	simm.s32 @!p2 $0x0  }
0x1d: {  	s5 =	simm.s32 @p1 $0x1;
	p0 =	seq.s32 s7, s2  }
0x1e: {  	s7 =	smul.u32 @!p0 $0xF7A, s2;
	p2 =	seq.s32 @!p0 s5, $0x0  }
0x1f: {  	s9 =	smul.u32 $0xF7A, s1;
	s8 =	simm.s32 @!p0 $0x1BF5;
	p2 =	por !p2, p0  }
0x20: {  	[sflag:s8] =	ssyncset.s32 @!p0 $0xFFFFF086;
	s6 =	sadd.s32 @!p0 s3, s7;
	s7 =	simm.s32 @!p0 $0x108  }
0x21: {  	s3 =	sadd.s32 s3, s9;
	s6 =	sadd.s32 @!p0 $0x88, s6;
	s7 =	simm.s32 @p2 $0x1082  }
0x22: {  	[simem:s7], [sflag:s8] =	dma.local @!p0 [hbm:s6], $0xF7A  }
0x23: {  	s9 =	sor.u32 $0xD0000000, s2;
	s6 =	simm.s32 $0x108;
	_ =	swait.ge @!p0 [sflag:s8], $0x0  }
0x24: {  	s3 =	sadd.s32 $0x88, s3;
	s6 =	simm.s32 @!p1 $0x1082;
	[sflag:s4] =	ssyncset.s32 $0xFFFFF086  }
0x25: {  	[simem:s6], [sflag:s4] =	dma.local [hbm:s3], $0xF7A  }
0x26: {  	[smem:$0x3F97] =	sst s1;
	(tag) =	ssettag s2;
	_ =	strace s9  }
0x27: {  	s1 =	sld [smem:$0x3FA7]  }
0x28: {  	s2 =	sld [smem:$0x3FA8]  }
0x29: {  	s4 =	sld [smem:$0x3FAA]  }
0x2a: {  	p0 =	seq.s32 s5, $0x0;
	s5 =	sld [smem:$0x3FAB]  }
0x2b: {  	s6 =	sld [smem:$0x3FAC]  }
0x2c: {  	s7 =	sld [smem:$0x3FAD]  }
0x2d: {  	s3 =	simm.s32 $0x108;
	s8 =	sld [smem:$0x3FAE]  }
0x2e: {  	s3 =	simm.s32 @!p0 $0x1082;
	s9 =	sld [smem:$0x3FAF]  }
0x2f: {  	lr =	sadd.s32 s0, s3;
	s0 =	sld [smem:$0x3FA6]  }
0x30: {  	s3 =	sld [smem:$0x3FA9]  }
0x31: {  	[smem:$0x3FB2] =	sst s10  }
0x32: {  	s10 =	sld [smem:$0x3FB0];
	_ =	sdelay $0x3  }
0x33: {  	p0 =	seq.s32 s10, $0x1;
	s10 =	sld [smem:$0x3FB2];
	_ =	sdelay $0x3  }
0x34: {  	[smem:$0x3FB2] =	sst s10  }
0x35: {  	s10 =	sld [smem:$0x3FB1];
	_ =	sdelay $0x3  }
0x36: {  	p1 =	seq.s32 s10, $0x1;
	s10 =	sld [smem:$0x3FB2];
	_ =	sdelay $0x3  }
0x37: {  	[smem:$0x3FB2] =	sst s10  }
0x38: {  	s10 =	sld [smem:$0x3FB3]  }
0x39: {  	_ = 	snop;
	(pc) =	sbr.ind lr, $3  }
0x3a: {  	_ = 	snop  }
0x3b: {  	_ = 	snop  }
0x3c: {  	p2 =	seq.s32 s10, $0x1;
	s10 =	sld [smem:$0x3FB2]  }
0x3d: {  	_ =	shalt  }
0x3e: {  	_ =	shalt  }
0x3f: {  	_ =	shalt  }
0x40: {  	_ =	shalt  }
0x41: {  	_ =	shalt  }
0x42: {  	_ =	shalt  }
0x43: {  	_ =	shalt  }
0x44: {  	_ =	shalt  }
0x45: {  	_ =	shalt  }
0x46: {  	_ =	shalt  }
0x47: {  	_ =	shalt  }
0x48: {  	_ =	shalt  }
0x49: {  	_ =	shalt  }
0x4a: {  	_ =	shalt  }
0x4b: {  	_ =	shalt  }
0x4c: {  	_ =	shalt  }
0x4d: {  	_ =	shalt  }
0x4e: {  	_ =	shalt  }
0x4f: {  	_ =	shalt  }
0x50: {  	_ =	shalt  }
0x51: {  	_ =	shalt  }
0x52: {  	_ =	shalt  }
0x53: {  	_ =	shalt  }
0x54: {  	_ =	shalt  }
0x55: {  	_ =	shalt  }
0x56: {  	_ =	shalt  }
0x57: {  	_ =	shalt  }
0x58: {  	_ =	shalt  }
0x59: {  	_ =	shalt  }
0x5a: {  	_ =	shalt  }
0x5b: {  	_ =	shalt  }
0x5c: {  	_ =	shalt  }
0x5d: {  	_ =	shalt  }
0x5e: {  	_ =	shalt  }
0x5f: {  	_ =	shalt  }
0x60: {  	_ =	shalt  }
0x61: {  	_ =	shalt  }
0x62: {  	_ =	shalt  }
0x63: {  	_ =	shalt  }
0x64: {  	_ =	shalt  }
0x65: {  	_ =	shalt  }
0x66: {  	_ =	shalt  }
0x67: {  	_ =	shalt  }
0x68: {  	_ =	shalt  }
0x69: {  	_ =	shalt  }
0x6a: {  	_ =	shalt  }
0x6b: {  	_ =	shalt  }
0x6c: {  	_ =	shalt  }
0x6d: {  	_ =	shalt  }
0x6e: {  	_ =	shalt  }
0x6f: {  	_ =	shalt  }
0x70: {  	_ =	shalt  }
0x71: {  	_ =	shalt  }
0x72: {  	_ =	shalt  }
0x73: {  	_ =	shalt  }
0x74: {  	_ =	shalt  }
0x75: {  	_ =	shalt  }
0x76: {  	_ =	shalt  }
0x77: {  	_ =	shalt  }
0x78: {  	_ =	shalt  }
0x79: {  	_ =	shalt  }
0x7a: {  	_ =	shalt  }
0x7b: {  	_ =	shalt  }
0x7c: {  	_ =	shalt  }
0x7d: {  	_ =	shalt  }
0x7e: {  	_ =	shalt  }
0x7f: {  	_ =	shalt  }
0x80: {  	_ =	shalt  }
0x81: {  	_ =	shalt  }
0x82: {  	_ =	shalt  }
0x83: {  	_ =	shalt  }
0x84: {  	_ =	shalt  }
0x85: {  	_ =	shalt  }
0x86: {  	_ =	shalt  }
0x87: {  	_ =	shalt  }
.Lfunc_end0:
.L_simem_size_0:
called_computation.3_lowered:
.L_overlay_start_0:
0x88: {  	s2 =	sld [smem:$0x3FD9]  }
0x89: {  	s3 =	sld [smem:$0x3FFE];
	_ =	sdelay $0x1  }
0x8a: {  	s1 =	srdreg.scid  }
0x8b: {  	s0 =	sand.u32 $0x1, s1  }
0x8c: {  	s17 =	sshll.u32 s0, $0xA;
	s2 =	sadd.s32 s3, s2  }
0x8d: {  	s2 =	sadd.s32 s2, s17  }
0x8e: {  	[smem:$0x3FBE] =	sst s2  }
0x8f: {  	_ = 	snop  }
0x90: {  	s2 =	sld [smem:$0x3FC5]  }
0x91: {  	s18 =	sld [smem:$0x3FC4]  }
0x92: {  	s4 =	sld [smem:$0x3FD0];
	(tm) =	ssettm $0x1  }
0x93: {  	s5 =	sld [smem:$0x3FFB];
	_ =	sdelay $0x3  }
0x94: {  	_ =	strace s5  }
0x95: {  	s5 =	sld [smem:$0x3FFC];
	_ =	sdelay $0x3  }
0x96: {  	_ =	strace s5  }
0x97: {  	s5 =	sld [smem:$0x3FFD];
	_ =	sdelay $0x3  }
0x98: {  	_ =	strace s5  }
0x99: {  	_ =	strace $0x8FFFFFFF  }
0x9a: {  	s19 =	sld [smem:$0x3FDB];
	_ =	sdelay $0x1  }
0x9b: {  	s6 =	simm.s32 $_scs_section_size  }
0x9c: {  	s7 =	simm.s32 $_size__tile_overlayer_lowered;
	s8 =	simm.s32 $_tile_overlayer_lowered  }
0x9d: {  	s22 =	simm.s32 $0x1BFF;
	s21 =	sshll.u32 s8, $0x1;
	s5 =	sadd.s32 s6, s19  }
0x9e: {  	s9 =	simm.s32 $0x0;
	s20 =	sshll.u32 s7, $0x1;
	s7 =	sadd.s32 s21, s5  }
0x9f: {  	[timem:s9], [sflag:s22] =	dma.local [hbm:s7], s20  }
0xa0: {  	_ =	swait.ge [sflag:s22], s20  }
0xa1: {  	s6 =	ssub.s32 $0x0, s20;
	[sflag:s22] =	ssyncset.done $0x0  }
0xa2: {  	[sflag:s22] =	ssyncadd.s32 s6;
	_ =	sdelay $0x1  }
0xa3: {  	s23 =	simm.s32 $0x1B8B  }
0xa4: {  	_ =	swait.ge [sflag:s23], $0x1  }
0xa5: {  	[sflag:s23] =	ssyncset.done $0x0  }
0xa6: {  	s25 =	simm.s32 $0x1B8E;
	s24 =	sld [smem:$0x3FFE];
	[sflag:s23] =	ssyncadd.s32 $0xFFFFFFFF  }
0xa7: {  	s26 =	simm.s32 $execute0_lowered;
	[smem:$0x3FD2] =	sst s25  }
0xa8: {  	s7 =	sshll.u32 s26, $0x1;
	_ =	strace $0x8000004F;
	[dreg:$0x1] =	wrdreg $0xFFFFFFFF  }
0xa9: {  	s28 =	simm.s32 $_size_execute0_lowered;
	s5 =	sadd.s32 s5, s7;
	[dreg:$0x0] =	wrdreg $0x0  }
0xaa: {  	s7 =	sshll.u32 s28, $0x1;
	[dreg:$0x2] =	wrdreg s5  }
0xab: {  	[dreg:$0x3] =	wrdreg s7  }
0xac: {  	[dreg:$0x4] =	wrdreg $0xC0  }
0xad: {  	_ =	task [dreg:s9], $0x5FFFF  }
0xae: {  	[dreg:$0x1] =	wrdreg $0xFFFFFFFF  }
0xaf: {  	[dreg:$0x0] =	wrdreg $0x60  }
0xb0: {  	[dreg:$0x2] =	wrdreg s24  }
0xb1: {  	[dreg:$0x3] =	wrdreg s2  }
0xb2: {  	[dreg:$0x4] =	wrdreg s18  }
0xb3: {  	[dreg:$0x5] =	wrdreg s4  }
0xb4: {  	[dreg:$0x6] =	wrdreg $0x108000  }
0xb5: {  	[dreg:$0x7] =	wrdreg $0x9  }
0xb6: {  	_ =	task.clear_ibuf [dreg:s9], $0x8FFFF;
	_ =	strace $0x9000004F  }
0xb7: {  	s29 =	simm.s32 $0x9;
	_ =	strace $0x80000051  }
0xb8: {  	_ =	swait.ge [sflag:s29], $0x1  }
0xb9: {  	[sflag:s29] =	ssyncadd.s32 $0xFFFFFFFF  }
0xba: {  	_ =	strace $0x90000051  }
0xbb: {  	_ =	sfence  }
0xbc: {  	s30 =	sld [smem:$0x0];
	_ =	sdelay $0x2  }
0xbd: {  	s31 =	sshll.u32 s1, $0xD;
	s1 =	sshrl.u32 s1, $0x2  }
0xbe: {  	s3 =	sand.u32 $0x4000, s31;
	s1 =	sadd.s32 s1, s30  }
0xbf: {  	s0 =	sor.u32 s3, s0;
	s1 =	sshll.u32 s1, $0x11  }
0xc0: {  	s0 =	sor.u32 s1, s0  }
0xc1: {  	s0 =	sadd.s32 $0x8F2B, s0  }
0xc2: {  	[sflag:s0] =	ssyncadd.remote.s32 $0x1  }
0xc3: {  	_ =	sfence.sel $0xFFFF  }
0xc4: {  	[dreg:$0x0] =	wrdreg $0xFFFFFFFF;
	(pc) =	sbr.abs _section_cstart, $3  }
0xc5: {  	[dreg:$0x1] =	wrdreg $0xFFFFFFFF  }
0xc6: {  	_ =	task.clear_ibuf [dreg:s9], $0x2FFFF;
	_ =	strace $0x9FFFFFFF  }
0xc7: {  	(tm) =	ssettm $0x7FFFFFFF  }
tec
execute0_lowered:
.L_overlay_start_1:
0x0: {  	(tag) =	ssettag $0x1  }
0x1: {  	s0 =	rddreg [dreg:$0x0]  }
0x2: {  	s1 =	rddreg [dreg:$0x1]  }
0x3: {  	s3 =	rddreg [dreg:$0x2]  }
0x4: {  	s4 =	rddreg [dreg:$0x3]  }
0x5: {  	s2 =	rddreg [dreg:$0x4]  }
0x6: {  	s19 =	rddreg [dreg:$0x5]  }
0x7: {  	s10 =	simm.s32 $0x0;
	s6 =	srdreg.scid;
	s12 =	stileid.u32  }
0x8: {  	s25 =	simm.s32 $0x100;
	s26 =	simm.s32 $0x180;
	s13 =	simm.s32 $0x4800  }
0x9: {  	s14 =	simm.s32 $0x6800;
	s15 =	simm.s32 $0x8800;
	s30 =	simm.s32 $0x280  }
0xa: {  	s16 =	simm.s32 $0xA800;
	s31 =	simm.s32 $0x300;
	s17 =	simm.s32 $0xC800  }
0xb: {  	s29 =	simm.s32 $0x380;
	s28 =	simm.s32 $0x780;
	[smem:$0x7FF] =	sst s10  }
0xc: {  	s7 =	sadd.s32 $0x24C00, s0;
	s5 =	sadd.s32 $0x2A00, s0;
	s18 =	sand.u32 $0x1, s6  }
0xd: {  	s9 =	sshll.u32 s12, $0xA;
	s0 =	sadd.s32 $0x2E00, s0;
	s20 =	sshll.u32 s12, $0xD  }
0xe: {  	s22 =	sshll.u32 s12, $0x6;
	_ =	strace $0x80000050;
	[dreg:$0x6] =	wrdreg s5  }
0xf: {  	s12 =	simm.s32 $0x2800;
	s6 =	ssub.s32 $0x2, s18;
	[dreg:$0xa] =	wrdreg s25  }
0x10: {  	s8 =	sshll.u32 s18, $0xE;
	p0 =	seq.s32 s18, $0x1;
	[dreg:$0xb] =	wrdreg s26  }
0x11: {  	s18 =	simm.s32 $0xE800;
	s25 =	simm.s32 $0x680;
	s26 =	simm.s32 $0x700  }
0x12: {  	s11 =	sshrl.u32 s6, $0x1;
	s8 =	sor.u32 s9, s8;
	s4 =	smov.u32 @p0 s0  }
0x13: {  	p0 =	por $0x0, $0x0;
	s6 =	ssub.s32 s6, s11;
	s8 =	sshrl.u32 s8, $0x3  }
0x14: {  	s11 =	sadd.s32 s20, s2;
	s23 =	sadd.s32 s4, s9;
	s4 =	simm.s32 $0x3  }
0x15: {  	s9 =	simm.s32 $0x400;
	s20 =	simm.s32 $0x480;
	s24 =	smax.u32 s6, $0x1  }
0x16: {  	s1 =	sadd.s32 s1, s8;
	s21 =	sadd.s32 s3, s8;
	p1 =	sne.s32 s24, $0x1  }
.Ltmp0:
0x17: {  	s3 =	sor.u32 $0x1C03, s22;
	[dreg:$0x9] =	wrdreg s23;
	(pc) =	sbr.rel @!p1 .LBB2_1-.Ltmp0, $4  }
0x18: {  	s5 =	sshrl.u32 s11, $0x3;
	s6 =	simm.s32 $0x80;
	s11 =	simm.s32 $0x800  }
0x19: {  	s22 =	simm.s32 $0x500;
	s23 =	simm.s32 $0x580;
	[dreg:$0x7] =	wrdreg s1  }
0x1a: {  	s8 =	simm.s32 $0x2;
	[dreg:$0x8] =	wrdreg s21;
	s21 =	simm.s32 $0x1  }
0x1b: {  	s0 =	sadd.s32 $0xFFFFFFFF, s24;
	s24 =	simm.s32 $0x600;
	s1 =	rddreg [dreg:$0x6]  }
0x1c: {  	[spmem:s5], [sflag:s3] =	dma.local [hbm:s1], $0x400  }
0x1d: {  	_ =	swait.ge [sflag:s4], $0x400  }
0x1e: {  	[sflag:s4] =	ssyncset.done $0x0  }
0x1f: {  	[sflag:s4] =	ssyncadd.s32 $0xFFFFFC00  }
0x20: {  	[bflag:$0x0] =	sbarrier.arrive $0xFFFF  }
0x21: {  	s19 =	rddreg [dreg:$0x7]  }
0x22: {  	[tilespmem:s10], [sflag:$0x3] =	stream.linear.gather [hbm4b:s19+s10], $0x400, $0x38;
	[tilespmem:$0x12800] =	vst v63  }
0x23: {  	_ =	swait.ge [sflag:s4], $0x400  }
0x24: {  	[sflag:s4] =	ssyncset.done $0x0  }
0x25: {  	s19 =	rddreg [dreg:$0x8];
	[sflag:s4] =	ssyncadd.s32 $0xFFFFFC00  }
0x26: {  	[tilespmem:s9], [sflag:$0x3] =	stream.linear.gather [hbm4b:s19+s10], $0x400, $0x38;
	[tilespmem:$0x12800] =	vst v63  }
0x27: {  	_ =	swait.ge [sflag:s4], $0x400  }
0x28: {  	[sflag:s4] =	ssyncset.done $0x0  }
0x29: {  	[sflag:s4] =	ssyncadd.s32 $0xFFFFFC00  }
0x2a: {  	[tilespmem:s11], [sflag:$0x1] =	stream.indirect.gather [hbm4b:s7+s6], $0x40, s10, s6, $0xb8;
	[tilespmem:$0x12800] =	vst v63  }
0x2b: {  	_ = 	snop  }
0x2c: {  	[tilespmem:s12], [sflag:$0x1] =	stream.indirect.gather [hbm4b:s7+s6], $0x40, s6, s6, $0xb8;
	[tilespmem:$0x12800] =	vst v63  }
0x2d: {  	s1 =	rddreg [dreg:$0xa]  }
0x2e: {  	[tilespmem:s13], [sflag:$0x1] =	stream.indirect.gather [hbm4b:s7+s6], $0x40, s1, s6, $0xb8;
	[tilespmem:$0x12800] =	vst v63  }
0x2f: {  	s19 =	smov.u32 s0;
	s0 =	rddreg [dreg:$0xb]  }
0x30: {  	[tilespmem:s14], [sflag:$0x1] =	stream.indirect.gather [hbm4b:s7+s6], $0x40, s0, s6, $0xb8;
	[tilespmem:$0x12800] =	vst v63  }
0x31: {  	s1 =	simm.s32 $0x200  }
0x32: {  	[tilespmem:s15], [sflag:$0x1] =	stream.indirect.gather [hbm4b:s7+s6], $0x40, s1, s6, $0xb8;
	[tilespmem:$0x12800] =	vst v63  }
0x33: {  	_ = 	snop  }
0x34: {  	[tilespmem:s16], [sflag:$0x1] =	stream.indirect.gather [hbm4b:s7+s6], $0x40, s30, s6, $0xb8;
	[tilespmem:$0x12800] =	vst v63  }
0x35: {  	_ = 	snop  }
0x36: {  	[tilespmem:s17], [sflag:$0x1] =	stream.indirect.gather [hbm4b:s7+s6], $0x40, s31, s6, $0xb8;
	[tilespmem:$0x12800] =	vst v63  }
0x37: {  	_ = 	snop  }
0x38: {  	[tilespmem:s18], [sflag:$0x1] =	stream.indirect.gather [hbm4b:s7+s6], $0x40, s29, s6, $0xb8;
	[tilespmem:$0x12800] =	vst v63  }
0x39: {  	_ =	swait.ge [sflag:s21], $0x2000  }
0x3a: {  	[sflag:s21] =	ssyncset.done $0x0  }
0x3b: {  	[sflag:s21] =	ssyncadd.s32 $0xFFFFE000  }
0x3c: {  	_ =	swait.ge [sflag:s21], $0x2000  }
0x3d: {  	[sflag:s21] =	ssyncset.done $0x0  }
0x3e: {  	[sflag:s21] =	ssyncadd.s32 $0xFFFFE000  }
0x3f: {  	_ =	swait.ge [sflag:s21], $0x2000  }
0x40: {  	[sflag:s21] =	ssyncset.done $0x0  }
0x41: {  	[sflag:s21] =	ssyncadd.s32 $0xFFFFE000  }
0x42: {  	_ =	swait.ge [sflag:s21], $0x2000  }
0x43: {  	[sflag:s21] =	ssyncset.done $0x0  }
0x44: {  	[sflag:s21] =	ssyncadd.s32 $0xFFFFE000  }
0x45: {  	_ =	swait.ge [sflag:s21], $0x2000  }
0x46: {  	[sflag:s21] =	ssyncset.done $0x0  }
0x47: {  	[sflag:s21] =	ssyncadd.s32 $0xFFFFE000  }
0x48: {  	_ =	swait.ge [sflag:s21], $0x2000  }
0x49: {  	[sflag:s21] =	ssyncset.done $0x0  }
0x4a: {  	[sflag:s21] =	ssyncadd.s32 $0xFFFFE000  }
0x4b: {  	_ =	swait.ge [sflag:s21], $0x2000  }
0x4c: {  	[sflag:s21] =	ssyncset.done $0x0  }
0x4d: {  	[sflag:s21] =	ssyncadd.s32 $0xFFFFE000  }
0x4e: {  	_ =	swait.ge [sflag:s21], $0x2000  }
0x4f: {  	[sflag:s21] =	ssyncset.done $0x0  }
0x50: {  	[sflag:s21] =	ssyncadd.s32 $0xFFFFE000  }
0x51: {  	[spmem:s2] =	stream.indirect.scatter.add.f32 [tilespmem:s11], [sflag:$0x2], $0x40, s9, s6, $0xb8;
	[tilespmem:$0x12800] =	vst v63  }
0x52: {  	_ = 	snop  }
0x53: {  	[spmem:s2] =	stream.indirect.scatter.add.f32 [tilespmem:s12], [sflag:$0x2], $0x40, s20, s6, $0xb8;
	[tilespmem:$0x12800] =	vst v63  }
0x54: {  	_ = 	snop  }
0x55: {  	[spmem:s2] =	stream.indirect.scatter.add.f32 [tilespmem:s13], [sflag:$0x2], $0x40, s22, s6, $0xb8;
	[tilespmem:$0x12800] =	vst v63  }
0x56: {  	_ = 	snop  }
0x57: {  	[spmem:s2] =	stream.indirect.scatter.add.f32 [tilespmem:s14], [sflag:$0x2], $0x40, s23, s6, $0xb8;
	[tilespmem:$0x12800] =	vst v63  }
0x58: {  	_ = 	snop  }
0x59: {  	[spmem:s2] =	stream.indirect.scatter.add.f32 [tilespmem:s15], [sflag:$0x2], $0x40, s24, s6, $0xb8;
	[tilespmem:$0x12800] =	vst v63  }
0x5a: {  	_ = 	snop  }
0x5b: {  	[spmem:s2] =	stream.indirect.scatter.add.f32 [tilespmem:s16], [sflag:$0x2], $0x40, s25, s6, $0xb8;
	[tilespmem:$0x12800] =	vst v63  }
0x5c: {  	_ = 	snop  }
0x5d: {  	[spmem:s2] =	stream.indirect.scatter.add.f32 [tilespmem:s17], [sflag:$0x2], $0x40, s26, s6, $0xb8;
	[tilespmem:$0x12800] =	vst v63  }
0x5e: {  	_ = 	snop  }
0x5f: {  	[spmem:s2] =	stream.indirect.scatter.add.f32 [tilespmem:s18], [sflag:$0x2], $0x40, s28, s6, $0xb8;
	[tilespmem:$0x12800] =	vst v63  }
0x60: {  	_ =	swait.ge [sflag:s8], $0x2000  }
0x61: {  	[sflag:s8] =	ssyncset.done $0x0  }
0x62: {  	[sflag:s8] =	ssyncadd.s32 $0xFFFFE000  }
0x63: {  	_ =	swait.ge [sflag:s8], $0x2000  }
0x64: {  	[sflag:s8] =	ssyncset.done $0x0  }
0x65: {  	[sflag:s8] =	ssyncadd.s32 $0xFFFFE000  }
0x66: {  	_ =	swait.ge [sflag:s8], $0x2000  }
0x67: {  	[sflag:s8] =	ssyncset.done $0x0  }
0x68: {  	[sflag:s8] =	ssyncadd.s32 $0xFFFFE000  }
0x69: {  	_ =	swait.ge [sflag:s8], $0x2000  }
0x6a: {  	[sflag:s8] =	ssyncset.done $0x0  }
0x6b: {  	[sflag:s8] =	ssyncadd.s32 $0xFFFFE000  }
0x6c: {  	_ =	swait.ge [sflag:s8], $0x2000  }
0x6d: {  	[sflag:s8] =	ssyncset.done $0x0  }
0x6e: {  	[sflag:s8] =	ssyncadd.s32 $0xFFFFE000  }
0x6f: {  	_ =	swait.ge [sflag:s8], $0x2000  }
0x70: {  	[sflag:s8] =	ssyncset.done $0x0  }
0x71: {  	[sflag:s8] =	ssyncadd.s32 $0xFFFFE000  }
0x72: {  	_ =	swait.ge [sflag:s8], $0x2000  }
0x73: {  	[sflag:s8] =	ssyncset.done $0x0  }
0x74: {  	[sflag:s8] =	ssyncadd.s32 $0xFFFFE000  }
0x75: {  	_ =	swait.ge [sflag:s8], $0x2000  }
0x76: {  	[sflag:s8] =	ssyncset.done $0x0  }
0x77: {  	p1 =	sne.s32 s19, $0x1;
	[sflag:s8] =	ssyncadd.s32 $0xFFFFE000  }
.Ltmp1:
0x78: {  	[bflag:$0x0] =	sbarrier.arrive $0xFFFF;
	(pc) =	sbr.rel @!p1 .LBB2_3-.Ltmp1, $4  }
0x79: {  	s1 =	rddreg [dreg:$0x9]  }
0x7a: {  	[hbm:s1], [sflag:s3] =	dma.local [spmem:s5], $0x400  }
0x7b: {  	p0 =	por $0x1, $0x1;
	_ =	swait.ge [sflag:s4], $0x400  }
0x7c: {  	s0 =	sadd.s32 $0xFFFFFFFF, s19;
	s1 =	rddreg [dreg:$0x6];
	[sflag:s4] =	ssyncset.done $0x0  }
.LBB2_4:
0x7d: {  	[sflag:s4] =	ssyncadd.s32 $0xFFFFFC00  }
0x7e: {  	[spmem:s5], [sflag:s3] =	dma.local [hbm:s1], $0x400  }
0x7f: {  	_ =	swait.ge [sflag:s4], $0x400  }
0x80: {  	[sflag:s4] =	ssyncset.done $0x0  }
0x81: {  	[sflag:s4] =	ssyncadd.s32 $0xFFFFFC00  }
0x82: {  	[bflag:$0x0] =	sbarrier.arrive $0xFFFF  }
0x83: {  	s19 =	rddreg [dreg:$0x7]  }
0x84: {  	[tilespmem:s10], [sflag:$0x3] =	stream.linear.gather [hbm4b:s19+s10], $0x400, $0x38;
	[tilespmem:$0x12800] =	vst v63  }
0x85: {  	_ =	swait.ge [sflag:s4], $0x400  }
0x86: {  	[sflag:s4] =	ssyncset.done $0x0  }
0x87: {  	s19 =	rddreg [dreg:$0x8];
	[sflag:s4] =	ssyncadd.s32 $0xFFFFFC00  }
0x88: {  	[tilespmem:s9], [sflag:$0x3] =	stream.linear.gather [hbm4b:s19+s10], $0x400, $0x38;
	[tilespmem:$0x12800] =	vst v63  }
0x89: {  	_ =	swait.ge [sflag:s4], $0x400  }
0x8a: {  	[sflag:s4] =	ssyncset.done $0x0  }
0x8b: {  	[sflag:s4] =	ssyncadd.s32 $0xFFFFFC00  }
0x8c: {  	[tilespmem:s11], [sflag:$0x1] =	stream.indirect.gather [hbm4b:s7+s6], $0x40, s10, s6, $0xb8;
	[tilespmem:$0x12800] =	vst v63  }
0x8d: {  	_ = 	snop  }
0x8e: {  	[tilespmem:s12], [sflag:$0x1] =	stream.indirect.gather [hbm4b:s7+s6], $0x40, s6, s6, $0xb8;
	[tilespmem:$0x12800] =	vst v63  }
0x8f: {  	s1 =	rddreg [dreg:$0xa]  }
0x90: {  	[tilespmem:s13], [sflag:$0x1] =	stream.indirect.gather [hbm4b:s7+s6], $0x40, s1, s6, $0xb8;
	[tilespmem:$0x12800] =	vst v63  }
0x91: {  	s19 =	rddreg [dreg:$0xb]  }
0x92: {  	[tilespmem:s14], [sflag:$0x1] =	stream.indirect.gather [hbm4b:s7+s6], $0x40, s19, s6, $0xb8;
	[tilespmem:$0x12800] =	vst v63  }
0x93: {  	s19 =	simm.s32 $0x200  }
0x94: {  	[tilespmem:s15], [sflag:$0x1] =	stream.indirect.gather [hbm4b:s7+s6], $0x40, s19, s6, $0xb8;
	[tilespmem:$0x12800] =	vst v63  }
0x95: {  	_ = 	snop  }
0x96: {  	[tilespmem:s16], [sflag:$0x1] =	stream.indirect.gather [hbm4b:s7+s6], $0x40, s30, s6, $0xb8;
	[tilespmem:$0x12800] =	vst v63  }
0x97: {  	_ = 	snop  }
0x98: {  	[tilespmem:s17], [sflag:$0x1] =	stream.indirect.gather [hbm4b:s7+s6], $0x40, s31, s6, $0xb8;
	[tilespmem:$0x12800] =	vst v63  }
0x99: {  	_ = 	snop  }
0x9a: {  	[tilespmem:s18], [sflag:$0x1] =	stream.indirect.gather [hbm4b:s7+s6], $0x40, s29, s6, $0xb8;
	[tilespmem:$0x12800] =	vst v63  }
0x9b: {  	_ =	swait.ge [sflag:s21], $0x2000  }
0x9c: {  	[sflag:s21] =	ssyncset.done $0x0  }
0x9d: {  	[sflag:s21] =	ssyncadd.s32 $0xFFFFE000  }
0x9e: {  	_ =	swait.ge [sflag:s21], $0x2000  }
0x9f: {  	[sflag:s21] =	ssyncset.done $0x0  }
0xa0: {  	[sflag:s21] =	ssyncadd.s32 $0xFFFFE000  }
0xa1: {  	_ =	swait.ge [sflag:s21], $0x2000  }
0xa2: {  	[sflag:s21] =	ssyncset.done $0x0  }
0xa3: {  	[sflag:s21] =	ssyncadd.s32 $0xFFFFE000  }
0xa4: {  	_ =	swait.ge [sflag:s21], $0x2000  }
0xa5: {  	[sflag:s21] =	ssyncset.done $0x0  }
0xa6: {  	[sflag:s21] =	ssyncadd.s32 $0xFFFFE000  }
0xa7: {  	_ =	swait.ge [sflag:s21], $0x2000  }
0xa8: {  	[sflag:s21] =	ssyncset.done $0x0  }
0xa9: {  	[sflag:s21] =	ssyncadd.s32 $0xFFFFE000  }
0xaa: {  	_ =	swait.ge [sflag:s21], $0x2000  }
0xab: {  	[sflag:s21] =	ssyncset.done $0x0  }
0xac: {  	[sflag:s21] =	ssyncadd.s32 $0xFFFFE000  }
0xad: {  	_ =	swait.ge [sflag:s21], $0x2000  }
0xae: {  	[sflag:s21] =	ssyncset.done $0x0  }
0xaf: {  	[sflag:s21] =	ssyncadd.s32 $0xFFFFE000  }
0xb0: {  	_ =	swait.ge [sflag:s21], $0x2000  }
0xb1: {  	[sflag:s21] =	ssyncset.done $0x0  }
0xb2: {  	[sflag:s21] =	ssyncadd.s32 $0xFFFFE000  }
0xb3: {  	[spmem:s2] =	stream.indirect.scatter.add.f32 [tilespmem:s11], [sflag:$0x2], $0x40, s9, s6, $0xb8;
	[tilespmem:$0x12800] =	vst v63  }
0xb4: {  	_ = 	snop  }
0xb5: {  	[spmem:s2] =	stream.indirect.scatter.add.f32 [tilespmem:s12], [sflag:$0x2], $0x40, s20, s6, $0xb8;
	[tilespmem:$0x12800] =	vst v63  }
0xb6: {  	_ = 	snop  }
0xb7: {  	[spmem:s2] =	stream.indirect.scatter.add.f32 [tilespmem:s13], [sflag:$0x2], $0x40, s22, s6, $0xb8;
	[tilespmem:$0x12800] =	vst v63  }
0xb8: {  	_ = 	snop  }
0xb9: {  	[spmem:s2] =	stream.indirect.scatter.add.f32 [tilespmem:s14], [sflag:$0x2], $0x40, s23, s6, $0xb8;
	[tilespmem:$0x12800] =	vst v63  }
0xba: {  	_ = 	snop  }
0xbb: {  	[spmem:s2] =	stream.indirect.scatter.add.f32 [tilespmem:s15], [sflag:$0x2], $0x40, s24, s6, $0xb8;
	[tilespmem:$0x12800] =	vst v63  }
0xbc: {  	_ = 	snop  }
0xbd: {  	[spmem:s2] =	stream.indirect.scatter.add.f32 [tilespmem:s16], [sflag:$0x2], $0x40, s25, s6, $0xb8;
	[tilespmem:$0x12800] =	vst v63  }
0xbe: {  	_ = 	snop  }
0xbf: {  	[spmem:s2] =	stream.indirect.scatter.add.f32 [tilespmem:s17], [sflag:$0x2], $0x40, s26, s6, $0xb8;
	[tilespmem:$0x12800] =	vst v63  }
0xc0: {  	_ = 	snop  }
0xc1: {  	[spmem:s2] =	stream.indirect.scatter.add.f32 [tilespmem:s18], [sflag:$0x2], $0x40, s28, s6, $0xb8;
	[tilespmem:$0x12800] =	vst v63  }
0xc2: {  	_ =	swait.ge [sflag:s8], $0x2000  }
0xc3: {  	[sflag:s8] =	ssyncset.done $0x0  }
0xc4: {  	[sflag:s8] =	ssyncadd.s32 $0xFFFFE000  }
0xc5: {  	_ =	swait.ge [sflag:s8], $0x2000  }
0xc6: {  	[sflag:s8] =	ssyncset.done $0x0  }
0xc7: {  	[sflag:s8] =	ssyncadd.s32 $0xFFFFE000  }
0xc8: {  	_ =	swait.ge [sflag:s8], $0x2000  }
0xc9: {  	[sflag:s8] =	ssyncset.done $0x0  }
0xca: {  	[sflag:s8] =	ssyncadd.s32 $0xFFFFE000  }
0xcb: {  	_ =	swait.ge [sflag:s8], $0x2000  }
0xcc: {  	[sflag:s8] =	ssyncset.done $0x0  }
0xcd: {  	[sflag:s8] =	ssyncadd.s32 $0xFFFFE000  }
0xce: {  	_ =	swait.ge [sflag:s8], $0x2000  }
0xcf: {  	[sflag:s8] =	ssyncset.done $0x0  }
0xd0: {  	[sflag:s8] =	ssyncadd.s32 $0xFFFFE000  }
0xd1: {  	_ =	swait.ge [sflag:s8], $0x2000  }
0xd2: {  	[sflag:s8] =	ssyncset.done $0x0  }
0xd3: {  	[sflag:s8] =	ssyncadd.s32 $0xFFFFE000  }
0xd4: {  	_ =	swait.ge [sflag:s8], $0x2000  }
0xd5: {  	[sflag:s8] =	ssyncset.done $0x0  }
0xd6: {  	[sflag:s8] =	ssyncadd.s32 $0xFFFFE000  }
0xd7: {  	_ =	swait.ge [sflag:s8], $0x2000  }
0xd8: {  	[sflag:s8] =	ssyncset.done $0x0  }
0xd9: {  	p1 =	sne.s32 s0, $0x1;
	[sflag:s8] =	ssyncadd.s32 $0xFFFFE000  }
.Ltmp2:
0xda: {  	[bflag:$0x0] =	sbarrier.arrive $0xFFFF;
	(pc) =	sbr.rel @p1 .LBB2_4-.Ltmp2, $4  }
0xdb: {  	s19 =	rddreg [dreg:$0x9]  }
0xdc: {  	[hbm:s19], [sflag:s3] =	dma.local [spmem:s5], $0x400  }
0xdd: {  	_ =	swait.ge [sflag:s4], $0x400  }
0xde: {  	s0 =	sadd.s32 $0xFFFFFFFF, s0;
	s1 =	rddreg [dreg:$0x6];
	[sflag:s4] =	ssyncset.done $0x0  }
0xdf: {  	s28 =	simm.s32 $0x380;
	s31 =	simm.s32 $0x300  }
0xe0: {  	s30 =	simm.s32 $0x280;
	s29 =	simm.s32 $0x200;
	s26 =	simm.s32 $0x700  }
0xe1: {  	s25 =	simm.s32 $0x680;
	s24 =	simm.s32 $0x600;
	s23 =	simm.s32 $0x580  }
0xe2: {  	s22 =	simm.s32 $0x500;
	s20 =	simm.s32 $0x480;
	s19 =	rddreg [dreg:$0x5]  }
.LBB2_6:
0xe3: {  	[sflag:s4] =	ssyncadd.s32 @p0 $0xFFFFFC00  }
0xe4: {  	[spmem:s5], [sflag:s3] =	dma.local [hbm:s1], $0x400  }
0xe5: {  	_ =	swait.ge [sflag:s4], $0x400  }
0xe6: {  	[sflag:s4] =	ssyncset.done $0x0  }
0xe7: {  	[sflag:s4] =	ssyncadd.s32 $0xFFFFFC00  }
0xe8: {  	[bflag:$0x0] =	sbarrier.arrive $0xFFFF  }
0xe9: {  	s0 =	rddreg [dreg:$0x7]  }
0xea: {  	[tilespmem:s10], [sflag:$0x3] =	stream.linear.gather [hbm4b:s0+s10], $0x400, $0x38;
	[tilespmem:$0x12800] =	vst v63  }
0xeb: {  	_ =	swait.ge [sflag:s4], $0x400  }
0xec: {  	[sflag:s4] =	ssyncset.done $0x0  }
0xed: {  	s1 =	rddreg [dreg:$0x8];
	[sflag:s4] =	ssyncadd.s32 $0xFFFFFC00  }
0xee: {  	[tilespmem:s9], [sflag:$0x3] =	stream.linear.gather [hbm4b:s1+s10], $0x400, $0x38;
	[tilespmem:$0x12800] =	vst v63  }
0xef: {  	_ =	swait.ge [sflag:s4], $0x400  }
0xf0: {  	[sflag:s4] =	ssyncset.done $0x0  }
0xf1: {  	[sflag:s4] =	ssyncadd.s32 $0xFFFFFC00  }
0xf2: {  	[tilespmem:s11], [sflag:$0x1] =	stream.indirect.gather [hbm4b:s7+s6], $0x40, s10, s6, $0xb8;
	[tilespmem:$0x12800] =	vst v63  }
0xf3: {  	_ = 	snop  }
0xf4: {  	[tilespmem:s12], [sflag:$0x1] =	stream.indirect.gather [hbm4b:s7+s6], $0x40, s6, s6, $0xb8;
	[tilespmem:$0x12800] =	vst v63  }
0xf5: {  	s1 =	rddreg [dreg:$0xa]  }
0xf6: {  	[tilespmem:s13], [sflag:$0x1] =	stream.indirect.gather [hbm4b:s7+s6], $0x40, s1, s6, $0xb8;
	[tilespmem:$0x12800] =	vst v63  }
0xf7: {  	s10 =	rddreg [dreg:$0xb]  }
0xf8: {  	[tilespmem:s14], [sflag:$0x1] =	stream.indirect.gather [hbm4b:s7+s6], $0x40, s10, s6, $0xb8;
	[tilespmem:$0x12800] =	vst v63  }
0xf9: {  	_ = 	snop  }
0xfa: {  	[tilespmem:s15], [sflag:$0x1] =	stream.indirect.gather [hbm4b:s7+s6], $0x40, s29, s6, $0xb8;
	[tilespmem:$0x12800] =	vst v63  }
0xfb: {  	_ = 	snop  }
0xfc: {  	[tilespmem:s16], [sflag:$0x1] =	stream.indirect.gather [hbm4b:s7+s6], $0x40, s30, s6, $0xb8;
	[tilespmem:$0x12800] =	vst v63  }
0xfd: {  	_ = 	snop  }
0xfe: {  	[tilespmem:s17], [sflag:$0x1] =	stream.indirect.gather [hbm4b:s7+s6], $0x40, s31, s6, $0xb8;
	[tilespmem:$0x12800] =	vst v63  }
0xff: {  	_ = 	snop  }
0x100: {  	[tilespmem:s18], [sflag:$0x1] =	stream.indirect.gather [hbm4b:s7+s6], $0x40, s28, s6, $0xb8;
	[tilespmem:$0x12800] =	vst v63  }
0x101: {  	_ =	swait.ge [sflag:s21], $0x2000  }
0x102: {  	[sflag:s21] =	ssyncset.done $0x0  }
0x103: {  	[sflag:s21] =	ssyncadd.s32 $0xFFFFE000  }
0x104: {  	_ =	swait.ge [sflag:s21], $0x2000  }
0x105: {  	[sflag:s21] =	ssyncset.done $0x0  }
0x106: {  	[sflag:s21] =	ssyncadd.s32 $0xFFFFE000  }
0x107: {  	_ =	swait.ge [sflag:s21], $0x2000  }
0x108: {  	[sflag:s21] =	ssyncset.done $0x0  }
0x109: {  	[sflag:s21] =	ssyncadd.s32 $0xFFFFE000  }
0x10a: {  	_ =	swait.ge [sflag:s21], $0x2000  }
0x10b: {  	[sflag:s21] =	ssyncset.done $0x0  }
0x10c: {  	[sflag:s21] =	ssyncadd.s32 $0xFFFFE000  }
0x10d: {  	_ =	swait.ge [sflag:s21], $0x2000  }
0x10e: {  	[sflag:s21] =	ssyncset.done $0x0  }
0x10f: {  	[sflag:s21] =	ssyncadd.s32 $0xFFFFE000  }
0x110: {  	_ =	swait.ge [sflag:s21], $0x2000  }
0x111: {  	[sflag:s21] =	ssyncset.done $0x0  }
0x112: {  	[sflag:s21] =	ssyncadd.s32 $0xFFFFE000  }
0x113: {  	_ =	swait.ge [sflag:s21], $0x2000  }
0x114: {  	[sflag:s21] =	ssyncset.done $0x0  }
0x115: {  	[sflag:s21] =	ssyncadd.s32 $0xFFFFE000  }
0x116: {  	_ =	swait.ge [sflag:s21], $0x2000  }
0x117: {  	[sflag:s21] =	ssyncset.done $0x0  }
0x118: {  	[sflag:s21] =	ssyncadd.s32 $0xFFFFE000  }
0x119: {  	[spmem:s2] =	stream.indirect.scatter.add.f32 [tilespmem:s11], [sflag:$0x2], $0x40, s9, s6, $0xb8;
	[tilespmem:$0x12800] =	vst v63  }
0x11a: {  	_ = 	snop  }
0x11b: {  	[spmem:s2] =	stream.indirect.scatter.add.f32 [tilespmem:s12], [sflag:$0x2], $0x40, s20, s6, $0xb8;
	[tilespmem:$0x12800] =	vst v63  }
0x11c: {  	_ = 	snop  }
0x11d: {  	[spmem:s2] =	stream.indirect.scatter.add.f32 [tilespmem:s13], [sflag:$0x2], $0x40, s22, s6, $0xb8;
	[tilespmem:$0x12800] =	vst v63  }
0x11e: {  	_ = 	snop  }
0x11f: {  	[spmem:s2] =	stream.indirect.scatter.add.f32 [tilespmem:s14], [sflag:$0x2], $0x40, s23, s6, $0xb8;
	[tilespmem:$0x12800] =	vst v63  }
0x120: {  	_ = 	snop  }
0x121: {  	[spmem:s2] =	stream.indirect.scatter.add.f32 [tilespmem:s15], [sflag:$0x2], $0x40, s24, s6, $0xb8;
	[tilespmem:$0x12800] =	vst v63  }
0x122: {  	_ = 	snop  }
0x123: {  	[spmem:s2] =	stream.indirect.scatter.add.f32 [tilespmem:s16], [sflag:$0x2], $0x40, s25, s6, $0xb8;
	[tilespmem:$0x12800] =	vst v63  }
0x124: {  	_ = 	snop  }
0x125: {  	[spmem:s2] =	stream.indirect.scatter.add.f32 [tilespmem:s17], [sflag:$0x2], $0x40, s26, s6, $0xb8;
	[tilespmem:$0x12800] =	vst v63  }
0x126: {  	s29 =	simm.s32 $0x780  }
0x127: {  	[spmem:s2] =	stream.indirect.scatter.add.f32 [tilespmem:s18], [sflag:$0x2], $0x40, s29, s6, $0xb8;
	[tilespmem:$0x12800] =	vst v63  }
0x128: {  	_ =	swait.ge [sflag:s8], $0x2000  }
0x129: {  	[sflag:s8] =	ssyncset.done $0x0  }
0x12a: {  	[sflag:s8] =	ssyncadd.s32 $0xFFFFE000  }
0x12b: {  	_ =	swait.ge [sflag:s8], $0x2000  }
0x12c: {  	[sflag:s8] =	ssyncset.done $0x0  }
0x12d: {  	[sflag:s8] =	ssyncadd.s32 $0xFFFFE000  }
0x12e: {  	_ =	swait.ge [sflag:s8], $0x2000  }
0x12f: {  	[sflag:s8] =	ssyncset.done $0x0  }
0x130: {  	[sflag:s8] =	ssyncadd.s32 $0xFFFFE000  }
0x131: {  	_ =	swait.ge [sflag:s8], $0x2000  }
0x132: {  	[sflag:s8] =	ssyncset.done $0x0  }
0x133: {  	[sflag:s8] =	ssyncadd.s32 $0xFFFFE000  }
0x134: {  	_ =	swait.ge [sflag:s8], $0x2000  }
0x135: {  	[sflag:s8] =	ssyncset.done $0x0  }
0x136: {  	[sflag:s8] =	ssyncadd.s32 $0xFFFFE000  }
0x137: {  	_ =	swait.ge [sflag:s8], $0x2000  }
0x138: {  	[sflag:s8] =	ssyncset.done $0x0  }
0x139: {  	[sflag:s8] =	ssyncadd.s32 $0xFFFFE000  }
0x13a: {  	_ =	swait.ge [sflag:s8], $0x2000  }
0x13b: {  	[sflag:s8] =	ssyncset.done $0x0  }
0x13c: {  	[sflag:s8] =	ssyncadd.s32 $0xFFFFE000  }
0x13d: {  	_ =	swait.ge [sflag:s8], $0x2000  }
0x13e: {  	[sflag:s8] =	ssyncset.done $0x0  }
0x13f: {  	[sflag:s8] =	ssyncadd.s32 $0xFFFFE000  }
0x140: {  	[bflag:$0x0] =	sbarrier.arrive $0xFFFF  }
0x141: {  	s30 =	rddreg [dreg:$0x9]  }
0x142: {  	[hbm:s30], [sflag:s3] =	dma.local [spmem:s5], $0x400  }
0x143: {  	_ =	swait.ge [sflag:s4], $0x400  }
0x144: {  	[sflag:s4] =	ssyncset.done $0x0  }
0x145: {  	[sflag:s4] =	ssyncadd.s32 $0xFFFFFC00  }
0x146: {  	_ =	sfence.sel $0x180000  }
0x147: {  	s31 =	stileid.u32;
	[bflag:$0x0] =	sbarrier.arrive $0xFFFF  }
0x148: {  	p0 =	sne.s32 s31, $0x0;
	_ =	strace $0x90000050  }
0x149: {  	s0 =	sadd.s32 @!p0 $0x100000, s19;
	[bflag:$0x2] =	sbarrier.arrive $0xFFFF  }
0x14a: {  	[sflag:s0] =	ssyncadd.tile.s32 @!p0 $0x1;
	_ =	shalt  }
.LBB2_1:
.Ltmp3:
0x14b: {  	(pc) =	sbr.rel .LBB2_6-.Ltmp3, $4  }
0x14c: {  	s28 =	simm.s32 $0x380  }
0x14d: {  	s31 =	simm.s32 $0x300;
	s30 =	simm.s32 $0x280;
	s29 =	simm.s32 $0x200  }
0x14e: {  	s26 =	simm.s32 $0x700;
	s25 =	simm.s32 $0x680;
	s24 =	simm.s32 $0x600  }
0x14f: {  	s23 =	simm.s32 $0x580;
	s22 =	simm.s32 $0x500;
	s20 =	simm.s32 $0x480  }
.LBB2_3:
.Ltmp4:
0x150: {  	(pc) =	sbr.rel .LBB2_6-.Ltmp4, $4  }
0x151: {  	s28 =	simm.s32 $0x380;
	s31 =	simm.s32 $0x300  }
0x152: {  	s30 =	simm.s32 $0x280;
	s29 =	simm.s32 $0x200;
	s26 =	simm.s32 $0x700  }
0x153: {  	s25 =	simm.s32 $0x680;
	s24 =	simm.s32 $0x600;
	s23 =	simm.s32 $0x580  }
0x154: {  	s22 =	simm.s32 $0x500;
	s20 =	simm.s32 $0x480;
	s19 =	rddreg [dreg:$0x5]  }
.Lfunc_end2:
_tile_overlayer_lowered:
.L_overlay_start_2:
0x155: {  	(tag) =	ssettag $0x2  }
0x156: {  	s0 =	rddreg [dreg:$0x0];
	s2 =	stileid.u32  }
0x157: {  	s1 =	rddreg [dreg:$0x1];
	p0 =	sne.s32 s2, $0x0  }
0x158: {  	s3 =	rddreg [dreg:$0x2];
	[bflag:$0x3] =	sbarrier.arrive $0xFFFF;
	s2 =	simm.s32 @!p0 $0x1C03  }
0x159: {  	[timem:s3], [sflag:s2] =	dma.local @!p0 [hbm:s0], s1  }
0x15a: {  	s0 =	simm.s32 @!p0 $0x3  }
0x15b: {  	_ =	swait.ge @!p0 [sflag:s0], s1  }
0x15c: {  	s1 =	ssub.s32 @!p0 $0x0, s1;
	[sflag:s0] =	ssyncset.done @!p0 $0x0  }
0x15d: {  	[sflag:s0] =	ssyncadd.s32 @!p0 s1  }
0x15e: {  	[bflag:$0x3] =	sbarrier.arrive $0xFFFF  }
0x15f: {  	_ =	shalt  }

// kernel: kernel.9.cloned.1.call-start
scs
__scs_entry_jumppad:
0x0: {  	(pc) =	sbr.rel $0x88, $3  }
0x1: {  	(tag) =	ssettag $0x0;
	lr =	simm.s32 $0x1  }
0x2: {  	[smem:$0x3F97] =	sst lr;
	_ =	strace $0xD0000000  }
0x3: {  	_ = 	snop  }
0x4: {  	_ = 	snop  }
0x5: {  	_ = 	snop  }
0x6: {  	_ = 	snop  }
0x7: {  	_ = 	snop  }
__scs_overlays_trampoline_lowered:
0x8: {  	[smem:$0x3FA6] =	sst s0  }
0x9: {  	[smem:$0x3FA7] =	sst s1  }
0xa: {  	[smem:$0x3FA8] =	sst s2  }
0xb: {  	[smem:$0x3FA9] =	sst s3  }
0xc: {  	[smem:$0x3FAA] =	sst s4  }
0xd: {  	[smem:$0x3FAB] =	sst s5  }
0xe: {  	[smem:$0x3FAC] =	sst s6  }
0xf: {  	[smem:$0x3FAD] =	sst s7  }
0x10: {  	[smem:$0x3FAE] =	sst s8  }
0x11: {  	[smem:$0x3FAF] =	sst s9;
	s0 =	simm.s32 @!p0 $0x0  }
0x12: {  	s1 =	sld [smem:$0x3F95];
	s0 =	simm.s32 @p0 $0x1  }
0x13: {  	[smem:$0x3FB0] =	sst s0;
	s0 =	simm.s32 @!p1 $0x0  }
0x14: {  	s2 =	sld [smem:$0x3F94];
	s0 =	simm.s32 @p1 $0x1  }
0x15: {  	[smem:$0x3FB1] =	sst s0;
	s0 =	simm.s32 @!p2 $0x0  }
0x16: {  	s3 =	sld [smem:$0x3FDB];
	s0 =	simm.s32 @p2 $0x1  }
0x17: {  	s4 =	simm.s32 $0x1BF5;
	[smem:$0x3FB3] =	sst s0  }
0x18: {  	s0 =	sld [smem:$0x3F96];
	_ =	swait.ge [sflag:s4], $0x0  }
0x19: {  	s7 =	sld [smem:$0x3F97]  }
0x1a: {  	s8 =	sadd.s32 $0xFFFFE003, lr  }
0x1b: {  	s9 =	sadd.s32 $0xFFFFFEF7, lr;
	s5 =	simm.s32 $0xFFFFFFFF;
	p2 =	slt.u32 s8, $0xFFFFF086  }
0x1c: {  	p1 =	slt.u32 s9, $0xF7A;
	s5 =	simm.s32 @!p2 $0x0  }
0x1d: {  	s5 =	simm.s32 @p1 $0x1;
	p0 =	seq.s32 s7, s2  }
0x1e: {  	s7 =	smul.u32 @!p0 $0xF7A, s2;
	p2 =	seq.s32 @!p0 s5, $0x0  }
0x1f: {  	s9 =	smul.u32 $0xF7A, s1;
	s8 =	simm.s32 @!p0 $0x1BF5;
	p2 =	por !p2, p0  }
0x20: {  	[sflag:s8] =	ssyncset.s32 @!p0 $0xFFFFF086;
	s6 =	sadd.s32 @!p0 s3, s7;
	s7 =	simm.s32 @!p0 $0x108  }
0x21: {  	s3 =	sadd.s32 s3, s9;
	s6 =	sadd.s32 @!p0 $0x88, s6;
	s7 =	simm.s32 @p2 $0x1082  }
0x22: {  	[simem:s7], [sflag:s8] =	dma.local @!p0 [hbm:s6], $0xF7A  }
0x23: {  	s9 =	sor.u32 $0xD0000000, s2;
	s6 =	simm.s32 $0x108;
	_ =	swait.ge @!p0 [sflag:s8], $0x0  }
0x24: {  	s3 =	sadd.s32 $0x88, s3;
	s6 =	simm.s32 @!p1 $0x1082;
	[sflag:s4] =	ssyncset.s32 $0xFFFFF086  }
0x25: {  	[simem:s6], [sflag:s4] =	dma.local [hbm:s3], $0xF7A  }
0x26: {  	[smem:$0x3F97] =	sst s1;
	(tag) =	ssettag s2;
	_ =	strace s9  }
0x27: {  	s1 =	sld [smem:$0x3FA7]  }
0x28: {  	s2 =	sld [smem:$0x3FA8]  }
0x29: {  	s4 =	sld [smem:$0x3FAA]  }
0x2a: {  	p0 =	seq.s32 s5, $0x0;
	s5 =	sld [smem:$0x3FAB]  }
0x2b: {  	s6 =	sld [smem:$0x3FAC]  }
0x2c: {  	s7 =	sld [smem:$0x3FAD]  }
0x2d: {  	s3 =	simm.s32 $0x108;
	s8 =	sld [smem:$0x3FAE]  }
0x2e: {  	s3 =	simm.s32 @!p0 $0x1082;
	s9 =	sld [smem:$0x3FAF]  }
0x2f: {  	lr =	sadd.s32 s0, s3;
	s0 =	sld [smem:$0x3FA6]  }
0x30: {  	s3 =	sld [smem:$0x3FA9]  }
0x31: {  	[smem:$0x3FB2] =	sst s10  }
0x32: {  	s10 =	sld [smem:$0x3FB0];
	_ =	sdelay $0x3  }
0x33: {  	p0 =	seq.s32 s10, $0x1;
	s10 =	sld [smem:$0x3FB2];
	_ =	sdelay $0x3  }
0x34: {  	[smem:$0x3FB2] =	sst s10  }
0x35: {  	s10 =	sld [smem:$0x3FB1];
	_ =	sdelay $0x3  }
0x36: {  	p1 =	seq.s32 s10, $0x1;
	s10 =	sld [smem:$0x3FB2];
	_ =	sdelay $0x3  }
0x37: {  	[smem:$0x3FB2] =	sst s10  }
0x38: {  	s10 =	sld [smem:$0x3FB3]  }
0x39: {  	_ = 	snop;
	(pc) =	sbr.ind lr, $3  }
0x3a: {  	_ = 	snop  }
0x3b: {  	_ = 	snop  }
0x3c: {  	p2 =	seq.s32 s10, $0x1;
	s10 =	sld [smem:$0x3FB2]  }
0x3d: {  	_ =	shalt  }
0x3e: {  	_ =	shalt  }
0x3f: {  	_ =	shalt  }
0x40: {  	_ =	shalt  }
0x41: {  	_ =	shalt  }
0x42: {  	_ =	shalt  }
0x43: {  	_ =	shalt  }
0x44: {  	_ =	shalt  }
0x45: {  	_ =	shalt  }
0x46: {  	_ =	shalt  }
0x47: {  	_ =	shalt  }
0x48: {  	_ =	shalt  }
0x49: {  	_ =	shalt  }
0x4a: {  	_ =	shalt  }
0x4b: {  	_ =	shalt  }
0x4c: {  	_ =	shalt  }
0x4d: {  	_ =	shalt  }
0x4e: {  	_ =	shalt  }
0x4f: {  	_ =	shalt  }
0x50: {  	_ =	shalt  }
0x51: {  	_ =	shalt  }
0x52: {  	_ =	shalt  }
0x53: {  	_ =	shalt  }
0x54: {  	_ =	shalt  }
0x55: {  	_ =	shalt  }
0x56: {  	_ =	shalt  }
0x57: {  	_ =	shalt  }
0x58: {  	_ =	shalt  }
0x59: {  	_ =	shalt  }
0x5a: {  	_ =	shalt  }
0x5b: {  	_ =	shalt  }
0x5c: {  	_ =	shalt  }
0x5d: {  	_ =	shalt  }
0x5e: {  	_ =	shalt  }
0x5f: {  	_ =	shalt  }
0x60: {  	_ =	shalt  }
0x61: {  	_ =	shalt  }
0x62: {  	_ =	shalt  }
0x63: {  	_ =	shalt  }
0x64: {  	_ =	shalt  }
0x65: {  	_ =	shalt  }
0x66: {  	_ =	shalt  }
0x67: {  	_ =	shalt  }
0x68: {  	_ =	shalt  }
0x69: {  	_ =	shalt  }
0x6a: {  	_ =	shalt  }
0x6b: {  	_ =	shalt  }
0x6c: {  	_ =	shalt  }
0x6d: {  	_ =	shalt  }
0x6e: {  	_ =	shalt  }
0x6f: {  	_ =	shalt  }
0x70: {  	_ =	shalt  }
0x71: {  	_ =	shalt  }
0x72: {  	_ =	shalt  }
0x73: {  	_ =	shalt  }
0x74: {  	_ =	shalt  }
0x75: {  	_ =	shalt  }
0x76: {  	_ =	shalt  }
0x77: {  	_ =	shalt  }
0x78: {  	_ =	shalt  }
0x79: {  	_ =	shalt  }
0x7a: {  	_ =	shalt  }
0x7b: {  	_ =	shalt  }
0x7c: {  	_ =	shalt  }
0x7d: {  	_ =	shalt  }
0x7e: {  	_ =	shalt  }
0x7f: {  	_ =	shalt  }
0x80: {  	_ =	shalt  }
0x81: {  	_ =	shalt  }
0x82: {  	_ =	shalt  }
0x83: {  	_ =	shalt  }
0x84: {  	_ =	shalt  }
0x85: {  	_ =	shalt  }
0x86: {  	_ =	shalt  }
0x87: {  	_ =	shalt  }
.Lfunc_end0:
.L_simem_size_0:
called_computation_lowered:
.L_overlay_start_0:
0x88: {  	s2 =	sld [smem:$0x3FD9]  }
0x89: {  	s3 =	sld [smem:$0x3FFE];
	_ =	sdelay $0x1  }
0x8a: {  	s1 =	srdreg.scid  }
0x8b: {  	s0 =	sand.u32 $0x1, s1  }
0x8c: {  	s17 =	sshll.u32 s0, $0xA;
	s2 =	sadd.s32 s3, s2  }
0x8d: {  	s2 =	sadd.s32 s2, s17  }
0x8e: {  	[smem:$0x3FBE] =	sst s2  }
0x8f: {  	_ = 	snop  }
0x90: {  	s2 =	sld [smem:$0x3FC8]  }
0x91: {  	s18 =	sld [smem:$0x3FC7];
	(tm) =	ssettm $0x1  }
0x92: {  	s4 =	sld [smem:$0x3FFB];
	_ =	sdelay $0x3  }
0x93: {  	_ =	strace s4  }
0x94: {  	s4 =	sld [smem:$0x3FFC];
	_ =	sdelay $0x3  }
0x95: {  	_ =	strace s4  }
0x96: {  	s4 =	sld [smem:$0x3FFD];
	_ =	sdelay $0x3  }
0x97: {  	_ =	strace s4  }
0x98: {  	_ =	strace $0x8FFFFFFF  }
0x99: {  	s19 =	sld [smem:$0x3FDB];
	_ =	sdelay $0x1  }
0x9a: {  	s5 =	simm.s32 $_scs_section_size  }
0x9b: {  	s6 =	simm.s32 $_size__tile_overlayer_lowered;
	s7 =	simm.s32 $_tile_overlayer_lowered  }
0x9c: {  	s22 =	simm.s32 $0x1BFF;
	s21 =	sshll.u32 s7, $0x1;
	s4 =	sadd.s32 s5, s19  }
0x9d: {  	s8 =	simm.s32 $0x0;
	s20 =	sshll.u32 s6, $0x1;
	s6 =	sadd.s32 s21, s4  }
0x9e: {  	[timem:s8], [sflag:s22] =	dma.local [hbm:s6], s20  }
0x9f: {  	_ =	swait.ge [sflag:s22], s20  }
0xa0: {  	s5 =	ssub.s32 $0x0, s20;
	[sflag:s22] =	ssyncset.done $0x0  }
0xa1: {  	[sflag:s22] =	ssyncadd.s32 s5;
	_ =	sdelay $0x1  }
0xa2: {  	s23 =	simm.s32 $0x1B8B  }
0xa3: {  	_ =	swait.ge [sflag:s23], $0x1  }
0xa4: {  	[sflag:s23] =	ssyncset.done $0x0  }
0xa5: {  	s25 =	simm.s32 $0x1B8E;
	s24 =	sld [smem:$0x3FFE];
	[sflag:s23] =	ssyncadd.s32 $0xFFFFFFFF  }
0xa6: {  	s26 =	simm.s32 $execute0_lowered;
	[smem:$0x3FD2] =	sst s25  }
0xa7: {  	s6 =	sshll.u32 s26, $0x1;
	_ =	strace $0x80000046;
	[dreg:$0x1] =	wrdreg $0xFFFFFFFF  }
0xa8: {  	s28 =	simm.s32 $_size_execute0_lowered;
	s4 =	sadd.s32 s4, s6;
	[dreg:$0x0] =	wrdreg $0x0  }
0xa9: {  	s6 =	sshll.u32 s28, $0x1;
	[dreg:$0x2] =	wrdreg s4  }
0xaa: {  	[dreg:$0x3] =	wrdreg s6  }
0xab: {  	[dreg:$0x4] =	wrdreg $0xC0  }
0xac: {  	_ =	task [dreg:s8], $0x5FFFF  }
0xad: {  	[dreg:$0x1] =	wrdreg $0xFFFFFFFF  }
0xae: {  	[dreg:$0x0] =	wrdreg $0x60  }
0xaf: {  	[dreg:$0x2] =	wrdreg s2  }
0xb0: {  	[dreg:$0x3] =	wrdreg s18  }
0xb1: {  	[dreg:$0x4] =	wrdreg s24  }
0xb2: {  	[dreg:$0x5] =	wrdreg $0x9  }
0xb3: {  	_ =	task.clear_ibuf [dreg:s8], $0x6FFFF;
	_ =	strace $0x90000046  }
0xb4: {  	s29 =	simm.s32 $0x9;
	_ =	strace $0x80000048  }
0xb5: {  	_ =	swait.ge [sflag:s29], $0x1  }
0xb6: {  	[sflag:s29] =	ssyncadd.s32 $0xFFFFFFFF  }
0xb7: {  	_ =	strace $0x90000048  }
0xb8: {  	_ =	sfence  }
0xb9: {  	s30 =	sld [smem:$0x0];
	_ =	sdelay $0x2  }
0xba: {  	s31 =	sshll.u32 s1, $0xD;
	s1 =	sshrl.u32 s1, $0x2  }
0xbb: {  	s3 =	sand.u32 $0x4000, s31;
	s1 =	sadd.s32 s1, s30  }
0xbc: {  	s0 =	sor.u32 s3, s0;
	s1 =	sshll.u32 s1, $0x11  }
0xbd: {  	s0 =	sor.u32 s1, s0  }
0xbe: {  	s0 =	sadd.s32 $0x8F2B, s0  }
0xbf: {  	[sflag:s0] =	ssyncadd.remote.s32 $0x1  }
0xc0: {  	_ =	sfence.sel $0xFFFF  }
0xc1: {  	[dreg:$0x0] =	wrdreg $0xFFFFFFFF;
	(pc) =	sbr.abs _section_cstart, $3  }
0xc2: {  	[dreg:$0x1] =	wrdreg $0xFFFFFFFF  }
0xc3: {  	_ =	task.clear_ibuf [dreg:s8], $0x2FFFF;
	_ =	strace $0x9FFFFFFF  }
0xc4: {  	(tm) =	ssettm $0x7FFFFFFF  }
0xc5: {  	_ =	shalt  }
tec
execute0_lowered:
.L_overlay_start_1:
0x0: {  	(tag) =	ssettag $0x1  }
0x1: {  	s1 =	rddreg [dreg:$0x0]  }
0x2: {  	s4 =	rddreg [dreg:$0x1]  }
0x3: {  	s5 =	rddreg [dreg:$0x2]  }
0x4: {  	s0 =	rddreg [dreg:$0x3];
	s2 =	simm.s32 $0x0;
	s3 =	srdreg.scid  }
0x5: {  	[smem:$0x7FF] =	sst s2;
	s6 =	sand.u32 $0x1, s3;
	s3 =	stileid.u32  }
0x6: {  	_ =	strace $0x80000047;
	s7 =	sshll.u32 s6, $0xF;
	s6 =	ssub.s32 $0x2, s6  }
0x7: {  	s9 =	sshll.u32 s3, $0xB;
	s5 =	sadd.s32 s7, s5;
	s8 =	sshrl.u32 s6, $0x1  }
0x8: {  	s7 =	sadd.s32 s7, s4;
	s6 =	ssub.s32 s6, s8;
	s5 =	sadd.s32 s9, s5  }
0x9: {  	s8 =	simm.s32 $0x186A0;
	s4 =	smax.u32 s6, $0x1;
	s5 =	sadd.s32 $0x2A00, s5  }
0xa: {  	s6 =	sadd.s32 s9, s7;
	s7 =	simm.s32 $0x1;
	s9 =	simm.s32 $0x0  }
.LBB2_1:
0xb: {  	[tilespmem:s2], [sflag:$0x1] =	stream.linear.gather [hbm4b:s1+s2], $0x186A0, $0x38;
	[tilespmem:$0x18AA0] =	vst v63  }
0xc: {  	_ =	swait.ge [sflag:s7], $0x186A0  }
0xd: {  	[sflag:s7] =	ssyncset.done $0x0  }
0xe: {  	s10 =	simm.s32 $0x0;
	[sflag:s7] =	ssyncadd.s32 $0xFFFE7960  }
.LBB2_2:
0xf: {  	s11 =	sadd.s32 s10, s6  }
0x10: {  	[tilespmem:s8], [sflag:$0x1] =	stream.linear.gather [hbm4b:s11+s2], $0x400, $0x38;
	[tilespmem:$0x18AA0] =	vst v63  }
0x11: {  	_ =	swait.ge [sflag:s7], $0x400  }
0x12: {  	[sflag:s7] =	ssyncset.done $0x0  }
0x13: {  	[sflag:s7] =	ssyncadd.s32 $0xFFFFFC00  }
0x14: {  	v0 =	vld [tilespmem:$0x186A0];
	_ =	sdelay $0x5  }
0x15: {  	v1 =	vld [tilespmem:$0x186B0];
	_ =	sdelay $0x1  }
0x16: {  	v0 =	vld.idx.msk [tilespmem:v0+s2+$0x0], $0xffff;
	_ =	sdelay $0x3  }
0x17: {  	v2 =	vld [tilespmem:$0x186C0]  }
0x18: {  	[tilespmem:$0x186A0] =	vst v0  }
0x19: {  	v0 =	vld.idx.msk [tilespmem:v1+s2+$0x0], $0xffff;
	_ =	sdelay $0x3  }
0x1a: {  	v63 =	vld [tilespmem:$0x186D0]  }
0x1b: {  	[tilespmem:$0x186B0] =	vst v0  }
0x1c: {  	v0 =	vld.idx.msk [tilespmem:v2+s2+$0x0], $0xffff;
	_ =	sdelay $0x3  }
0x1d: {  	v4 =	vld [tilespmem:$0x186E0]  }
0x1e: {  	[tilespmem:$0x186C0] =	vst v0  }
0x1f: {  	v0 =	vld.idx.msk [tilespmem:v63+s2+$0x0], $0xffff;
	_ =	sdelay $0x3  }
0x20: {  	v5 =	vld [tilespmem:$0x186F0]  }
0x21: {  	[tilespmem:$0x186D0] =	vst v0  }
0x22: {  	v0 =	vld.idx.msk [tilespmem:v4+s2+$0x0], $0xffff;
	_ =	sdelay $0x3  }
0x23: {  	v6 =	vld [tilespmem:$0x18700]  }
0x24: {  	[tilespmem:$0x186E0] =	vst v0  }
0x25: {  	v0 =	vld.idx.msk [tilespmem:v5+s2+$0x0], $0xffff;
	_ =	sdelay $0x3  }
0x26: {  	v7 =	vld [tilespmem:$0x18710]  }
0x27: {  	[tilespmem:$0x186F0] =	vst v0  }
0x28: {  	v0 =	vld.idx.msk [tilespmem:v6+s2+$0x0], $0xffff;
	_ =	sdelay $0x3  }
0x29: {  	v8 =	vld [tilespmem:$0x18720]  }
0x2a: {  	[tilespmem:$0x18700] =	vst v0  }
0x2b: {  	v0 =	vld.idx.msk [tilespmem:v7+s2+$0x0], $0xffff;
	_ =	sdelay $0x3  }
0x2c: {  	v9 =	vld [tilespmem:$0x18730]  }
0x2d: {  	[tilespmem:$0x18710] =	vst v0  }
0x2e: {  	v0 =	vld.idx.msk [tilespmem:v8+s2+$0x0], $0xffff;
	_ =	sdelay $0x3  }
0x2f: {  	v10 =	vld [tilespmem:$0x18740]  }
0x30: {  	[tilespmem:$0x18720] =	vst v0  }
0x31: {  	v0 =	vld.idx.msk [tilespmem:v9+s2+$0x0], $0xffff;
	_ =	sdelay $0x3  }
0x32: {  	v11 =	vld [tilespmem:$0x18750]  }
0x33: {  	[tilespmem:$0x18730] =	vst v0  }
0x34: {  	v0 =	vld.idx.msk [tilespmem:v10+s2+$0x0], $0xffff;
	_ =	sdelay $0x3  }
0x35: {  	v12 =	vld [tilespmem:$0x18760]  }
0x36: {  	[tilespmem:$0x18740] =	vst v0  }
0x37: {  	v0 =	vld.idx.msk [tilespmem:v11+s2+$0x0], $0xffff;
	_ =	sdelay $0x3  }
0x38: {  	v13 =	vld [tilespmem:$0x18770]  }
0x39: {  	[tilespmem:$0x18750] =	vst v0  }
0x3a: {  	v0 =	vld.idx.msk [tilespmem:v12+s2+$0x0], $0xffff;
	_ =	sdelay $0x3  }
0x3b: {  	v14 =	vld [tilespmem:$0x18780]  }
0x3c: {  	[tilespmem:$0x18760] =	vst v0  }
0x3d: {  	v0 =	vld.idx.msk [tilespmem:v13+s2+$0x0], $0xffff;
	_ =	sdelay $0x3  }
0x3e: {  	v15 =	vld [tilespmem:$0x18790]  }
0x3f: {  	[tilespmem:$0x18770] =	vst v0  }
0x40: {  	v0 =	vld.idx.msk [tilespmem:v14+s2+$0x0], $0xffff;
	_ =	sdelay $0x3  }
0x41: {  	v16 =	vld [tilespmem:$0x187A0]  }
0x42: {  	[tilespmem:$0x18780] =	vst v0  }
0x43: {  	v0 =	vld.idx.msk [tilespmem:v15+s2+$0x0], $0xffff;
	_ =	sdelay $0x3  }
0x44: {  	v17 =	vld [tilespmem:$0x187B0]  }
0x45: {  	[tilespmem:$0x18790] =	vst v0  }
0x46: {  	v0 =	vld.idx.msk [tilespmem:v16+s2+$0x0], $0xffff;
	_ =	sdelay $0x3  }
0x47: {  	v18 =	vld [tilespmem:$0x187C0]  }
0x48: {  	[tilespmem:$0x187A0] =	vst v0  }
0x49: {  	v0 =	vld.idx.msk [tilespmem:v17+s2+$0x0], $0xffff;
	_ =	sdelay $0x3  }
0x4a: {  	v19 =	vld [tilespmem:$0x187D0]  }
0x4b: {  	[tilespmem:$0x187B0] =	vst v0  }
0x4c: {  	v0 =	vld.idx.msk [tilespmem:v18+s2+$0x0], $0xffff;
	_ =	sdelay $0x3  }
0x4d: {  	v20 =	vld [tilespmem:$0x187E0]  }
0x4e: {  	[tilespmem:$0x187C0] =	vst v0  }
0x4f: {  	v0 =	vld.idx.msk [tilespmem:v19+s2+$0x0], $0xffff;
	_ =	sdelay $0x3  }
0x50: {  	v21 =	vld [tilespmem:$0x187F0]  }
0x51: {  	[tilespmem:$0x187D0] =	vst v0  }
0x52: {  	v0 =	vld.idx.msk [tilespmem:v20+s2+$0x0], $0xffff;
	_ =	sdelay $0x3  }
0x53: {  	v22 =	vld [tilespmem:$0x18800]  }
0x54: {  	[tilespmem:$0x187E0] =	vst v0  }
0x55: {  	v0 =	vld.idx.msk [tilespmem:v21+s2+$0x0], $0xffff;
	_ =	sdelay $0x3  }
0x56: {  	v23 =	vld [tilespmem:$0x18810]  }
0x57: {  	[tilespmem:$0x187F0] =	vst v0  }
0x58: {  	v0 =	vld.idx.msk [tilespmem:v22+s2+$0x0], $0xffff;
	_ =	sdelay $0x3  }
0x59: {  	v24 =	vld [tilespmem:$0x18820]  }
0x5a: {  	[tilespmem:$0x18800] =	vst v0  }
0x5b: {  	v0 =	vld.idx.msk [tilespmem:v23+s2+$0x0], $0xffff;
	_ =	sdelay $0x3  }
0x5c: {  	v25 =	vld [tilespmem:$0x18830]  }
0x5d: {  	[tilespmem:$0x18810] =	vst v0  }
0x5e: {  	v0 =	vld.idx.msk [tilespmem:v24+s2+$0x0], $0xffff;
	_ =	sdelay $0x3  }
0x5f: {  	v26 =	vld [tilespmem:$0x18840]  }
0x60: {  	[tilespmem:$0x18820] =	vst v0  }
0x61: {  	v0 =	vld.idx.msk [tilespmem:v25+s2+$0x0], $0xffff;
	_ =	sdelay $0x3  }
0x62: {  	v27 =	vld [tilespmem:$0x18850]  }
0x63: {  	[tilespmem:$0x18830] =	vst v0  }
0x64: {  	v0 =	vld.idx.msk [tilespmem:v26+s2+$0x0], $0xffff;
	_ =	sdelay $0x3  }
0x65: {  	v28 =	vld [tilespmem:$0x18860]  }
0x66: {  	[tilespmem:$0x18840] =	vst v0  }
0x67: {  	v0 =	vld.idx.msk [tilespmem:v27+s2+$0x0], $0xffff;
	_ =	sdelay $0x3  }
0x68: {  	v29 =	vld [tilespmem:$0x18870]  }
0x69: {  	[tilespmem:$0x18850] =	vst v0  }
0x6a: {  	v0 =	vld.idx.msk [tilespmem:v28+s2+$0x0], $0xffff;
	_ =	sdelay $0x3  }
0x6b: {  	v30 =	vld [tilespmem:$0x18880]  }
0x6c: {  	[tilespmem:$0x18860] =	vst v0  }
0x6d: {  	v0 =	vld.idx.msk [tilespmem:v29+s2+$0x0], $0xffff;
	_ =	sdelay $0x3  }
0x6e: {  	v31 =	vld [tilespmem:$0x18890]  }
0x6f: {  	[tilespmem:$0x18870] =	vst v0  }
0x70: {  	v0 =	vld.idx.msk [tilespmem:v30+s2+$0x0], $0xffff;
	_ =	sdelay $0x3  }
0x71: {  	v32 =	vld [tilespmem:$0x188A0]  }
0x72: {  	[tilespmem:$0x18880] =	vst v0  }
0x73: {  	v0 =	vld.idx.msk [tilespmem:v31+s2+$0x0], $0xffff;
	_ =	sdelay $0x3  }
0x74: {  	v33 =	vld [tilespmem:$0x188B0]  }
0x75: {  	[tilespmem:$0x18890] =	vst v0  }
0x76: {  	v0 =	vld.idx.msk [tilespmem:v32+s2+$0x0], $0xffff;
	_ =	sdelay $0x3  }
0x77: {  	v34 =	vld [tilespmem:$0x188C0]  }
0x78: {  	[tilespmem:$0x188A0] =	vst v0  }
0x79: {  	v0 =	vld.idx.msk [tilespmem:v33+s2+$0x0], $0xffff;
	_ =	sdelay $0x3  }
0x7a: {  	v35 =	vld [tilespmem:$0x188D0]  }
0x7b: {  	[tilespmem:$0x188B0] =	vst v0  }
0x7c: {  	v0 =	vld.idx.msk [tilespmem:v34+s2+$0x0], $0xffff;
	_ =	sdelay $0x3  }
0x7d: {  	v36 =	vld [tilespmem:$0x188E0]  }
0x7e: {  	[tilespmem:$0x188C0] =	vst v0  }
0x7f: {  	v0 =	vld.idx.msk [tilespmem:v35+s2+$0x0], $0xffff;
	_ =	sdelay $0x3  }
0x80: {  	v37 =	vld [tilespmem:$0x188F0]  }
0x81: {  	[tilespmem:$0x188D0] =	vst v0  }
0x82: {  	v0 =	vld.idx.msk [tilespmem:v36+s2+$0x0], $0xffff;
	_ =	sdelay $0x3  }
0x83: {  	v38 =	vld [tilespmem:$0x18900]  }
0x84: {  	[tilespmem:$0x188E0] =	vst v0  }
0x85: {  	v0 =	vld.idx.msk [tilespmem:v37+s2+$0x0], $0xffff;
	_ =	sdelay $0x3  }
0x86: {  	v39 =	vld [tilespmem:$0x18910]  }
0x87: {  	[tilespmem:$0x188F0] =	vst v0  }
0x88: {  	v0 =	vld.idx.msk [tilespmem:v38+s2+$0x0], $0xffff;
	_ =	sdelay $0x3  }
0x89: {  	v40 =	vld [tilespmem:$0x18920]  }
0x8a: {  	[tilespmem:$0x18900] =	vst v0  }
0x8b: {  	v0 =	vld.idx.msk [tilespmem:v39+s2+$0x0], $0xffff;
	_ =	sdelay $0x3  }
0x8c: {  	v41 =	vld [tilespmem:$0x18930]  }
0x8d: {  	[tilespmem:$0x18910] =	vst v0  }
0x8e: {  	v0 =	vld.idx.msk [tilespmem:v40+s2+$0x0], $0xffff;
	_ =	sdelay $0x3  }
0x8f: {  	v42 =	vld [tilespmem:$0x18940]  }
0x90: {  	[tilespmem:$0x18920] =	vst v0  }
0x91: {  	v0 =	vld.idx.msk [tilespmem:v41+s2+$0x0], $0xffff;
	_ =	sdelay $0x3  }
0x92: {  	v43 =	vld [tilespmem:$0x18950]  }
0x93: {  	[tilespmem:$0x18930] =	vst v0  }
0x94: {  	v0 =	vld.idx.msk [tilespmem:v42+s2+$0x0], $0xffff;
	_ =	sdelay $0x3  }
0x95: {  	v44 =	vld [tilespmem:$0x18960]  }
0x96: {  	[tilespmem:$0x18940] =	vst v0  }
0x97: {  	v0 =	vld.idx.msk [tilespmem:v43+s2+$0x0], $0xffff;
	_ =	sdelay $0x3  }
0x98: {  	v45 =	vld [tilespmem:$0x18970]  }
0x99: {  	[tilespmem:$0x18950] =	vst v0  }
0x9a: {  	v0 =	vld.idx.msk [tilespmem:v44+s2+$0x0], $0xffff;
	_ =	sdelay $0x3  }
0x9b: {  	v46 =	vld [tilespmem:$0x18980]  }
0x9c: {  	[tilespmem:$0x18960] =	vst v0  }
0x9d: {  	v0 =	vld.idx.msk [tilespmem:v45+s2+$0x0], $0xffff;
	_ =	sdelay $0x3  }
0x9e: {  	v47 =	vld [tilespmem:$0x18990]  }
0x9f: {  	[tilespmem:$0x18970] =	vst v0  }
0xa0: {  	v0 =	vld.idx.msk [tilespmem:v46+s2+$0x0], $0xffff;
	_ =	sdelay $0x3  }
0xa1: {  	v48 =	vld [tilespmem:$0x189A0]  }
0xa2: {  	[tilespmem:$0x18980] =	vst v0  }
0xa3: {  	v0 =	vld.idx.msk [tilespmem:v47+s2+$0x0], $0xffff;
	_ =	sdelay $0x3  }
0xa4: {  	v49 =	vld [tilespmem:$0x189B0]  }
0xa5: {  	[tilespmem:$0x18990] =	vst v0  }
0xa6: {  	v0 =	vld.idx.msk [tilespmem:v48+s2+$0x0], $0xffff;
	_ =	sdelay $0x3  }
0xa7: {  	v50 =	vld [tilespmem:$0x189C0]  }
0xa8: {  	[tilespmem:$0x189A0] =	vst v0  }
0xa9: {  	v0 =	vld.idx.msk [tilespmem:v49+s2+$0x0], $0xffff;
	_ =	sdelay $0x3  }
0xaa: {  	v51 =	vld [tilespmem:$0x189D0]  }
0xab: {  	[tilespmem:$0x189B0] =	vst v0  }
0xac: {  	v0 =	vld.idx.msk [tilespmem:v50+s2+$0x0], $0xffff;
	_ =	sdelay $0x3  }
0xad: {  	v52 =	vld [tilespmem:$0x189E0]  }
0xae: {  	[tilespmem:$0x189C0] =	vst v0  }
0xaf: {  	v0 =	vld.idx.msk [tilespmem:v51+s2+$0x0], $0xffff;
	_ =	sdelay $0x3  }
0xb0: {  	v53 =	vld [tilespmem:$0x189F0]  }
0xb1: {  	[tilespmem:$0x189D0] =	vst v0  }
0xb2: {  	v0 =	vld.idx.msk [tilespmem:v52+s2+$0x0], $0xffff;
	_ =	sdelay $0x3  }
0xb3: {  	v54 =	vld [tilespmem:$0x18A00]  }
0xb4: {  	[tilespmem:$0x189E0] =	vst v0  }
0xb5: {  	v0 =	vld.idx.msk [tilespmem:v53+s2+$0x0], $0xffff;
	_ =	sdelay $0x3  }
0xb6: {  	v55 =	vld [tilespmem:$0x18A10]  }
0xb7: {  	[tilespmem:$0x189F0] =	vst v0  }
0xb8: {  	v0 =	vld.idx.msk [tilespmem:v54+s2+$0x0], $0xffff;
	_ =	sdelay $0x3  }
0xb9: {  	v56 =	vld [tilespmem:$0x18A20]  }
0xba: {  	[tilespmem:$0x18A00] =	vst v0  }
0xbb: {  	v0 =	vld.idx.msk [tilespmem:v55+s2+$0x0], $0xffff;
	_ =	sdelay $0x3  }
0xbc: {  	v57 =	vld [tilespmem:$0x18A30]  }
0xbd: {  	[tilespmem:$0x18A10] =	vst v0  }
0xbe: {  	v0 =	vld.idx.msk [tilespmem:v56+s2+$0x0], $0xffff;
	_ =	sdelay $0x3  }
0xbf: {  	v58 =	vld [tilespmem:$0x18A40]  }
0xc0: {  	[tilespmem:$0x18A20] =	vst v0  }
0xc1: {  	v0 =	vld.idx.msk [tilespmem:v57+s2+$0x0], $0xffff;
	_ =	sdelay $0x3  }
0xc2: {  	v59 =	vld [tilespmem:$0x18A50]  }
0xc3: {  	[tilespmem:$0x18A30] =	vst v0  }
0xc4: {  	v0 =	vld.idx.msk [tilespmem:v58+s2+$0x0], $0xffff;
	_ =	sdelay $0x3  }
0xc5: {  	v60 =	vld [tilespmem:$0x18A60]  }
0xc6: {  	[tilespmem:$0x18A40] =	vst v0  }
0xc7: {  	v0 =	vld.idx.msk [tilespmem:v59+s2+$0x0], $0xffff;
	_ =	sdelay $0x3  }
0xc8: {  	v61 =	vld [tilespmem:$0x18A70]  }
0xc9: {  	[tilespmem:$0x18A50] =	vst v0  }
0xca: {  	v0 =	vld.idx.msk [tilespmem:v60+s2+$0x0], $0xffff;
	_ =	sdelay $0x3  }
0xcb: {  	v62 =	vld [tilespmem:$0x18A80]  }
0xcc: {  	[tilespmem:$0x18A60] =	vst v0  }
0xcd: {  	v0 =	vld.idx.msk [tilespmem:v61+s2+$0x0], $0xffff;
	_ =	sdelay $0x3  }
0xce: {  	v63 =	vld [tilespmem:$0x18A90]  }
0xcf: {  	[tilespmem:$0x18A70] =	vst v0  }
0xd0: {  	v0 =	vld.idx.msk [tilespmem:v62+s2+$0x0], $0xffff;
	_ =	sdelay $0x4  }
0xd1: {  	[tilespmem:$0x18A80] =	vst v0  }
0xd2: {  	v0 =	vld.idx.msk [tilespmem:v63+s2+$0x0], $0xffff;
	_ =	sdelay $0x3  }
0xd3: {  	p0 =	sne.s32 s10, $0x780  }
.Ltmp0:
0xd4: {  	s31 =	sadd.s32 s10, s5;
	[tilespmem:$0x18A90] =	vst v0;
	(pc) =	sbr.rel @p0 .LBB2_2-.Ltmp0, $4  }
0xd5: {  	[hbm4b:s31+s2] =	stream.linear.scatter [tilespmem:s8], [sflag:$0x1], $0x400, $0x38;
	[tilespmem:$0x18AA0] =	vst v63  }
0xd6: {  	_ =	swait.ge [sflag:s7], $0x400  }
0xd7: {  	[sflag:s7] =	ssyncset.done $0x0  }
0xd8: {  	s10 =	sadd.s32 $0x80, s10;
	[sflag:s7] =	ssyncadd.s32 $0xFFFFFC00  }
0xd9: {  	s9 =	sadd.s32 $0x1, s9  }
0xda: {  	p0 =	sne.s32 s9, s4  }
.Ltmp1:
0xdb: {  	_ = 	snop;
	(pc) =	sbr.rel @p0 .LBB2_1-.Ltmp1, $1  }
0xdc: {  	_ =	sdelay $0x3  }
0xdd: {  	_ =	sfence.sel $0x180000  }
0xde: {  	[bflag:$0x0] =	sbarrier.arrive $0xFFFF  }
0xdf: {  	p0 =	sne.s32 s3, $0x0;
	_ =	strace $0x90000047  }
0xe0: {  	s0 =	sadd.s32 @!p0 $0x100000, s0;
	[bflag:$0x2] =	sbarrier.arrive $0xFFFF  }
0xe1: {  	[sflag:s0] =	ssyncadd.tile.s32 @!p0 $0x1;
	_ =	shalt  }
.Lfunc_end2:
_tile_overlayer_lowered:
.L_overlay_start_2:
0xe2: {  	(tag) =	ssettag $0x2  }
0xe3: {  	s0 =	rddreg [dreg:$0x0];
	s2 =	stileid.u32  }
0xe4: {  	s1 =	rddreg [dreg:$0x1];
	p0 =	sne.s32 s2, $0x0  }
0xe5: {  	s3 =	rddreg [dreg:$0x2];
	[bflag:$0x3] =	sbarrier.arrive $0xFFFF;
	s2 =	simm.s32 @!p0 $0x1C01  }
0xe6: {  	[timem:s3], [sflag:s2] =	dma.local @!p0 [hbm:s0], s1  }
0xe7: {  	s0 =	simm.s32 @!p0 $0x1  }
0xe8: {  	_ =	swait.ge @!p0 [sflag:s0], s1  }
0xe9: {  	s1 =	ssub.s32 @!p0 $0x0, s1;
	[sflag:s0] =	ssyncset.done @!p0 $0x0  }
0xea: {  	[sflag:s0] =	ssyncadd.s32 @!p0 s1  }
0xeb: {  	[bflag:$0x3] =	sbarrier.arrive $0xFFFF  }
0xec: {  	_ =	shalt  }

</sc_bundles>
